<compile_context>
chip_gen: v7x
topology: tpu7x:2x2x1
jax: 0.10.2.dev20260603
libtpu: 0.0.44.dev20260713+nightly
codegen_flags: <defaults>
</compile_context>

<pallas_src>
import functools

import jax
import jax.numpy as jnp
from jax import lax
from jax.experimental import pallas as pl
from jax.experimental.pallas import tpu as pltpu
from jax.experimental.pallas import tpu_sc as plsc

N = 10000
E = 320000
D = 128
NS = 16
EPT = E // NS
CH = 32
NFULL = EPT // CH
TAIL = EPT - NFULL * CH
NP = 10240
RPT = NP // NS
RB = CH

_ROWBLK = 1000



def _proj_body(x_ref, w_ref, b_ref, o_ref):
    h = jnp.dot(x_ref[...], w_ref[...], preferred_element_type=jnp.float32,
                precision=lax.Precision.HIGHEST)
    o_ref[...] = jnp.maximum(h + b_ref[...][None, :], 0.0)


def _proj(x, w, b):
    return pl.pallas_call(
        _proj_body,
        grid=(N // _ROWBLK,),
        in_specs=[
            pl.BlockSpec((_ROWBLK, D), lambda i: (i, 0)),
            pl.BlockSpec((D, D), lambda i: (0, 0)),
            pl.BlockSpec((D,), lambda i: (0,)),
        ],
        out_specs=pl.BlockSpec((_ROWBLK, D), lambda i: (i, 0)),
        out_shape=jax.ShapeDtypeStruct((N, D), jnp.float32),
    )(x, w, b)


def _combine_body(final, tab_ref, acc_ref, degp_ref, ws_ref, wn_ref, b_ref,
                  o_ref):
    deg = jnp.sum(degp_ref[...], axis=1)
    hn = acc_ref[...] / jnp.maximum(deg, 1.0)[:, None]
    z = (jnp.dot(tab_ref[...], ws_ref[...], preferred_element_type=jnp.float32,
                 precision=lax.Precision.HIGHEST)
         + jnp.dot(hn, wn_ref[...], preferred_element_type=jnp.float32,
                   precision=lax.Precision.HIGHEST)
         + b_ref[...][None, :])
    z = jnp.maximum(z, 0.0)
    if final:
        nrm = jnp.sqrt(jnp.sum(z * z, axis=1, keepdims=True))
        z = z / jnp.maximum(nrm, 1e-12)
    o_ref[...] = z


def _combine(tab, acc, degp, ws, wn, b, final):
    return pl.pallas_call(
        functools.partial(_combine_body, final),
        grid=(N // _ROWBLK,),
        in_specs=[
            pl.BlockSpec((_ROWBLK, D), lambda i: (i, 0)),
            pl.BlockSpec((_ROWBLK, D), lambda i: (i, 0)),
            pl.BlockSpec((_ROWBLK, NS), lambda i: (i, 0)),
            pl.BlockSpec((D, D), lambda i: (0, 0)),
            pl.BlockSpec((D, D), lambda i: (0, 0)),
            pl.BlockSpec((D,), lambda i: (0,)),
        ],
        out_specs=pl.BlockSpec((_ROWBLK, D), lambda i: (i, 0)),
        out_shape=jax.ShapeDtypeStruct((N, D), jnp.float32),
    )(tab, acc, degp, ws, wn, b)



NBUF = 5
NGRP = NFULL // NBUF


def _seg_body(with_deg, tab_cb, tab_cl, src_cb, dst_cb, src_cl, dst_cl,
              *rest):
    nout = 4 if with_deg else 2
    outs = rest[:nout]
    scr = rest[nout:]
    acc_u_out, acc_i_out = outs[0], outs[1]
    degp_u_out = outs[2] if with_deg else None
    degp_i_out = outs[3] if with_deg else None

    src_b = scr[0:NBUF]
    dst_b = scr[NBUF:2 * NBUF]
    rows_b = scr[2 * NBUF:3 * NBUF]
    src_t, dst_t, acc_sh = scr[3 * NBUF:3 * NBUF + 3]
    k = 3 * NBUF + 3
    deg_local = scr[k] if with_deg else None
    k += 1 if with_deg else 0
    isem = scr[k:k + NBUF]
    gsem = scr[k + NBUF:k + 2 * NBUF]
    ssem = scr[k + 2 * NBUF:k + 3 * NBUF]
    tsem = scr[k + 3 * NBUF]

    c = lax.axis_index("c")
    s = lax.axis_index("s")

    zv = jnp.zeros((16,), jnp.float32)
    ones = jnp.ones((16,), jnp.float32)

    def _zero_row(r, carry):
        for j in range(D // 16):
            rows_b[0][r, pl.ds(j * 16, 16)] = zv
        return carry

    lax.fori_loop(0, RB, _zero_row, 0)

    if with_deg:
        def _zero_deg(i, carry):
            deg_local[pl.ds(i * 16, 16)] = zv
            return carry

        lax.fori_loop(0, NP // 16, _zero_deg, 0)

    def _hist(idx_ref, count):
        for j in range(count // 16):
            idx16 = idx_ref[pl.ds(j * 16, 16)]
            plsc.addupdate_scatter(deg_local, [idx16], ones)

    def _run(tab, srcs, dsts, out, degp_out):
        for j in range(RPT // RB):
            pltpu.sync_copy(rows_b[0],
                            acc_sh.at[pl.ds(s * RPT + j * RB, RB)])
        plsc.subcore_barrier()

        base0 = s * EPT

        def _fire_idx(g, b):
            base = base0 + (g * NBUF + b) * CH
            pltpu.async_copy(srcs.at[pl.ds(base, CH)], src_b[b], isem[b])
            pltpu.async_copy(dsts.at[pl.ds(base, CH)], dst_b[b], isem[b])

        for b in range(NBUF):
            _fire_idx(0, b)

        def _group(g, carry):
            gdesc = []
            for b in range(NBUF):
                pltpu.make_async_copy(srcs.at[pl.ds(0, CH)], src_b[b],
                                      isem[b]).wait()
                pltpu.make_async_copy(dsts.at[pl.ds(0, CH)], dst_b[b],
                                      isem[b]).wait()
                gdesc.append(
                    pltpu.async_copy(tab.at[src_b[b]], rows_b[b], gsem[b]))
            sdesc = []
            for b in range(NBUF):
                gdesc[b].wait()
                sdesc.append(
                    pltpu.async_copy(rows_b[b], acc_sh.at[dst_b[b]],
                                     ssem[b], add=True))
                if with_deg:
                    _hist(dst_b[b], CH)
            for b in range(NBUF):
                sdesc[b].wait()

                @pl.when(g < NGRP - 1)
                def _():
                    _fire_idx(g + 1, b)

            return carry

        lax.fori_loop(0, NGRP, _group, 0)

        if TAIL:
            tb = base0 + NFULL * CH
            pltpu.sync_copy(srcs.at[pl.ds(tb, TAIL)], src_t)
            pltpu.sync_copy(dsts.at[pl.ds(tb, TAIL)], dst_t)
            rows_tail = rows_b[0].at[pl.ds(0, TAIL)]
            pltpu.async_copy(tab.at[src_t], rows_tail, tsem).wait()
            pltpu.sync_copy(rows_tail, acc_sh.at[dst_t], add=True)
            if with_deg:
                _hist(dst_t, TAIL)

        if with_deg:
            pltpu.sync_copy(deg_local, degp_out.at[pl.ds(s * NP, NP)])

        plsc.subcore_barrier()
        pltpu.sync_copy(acc_sh.at[pl.ds(s * RPT, RPT)],
                        out.at[pl.ds(s * RPT, RPT)])

    @pl.when(c == 0)
    def _():
        _run(tab_cb, src_cb, dst_cb, acc_u_out, degp_u_out)

    @pl.when(c == 1)
    def _():
        _run(tab_cl, src_cl, dst_cl, acc_i_out, degp_i_out)


@functools.lru_cache(maxsize=None)
def _seg_layer_kernel(with_deg):
    out_type = [
        jax.ShapeDtypeStruct((NP, D), jnp.float32),
        jax.ShapeDtypeStruct((NP, D), jnp.float32),
    ]
    if with_deg:
        out_type += [
            jax.ShapeDtypeStruct((NS * NP,), jnp.float32),
            jax.ShapeDtypeStruct((NS * NP,), jnp.float32),
        ]
    return pl.kernel(
        functools.partial(_seg_body, with_deg),
        out_type=out_type,
        mesh=plsc.VectorSubcoreMesh(core_axis_name="c", subcore_axis_name="s"),
        scratch_types=(
            [pltpu.VMEM((CH,), jnp.int32) for _ in range(NBUF)]
            + [pltpu.VMEM((CH,), jnp.int32) for _ in range(NBUF)]
            + [pltpu.VMEM((CH, D), jnp.float32) for _ in range(NBUF)]
            + [
                pltpu.VMEM((TAIL,), jnp.int32),
                pltpu.VMEM((TAIL,), jnp.int32),
                pltpu.VMEM_SHARED((NP, D), jnp.float32),
            ]
            + ([pltpu.VMEM((NP,), jnp.float32)] if with_deg else [])
            + [pltpu.SemaphoreType.DMA for _ in range(3 * NBUF + 1)]
        ),
        compiler_params=pltpu.CompilerParams(needs_layout_passes=False),
    )


def _seg_layer0(tab_cb, tab_cl, src_cb, dst_cb, src_cl, dst_cl):
    acc_u, acc_i, degp_u, degp_i = _seg_layer_kernel(True)(
        tab_cb, tab_cl, src_cb, dst_cb, src_cl, dst_cl)
    return (acc_u[:N], acc_i[:N],
            degp_u.reshape(NS, NP)[:, :N].T, degp_i.reshape(NS, NP)[:, :N].T)


def _seg_layer(tab_cb, tab_cl, src_cb, dst_cb, src_cl, dst_cl):
    acc_u, acc_i = _seg_layer_kernel(False)(tab_cb, tab_cl, src_cb, dst_cb,
                                            src_cl, dst_cl)
    return acc_u[:N], acc_i[:N]



def kernel(x_user, x_item, ei_clicks, ei_clicked_by, Wp_user, bp_user,
           Wp_item, bp_item, Ws0_clicks, Wn0_clicks, b0_clicks, Ws0_cb,
           Wn0_cb, b0_cb, Ws1_clicks, Wn1_clicks, b1_clicks, Ws1_cb,
           Wn1_cb, b1_cb):
    src_cb = ei_clicked_by[0]
    dst_cb = ei_clicked_by[1]
    src_cl = ei_clicks[0]
    dst_cl = ei_clicks[1]

    hu = _proj(x_user, Wp_user, bp_user)
    hi = _proj(x_item, Wp_item, bp_item)

    acc_u, acc_i, degp_u, degp_i = _seg_layer0(hi, hu, src_cb, dst_cb,
                                               src_cl, dst_cl)
    hu = _combine(hu, acc_u, degp_u, Ws0_cb, Wn0_cb, b0_cb, final=False)
    hi = _combine(hi, acc_i, degp_i, Ws0_clicks, Wn0_clicks, b0_clicks,
                  final=False)

    acc_u, acc_i = _seg_layer(hi, hu, src_cb, dst_cb, src_cl, dst_cl)
    h_u = _combine(hu, acc_u, degp_u, Ws1_cb, Wn1_cb, b1_cb, final=True)
    h_i = _combine(hi, acc_i, degp_i, Ws1_clicks, Wn1_clicks, b1_clicks,
                   final=True)
    return (h_u, h_i)

# --- scband reference (transcript-rebuilt; emitter-appended) ---
"""Pipeline reference for scband-hetero-sage-12077448036842 (READ-ONLY COPY).

The authoritative reference and input builder live on the scoring server;
editing this copy changes nothing except your own understanding.
"""

import jax, jax.numpy as jnp
import numpy as np

N_U = 10000; N_I = 10000; E = 320000; D = 128; H = 128

def _relu(x):
    return jnp.maximum(x, 0.0)

def _sage(h_src, h_dst, src, dst, Ws, Wn, b, n_dst):
    # DGL SAGEConv(aggregator='mean'): fc_self(h_dst) + fc_neigh(mean_{in-neighbors} h_src) + bias
    summ = jax.ops.segment_sum(h_src[src], dst, num_segments=n_dst)
    deg = jax.ops.segment_sum(jnp.ones((src.shape[0],), jnp.float32), dst, num_segments=n_dst)
    h_neigh = summ / jnp.clip(deg, 1.0)[:, None]
    return h_dst @ Ws + h_neigh @ Wn + b

def setup_inputs(seed: int = 0):
    key = jax.random.key(seed)
    ks = jax.random.split(key, 24)
    sc = 1.0 / np.sqrt(H)
    inp = {}
    inp['x_user'] = jax.random.normal(ks[0], (N_U, D), jnp.float32)
    inp['x_item'] = jax.random.normal(ks[1], (N_I, D), jnp.float32)
    # relation ('user','clicks','item'): row0 = src user ids, row1 = dst item ids
    inp['ei_clicks'] = jax.random.randint(ks[2], (2, E), 0, N_U)
    # relation ('item','clicked_by','user'): row0 = src item ids, row1 = dst user ids
    inp['ei_clicked_by'] = jax.random.randint(ks[3], (2, E), 0, N_I)
    inp['Wp_user'] = jax.random.uniform(ks[4], (D, H), jnp.float32, -sc, sc)
    inp['bp_user'] = jax.random.uniform(ks[5], (H,), jnp.float32, -sc, sc)
    inp['Wp_item'] = jax.random.uniform(ks[6], (D, H), jnp.float32, -sc, sc)
    inp['bp_item'] = jax.random.uniform(ks[7], (H,), jnp.float32, -sc, sc)
    idx = 8
    for l in range(2):
        for rel in ('clicks', 'cb'):
            inp['Ws%d_%s' % (l, rel)] = jax.random.uniform(ks[idx], (H, H), jnp.float32, -sc, sc); idx += 1
            inp['Wn%d_%s' % (l, rel)] = jax.random.uniform(ks[idx], (H, H), jnp.float32, -sc, sc); idx += 1
            inp['b%d_%s' % (l, rel)] = jnp.zeros((H,), jnp.float32); idx += 1
    return inp

def reference(x_user, x_item, ei_clicks, ei_clicked_by, Wp_user, bp_user, Wp_item, bp_item,
              Ws0_clicks, Wn0_clicks, b0_clicks, Ws0_cb, Wn0_cb, b0_cb,
              Ws1_clicks, Wn1_clicks, b1_clicks, Ws1_cb, Wn1_cb, b1_cb):
    # per-ntype input projection + relu
    h_u = _relu(x_user @ Wp_user + bp_user)
    h_i = _relu(x_item @ Wp_item + bp_item)
    # layer 0: HeteroGraphConv(sum) -- each dst ntype has exactly one incoming relation
    nu = _sage(h_i, h_u, ei_clicked_by[0], ei_clicked_by[1], Ws0_cb, Wn0_cb, b0_cb, h_u.shape[0])
    ni = _sage(h_u, h_i, ei_clicks[0], ei_clicks[1], Ws0_clicks, Wn0_clicks, b0_clicks, h_i.shape[0])
    h_u = _relu(nu); h_i = _relu(ni)
    # layer 1
    nu = _sage(h_i, h_u, ei_clicked_by[0], ei_clicked_by[1], Ws1_cb, Wn1_cb, b1_cb, h_u.shape[0])
    ni = _sage(h_u, h_i, ei_clicks[0], ei_clicks[1], Ws1_clicks, Wn1_clicks, b1_clicks, h_i.shape[0])
    h_u = _relu(nu); h_i = _relu(ni)
    # L2 normalize per node (F.normalize p=2 dim=1)
    h_u = h_u / jnp.clip(jnp.linalg.norm(h_u, axis=1, keepdims=True), 1e-12)
    h_i = h_i / jnp.clip(jnp.linalg.norm(h_i, axis=1, keepdims=True), 1e-12)
    return (h_u, h_i)

if __name__ == "__main__":
    import jax
    _d = setup_inputs()
    print(jax.jit(kernel)(*tuple(_d.values())))

</pallas_src>

<mosaic_0001>
#map = affine_map<(d0, d1) -> (0, 0)>
#map1 = affine_map<(d0, d1) -> (0)>
module attributes {stable_mosaic.version = 14 : i64} {
  func.func @_seg_body(%arg0: i32, %arg1: i32, %arg2: memref<10000x128xf32, #tpu.memory_space<hbm>>, %arg3: memref<10000x128xf32, #tpu.memory_space<hbm>>, %arg4: memref<320000xi32, #tpu.memory_space<hbm>>, %arg5: memref<320000xi32, #tpu.memory_space<hbm>>, %arg6: memref<320000xi32, #tpu.memory_space<hbm>>, %arg7: memref<320000xi32, #tpu.memory_space<hbm>>, %arg8: memref<10240x128xf32, #tpu.memory_space<hbm>>, %arg9: memref<10240x128xf32, #tpu.memory_space<hbm>>, %arg10: memref<163840xf32, #tpu.memory_space<hbm>>, %arg11: memref<163840xf32, #tpu.memory_space<hbm>>, %arg12: memref<32xi32, #tpu.memory_space<vmem>>, %arg13: memref<32xi32, #tpu.memory_space<vmem>>, %arg14: memref<32xi32, #tpu.memory_space<vmem>>, %arg15: memref<32xi32, #tpu.memory_space<vmem>>, %arg16: memref<32xi32, #tpu.memory_space<vmem>>, %arg17: memref<32xi32, #tpu.memory_space<vmem>>, %arg18: memref<32xi32, #tpu.memory_space<vmem>>, %arg19: memref<32xi32, #tpu.memory_space<vmem>>, %arg20: memref<32xi32, #tpu.memory_space<vmem>>, %arg21: memref<32xi32, #tpu.memory_space<vmem>>, %arg22: memref<32x128xf32, #tpu.memory_space<vmem>>, %arg23: memref<32x128xf32, #tpu.memory_space<vmem>>, %arg24: memref<32x128xf32, #tpu.memory_space<vmem>>, %arg25: memref<32x128xf32, #tpu.memory_space<vmem>>, %arg26: memref<32x128xf32, #tpu.memory_space<vmem>>, %arg27: memref<0xi32, #tpu.memory_space<vmem>>, %arg28: memref<0xi32, #tpu.memory_space<vmem>>, %arg29: memref<10240x128xf32, #tpu.memory_space<vmem_shared>>, %arg30: memref<10240xf32, #tpu.memory_space<vmem>>, %arg31: memref<!tpu.dma_semaphore, #tpu.memory_space<semaphore_mem>>, %arg32: memref<!tpu.dma_semaphore, #tpu.memory_space<semaphore_mem>>, %arg33: memref<!tpu.dma_semaphore, #tpu.memory_space<semaphore_mem>>, %arg34: memref<!tpu.dma_semaphore, #tpu.memory_space<semaphore_mem>>, %arg35: memref<!tpu.dma_semaphore, #tpu.memory_space<semaphore_mem>>, %arg36: memref<!tpu.dma_semaphore, #tpu.memory_space<semaphore_mem>>, %arg37: memref<!tpu.dma_semaphore, #tpu.memory_space<semaphore_mem>>, %arg38: memref<!tpu.dma_semaphore, #tpu.memory_space<semaphore_mem>>, %arg39: memref<!tpu.dma_semaphore, #tpu.memory_space<semaphore_mem>>, %arg40: memref<!tpu.dma_semaphore, #tpu.memory_space<semaphore_mem>>, %arg41: memref<!tpu.dma_semaphore, #tpu.memory_space<semaphore_mem>>, %arg42: memref<!tpu.dma_semaphore, #tpu.memory_space<semaphore_mem>>, %arg43: memref<!tpu.dma_semaphore, #tpu.memory_space<semaphore_mem>>, %arg44: memref<!tpu.dma_semaphore, #tpu.memory_space<semaphore_mem>>, %arg45: memref<!tpu.dma_semaphore, #tpu.memory_space<semaphore_mem>>, %arg46: memref<!tpu.dma_semaphore, #tpu.memory_space<semaphore_mem>>) attributes {dimension_semantics = [#tpu.dimension_semantics<core_parallel>, #tpu.dimension_semantics<subcore_parallel>], iteration_bounds = array<i64: 2, 16>, scalar_prefetch = 0 : i64, scratch_operands = 35 : i64, tpu.core_type = #tpu.core_type<sc_vector_subcore>, window_params = [{transform_indices = #map}, {transform_indices = #map}, {transform_indices = #map1}, {transform_indices = #map1}, {transform_indices = #map1}, {transform_indices = #map1}, {transform_indices = #map}, {transform_indices = #map}, {transform_indices = #map1}, {transform_indices = #map1}]} {
    %broadcast_in_dim3A = arith.constant 0.000000e+00 : f32
    %broadcast_in_dim3A_0 = vector.broadcast %broadcast_in_dim3A : f32 to vector<16xf32>
    %broadcast_in_dim3A_1 = arith.constant 1.000000e+00 : f32
    %broadcast_in_dim3A_2 = vector.broadcast %broadcast_in_dim3A_1 : f32 to vector<16xf32>
    %scan3A = arith.constant 0 : i32
    %scan3A_3 = arith.constant 0 : i32
    %scan3A_4 = arith.constant 32 : i32
    %scan3A_5 = arith.addi %scan3A_3, %scan3A_4 : i32
    %scan3A_6 = arith.constant 1 : i32
    scf.for %scan3A_21 = %scan3A_3 to %scan3A_5 step %scan3A_6  : i32 {
      %swap3A = arith.index_cast %scan3A_21 : i32 to index
      %swap3A_22 = arith.constant 0 : index
      %swap3A_23 = tpu.vector_load %arg22[%swap3A, %swap3A_22] {strides = array<i32>} : memref<32x128xf32, #tpu.memory_space<vmem>>, vector<16xf32>,
      tpu.vector_store %arg22[%swap3A, %swap3A_22], %broadcast_in_dim3A_0 {strides = array<i32>} : memref<32x128xf32, #tpu.memory_space<vmem>>, vector<16xf32>,
      %swap3A_24 = arith.index_cast %scan3A_21 : i32 to index
      %swap3A_25 = arith.constant 16 : index
      %swap3A_26 = tpu.vector_load %arg22[%swap3A_24, %swap3A_25] {strides = array<i32>} : memref<32x128xf32, #tpu.memory_space<vmem>>, vector<16xf32>,
      tpu.vector_store %arg22[%swap3A_24, %swap3A_25], %broadcast_in_dim3A_0 {strides = array<i32>} : memref<32x128xf32, #tpu.memory_space<vmem>>, vector<16xf32>,
      %swap3A_27 = arith.index_cast %scan3A_21 : i32 to index
      %swap3A_28 = arith.constant 32 : index
      %swap3A_29 = tpu.vector_load %arg22[%swap3A_27, %swap3A_28] {strides = array<i32>} : memref<32x128xf32, #tpu.memory_space<vmem>>, vector<16xf32>,
      tpu.vector_store %arg22[%swap3A_27, %swap3A_28], %broadcast_in_dim3A_0 {strides = array<i32>} : memref<32x128xf32, #tpu.memory_space<vmem>>, vector<16xf32>,
      %swap3A_30 = arith.index_cast %scan3A_21 : i32 to index
      %swap3A_31 = arith.constant 48 : index
      %swap3A_32 = tpu.vector_load %arg22[%swap3A_30, %swap3A_31] {strides = array<i32>} : memref<32x128xf32, #tpu.memory_space<vmem>>, vector<16xf32>,
      tpu.vector_store %arg22[%swap3A_30, %swap3A_31], %broadcast_in_dim3A_0 {strides = array<i32>} : memref<32x128xf32, #tpu.memory_space<vmem>>, vector<16xf32>,
      %swap3A_33 = arith.index_cast %scan3A_21 : i32 to index
      %swap3A_34 = arith.constant 64 : index
      %swap3A_35 = tpu.vector_load %arg22[%swap3A_33, %swap3A_34] {strides = array<i32>} : memref<32x128xf32, #tpu.memory_space<vmem>>, vector<16xf32>,
      tpu.vector_store %arg22[%swap3A_33, %swap3A_34], %broadcast_in_dim3A_0 {strides = array<i32>} : memref<32x128xf32, #tpu.memory_space<vmem>>, vector<16xf32>,
      %swap3A_36 = arith.index_cast %scan3A_21 : i32 to index
      %swap3A_37 = arith.constant 80 : index
      %swap3A_38 = tpu.vector_load %arg22[%swap3A_36, %swap3A_37] {strides = array<i32>} : memref<32x128xf32, #tpu.memory_space<vmem>>, vector<16xf32>,
      tpu.vector_store %arg22[%swap3A_36, %swap3A_37], %broadcast_in_dim3A_0 {strides = array<i32>} : memref<32x128xf32, #tpu.memory_space<vmem>>, vector<16xf32>,
      %swap3A_39 = arith.index_cast %scan3A_21 : i32 to index
      %swap3A_40 = arith.constant 96 : index
      %swap3A_41 = tpu.vector_load %arg22[%swap3A_39, %swap3A_40] {strides = array<i32>} : memref<32x128xf32, #tpu.memory_space<vmem>>, vector<16xf32>,
      tpu.vector_store %arg22[%swap3A_39, %swap3A_40], %broadcast_in_dim3A_0 {strides = array<i32>} : memref<32x128xf32, #tpu.memory_space<vmem>>, vector<16xf32>,
      %swap3A_42 = arith.index_cast %scan3A_21 : i32 to index
      %swap3A_43 = arith.constant 112 : index
      %swap3A_44 = tpu.vector_load %arg22[%swap3A_42, %swap3A_43] {strides = array<i32>} : memref<32x128xf32, #tpu.memory_space<vmem>>, vector<16xf32>,
      tpu.vector_store %arg22[%swap3A_42, %swap3A_43], %broadcast_in_dim3A_0 {strides = array<i32>} : memref<32x128xf32, #tpu.memory_space<vmem>>, vector<16xf32>,
    }
    %scan3A_7 = arith.constant 32 : i32
    %scan3A_8 = arith.constant 0 : i32
    %scan3A_9 = arith.constant 0 : i32
    %scan3A_10 = arith.constant 640 : i32
    %scan3A_11 = arith.addi %scan3A_9, %scan3A_10 : i32
    %scan3A_12 = arith.constant 1 : i32
    scf.for %scan3A_21 = %scan3A_9 to %scan3A_11 step %scan3A_12  : i32 {
      %mul3A = arith.constant 16 : i32
      %mul3A_22 = arith.muli %scan3A_21, %mul3A : i32
      %swap3A = arith.index_cast %mul3A_22 : i32 to index
      %swap3A_23 = tpu.vector_load %arg30[%swap3A] {strides = array<i32>} : memref<10240xf32, #tpu.memory_space<vmem>>, vector<16xf32>,
      tpu.vector_store %arg30[%swap3A], %broadcast_in_dim3A_0 {strides = array<i32>} : memref<10240xf32, #tpu.memory_space<vmem>>, vector<16xf32>,
    }
    %scan3A_13 = arith.constant 640 : i32
    %eq3A = arith.constant 0 : i32
    %eq3A_14 = arith.cmpi eq, %arg0, %eq3A : i32
    %convert_element_type3A = arith.extui %eq3A_14 : i1 to i32
    %cond3A = arith.constant 0 : i32
    %cond3A_15 = arith.cmpi ne, %convert_element_type3A, %cond3A : i32
    scf.if %cond3A_15 {
      %mul3A = arith.constant 640 : i32
      %mul3A_21 = arith.muli %arg1, %mul3A : i32
      %add3A = arith.constant 0 : i32
      %add3A_22 = arith.addi %mul3A_21, %add3A : i32
      "tpu.region"() ({
        %run_scoped3A = tpu.sem_alloc : memref<!tpu.dma_semaphore, #tpu.memory_space<semaphore_mem>>
        %dma_start3A_143 = arith.constant 0 : i32
        %dma_start3A_144 = tpu.memref_slice %arg29[%add3A_22, %dma_start3A_143] : memref<10240x128xf32, #tpu.memory_space<vmem_shared>> -> memref<32x128xf32, #tpu.memory_space<vmem_shared>>
        %dma_start3A_145 = arith.constant 0 : i32
        %dma_start3A_146 = tpu.memref_slice %arg29[%add3A_22, %dma_start3A_145] : memref<10240x128xf32, #tpu.memory_space<vmem_shared>> -> memref<32x128xf32, #tpu.memory_space<vmem_shared>>
        tpu.enqueue_dma source(%arg22 : memref<32x128xf32, #tpu.memory_space<vmem>>) target(%dma_start3A_146 : memref<32x128xf32, #tpu.memory_space<vmem_shared>>) target_semaphore(%run_scoped3A : memref<!tpu.dma_semaphore, #tpu.memory_space<semaphore_mem>>)
        %dma_wait3A = arith.constant 0 : i32
        %dma_wait3A_147 = tpu.memref_slice %arg29[%add3A_22, %dma_wait3A] : memref<10240x128xf32, #tpu.memory_space<vmem_shared>> -> memref<32x128xf32, #tpu.memory_space<vmem_shared>>
        %dma_wait3A_148 = arith.constant 0 : i32
        %dma_wait3A_149 = tpu.memref_slice %arg29[%add3A_22, %dma_wait3A_148] : memref<10240x128xf32, #tpu.memory_space<vmem_shared>> -> memref<32x128xf32, #tpu.memory_space<vmem_shared>>
        tpu.wait_dma2 semaphore(%run_scoped3A : memref<!tpu.dma_semaphore, #tpu.memory_space<semaphore_mem>>) src(%arg22 : memref<32x128xf32, #tpu.memory_space<vmem>>) dst(%dma_wait3A_149 : memref<32x128xf32, #tpu.memory_space<vmem_shared>>)
        tpu.yield
      }) : () -> ()
      %mul3A_23 = arith.constant 640 : i32
      %mul3A_24 = arith.muli %arg1, %mul3A_23 : i32
      %add3A_25 = arith.constant 32 : i32
      %add3A_26 = arith.addi %mul3A_24, %add3A_25 : i32
      "tpu.region"() ({
        %run_scoped3A = tpu.sem_alloc : memref<!tpu.dma_semaphore, #tpu.memory_space<semaphore_mem>>
        %dma_start3A_143 = arith.constant 0 : i32
        %dma_start3A_144 = tpu.memref_slice %arg29[%add3A_26, %dma_start3A_143] : memref<10240x128xf32, #tpu.memory_space<vmem_shared>> -> memref<32x128xf32, #tpu.memory_space<vmem_shared>>
        %dma_start3A_145 = arith.constant 0 : i32
        %dma_start3A_146 = tpu.memref_slice %arg29[%add3A_26, %dma_start3A_145] : memref<10240x128xf32, #tpu.memory_space<vmem_shared>> -> memref<32x128xf32, #tpu.memory_space<vmem_shared>>
        tpu.enqueue_dma source(%arg22 : memref<32x128xf32, #tpu.memory_space<vmem>>) target(%dma_start3A_146 : memref<32x128xf32, #tpu.memory_space<vmem_shared>>) target_semaphore(%run_scoped3A : memref<!tpu.dma_semaphore, #tpu.memory_space<semaphore_mem>>)
        %dma_wait3A = arith.constant 0 : i32
        %dma_wait3A_147 = tpu.memref_slice %arg29[%add3A_26, %dma_wait3A] : memref<10240x128xf32, #tpu.memory_space<vmem_shared>> -> memref<32x128xf32, #tpu.memory_space<vmem_shared>>
        %dma_wait3A_148 = arith.constant 0 : i32
        %dma_wait3A_149 = tpu.memref_slice %arg29[%add3A_26, %dma_wait3A_148] : memref<10240x128xf32, #tpu.memory_space<vmem_shared>> -> memref<32x128xf32, #tpu.memory_space<vmem_shared>>
        tpu.wait_dma2 semaphore(%run_scoped3A : memref<!tpu.dma_semaphore, #tpu.memory_space<semaphore_mem>>) src(%arg22 : memref<32x128xf32, #tpu.memory_space<vmem>>) dst(%dma_wait3A_149 : memref<32x128xf32, #tpu.memory_space<vmem_shared>>)
        tpu.yield
      }) : () -> ()
      %mul3A_27 = arith.constant 640 : i32
      %mul3A_28 = arith.muli %arg1, %mul3A_27 : i32
      %add3A_29 = arith.constant 64 : i32
      %add3A_30 = arith.addi %mul3A_28, %add3A_29 : i32
      "tpu.region"() ({
        %run_scoped3A = tpu.sem_alloc : memref<!tpu.dma_semaphore, #tpu.memory_space<semaphore_mem>>
        %dma_start3A_143 = arith.constant 0 : i32
        %dma_start3A_144 = tpu.memref_slice %arg29[%add3A_30, %dma_start3A_143] : memref<10240x128xf32, #tpu.memory_space<vmem_shared>> -> memref<32x128xf32, #tpu.memory_space<vmem_shared>>
        %dma_start3A_145 = arith.constant 0 : i32
        %dma_start3A_146 = tpu.memref_slice %arg29[%add3A_30, %dma_start3A_145] : memref<10240x128xf32, #tpu.memory_space<vmem_shared>> -> memref<32x128xf32, #tpu.memory_space<vmem_shared>>
        tpu.enqueue_dma source(%arg22 : memref<32x128xf32, #tpu.memory_space<vmem>>) target(%dma_start3A_146 : memref<32x128xf32, #tpu.memory_space<vmem_shared>>) target_semaphore(%run_scoped3A : memref<!tpu.dma_semaphore, #tpu.memory_space<semaphore_mem>>)
        %dma_wait3A = arith.constant 0 : i32
        %dma_wait3A_147 = tpu.memref_slice %arg29[%add3A_30, %dma_wait3A] : memref<10240x128xf32, #tpu.memory_space<vmem_shared>> -> memref<32x128xf32, #tpu.memory_space<vmem_shared>>
        %dma_wait3A_148 = arith.constant 0 : i32
        %dma_wait3A_149 = tpu.memref_slice %arg29[%add3A_30, %dma_wait3A_148] : memref<10240x128xf32, #tpu.memory_space<vmem_shared>> -> memref<32x128xf32, #tpu.memory_space<vmem_shared>>
        tpu.wait_dma2 semaphore(%run_scoped3A : memref<!tpu.dma_semaphore, #tpu.memory_space<semaphore_mem>>) src(%arg22 : memref<32x128xf32, #tpu.memory_space<vmem>>) dst(%dma_wait3A_149 : memref<32x128xf32, #tpu.memory_space<vmem_shared>>)
        tpu.yield
      }) : () -> ()
      %mul3A_31 = arith.constant 640 : i32
      %mul3A_32 = arith.muli %arg1, %mul3A_31 : i32
      %add3A_33 = arith.constant 96 : i32
      %add3A_34 = arith.addi %mul3A_32, %add3A_33 : i32
      "tpu.region"() ({
        %run_scoped3A = tpu.sem_alloc : memref<!tpu.dma_semaphore, #tpu.memory_space<semaphore_mem>>
        %dma_start3A_143 = arith.constant 0 : i32
        %dma_start3A_144 = tpu.memref_slice %arg29[%add3A_34, %dma_start3A_143] : memref<10240x128xf32, #tpu.memory_space<vmem_shared>> -> memref<32x128xf32, #tpu.memory_space<vmem_shared>>
        %dma_start3A_145 = arith.constant 0 : i32
        %dma_start3A_146 = tpu.memref_slice %arg29[%add3A_34, %dma_start3A_145] : memref<10240x128xf32, #tpu.memory_space<vmem_shared>> -> memref<32x128xf32, #tpu.memory_space<vmem_shared>>
        tpu.enqueue_dma source(%arg22 : memref<32x128xf32, #tpu.memory_space<vmem>>) target(%dma_start3A_146 : memref<32x128xf32, #tpu.memory_space<vmem_shared>>) target_semaphore(%run_scoped3A : memref<!tpu.dma_semaphore, #tpu.memory_space<semaphore_mem>>)
        %dma_wait3A = arith.constant 0 : i32
        %dma_wait3A_147 = tpu.memref_slice %arg29[%add3A_34, %dma_wait3A] : memref<10240x128xf32, #tpu.memory_space<vmem_shared>> -> memref<32x128xf32, #tpu.memory_space<vmem_shared>>
        %dma_wait3A_148 = arith.constant 0 : i32
        %dma_wait3A_149 = tpu.memref_slice %arg29[%add3A_34, %dma_wait3A_148] : memref<10240x128xf32, #tpu.memory_space<vmem_shared>> -> memref<32x128xf32, #tpu.memory_space<vmem_shared>>
        tpu.wait_dma2 semaphore(%run_scoped3A : memref<!tpu.dma_semaphore, #tpu.memory_space<semaphore_mem>>) src(%arg22 : memref<32x128xf32, #tpu.memory_space<vmem>>) dst(%dma_wait3A_149 : memref<32x128xf32, #tpu.memory_space<vmem_shared>>)
        tpu.yield
      }) : () -> ()
      %mul3A_35 = arith.constant 640 : i32
      %mul3A_36 = arith.muli %arg1, %mul3A_35 : i32
      %add3A_37 = arith.constant 128 : i32
      %add3A_38 = arith.addi %mul3A_36, %add3A_37 : i32
      "tpu.region"() ({
        %run_scoped3A = tpu.sem_alloc : memref<!tpu.dma_semaphore, #tpu.memory_space<semaphore_mem>>
        %dma_start3A_143 = arith.constant 0 : i32
        %dma_start3A_144 = tpu.memref_slice %arg29[%add3A_38, %dma_start3A_143] : memref<10240x128xf32, #tpu.memory_space<vmem_shared>> -> memref<32x128xf32, #tpu.memory_space<vmem_shared>>
        %dma_start3A_145 = arith.constant 0 : i32
        %dma_start3A_146 = tpu.memref_slice %arg29[%add3A_38, %dma_start3A_145] : memref<10240x128xf32, #tpu.memory_space<vmem_shared>> -> memref<32x128xf32, #tpu.memory_space<vmem_shared>>
        tpu.enqueue_dma source(%arg22 : memref<32x128xf32, #tpu.memory_space<vmem>>) target(%dma_start3A_146 : memref<32x128xf32, #tpu.memory_space<vmem_shared>>) target_semaphore(%run_scoped3A : memref<!tpu.dma_semaphore, #tpu.memory_space<semaphore_mem>>)
        %dma_wait3A = arith.constant 0 : i32
        %dma_wait3A_147 = tpu.memref_slice %arg29[%add3A_38, %dma_wait3A] : memref<10240x128xf32, #tpu.memory_space<vmem_shared>> -> memref<32x128xf32, #tpu.memory_space<vmem_shared>>
        %dma_wait3A_148 = arith.constant 0 : i32
        %dma_wait3A_149 = tpu.memref_slice %arg29[%add3A_38, %dma_wait3A_148] : memref<10240x128xf32, #tpu.memory_space<vmem_shared>> -> memref<32x128xf32, #tpu.memory_space<vmem_shared>>
        tpu.wait_dma2 semaphore(%run_scoped3A : memref<!tpu.dma_semaphore, #tpu.memory_space<semaphore_mem>>) src(%arg22 : memref<32x128xf32, #tpu.memory_space<vmem>>) dst(%dma_wait3A_149 : memref<32x128xf32, #tpu.memory_space<vmem_shared>>)
        tpu.yield
      }) : () -> ()
      %mul3A_39 = arith.constant 640 : i32
      %mul3A_40 = arith.muli %arg1, %mul3A_39 : i32
      %add3A_41 = arith.constant 160 : i32
      %add3A_42 = arith.addi %mul3A_40, %add3A_41 : i32
      "tpu.region"() ({
        %run_scoped3A = tpu.sem_alloc : memref<!tpu.dma_semaphore, #tpu.memory_space<semaphore_mem>>
        %dma_start3A_143 = arith.constant 0 : i32
        %dma_start3A_144 = tpu.memref_slice %arg29[%add3A_42, %dma_start3A_143] : memref<10240x128xf32, #tpu.memory_space<vmem_shared>> -> memref<32x128xf32, #tpu.memory_space<vmem_shared>>
        %dma_start3A_145 = arith.constant 0 : i32
        %dma_start3A_146 = tpu.memref_slice %arg29[%add3A_42, %dma_start3A_145] : memref<10240x128xf32, #tpu.memory_space<vmem_shared>> -> memref<32x128xf32, #tpu.memory_space<vmem_shared>>
        tpu.enqueue_dma source(%arg22 : memref<32x128xf32, #tpu.memory_space<vmem>>) target(%dma_start3A_146 : memref<32x128xf32, #tpu.memory_space<vmem_shared>>) target_semaphore(%run_scoped3A : memref<!tpu.dma_semaphore, #tpu.memory_space<semaphore_mem>>)
        %dma_wait3A = arith.constant 0 : i32
        %dma_wait3A_147 = tpu.memref_slice %arg29[%add3A_42, %dma_wait3A] : memref<10240x128xf32, #tpu.memory_space<vmem_shared>> -> memref<32x128xf32, #tpu.memory_space<vmem_shared>>
        %dma_wait3A_148 = arith.constant 0 : i32
        %dma_wait3A_149 = tpu.memref_slice %arg29[%add3A_42, %dma_wait3A_148] : memref<10240x128xf32, #tpu.memory_space<vmem_shared>> -> memref<32x128xf32, #tpu.memory_space<vmem_shared>>
        tpu.wait_dma2 semaphore(%run_scoped3A : memref<!tpu.dma_semaphore, #tpu.memory_space<semaphore_mem>>) src(%arg22 : memref<32x128xf32, #tpu.memory_space<vmem>>) dst(%dma_wait3A_149 : memref<32x128xf32, #tpu.memory_space<vmem_shared>>)
        tpu.yield
      }) : () -> ()
      %mul3A_43 = arith.constant 640 : i32
      %mul3A_44 = arith.muli %arg1, %mul3A_43 : i32
      %add3A_45 = arith.constant 192 : i32
      %add3A_46 = arith.addi %mul3A_44, %add3A_45 : i32
      "tpu.region"() ({
        %run_scoped3A = tpu.sem_alloc : memref<!tpu.dma_semaphore, #tpu.memory_space<semaphore_mem>>
        %dma_start3A_143 = arith.constant 0 : i32
        %dma_start3A_144 = tpu.memref_slice %arg29[%add3A_46, %dma_start3A_143] : memref<10240x128xf32, #tpu.memory_space<vmem_shared>> -> memref<32x128xf32, #tpu.memory_space<vmem_shared>>
        %dma_start3A_145 = arith.constant 0 : i32
        %dma_start3A_146 = tpu.memref_slice %arg29[%add3A_46, %dma_start3A_145] : memref<10240x128xf32, #tpu.memory_space<vmem_shared>> -> memref<32x128xf32, #tpu.memory_space<vmem_shared>>
        tpu.enqueue_dma source(%arg22 : memref<32x128xf32, #tpu.memory_space<vmem>>) target(%dma_start3A_146 : memref<32x128xf32, #tpu.memory_space<vmem_shared>>) target_semaphore(%run_scoped3A : memref<!tpu.dma_semaphore, #tpu.memory_space<semaphore_mem>>)
        %dma_wait3A = arith.constant 0 : i32
        %dma_wait3A_147 = tpu.memref_slice %arg29[%add3A_46, %dma_wait3A] : memref<10240x128xf32, #tpu.memory_space<vmem_shared>> -> memref<32x128xf32, #tpu.memory_space<vmem_shared>>
        %dma_wait3A_148 = arith.constant 0 : i32
        %dma_wait3A_149 = tpu.memref_slice %arg29[%add3A_46, %dma_wait3A_148] : memref<10240x128xf32, #tpu.memory_space<vmem_shared>> -> memref<32x128xf32, #tpu.memory_space<vmem_shared>>
        tpu.wait_dma2 semaphore(%run_scoped3A : memref<!tpu.dma_semaphore, #tpu.memory_space<semaphore_mem>>) src(%arg22 : memref<32x128xf32, #tpu.memory_space<vmem>>) dst(%dma_wait3A_149 : memref<32x128xf32, #tpu.memory_space<vmem_shared>>)
        tpu.yield
      }) : () -> ()
      %mul3A_47 = arith.constant 640 : i32
      %mul3A_48 = arith.muli %arg1, %mul3A_47 : i32
      %add3A_49 = arith.constant 224 : i32
      %add3A_50 = arith.addi %mul3A_48, %add3A_49 : i32
      "tpu.region"() ({
        %run_scoped3A = tpu.sem_alloc : memref<!tpu.dma_semaphore, #tpu.memory_space<semaphore_mem>>
        %dma_start3A_143 = arith.constant 0 : i32
        %dma_start3A_144 = tpu.memref_slice %arg29[%add3A_50, %dma_start3A_143] : memref<10240x128xf32, #tpu.memory_space<vmem_shared>> -> memref<32x128xf32, #tpu.memory_space<vmem_shared>>
        %dma_start3A_145 = arith.constant 0 : i32
        %dma_start3A_146 = tpu.memref_slice %arg29[%add3A_50, %dma_start3A_145] : memref<10240x128xf32, #tpu.memory_space<vmem_shared>> -> memref<32x128xf32, #tpu.memory_space<vmem_shared>>
        tpu.enqueue_dma source(%arg22 : memref<32x128xf32, #tpu.memory_space<vmem>>) target(%dma_start3A_146 : memref<32x128xf32, #tpu.memory_space<vmem_shared>>) target_semaphore(%run_scoped3A : memref<!tpu.dma_semaphore, #tpu.memory_space<semaphore_mem>>)
        %dma_wait3A = arith.constant 0 : i32
        %dma_wait3A_147 = tpu.memref_slice %arg29[%add3A_50, %dma_wait3A] : memref<10240x128xf32, #tpu.memory_space<vmem_shared>> -> memref<32x128xf32, #tpu.memory_space<vmem_shared>>
        %dma_wait3A_148 = arith.constant 0 : i32
        %dma_wait3A_149 = tpu.memref_slice %arg29[%add3A_50, %dma_wait3A_148] : memref<10240x128xf32, #tpu.memory_space<vmem_shared>> -> memref<32x128xf32, #tpu.memory_space<vmem_shared>>
        tpu.wait_dma2 semaphore(%run_scoped3A : memref<!tpu.dma_semaphore, #tpu.memory_space<semaphore_mem>>) src(%arg22 : memref<32x128xf32, #tpu.memory_space<vmem>>) dst(%dma_wait3A_149 : memref<32x128xf32, #tpu.memory_space<vmem_shared>>)
        tpu.yield
      }) : () -> ()
      %mul3A_51 = arith.constant 640 : i32
      %mul3A_52 = arith.muli %arg1, %mul3A_51 : i32
      %add3A_53 = arith.constant 256 : i32
      %add3A_54 = arith.addi %mul3A_52, %add3A_53 : i32
      "tpu.region"() ({
        %run_scoped3A = tpu.sem_alloc : memref<!tpu.dma_semaphore, #tpu.memory_space<semaphore_mem>>
        %dma_start3A_143 = arith.constant 0 : i32
        %dma_start3A_144 = tpu.memref_slice %arg29[%add3A_54, %dma_start3A_143] : memref<10240x128xf32, #tpu.memory_space<vmem_shared>> -> memref<32x128xf32, #tpu.memory_space<vmem_shared>>
        %dma_start3A_145 = arith.constant 0 : i32
        %dma_start3A_146 = tpu.memref_slice %arg29[%add3A_54, %dma_start3A_145] : memref<10240x128xf32, #tpu.memory_space<vmem_shared>> -> memref<32x128xf32, #tpu.memory_space<vmem_shared>>
        tpu.enqueue_dma source(%arg22 : memref<32x128xf32, #tpu.memory_space<vmem>>) target(%dma_start3A_146 : memref<32x128xf32, #tpu.memory_space<vmem_shared>>) target_semaphore(%run_scoped3A : memref<!tpu.dma_semaphore, #tpu.memory_space<semaphore_mem>>)
        %dma_wait3A = arith.constant 0 : i32
        %dma_wait3A_147 = tpu.memref_slice %arg29[%add3A_54, %dma_wait3A] : memref<10240x128xf32, #tpu.memory_space<vmem_shared>> -> memref<32x128xf32, #tpu.memory_space<vmem_shared>>
        %dma_wait3A_148 = arith.constant 0 : i32
        %dma_wait3A_149 = tpu.memref_slice %arg29[%add3A_54, %dma_wait3A_148] : memref<10240x128xf32, #tpu.memory_space<vmem_shared>> -> memref<32x128xf32, #tpu.memory_space<vmem_shared>>
        tpu.wait_dma2 semaphore(%run_scoped3A : memref<!tpu.dma_semaphore, #tpu.memory_space<semaphore_mem>>) src(%arg22 : memref<32x128xf32, #tpu.memory_space<vmem>>) dst(%dma_wait3A_149 : memref<32x128xf32, #tpu.memory_space<vmem_shared>>)
        tpu.yield
      }) : () -> ()
      %mul3A_55 = arith.constant 640 : i32
      %mul3A_56 = arith.muli %arg1, %mul3A_55 : i32
      %add3A_57 = arith.constant 288 : i32
      %add3A_58 = arith.addi %mul3A_56, %add3A_57 : i32
      "tpu.region"() ({
        %run_scoped3A = tpu.sem_alloc : memref<!tpu.dma_semaphore, #tpu.memory_space<semaphore_mem>>
        %dma_start3A_143 = arith.constant 0 : i32
        %dma_start3A_144 = tpu.memref_slice %arg29[%add3A_58, %dma_start3A_143] : memref<10240x128xf32, #tpu.memory_space<vmem_shared>> -> memref<32x128xf32, #tpu.memory_space<vmem_shared>>
        %dma_start3A_145 = arith.constant 0 : i32
        %dma_start3A_146 = tpu.memref_slice %arg29[%add3A_58, %dma_start3A_145] : memref<10240x128xf32, #tpu.memory_space<vmem_shared>> -> memref<32x128xf32, #tpu.memory_space<vmem_shared>>
        tpu.enqueue_dma source(%arg22 : memref<32x128xf32, #tpu.memory_space<vmem>>) target(%dma_start3A_146 : memref<32x128xf32, #tpu.memory_space<vmem_shared>>) target_semaphore(%run_scoped3A : memref<!tpu.dma_semaphore, #tpu.memory_space<semaphore_mem>>)
        %dma_wait3A = arith.constant 0 : i32
        %dma_wait3A_147 = tpu.memref_slice %arg29[%add3A_58, %dma_wait3A] : memref<10240x128xf32, #tpu.memory_space<vmem_shared>> -> memref<32x128xf32, #tpu.memory_space<vmem_shared>>
        %dma_wait3A_148 = arith.constant 0 : i32
        %dma_wait3A_149 = tpu.memref_slice %arg29[%add3A_58, %dma_wait3A_148] : memref<10240x128xf32, #tpu.memory_space<vmem_shared>> -> memref<32x128xf32, #tpu.memory_space<vmem_shared>>
        tpu.wait_dma2 semaphore(%run_scoped3A : memref<!tpu.dma_semaphore, #tpu.memory_space<semaphore_mem>>) src(%arg22 : memref<32x128xf32, #tpu.memory_space<vmem>>) dst(%dma_wait3A_149 : memref<32x128xf32, #tpu.memory_space<vmem_shared>>)
        tpu.yield
      }) : () -> ()
      %mul3A_59 = arith.constant 640 : i32
      %mul3A_60 = arith.muli %arg1, %mul3A_59 : i32
      %add3A_61 = arith.constant 320 : i32
      %add3A_62 = arith.addi %mul3A_60, %add3A_61 : i32
      "tpu.region"() ({
        %run_scoped3A = tpu.sem_alloc : memref<!tpu.dma_semaphore, #tpu.memory_space<semaphore_mem>>
        %dma_start3A_143 = arith.constant 0 : i32
        %dma_start3A_144 = tpu.memref_slice %arg29[%add3A_62, %dma_start3A_143] : memref<10240x128xf32, #tpu.memory_space<vmem_shared>> -> memref<32x128xf32, #tpu.memory_space<vmem_shared>>
        %dma_start3A_145 = arith.constant 0 : i32
        %dma_start3A_146 = tpu.memref_slice %arg29[%add3A_62, %dma_start3A_145] : memref<10240x128xf32, #tpu.memory_space<vmem_shared>> -> memref<32x128xf32, #tpu.memory_space<vmem_shared>>
        tpu.enqueue_dma source(%arg22 : memref<32x128xf32, #tpu.memory_space<vmem>>) target(%dma_start3A_146 : memref<32x128xf32, #tpu.memory_space<vmem_shared>>) target_semaphore(%run_scoped3A : memref<!tpu.dma_semaphore, #tpu.memory_space<semaphore_mem>>)
        %dma_wait3A = arith.constant 0 : i32
        %dma_wait3A_147 = tpu.memref_slice %arg29[%add3A_62, %dma_wait3A] : memref<10240x128xf32, #tpu.memory_space<vmem_shared>> -> memref<32x128xf32, #tpu.memory_space<vmem_shared>>
        %dma_wait3A_148 = arith.constant 0 : i32
        %dma_wait3A_149 = tpu.memref_slice %arg29[%add3A_62, %dma_wait3A_148] : memref<10240x128xf32, #tpu.memory_space<vmem_shared>> -> memref<32x128xf32, #tpu.memory_space<vmem_shared>>
        tpu.wait_dma2 semaphore(%run_scoped3A : memref<!tpu.dma_semaphore, #tpu.memory_space<semaphore_mem>>) src(%arg22 : memref<32x128xf32, #tpu.memory_space<vmem>>) dst(%dma_wait3A_149 : memref<32x128xf32, #tpu.memory_space<vmem_shared>>)
        tpu.yield
      }) : () -> ()
      %mul3A_63 = arith.constant 640 : i32
      %mul3A_64 = arith.muli %arg1, %mul3A_63 : i32
      %add3A_65 = arith.constant 352 : i32
      %add3A_66 = arith.addi %mul3A_64, %add3A_65 : i32
      "tpu.region"() ({
        %run_scoped3A = tpu.sem_alloc : memref<!tpu.dma_semaphore, #tpu.memory_space<semaphore_mem>>
        %dma_start3A_143 = arith.constant 0 : i32
        %dma_start3A_144 = tpu.memref_slice %arg29[%add3A_66, %dma_start3A_143] : memref<10240x128xf32, #tpu.memory_space<vmem_shared>> -> memref<32x128xf32, #tpu.memory_space<vmem_shared>>
        %dma_start3A_145 = arith.constant 0 : i32
        %dma_start3A_146 = tpu.memref_slice %arg29[%add3A_66, %dma_start3A_145] : memref<10240x128xf32, #tpu.memory_space<vmem_shared>> -> memref<32x128xf32, #tpu.memory_space<vmem_shared>>
        tpu.enqueue_dma source(%arg22 : memref<32x128xf32, #tpu.memory_space<vmem>>) target(%dma_start3A_146 : memref<32x128xf32, #tpu.memory_space<vmem_shared>>) target_semaphore(%run_scoped3A : memref<!tpu.dma_semaphore, #tpu.memory_space<semaphore_mem>>)
        %dma_wait3A = arith.constant 0 : i32
        %dma_wait3A_147 = tpu.memref_slice %arg29[%add3A_66, %dma_wait3A] : memref<10240x128xf32, #tpu.memory_space<vmem_shared>> -> memref<32x128xf32, #tpu.memory_space<vmem_shared>>
        %dma_wait3A_148 = arith.constant 0 : i32
        %dma_wait3A_149 = tpu.memref_slice %arg29[%add3A_66, %dma_wait3A_148] : memref<10240x128xf32, #tpu.memory_space<vmem_shared>> -> memref<32x128xf32, #tpu.memory_space<vmem_shared>>
        tpu.wait_dma2 semaphore(%run_scoped3A : memref<!tpu.dma_semaphore, #tpu.memory_space<semaphore_mem>>) src(%arg22 : memref<32x128xf32, #tpu.memory_space<vmem>>) dst(%dma_wait3A_149 : memref<32x128xf32, #tpu.memory_space<vmem_shared>>)
        tpu.yield
      }) : () -> ()
      %mul3A_67 = arith.constant 640 : i32
      %mul3A_68 = arith.muli %arg1, %mul3A_67 : i32
      %add3A_69 = arith.constant 384 : i32
      %add3A_70 = arith.addi %mul3A_68, %add3A_69 : i32
      "tpu.region"() ({
        %run_scoped3A = tpu.sem_alloc : memref<!tpu.dma_semaphore, #tpu.memory_space<semaphore_mem>>
        %dma_start3A_143 = arith.constant 0 : i32
        %dma_start3A_144 = tpu.memref_slice %arg29[%add3A_70, %dma_start3A_143] : memref<10240x128xf32, #tpu.memory_space<vmem_shared>> -> memref<32x128xf32, #tpu.memory_space<vmem_shared>>
        %dma_start3A_145 = arith.constant 0 : i32
        %dma_start3A_146 = tpu.memref_slice %arg29[%add3A_70, %dma_start3A_145] : memref<10240x128xf32, #tpu.memory_space<vmem_shared>> -> memref<32x128xf32, #tpu.memory_space<vmem_shared>>
        tpu.enqueue_dma source(%arg22 : memref<32x128xf32, #tpu.memory_space<vmem>>) target(%dma_start3A_146 : memref<32x128xf32, #tpu.memory_space<vmem_shared>>) target_semaphore(%run_scoped3A : memref<!tpu.dma_semaphore, #tpu.memory_space<semaphore_mem>>)
        %dma_wait3A = arith.constant 0 : i32
        %dma_wait3A_147 = tpu.memref_slice %arg29[%add3A_70, %dma_wait3A] : memref<10240x128xf32, #tpu.memory_space<vmem_shared>> -> memref<32x128xf32, #tpu.memory_space<vmem_shared>>
        %dma_wait3A_148 = arith.constant 0 : i32
        %dma_wait3A_149 = tpu.memref_slice %arg29[%add3A_70, %dma_wait3A_148] : memref<10240x128xf32, #tpu.memory_space<vmem_shared>> -> memref<32x128xf32, #tpu.memory_space<vmem_shared>>
        tpu.wait_dma2 semaphore(%run_scoped3A : memref<!tpu.dma_semaphore, #tpu.memory_space<semaphore_mem>>) src(%arg22 : memref<32x128xf32, #tpu.memory_space<vmem>>) dst(%dma_wait3A_149 : memref<32x128xf32, #tpu.memory_space<vmem_shared>>)
        tpu.yield
      }) : () -> ()
      %mul3A_71 = arith.constant 640 : i32
      %mul3A_72 = arith.muli %arg1, %mul3A_71 : i32
      %add3A_73 = arith.constant 416 : i32
      %add3A_74 = arith.addi %mul3A_72, %add3A_73 : i32
      "tpu.region"() ({
        %run_scoped3A = tpu.sem_alloc : memref<!tpu.dma_semaphore, #tpu.memory_space<semaphore_mem>>
        %dma_start3A_143 = arith.constant 0 : i32
        %dma_start3A_144 = tpu.memref_slice %arg29[%add3A_74, %dma_start3A_143] : memref<10240x128xf32, #tpu.memory_space<vmem_shared>> -> memref<32x128xf32, #tpu.memory_space<vmem_shared>>
        %dma_start3A_145 = arith.constant 0 : i32
        %dma_start3A_146 = tpu.memref_slice %arg29[%add3A_74, %dma_start3A_145] : memref<10240x128xf32, #tpu.memory_space<vmem_shared>> -> memref<32x128xf32, #tpu.memory_space<vmem_shared>>
        tpu.enqueue_dma source(%arg22 : memref<32x128xf32, #tpu.memory_space<vmem>>) target(%dma_start3A_146 : memref<32x128xf32, #tpu.memory_space<vmem_shared>>) target_semaphore(%run_scoped3A : memref<!tpu.dma_semaphore, #tpu.memory_space<semaphore_mem>>)
        %dma_wait3A = arith.constant 0 : i32
        %dma_wait3A_147 = tpu.memref_slice %arg29[%add3A_74, %dma_wait3A] : memref<10240x128xf32, #tpu.memory_space<vmem_shared>> -> memref<32x128xf32, #tpu.memory_space<vmem_shared>>
        %dma_wait3A_148 = arith.constant 0 : i32
        %dma_wait3A_149 = tpu.memref_slice %arg29[%add3A_74, %dma_wait3A_148] : memref<10240x128xf32, #tpu.memory_space<vmem_shared>> -> memref<32x128xf32, #tpu.memory_space<vmem_shared>>
        tpu.wait_dma2 semaphore(%run_scoped3A : memref<!tpu.dma_semaphore, #tpu.memory_space<semaphore_mem>>) src(%arg22 : memref<32x128xf32, #tpu.memory_space<vmem>>) dst(%dma_wait3A_149 : memref<32x128xf32, #tpu.memory_space<vmem_shared>>)
        tpu.yield
      }) : () -> ()
      %mul3A_75 = arith.constant 640 : i32
      %mul3A_76 = arith.muli %arg1, %mul3A_75 : i32
      %add3A_77 = arith.constant 448 : i32
      %add3A_78 = arith.addi %mul3A_76, %add3A_77 : i32
      "tpu.region"() ({
        %run_scoped3A = tpu.sem_alloc : memref<!tpu.dma_semaphore, #tpu.memory_space<semaphore_mem>>
        %dma_start3A_143 = arith.constant 0 : i32
        %dma_start3A_144 = tpu.memref_slice %arg29[%add3A_78, %dma_start3A_143] : memref<10240x128xf32, #tpu.memory_space<vmem_shared>> -> memref<32x128xf32, #tpu.memory_space<vmem_shared>>
        %dma_start3A_145 = arith.constant 0 : i32
        %dma_start3A_146 = tpu.memref_slice %arg29[%add3A_78, %dma_start3A_145] : memref<10240x128xf32, #tpu.memory_space<vmem_shared>> -> memref<32x128xf32, #tpu.memory_space<vmem_shared>>
        tpu.enqueue_dma source(%arg22 : memref<32x128xf32, #tpu.memory_space<vmem>>) target(%dma_start3A_146 : memref<32x128xf32, #tpu.memory_space<vmem_shared>>) target_semaphore(%run_scoped3A : memref<!tpu.dma_semaphore, #tpu.memory_space<semaphore_mem>>)
        %dma_wait3A = arith.constant 0 : i32
        %dma_wait3A_147 = tpu.memref_slice %arg29[%add3A_78, %dma_wait3A] : memref<10240x128xf32, #tpu.memory_space<vmem_shared>> -> memref<32x128xf32, #tpu.memory_space<vmem_shared>>
        %dma_wait3A_148 = arith.constant 0 : i32
        %dma_wait3A_149 = tpu.memref_slice %arg29[%add3A_78, %dma_wait3A_148] : memref<10240x128xf32, #tpu.memory_space<vmem_shared>> -> memref<32x128xf32, #tpu.memory_space<vmem_shared>>
        tpu.wait_dma2 semaphore(%run_scoped3A : memref<!tpu.dma_semaphore, #tpu.memory_space<semaphore_mem>>) src(%arg22 : memref<32x128xf32, #tpu.memory_space<vmem>>) dst(%dma_wait3A_149 : memref<32x128xf32, #tpu.memory_space<vmem_shared>>)
        tpu.yield
      }) : () -> ()
      %mul3A_79 = arith.constant 640 : i32
      %mul3A_80 = arith.muli %arg1, %mul3A_79 : i32
      %add3A_81 = arith.constant 480 : i32
      %add3A_82 = arith.addi %mul3A_80, %add3A_81 : i32
      "tpu.region"() ({
        %run_scoped3A = tpu.sem_alloc : memref<!tpu.dma_semaphore, #tpu.memory_space<semaphore_mem>>
        %dma_start3A_143 = arith.constant 0 : i32
        %dma_start3A_144 = tpu.memref_slice %arg29[%add3A_82, %dma_start3A_143] : memref<10240x128xf32, #tpu.memory_space<vmem_shared>> -> memref<32x128xf32, #tpu.memory_space<vmem_shared>>
        %dma_start3A_145 = arith.constant 0 : i32
        %dma_start3A_146 = tpu.memref_slice %arg29[%add3A_82, %dma_start3A_145] : memref<10240x128xf32, #tpu.memory_space<vmem_shared>> -> memref<32x128xf32, #tpu.memory_space<vmem_shared>>
        tpu.enqueue_dma source(%arg22 : memref<32x128xf32, #tpu.memory_space<vmem>>) target(%dma_start3A_146 : memref<32x128xf32, #tpu.memory_space<vmem_shared>>) target_semaphore(%run_scoped3A : memref<!tpu.dma_semaphore, #tpu.memory_space<semaphore_mem>>)
        %dma_wait3A = arith.constant 0 : i32
        %dma_wait3A_147 = tpu.memref_slice %arg29[%add3A_82, %dma_wait3A] : memref<10240x128xf32, #tpu.memory_space<vmem_shared>> -> memref<32x128xf32, #tpu.memory_space<vmem_shared>>
        %dma_wait3A_148 = arith.constant 0 : i32
        %dma_wait3A_149 = tpu.memref_slice %arg29[%add3A_82, %dma_wait3A_148] : memref<10240x128xf32, #tpu.memory_space<vmem_shared>> -> memref<32x128xf32, #tpu.memory_space<vmem_shared>>
        tpu.wait_dma2 semaphore(%run_scoped3A : memref<!tpu.dma_semaphore, #tpu.memory_space<semaphore_mem>>) src(%arg22 : memref<32x128xf32, #tpu.memory_space<vmem>>) dst(%dma_wait3A_149 : memref<32x128xf32, #tpu.memory_space<vmem_shared>>)
        tpu.yield
      }) : () -> ()
      %mul3A_83 = arith.constant 640 : i32
      %mul3A_84 = arith.muli %arg1, %mul3A_83 : i32
      %add3A_85 = arith.constant 512 : i32
      %add3A_86 = arith.addi %mul3A_84, %add3A_85 : i32
      "tpu.region"() ({
        %run_scoped3A = tpu.sem_alloc : memref<!tpu.dma_semaphore, #tpu.memory_space<semaphore_mem>>
        %dma_start3A_143 = arith.constant 0 : i32
        %dma_start3A_144 = tpu.memref_slice %arg29[%add3A_86, %dma_start3A_143] : memref<10240x128xf32, #tpu.memory_space<vmem_shared>> -> memref<32x128xf32, #tpu.memory_space<vmem_shared>>
        %dma_start3A_145 = arith.constant 0 : i32
        %dma_start3A_146 = tpu.memref_slice %arg29[%add3A_86, %dma_start3A_145] : memref<10240x128xf32, #tpu.memory_space<vmem_shared>> -> memref<32x128xf32, #tpu.memory_space<vmem_shared>>
        tpu.enqueue_dma source(%arg22 : memref<32x128xf32, #tpu.memory_space<vmem>>) target(%dma_start3A_146 : memref<32x128xf32, #tpu.memory_space<vmem_shared>>) target_semaphore(%run_scoped3A : memref<!tpu.dma_semaphore, #tpu.memory_space<semaphore_mem>>)
        %dma_wait3A = arith.constant 0 : i32
        %dma_wait3A_147 = tpu.memref_slice %arg29[%add3A_86, %dma_wait3A] : memref<10240x128xf32, #tpu.memory_space<vmem_shared>> -> memref<32x128xf32, #tpu.memory_space<vmem_shared>>
        %dma_wait3A_148 = arith.constant 0 : i32
        %dma_wait3A_149 = tpu.memref_slice %arg29[%add3A_86, %dma_wait3A_148] : memref<10240x128xf32, #tpu.memory_space<vmem_shared>> -> memref<32x128xf32, #tpu.memory_space<vmem_shared>>
        tpu.wait_dma2 semaphore(%run_scoped3A : memref<!tpu.dma_semaphore, #tpu.memory_space<semaphore_mem>>) src(%arg22 : memref<32x128xf32, #tpu.memory_space<vmem>>) dst(%dma_wait3A_149 : memref<32x128xf32, #tpu.memory_space<vmem_shared>>)
        tpu.yield
      }) : () -> ()
      %mul3A_87 = arith.constant 640 : i32
      %mul3A_88 = arith.muli %arg1, %mul3A_87 : i32
      %add3A_89 = arith.constant 544 : i32
      %add3A_90 = arith.addi %mul3A_88, %add3A_89 : i32
      "tpu.region"() ({
        %run_scoped3A = tpu.sem_alloc : memref<!tpu.dma_semaphore, #tpu.memory_space<semaphore_mem>>
        %dma_start3A_143 = arith.constant 0 : i32
        %dma_start3A_144 = tpu.memref_slice %arg29[%add3A_90, %dma_start3A_143] : memref<10240x128xf32, #tpu.memory_space<vmem_shared>> -> memref<32x128xf32, #tpu.memory_space<vmem_shared>>
        %dma_start3A_145 = arith.constant 0 : i32
        %dma_start3A_146 = tpu.memref_slice %arg29[%add3A_90, %dma_start3A_145] : memref<10240x128xf32, #tpu.memory_space<vmem_shared>> -> memref<32x128xf32, #tpu.memory_space<vmem_shared>>
        tpu.enqueue_dma source(%arg22 : memref<32x128xf32, #tpu.memory_space<vmem>>) target(%dma_start3A_146 : memref<32x128xf32, #tpu.memory_space<vmem_shared>>) target_semaphore(%run_scoped3A : memref<!tpu.dma_semaphore, #tpu.memory_space<semaphore_mem>>)
        %dma_wait3A = arith.constant 0 : i32
        %dma_wait3A_147 = tpu.memref_slice %arg29[%add3A_90, %dma_wait3A] : memref<10240x128xf32, #tpu.memory_space<vmem_shared>> -> memref<32x128xf32, #tpu.memory_space<vmem_shared>>
        %dma_wait3A_148 = arith.constant 0 : i32
        %dma_wait3A_149 = tpu.memref_slice %arg29[%add3A_90, %dma_wait3A_148] : memref<10240x128xf32, #tpu.memory_space<vmem_shared>> -> memref<32x128xf32, #tpu.memory_space<vmem_shared>>
        tpu.wait_dma2 semaphore(%run_scoped3A : memref<!tpu.dma_semaphore, #tpu.memory_space<semaphore_mem>>) src(%arg22 : memref<32x128xf32, #tpu.memory_space<vmem>>) dst(%dma_wait3A_149 : memref<32x128xf32, #tpu.memory_space<vmem_shared>>)
        tpu.yield
      }) : () -> ()
      %mul3A_91 = arith.constant 640 : i32
      %mul3A_92 = arith.muli %arg1, %mul3A_91 : i32
      %add3A_93 = arith.constant 576 : i32
      %add3A_94 = arith.addi %mul3A_92, %add3A_93 : i32
      "tpu.region"() ({
        %run_scoped3A = tpu.sem_alloc : memref<!tpu.dma_semaphore, #tpu.memory_space<semaphore_mem>>
        %dma_start3A_143 = arith.constant 0 : i32
        %dma_start3A_144 = tpu.memref_slice %arg29[%add3A_94, %dma_start3A_143] : memref<10240x128xf32, #tpu.memory_space<vmem_shared>> -> memref<32x128xf32, #tpu.memory_space<vmem_shared>>
        %dma_start3A_145 = arith.constant 0 : i32
        %dma_start3A_146 = tpu.memref_slice %arg29[%add3A_94, %dma_start3A_145] : memref<10240x128xf32, #tpu.memory_space<vmem_shared>> -> memref<32x128xf32, #tpu.memory_space<vmem_shared>>
        tpu.enqueue_dma source(%arg22 : memref<32x128xf32, #tpu.memory_space<vmem>>) target(%dma_start3A_146 : memref<32x128xf32, #tpu.memory_space<vmem_shared>>) target_semaphore(%run_scoped3A : memref<!tpu.dma_semaphore, #tpu.memory_space<semaphore_mem>>)
        %dma_wait3A = arith.constant 0 : i32
        %dma_wait3A_147 = tpu.memref_slice %arg29[%add3A_94, %dma_wait3A] : memref<10240x128xf32, #tpu.memory_space<vmem_shared>> -> memref<32x128xf32, #tpu.memory_space<vmem_shared>>
        %dma_wait3A_148 = arith.constant 0 : i32
        %dma_wait3A_149 = tpu.memref_slice %arg29[%add3A_94, %dma_wait3A_148] : memref<10240x128xf32, #tpu.memory_space<vmem_shared>> -> memref<32x128xf32, #tpu.memory_space<vmem_shared>>
        tpu.wait_dma2 semaphore(%run_scoped3A : memref<!tpu.dma_semaphore, #tpu.memory_space<semaphore_mem>>) src(%arg22 : memref<32x128xf32, #tpu.memory_space<vmem>>) dst(%dma_wait3A_149 : memref<32x128xf32, #tpu.memory_space<vmem_shared>>)
        tpu.yield
      }) : () -> ()
      %mul3A_95 = arith.constant 640 : i32
      %mul3A_96 = arith.muli %arg1, %mul3A_95 : i32
      %add3A_97 = arith.constant 608 : i32
      %add3A_98 = arith.addi %mul3A_96, %add3A_97 : i32
      "tpu.region"() ({
        %run_scoped3A = tpu.sem_alloc : memref<!tpu.dma_semaphore, #tpu.memory_space<semaphore_mem>>
        %dma_start3A_143 = arith.constant 0 : i32
        %dma_start3A_144 = tpu.memref_slice %arg29[%add3A_98, %dma_start3A_143] : memref<10240x128xf32, #tpu.memory_space<vmem_shared>> -> memref<32x128xf32, #tpu.memory_space<vmem_shared>>
        %dma_start3A_145 = arith.constant 0 : i32
        %dma_start3A_146 = tpu.memref_slice %arg29[%add3A_98, %dma_start3A_145] : memref<10240x128xf32, #tpu.memory_space<vmem_shared>> -> memref<32x128xf32, #tpu.memory_space<vmem_shared>>
        tpu.enqueue_dma source(%arg22 : memref<32x128xf32, #tpu.memory_space<vmem>>) target(%dma_start3A_146 : memref<32x128xf32, #tpu.memory_space<vmem_shared>>) target_semaphore(%run_scoped3A : memref<!tpu.dma_semaphore, #tpu.memory_space<semaphore_mem>>)
        %dma_wait3A = arith.constant 0 : i32
        %dma_wait3A_147 = tpu.memref_slice %arg29[%add3A_98, %dma_wait3A] : memref<10240x128xf32, #tpu.memory_space<vmem_shared>> -> memref<32x128xf32, #tpu.memory_space<vmem_shared>>
        %dma_wait3A_148 = arith.constant 0 : i32
        %dma_wait3A_149 = tpu.memref_slice %arg29[%add3A_98, %dma_wait3A_148] : memref<10240x128xf32, #tpu.memory_space<vmem_shared>> -> memref<32x128xf32, #tpu.memory_space<vmem_shared>>
        tpu.wait_dma2 semaphore(%run_scoped3A : memref<!tpu.dma_semaphore, #tpu.memory_space<semaphore_mem>>) src(%arg22 : memref<32x128xf32, #tpu.memory_space<vmem>>) dst(%dma_wait3A_149 : memref<32x128xf32, #tpu.memory_space<vmem_shared>>)
        tpu.yield
      }) : () -> ()
      %barrier3A = arith.constant 0 : index
      tpu.barrier barrier_id(%barrier3A)
      %mul3A_99 = arith.constant 20000 : i32
      %mul3A_100 = arith.muli %arg1, %mul3A_99 : i32
      %add3A_101 = arith.constant 0 : i32
      %add3A_102 = arith.addi %mul3A_100, %add3A_101 : i32
      %dma_start3A = tpu.memref_slice %arg4[%add3A_102] : memref<320000xi32, #tpu.memory_space<hbm>> -> memref<32xi32, #tpu.memory_space<hbm>>
      %dma_start3A_103 = tpu.memref_slice %arg4[%add3A_102] : memref<320000xi32, #tpu.memory_space<hbm>> -> memref<32xi32, #tpu.memory_space<hbm>>
      tpu.enqueue_dma source(%dma_start3A_103 : memref<32xi32, #tpu.memory_space<hbm>>) target(%arg12 : memref<32xi32, #tpu.memory_space<vmem>>) target_semaphore(%arg31 : memref<!tpu.dma_semaphore, #tpu.memory_space<semaphore_mem>>)
      %dma_start3A_104 = tpu.memref_slice %arg5[%add3A_102] : memref<320000xi32, #tpu.memory_space<hbm>> -> memref<32xi32, #tpu.memory_space<hbm>>
      %dma_start3A_105 = tpu.memref_slice %arg5[%add3A_102] : memref<320000xi32, #tpu.memory_space<hbm>> -> memref<32xi32, #tpu.memory_space<hbm>>
      tpu.enqueue_dma source(%dma_start3A_105 : memref<32xi32, #tpu.memory_space<hbm>>) target(%arg17 : memref<32xi32, #tpu.memory_space<vmem>>) target_semaphore(%arg31 : memref<!tpu.dma_semaphore, #tpu.memory_space<semaphore_mem>>)
      %add3A_106 = arith.constant 32 : i32
      %add3A_107 = arith.addi %mul3A_100, %add3A_106 : i32
      %dma_start3A_108 = tpu.memref_slice %arg4[%add3A_107] : memref<320000xi32, #tpu.memory_space<hbm>> -> memref<32xi32, #tpu.memory_space<hbm>>
      %dma_start3A_109 = tpu.memref_slice %arg4[%add3A_107] : memref<320000xi32, #tpu.memory_space<hbm>> -> memref<32xi32, #tpu.memory_space<hbm>>
      tpu.enqueue_dma source(%dma_start3A_109 : memref<32xi32, #tpu.memory_space<hbm>>) target(%arg13 : memref<32xi32, #tpu.memory_space<vmem>>) target_semaphore(%arg32 : memref<!tpu.dma_semaphore, #tpu.memory_space<semaphore_mem>>)
      %dma_start3A_110 = tpu.memref_slice %arg5[%add3A_107] : memref<320000xi32, #tpu.memory_space<hbm>> -> memref<32xi32, #tpu.memory_space<hbm>>
      %dma_start3A_111 = tpu.memref_slice %arg5[%add3A_107] : memref<320000xi32, #tpu.memory_space<hbm>> -> memref<32xi32, #tpu.memory_space<hbm>>
      tpu.enqueue_dma source(%dma_start3A_111 : memref<32xi32, #tpu.memory_space<hbm>>) target(%arg18 : memref<32xi32, #tpu.memory_space<vmem>>) target_semaphore(%arg32 : memref<!tpu.dma_semaphore, #tpu.memory_space<semaphore_mem>>)
      %add3A_112 = arith.constant 64 : i32
      %add3A_113 = arith.addi %mul3A_100, %add3A_112 : i32
      %dma_start3A_114 = tpu.memref_slice %arg4[%add3A_113] : memref<320000xi32, #tpu.memory_space<hbm>> -> memref<32xi32, #tpu.memory_space<hbm>>
      %dma_start3A_115 = tpu.memref_slice %arg4[%add3A_113] : memref<320000xi32, #tpu.memory_space<hbm>> -> memref<32xi32, #tpu.memory_space<hbm>>
      tpu.enqueue_dma source(%dma_start3A_115 : memref<32xi32, #tpu.memory_space<hbm>>) target(%arg14 : memref<32xi32, #tpu.memory_space<vmem>>) target_semaphore(%arg33 : memref<!tpu.dma_semaphore, #tpu.memory_space<semaphore_mem>>)
      %dma_start3A_116 = tpu.memref_slice %arg5[%add3A_113] : memref<320000xi32, #tpu.memory_space<hbm>> -> memref<32xi32, #tpu.memory_space<hbm>>
      %dma_start3A_117 = tpu.memref_slice %arg5[%add3A_113] : memref<320000xi32, #tpu.memory_space<hbm>> -> memref<32xi32, #tpu.memory_space<hbm>>
      tpu.enqueue_dma source(%dma_start3A_117 : memref<32xi32, #tpu.memory_space<hbm>>) target(%arg19 : memref<32xi32, #tpu.memory_space<vmem>>) target_semaphore(%arg33 : memref<!tpu.dma_semaphore, #tpu.memory_space<semaphore_mem>>)
      %add3A_118 = arith.constant 96 : i32
      %add3A_119 = arith.addi %mul3A_100, %add3A_118 : i32
      %dma_start3A_120 = tpu.memref_slice %arg4[%add3A_119] : memref<320000xi32, #tpu.memory_space<hbm>> -> memref<32xi32, #tpu.memory_space<hbm>>
      %dma_start3A_121 = tpu.memref_slice %arg4[%add3A_119] : memref<320000xi32, #tpu.memory_space<hbm>> -> memref<32xi32, #tpu.memory_space<hbm>>
      tpu.enqueue_dma source(%dma_start3A_121 : memref<32xi32, #tpu.memory_space<hbm>>) target(%arg15 : memref<32xi32, #tpu.memory_space<vmem>>) target_semaphore(%arg34 : memref<!tpu.dma_semaphore, #tpu.memory_space<semaphore_mem>>)
      %dma_start3A_122 = tpu.memref_slice %arg5[%add3A_119] : memref<320000xi32, #tpu.memory_space<hbm>> -> memref<32xi32, #tpu.memory_space<hbm>>
      %dma_start3A_123 = tpu.memref_slice %arg5[%add3A_119] : memref<320000xi32, #tpu.memory_space<hbm>> -> memref<32xi32, #tpu.memory_space<hbm>>
      tpu.enqueue_dma source(%dma_start3A_123 : memref<32xi32, #tpu.memory_space<hbm>>) target(%arg20 : memref<32xi32, #tpu.memory_space<vmem>>) target_semaphore(%arg34 : memref<!tpu.dma_semaphore, #tpu.memory_space<semaphore_mem>>)
      %add3A_124 = arith.constant 128 : i32
      %add3A_125 = arith.addi %mul3A_100, %add3A_124 : i32
      %dma_start3A_126 = tpu.memref_slice %arg4[%add3A_125] : memref<320000xi32, #tpu.memory_space<hbm>> -> memref<32xi32, #tpu.memory_space<hbm>>
      %dma_start3A_127 = tpu.memref_slice %arg4[%add3A_125] : memref<320000xi32, #tpu.memory_space<hbm>> -> memref<32xi32, #tpu.memory_space<hbm>>
      tpu.enqueue_dma source(%dma_start3A_127 : memref<32xi32, #tpu.memory_space<hbm>>) target(%arg16 : memref<32xi32, #tpu.memory_space<vmem>>) target_semaphore(%arg35 : memref<!tpu.dma_semaphore, #tpu.memory_space<semaphore_mem>>)
      %dma_start3A_128 = tpu.memref_slice %arg5[%add3A_125] : memref<320000xi32, #tpu.memory_space<hbm>> -> memref<32xi32, #tpu.memory_space<hbm>>
      %dma_start3A_129 = tpu.memref_slice %arg5[%add3A_125] : memref<320000xi32, #tpu.memory_space<hbm>> -> memref<32xi32, #tpu.memory_space<hbm>>
      tpu.enqueue_dma source(%dma_start3A_129 : memref<32xi32, #tpu.memory_space<hbm>>) target(%arg21 : memref<32xi32, #tpu.memory_space<vmem>>) target_semaphore(%arg35 : memref<!tpu.dma_semaphore, #tpu.memory_space<semaphore_mem>>)
      %scan3A_130 = arith.constant 0 : i32
      %scan3A_131 = arith.constant 0 : i32
      %scan3A_132 = arith.constant 125 : i32
      %scan3A_133 = arith.addi %scan3A_131, %scan3A_132 : i32
      %scan3A_134 = arith.constant 1 : i32
      scf.for %scan3A_143 = %scan3A_131 to %scan3A_133 step %scan3A_134  : i32 {
        %dma_wait3A = arith.constant 0 : i32
        %dma_wait3A_144 = tpu.memref_slice %arg4[%dma_wait3A] : memref<320000xi32, #tpu.memory_space<hbm>> -> memref<32xi32, #tpu.memory_space<hbm>>
        %dma_wait3A_145 = arith.constant 0 : i32
        %dma_wait3A_146 = tpu.memref_slice %arg4[%dma_wait3A_145] : memref<320000xi32, #tpu.memory_space<hbm>> -> memref<32xi32, #tpu.memory_space<hbm>>
        tpu.wait_dma2 semaphore(%arg31 : memref<!tpu.dma_semaphore, #tpu.memory_space<semaphore_mem>>) src(%dma_wait3A_146 : memref<32xi32, #tpu.memory_space<hbm>>) dst(%arg12 : memref<32xi32, #tpu.memory_space<vmem>>)
        %dma_wait3A_147 = arith.constant 0 : i32
        %dma_wait3A_148 = tpu.memref_slice %arg5[%dma_wait3A_147] : memref<320000xi32, #tpu.memory_space<hbm>> -> memref<32xi32, #tpu.memory_space<hbm>>
        %dma_wait3A_149 = arith.constant 0 : i32
        %dma_wait3A_150 = tpu.memref_slice %arg5[%dma_wait3A_149] : memref<320000xi32, #tpu.memory_space<hbm>> -> memref<32xi32, #tpu.memory_space<hbm>>
        tpu.wait_dma2 semaphore(%arg31 : memref<!tpu.dma_semaphore, #tpu.memory_space<semaphore_mem>>) src(%dma_wait3A_150 : memref<32xi32, #tpu.memory_space<hbm>>) dst(%arg17 : memref<32xi32, #tpu.memory_space<vmem>>)
        %dma_start3A_151 = arith.constant 0 : i32
        %dma_start3A_152 = arith.constant 0 : i32
        %dma_start3A_153 = tpu.memref_slice %arg2[%dma_start3A_151, %dma_start3A_152] : memref<10000x128xf32, #tpu.memory_space<hbm>> -> memref<10000x128xf32, #tpu.memory_space<hbm>>
        tpu.enqueue_indirect_dma source(%dma_start3A_153 : memref<10000x128xf32, #tpu.memory_space<hbm>>) target(%arg22 : memref<32x128xf32, #tpu.memory_space<vmem>>) offsets(%arg12 : memref<32xi32, #tpu.memory_space<vmem>>) semaphore(%arg36 : memref<!tpu.dma_semaphore, #tpu.memory_space<semaphore_mem>>)
        %dma_wait3A_154 = arith.constant 0 : i32
        %dma_wait3A_155 = tpu.memref_slice %arg4[%dma_wait3A_154] : memref<320000xi32, #tpu.memory_space<hbm>> -> memref<32xi32, #tpu.memory_space<hbm>>
        %dma_wait3A_156 = arith.constant 0 : i32
        %dma_wait3A_157 = tpu.memref_slice %arg4[%dma_wait3A_156] : memref<320000xi32, #tpu.memory_space<hbm>> -> memref<32xi32, #tpu.memory_space<hbm>>
        tpu.wait_dma2 semaphore(%arg32 : memref<!tpu.dma_semaphore, #tpu.memory_space<semaphore_mem>>) src(%dma_wait3A_157 : memref<32xi32, #tpu.memory_space<hbm>>) dst(%arg13 : memref<32xi32, #tpu.memory_space<vmem>>)
        %dma_wait3A_158 = arith.constant 0 : i32
        %dma_wait3A_159 = tpu.memref_slice %arg5[%dma_wait3A_158] : memref<320000xi32, #tpu.memory_space<hbm>> -> memref<32xi32, #tpu.memory_space<hbm>>
        %dma_wait3A_160 = arith.constant 0 : i32
        %dma_wait3A_161 = tpu.memref_slice %arg5[%dma_wait3A_160] : memref<320000xi32, #tpu.memory_space<hbm>> -> memref<32xi32, #tpu.memory_space<hbm>>
        tpu.wait_dma2 semaphore(%arg32 : memref<!tpu.dma_semaphore, #tpu.memory_space<semaphore_mem>>) src(%dma_wait3A_161 : memref<32xi32, #tpu.memory_space<hbm>>) dst(%arg18 : memref<32xi32, #tpu.memory_space<vmem>>)
        %dma_start3A_162 = arith.constant 0 : i32
        %dma_start3A_163 = arith.constant 0 : i32
        %dma_start3A_164 = tpu.memref_slice %arg2[%dma_start3A_162, %dma_start3A_163] : memref<10000x128xf32, #tpu.memory_space<hbm>> -> memref<10000x128xf32, #tpu.memory_space<hbm>>
        tpu.enqueue_indirect_dma source(%dma_start3A_164 : memref<10000x128xf32, #tpu.memory_space<hbm>>) target(%arg23 : memref<32x128xf32, #tpu.memory_space<vmem>>) offsets(%arg13 : memref<32xi32, #tpu.memory_space<vmem>>) semaphore(%arg37 : memref<!tpu.dma_semaphore, #tpu.memory_space<semaphore_mem>>)
        %dma_wait3A_165 = arith.constant 0 : i32
        %dma_wait3A_166 = tpu.memref_slice %arg4[%dma_wait3A_165] : memref<320000xi32, #tpu.memory_space<hbm>> -> memref<32xi32, #tpu.memory_space<hbm>>
        %dma_wait3A_167 = arith.constant 0 : i32
        %dma_wait3A_168 = tpu.memref_slice %arg4[%dma_wait3A_167] : memref<320000xi32, #tpu.memory_space<hbm>> -> memref<32xi32, #tpu.memory_space<hbm>>
        tpu.wait_dma2 semaphore(%arg33 : memref<!tpu.dma_semaphore, #tpu.memory_space<semaphore_mem>>) src(%dma_wait3A_168 : memref<32xi32, #tpu.memory_space<hbm>>) dst(%arg14 : memref<32xi32, #tpu.memory_space<vmem>>)
        %dma_wait3A_169 = arith.constant 0 : i32
        %dma_wait3A_170 = tpu.memref_slice %arg5[%dma_wait3A_169] : memref<320000xi32, #tpu.memory_space<hbm>> -> memref<32xi32, #tpu.memory_space<hbm>>
        %dma_wait3A_171 = arith.constant 0 : i32
        %dma_wait3A_172 = tpu.memref_slice %arg5[%dma_wait3A_171] : memref<320000xi32, #tpu.memory_space<hbm>> -> memref<32xi32, #tpu.memory_space<hbm>>
        tpu.wait_dma2 semaphore(%arg33 : memref<!tpu.dma_semaphore, #tpu.memory_space<semaphore_mem>>) src(%dma_wait3A_172 : memref<32xi32, #tpu.memory_space<hbm>>) dst(%arg19 : memref<32xi32, #tpu.memory_space<vmem>>)
        %dma_start3A_173 = arith.constant 0 : i32
        %dma_start3A_174 = arith.constant 0 : i32
        %dma_start3A_175 = tpu.memref_slice %arg2[%dma_start3A_173, %dma_start3A_174] : memref<10000x128xf32, #tpu.memory_space<hbm>> -> memref<10000x128xf32, #tpu.memory_space<hbm>>
        tpu.enqueue_indirect_dma source(%dma_start3A_175 : memref<10000x128xf32, #tpu.memory_space<hbm>>) target(%arg24 : memref<32x128xf32, #tpu.memory_space<vmem>>) offsets(%arg14 : memref<32xi32, #tpu.memory_space<vmem>>) semaphore(%arg38 : memref<!tpu.dma_semaphore, #tpu.memory_space<semaphore_mem>>)
        %dma_wait3A_176 = arith.constant 0 : i32
        %dma_wait3A_177 = tpu.memref_slice %arg4[%dma_wait3A_176] : memref<320000xi32, #tpu.memory_space<hbm>> -> memref<32xi32, #tpu.memory_space<hbm>>
        %dma_wait3A_178 = arith.constant 0 : i32
        %dma_wait3A_179 = tpu.memref_slice %arg4[%dma_wait3A_178] : memref<320000xi32, #tpu.memory_space<hbm>> -> memref<32xi32, #tpu.memory_space<hbm>>
        tpu.wait_dma2 semaphore(%arg34 : memref<!tpu.dma_semaphore, #tpu.memory_space<semaphore_mem>>) src(%dma_wait3A_179 : memref<32xi32, #tpu.memory_space<hbm>>) dst(%arg15 : memref<32xi32, #tpu.memory_space<vmem>>)
        %dma_wait3A_180 = arith.constant 0 : i32
        %dma_wait3A_181 = tpu.memref_slice %arg5[%dma_wait3A_180] : memref<320000xi32, #tpu.memory_space<hbm>> -> memref<32xi32, #tpu.memory_space<hbm>>
        %dma_wait3A_182 = arith.constant 0 : i32
        %dma_wait3A_183 = tpu.memref_slice %arg5[%dma_wait3A_182] : memref<320000xi32, #tpu.memory_space<hbm>> -> memref<32xi32, #tpu.memory_space<hbm>>
        tpu.wait_dma2 semaphore(%arg34 : memref<!tpu.dma_semaphore, #tpu.memory_space<semaphore_mem>>) src(%dma_wait3A_183 : memref<32xi32, #tpu.memory_space<hbm>>) dst(%arg20 : memref<32xi32, #tpu.memory_space<vmem>>)
        %dma_start3A_184 = arith.constant 0 : i32
        %dma_start3A_185 = arith.constant 0 : i32
        %dma_start3A_186 = tpu.memref_slice %arg2[%dma_start3A_184, %dma_start3A_185] : memref<10000x128xf32, #tpu.memory_space<hbm>> -> memref<10000x128xf32, #tpu.memory_space<hbm>>
        tpu.enqueue_indirect_dma source(%dma_start3A_186 : memref<10000x128xf32, #tpu.memory_space<hbm>>) target(%arg25 : memref<32x128xf32, #tpu.memory_space<vmem>>) offsets(%arg15 : memref<32xi32, #tpu.memory_space<vmem>>) semaphore(%arg39 : memref<!tpu.dma_semaphore, #tpu.memory_space<semaphore_mem>>)
        %dma_wait3A_187 = arith.constant 0 : i32
        %dma_wait3A_188 = tpu.memref_slice %arg4[%dma_wait3A_187] : memref<320000xi32, #tpu.memory_space<hbm>> -> memref<32xi32, #tpu.memory_space<hbm>>
        %dma_wait3A_189 = arith.constant 0 : i32
        %dma_wait3A_190 = tpu.memref_slice %arg4[%dma_wait3A_189] : memref<320000xi32, #tpu.memory_space<hbm>> -> memref<32xi32, #tpu.memory_space<hbm>>
        tpu.wait_dma2 semaphore(%arg35 : memref<!tpu.dma_semaphore, #tpu.memory_space<semaphore_mem>>) src(%dma_wait3A_190 : memref<32xi32, #tpu.memory_space<hbm>>) dst(%arg16 : memref<32xi32, #tpu.memory_space<vmem>>)
        %dma_wait3A_191 = arith.constant 0 : i32
        %dma_wait3A_192 = tpu.memref_slice %arg5[%dma_wait3A_191] : memref<320000xi32, #tpu.memory_space<hbm>> -> memref<32xi32, #tpu.memory_space<hbm>>
        %dma_wait3A_193 = arith.constant 0 : i32
        %dma_wait3A_194 = tpu.memref_slice %arg5[%dma_wait3A_193] : memref<320000xi32, #tpu.memory_space<hbm>> -> memref<32xi32, #tpu.memory_space<hbm>>
        tpu.wait_dma2 semaphore(%arg35 : memref<!tpu.dma_semaphore, #tpu.memory_space<semaphore_mem>>) src(%dma_wait3A_194 : memref<32xi32, #tpu.memory_space<hbm>>) dst(%arg21 : memref<32xi32, #tpu.memory_space<vmem>>)
        %dma_start3A_195 = arith.constant 0 : i32
        %dma_start3A_196 = arith.constant 0 : i32
        %dma_start3A_197 = tpu.memref_slice %arg2[%dma_start3A_195, %dma_start3A_196] : memref<10000x128xf32, #tpu.memory_space<hbm>> -> memref<10000x128xf32, #tpu.memory_space<hbm>>
        tpu.enqueue_indirect_dma source(%dma_start3A_197 : memref<10000x128xf32, #tpu.memory_space<hbm>>) target(%arg26 : memref<32x128xf32, #tpu.memory_space<vmem>>) offsets(%arg16 : memref<32xi32, #tpu.memory_space<vmem>>) semaphore(%arg40 : memref<!tpu.dma_semaphore, #tpu.memory_space<semaphore_mem>>)
        %dma_wait3A_198 = arith.constant 0 : i32
        %dma_wait3A_199 = arith.constant 0 : i32
        %dma_wait3A_200 = tpu.memref_slice %arg2[%dma_wait3A_198, %dma_wait3A_199] : memref<10000x128xf32, #tpu.memory_space<hbm>> -> memref<10000x128xf32, #tpu.memory_space<hbm>>
        tpu.wait_indirect_dma semaphore(%arg36 : memref<!tpu.dma_semaphore, #tpu.memory_space<semaphore_mem>>) src(%dma_wait3A_200 : memref<10000x128xf32, #tpu.memory_space<hbm>>) dst(%arg22 : memref<32x128xf32, #tpu.memory_space<vmem>>)
        %dma_start3A_201 = arith.constant 0 : i32
        %dma_start3A_202 = arith.constant 0 : i32
        %dma_start3A_203 = tpu.memref_slice %arg29[%dma_start3A_201, %dma_start3A_202] : memref<10240x128xf32, #tpu.memory_space<vmem_shared>> -> memref<10240x128xf32, #tpu.memory_space<vmem_shared>>
        tpu.enqueue_indirect_dma source(%arg22 : memref<32x128xf32, #tpu.memory_space<vmem>>) target(%dma_start3A_203 : memref<10240x128xf32, #tpu.memory_space<vmem_shared>>) offsets(%arg17 : memref<32xi32, #tpu.memory_space<vmem>>) semaphore(%arg41 : memref<!tpu.dma_semaphore, #tpu.memory_space<semaphore_mem>>) {add = true}
        %get3A = arith.constant 0 : index
        %get3A_204 = tpu.vector_load %arg17[%get3A] {strides = array<i32>} : memref<32xi32, #tpu.memory_space<vmem>>, vector<16xi32>,
        tpu.vector_store_idx %arg30[%get3A_204], %broadcast_in_dim3A_2 {add = true} : memref<10240xf32, #tpu.memory_space<vmem>>[vector<16xi32>], vector<16xf32>,
        %get3A_205 = arith.constant 16 : index
        %get3A_206 = tpu.vector_load %arg17[%get3A_205] {strides = array<i32>} : memref<32xi32, #tpu.memory_space<vmem>>, vector<16xi32>,
        tpu.vector_store_idx %arg30[%get3A_206], %broadcast_in_dim3A_2 {add = true} : memref<10240xf32, #tpu.memory_space<vmem>>[vector<16xi32>], vector<16xf32>,
        %dma_wait3A_207 = arith.constant 0 : i32
        %dma_wait3A_208 = arith.constant 0 : i32
        %dma_wait3A_209 = tpu.memref_slice %arg2[%dma_wait3A_207, %dma_wait3A_208] : memref<10000x128xf32, #tpu.memory_space<hbm>> -> memref<10000x128xf32, #tpu.memory_space<hbm>>
        tpu.wait_indirect_dma semaphore(%arg37 : memref<!tpu.dma_semaphore, #tpu.memory_space<semaphore_mem>>) src(%dma_wait3A_209 : memref<10000x128xf32, #tpu.memory_space<hbm>>) dst(%arg23 : memref<32x128xf32, #tpu.memory_space<vmem>>)
        %dma_start3A_210 = arith.constant 0 : i32
        %dma_start3A_211 = arith.constant 0 : i32
        %dma_start3A_212 = tpu.memref_slice %arg29[%dma_start3A_210, %dma_start3A_211] : memref<10240x128xf32, #tpu.memory_space<vmem_shared>> -> memref<10240x128xf32, #tpu.memory_space<vmem_shared>>
        tpu.enqueue_indirect_dma source(%arg23 : memref<32x128xf32, #tpu.memory_space<vmem>>) target(%dma_start3A_212 : memref<10240x128xf32, #tpu.memory_space<vmem_shared>>) offsets(%arg18 : memref<32xi32, #tpu.memory_space<vmem>>) semaphore(%arg42 : memref<!tpu.dma_semaphore, #tpu.memory_space<semaphore_mem>>) {add = true}
        %get3A_213 = arith.constant 0 : index
        %get3A_214 = tpu.vector_load %arg18[%get3A_213] {strides = array<i32>} : memref<32xi32, #tpu.memory_space<vmem>>, vector<16xi32>,
        tpu.vector_store_idx %arg30[%get3A_214], %broadcast_in_dim3A_2 {add = true} : memref<10240xf32, #tpu.memory_space<vmem>>[vector<16xi32>], vector<16xf32>,
        %get3A_215 = arith.constant 16 : index
        %get3A_216 = tpu.vector_load %arg18[%get3A_215] {strides = array<i32>} : memref<32xi32, #tpu.memory_space<vmem>>, vector<16xi32>,
        tpu.vector_store_idx %arg30[%get3A_216], %broadcast_in_dim3A_2 {add = true} : memref<10240xf32, #tpu.memory_space<vmem>>[vector<16xi32>], vector<16xf32>,
        %dma_wait3A_217 = arith.constant 0 : i32
        %dma_wait3A_218 = arith.constant 0 : i32
        %dma_wait3A_219 = tpu.memref_slice %arg2[%dma_wait3A_217, %dma_wait3A_218] : memref<10000x128xf32, #tpu.memory_space<hbm>> -> memref<10000x128xf32, #tpu.memory_space<hbm>>
        tpu.wait_indirect_dma semaphore(%arg38 : memref<!tpu.dma_semaphore, #tpu.memory_space<semaphore_mem>>) src(%dma_wait3A_219 : memref<10000x128xf32, #tpu.memory_space<hbm>>) dst(%arg24 : memref<32x128xf32, #tpu.memory_space<vmem>>)
        %dma_start3A_220 = arith.constant 0 : i32
        %dma_start3A_221 = arith.constant 0 : i32
        %dma_start3A_222 = tpu.memref_slice %arg29[%dma_start3A_220, %dma_start3A_221] : memref<10240x128xf32, #tpu.memory_space<vmem_shared>> -> memref<10240x128xf32, #tpu.memory_space<vmem_shared>>
        tpu.enqueue_indirect_dma source(%arg24 : memref<32x128xf32, #tpu.memory_space<vmem>>) target(%dma_start3A_222 : memref<10240x128xf32, #tpu.memory_space<vmem_shared>>) offsets(%arg19 : memref<32xi32, #tpu.memory_space<vmem>>) semaphore(%arg43 : memref<!tpu.dma_semaphore, #tpu.memory_space<semaphore_mem>>) {add = true}
        %get3A_223 = arith.constant 0 : index
        %get3A_224 = tpu.vector_load %arg19[%get3A_223] {strides = array<i32>} : memref<32xi32, #tpu.memory_space<vmem>>, vector<16xi32>,
        tpu.vector_store_idx %arg30[%get3A_224], %broadcast_in_dim3A_2 {add = true} : memref<10240xf32, #tpu.memory_space<vmem>>[vector<16xi32>], vector<16xf32>,
        %get3A_225 = arith.constant 16 : index
        %get3A_226 = tpu.vector_load %arg19[%get3A_225] {strides = array<i32>} : memref<32xi32, #tpu.memory_space<vmem>>, vector<16xi32>,
        tpu.vector_store_idx %arg30[%get3A_226], %broadcast_in_dim3A_2 {add = true} : memref<10240xf32, #tpu.memory_space<vmem>>[vector<16xi32>], vector<16xf32>,
        %dma_wait3A_227 = arith.constant 0 : i32
        %dma_wait3A_228 = arith.constant 0 : i32
        %dma_wait3A_229 = tpu.memref_slice %arg2[%dma_wait3A_227, %dma_wait3A_228] : memref<10000x128xf32, #tpu.memory_space<hbm>> -> memref<10000x128xf32, #tpu.memory_space<hbm>>
        tpu.wait_indirect_dma semaphore(%arg39 : memref<!tpu.dma_semaphore, #tpu.memory_space<semaphore_mem>>) src(%dma_wait3A_229 : memref<10000x128xf32, #tpu.memory_space<hbm>>) dst(%arg25 : memref<32x128xf32, #tpu.memory_space<vmem>>)
        %dma_start3A_230 = arith.constant 0 : i32
        %dma_start3A_231 = arith.constant 0 : i32
        %dma_start3A_232 = tpu.memref_slice %arg29[%dma_start3A_230, %dma_start3A_231] : memref<10240x128xf32, #tpu.memory_space<vmem_shared>> -> memref<10240x128xf32, #tpu.memory_space<vmem_shared>>
        tpu.enqueue_indirect_dma source(%arg25 : memref<32x128xf32, #tpu.memory_space<vmem>>) target(%dma_start3A_232 : memref<10240x128xf32, #tpu.memory_space<vmem_shared>>) offsets(%arg20 : memref<32xi32, #tpu.memory_space<vmem>>) semaphore(%arg44 : memref<!tpu.dma_semaphore, #tpu.memory_space<semaphore_mem>>) {add = true}
        %get3A_233 = arith.constant 0 : index
        %get3A_234 = tpu.vector_load %arg20[%get3A_233] {strides = array<i32>} : memref<32xi32, #tpu.memory_space<vmem>>, vector<16xi32>,
        tpu.vector_store_idx %arg30[%get3A_234], %broadcast_in_dim3A_2 {add = true} : memref<10240xf32, #tpu.memory_space<vmem>>[vector<16xi32>], vector<16xf32>,
        %get3A_235 = arith.constant 16 : index
        %get3A_236 = tpu.vector_load %arg20[%get3A_235] {strides = array<i32>} : memref<32xi32, #tpu.memory_space<vmem>>, vector<16xi32>,
        tpu.vector_store_idx %arg30[%get3A_236], %broadcast_in_dim3A_2 {add = true} : memref<10240xf32, #tpu.memory_space<vmem>>[vector<16xi32>], vector<16xf32>,
        %dma_wait3A_237 = arith.constant 0 : i32
        %dma_wait3A_238 = arith.constant 0 : i32
        %dma_wait3A_239 = tpu.memref_slice %arg2[%dma_wait3A_237, %dma_wait3A_238] : memref<10000x128xf32, #tpu.memory_space<hbm>> -> memref<10000x128xf32, #tpu.memory_space<hbm>>
        tpu.wait_indirect_dma semaphore(%arg40 : memref<!tpu.dma_semaphore, #tpu.memory_space<semaphore_mem>>) src(%dma_wait3A_239 : memref<10000x128xf32, #tpu.memory_space<hbm>>) dst(%arg26 : memref<32x128xf32, #tpu.memory_space<vmem>>)
        %dma_start3A_240 = arith.constant 0 : i32
        %dma_start3A_241 = arith.constant 0 : i32
        %dma_start3A_242 = tpu.memref_slice %arg29[%dma_start3A_240, %dma_start3A_241] : memref<10240x128xf32, #tpu.memory_space<vmem_shared>> -> memref<10240x128xf32, #tpu.memory_space<vmem_shared>>
        tpu.enqueue_indirect_dma source(%arg26 : memref<32x128xf32, #tpu.memory_space<vmem>>) target(%dma_start3A_242 : memref<10240x128xf32, #tpu.memory_space<vmem_shared>>) offsets(%arg21 : memref<32xi32, #tpu.memory_space<vmem>>) semaphore(%arg45 : memref<!tpu.dma_semaphore, #tpu.memory_space<semaphore_mem>>) {add = true}
        %get3A_243 = arith.constant 0 : index
        %get3A_244 = tpu.vector_load %arg21[%get3A_243] {strides = array<i32>} : memref<32xi32, #tpu.memory_space<vmem>>, vector<16xi32>,
        tpu.vector_store_idx %arg30[%get3A_244], %broadcast_in_dim3A_2 {add = true} : memref<10240xf32, #tpu.memory_space<vmem>>[vector<16xi32>], vector<16xf32>,
        %get3A_245 = arith.constant 16 : index
        %get3A_246 = tpu.vector_load %arg21[%get3A_245] {strides = array<i32>} : memref<32xi32, #tpu.memory_space<vmem>>, vector<16xi32>,
        tpu.vector_store_idx %arg30[%get3A_246], %broadcast_in_dim3A_2 {add = true} : memref<10240xf32, #tpu.memory_space<vmem>>[vector<16xi32>], vector<16xf32>,
        %dma_wait3A_247 = arith.constant 0 : i32
        %dma_wait3A_248 = arith.constant 0 : i32
        %dma_wait3A_249 = tpu.memref_slice %arg29[%dma_wait3A_247, %dma_wait3A_248] : memref<10240x128xf32, #tpu.memory_space<vmem_shared>> -> memref<10240x128xf32, #tpu.memory_space<vmem_shared>>
        tpu.wait_indirect_dma semaphore(%arg41 : memref<!tpu.dma_semaphore, #tpu.memory_space<semaphore_mem>>) src(%arg22 : memref<32x128xf32, #tpu.memory_space<vmem>>) dst(%dma_wait3A_249 : memref<10240x128xf32, #tpu.memory_space<vmem_shared>>)
        %lt3A = arith.constant 124 : i32
        %lt3A_250 = arith.cmpi slt, %scan3A_143, %lt3A : i32
        %convert_element_type3A_251 = arith.extui %lt3A_250 : i1 to i32
        %cond3A_252 = arith.constant 0 : i32
        %cond3A_253 = arith.cmpi ne, %convert_element_type3A_251, %cond3A_252 : i32
        scf.if %cond3A_253 {
          %add3A_286 = arith.constant 1 : i32
          %add3A_287 = arith.addi %scan3A_143, %add3A_286 : i32
          %mul3A_288 = arith.constant 5 : i32
          %mul3A_289 = arith.muli %add3A_287, %mul3A_288 : i32
          %add3A_290 = arith.constant 0 : i32
          %add3A_291 = arith.addi %mul3A_289, %add3A_290 : i32
          %mul3A_292 = arith.constant 32 : i32
          %mul3A_293 = arith.muli %add3A_291, %mul3A_292 : i32
          %add3A_294 = arith.addi %mul3A_100, %mul3A_293 : i32
          %dma_start3A_295 = tpu.memref_slice %arg4[%add3A_294] : memref<320000xi32, #tpu.memory_space<hbm>> -> memref<32xi32, #tpu.memory_space<hbm>>
          %dma_start3A_296 = tpu.memref_slice %arg4[%add3A_294] : memref<320000xi32, #tpu.memory_space<hbm>> -> memref<32xi32, #tpu.memory_space<hbm>>
          tpu.enqueue_dma source(%dma_start3A_296 : memref<32xi32, #tpu.memory_space<hbm>>) target(%arg12 : memref<32xi32, #tpu.memory_space<vmem>>) target_semaphore(%arg31 : memref<!tpu.dma_semaphore, #tpu.memory_space<semaphore_mem>>)
          %dma_start3A_297 = tpu.memref_slice %arg5[%add3A_294] : memref<320000xi32, #tpu.memory_space<hbm>> -> memref<32xi32, #tpu.memory_space<hbm>>
          %dma_start3A_298 = tpu.memref_slice %arg5[%add3A_294] : memref<320000xi32, #tpu.memory_space<hbm>> -> memref<32xi32, #tpu.memory_space<hbm>>
          tpu.enqueue_dma source(%dma_start3A_298 : memref<32xi32, #tpu.memory_space<hbm>>) target(%arg17 : memref<32xi32, #tpu.memory_space<vmem>>) target_semaphore(%arg31 : memref<!tpu.dma_semaphore, #tpu.memory_space<semaphore_mem>>)
        } else {
        }
        %dma_wait3A_254 = arith.constant 0 : i32
        %dma_wait3A_255 = arith.constant 0 : i32
        %dma_wait3A_256 = tpu.memref_slice %arg29[%dma_wait3A_254, %dma_wait3A_255] : memref<10240x128xf32, #tpu.memory_space<vmem_shared>> -> memref<10240x128xf32, #tpu.memory_space<vmem_shared>>
        tpu.wait_indirect_dma semaphore(%arg42 : memref<!tpu.dma_semaphore, #tpu.memory_space<semaphore_mem>>) src(%arg23 : memref<32x128xf32, #tpu.memory_space<vmem>>) dst(%dma_wait3A_256 : memref<10240x128xf32, #tpu.memory_space<vmem_shared>>)
        %lt3A_257 = arith.constant 124 : i32
        %lt3A_258 = arith.cmpi slt, %scan3A_143, %lt3A_257 : i32
        %convert_element_type3A_259 = arith.extui %lt3A_258 : i1 to i32
        %cond3A_260 = arith.constant 0 : i32
        %cond3A_261 = arith.cmpi ne, %convert_element_type3A_259, %cond3A_260 : i32
        scf.if %cond3A_261 {
          %add3A_286 = arith.constant 1 : i32
          %add3A_287 = arith.addi %scan3A_143, %add3A_286 : i32
          %mul3A_288 = arith.constant 5 : i32
          %mul3A_289 = arith.muli %add3A_287, %mul3A_288 : i32
          %add3A_290 = arith.constant 1 : i32
          %add3A_291 = arith.addi %mul3A_289, %add3A_290 : i32
          %mul3A_292 = arith.constant 32 : i32
          %mul3A_293 = arith.muli %add3A_291, %mul3A_292 : i32
          %add3A_294 = arith.addi %mul3A_100, %mul3A_293 : i32
          %dma_start3A_295 = tpu.memref_slice %arg4[%add3A_294] : memref<320000xi32, #tpu.memory_space<hbm>> -> memref<32xi32, #tpu.memory_space<hbm>>
          %dma_start3A_296 = tpu.memref_slice %arg4[%add3A_294] : memref<320000xi32, #tpu.memory_space<hbm>> -> memref<32xi32, #tpu.memory_space<hbm>>
          tpu.enqueue_dma source(%dma_start3A_296 : memref<32xi32, #tpu.memory_space<hbm>>) target(%arg13 : memref<32xi32, #tpu.memory_space<vmem>>) target_semaphore(%arg32 : memref<!tpu.dma_semaphore, #tpu.memory_space<semaphore_mem>>)
          %dma_start3A_297 = tpu.memref_slice %arg5[%add3A_294] : memref<320000xi32, #tpu.memory_space<hbm>> -> memref<32xi32, #tpu.memory_space<hbm>>
          %dma_start3A_298 = tpu.memref_slice %arg5[%add3A_294] : memref<320000xi32, #tpu.memory_space<hbm>> -> memref<32xi32, #tpu.memory_space<hbm>>
          tpu.enqueue_dma source(%dma_start3A_298 : memref<32xi32, #tpu.memory_space<hbm>>) target(%arg18 : memref<32xi32, #tpu.memory_space<vmem>>) target_semaphore(%arg32 : memref<!tpu.dma_semaphore, #tpu.memory_space<semaphore_mem>>)
        } else {
        }
        %dma_wait3A_262 = arith.constant 0 : i32
        %dma_wait3A_263 = arith.constant 0 : i32
        %dma_wait3A_264 = tpu.memref_slice %arg29[%dma_wait3A_262, %dma_wait3A_263] : memref<10240x128xf32, #tpu.memory_space<vmem_shared>> -> memref<10240x128xf32, #tpu.memory_space<vmem_shared>>
        tpu.wait_indirect_dma semaphore(%arg43 : memref<!tpu.dma_semaphore, #tpu.memory_space<semaphore_mem>>) src(%arg24 : memref<32x128xf32, #tpu.memory_space<vmem>>) dst(%dma_wait3A_264 : memref<10240x128xf32, #tpu.memory_space<vmem_shared>>)
        %lt3A_265 = arith.constant 124 : i32
        %lt3A_266 = arith.cmpi slt, %scan3A_143, %lt3A_265 : i32
        %convert_element_type3A_267 = arith.extui %lt3A_266 : i1 to i32
        %cond3A_268 = arith.constant 0 : i32
        %cond3A_269 = arith.cmpi ne, %convert_element_type3A_267, %cond3A_268 : i32
        scf.if %cond3A_269 {
          %add3A_286 = arith.constant 1 : i32
          %add3A_287 = arith.addi %scan3A_143, %add3A_286 : i32
          %mul3A_288 = arith.constant 5 : i32
          %mul3A_289 = arith.muli %add3A_287, %mul3A_288 : i32
          %add3A_290 = arith.constant 2 : i32
          %add3A_291 = arith.addi %mul3A_289, %add3A_290 : i32
          %mul3A_292 = arith.constant 32 : i32
          %mul3A_293 = arith.muli %add3A_291, %mul3A_292 : i32
          %add3A_294 = arith.addi %mul3A_100, %mul3A_293 : i32
          %dma_start3A_295 = tpu.memref_slice %arg4[%add3A_294] : memref<320000xi32, #tpu.memory_space<hbm>> -> memref<32xi32, #tpu.memory_space<hbm>>
          %dma_start3A_296 = tpu.memref_slice %arg4[%add3A_294] : memref<320000xi32, #tpu.memory_space<hbm>> -> memref<32xi32, #tpu.memory_space<hbm>>
          tpu.enqueue_dma source(%dma_start3A_296 : memref<32xi32, #tpu.memory_space<hbm>>) target(%arg14 : memref<32xi32, #tpu.memory_space<vmem>>) target_semaphore(%arg33 : memref<!tpu.dma_semaphore, #tpu.memory_space<semaphore_mem>>)
          %dma_start3A_297 = tpu.memref_slice %arg5[%add3A_294] : memref<320000xi32, #tpu.memory_space<hbm>> -> memref<32xi32, #tpu.memory_space<hbm>>
          %dma_start3A_298 = tpu.memref_slice %arg5[%add3A_294] : memref<320000xi32, #tpu.memory_space<hbm>> -> memref<32xi32, #tpu.memory_space<hbm>>
          tpu.enqueue_dma source(%dma_start3A_298 : memref<32xi32, #tpu.memory_space<hbm>>) target(%arg19 : memref<32xi32, #tpu.memory_space<vmem>>) target_semaphore(%arg33 : memref<!tpu.dma_semaphore, #tpu.memory_space<semaphore_mem>>)
        } else {
        }
        %dma_wait3A_270 = arith.constant 0 : i32
        %dma_wait3A_271 = arith.constant 0 : i32
        %dma_wait3A_272 = tpu.memref_slice %arg29[%dma_wait3A_270, %dma_wait3A_271] : memref<10240x128xf32, #tpu.memory_space<vmem_shared>> -> memref<10240x128xf32, #tpu.memory_space<vmem_shared>>
        tpu.wait_indirect_dma semaphore(%arg44 : memref<!tpu.dma_semaphore, #tpu.memory_space<semaphore_mem>>) src(%arg25 : memref<32x128xf32, #tpu.memory_space<vmem>>) dst(%dma_wait3A_272 : memref<10240x128xf32, #tpu.memory_space<vmem_shared>>)
        %lt3A_273 = arith.constant 124 : i32
        %lt3A_274 = arith.cmpi slt, %scan3A_143, %lt3A_273 : i32
        %convert_element_type3A_275 = arith.extui %lt3A_274 : i1 to i32
        %cond3A_276 = arith.constant 0 : i32
        %cond3A_277 = arith.cmpi ne, %convert_element_type3A_275, %cond3A_276 : i32
        scf.if %cond3A_277 {
          %add3A_286 = arith.constant 1 : i32
          %add3A_287 = arith.addi %scan3A_143, %add3A_286 : i32
          %mul3A_288 = arith.constant 5 : i32
          %mul3A_289 = arith.muli %add3A_287, %mul3A_288 : i32
          %add3A_290 = arith.constant 3 : i32
          %add3A_291 = arith.addi %mul3A_289, %add3A_290 : i32
          %mul3A_292 = arith.constant 32 : i32
          %mul3A_293 = arith.muli %add3A_291, %mul3A_292 : i32
          %add3A_294 = arith.addi %mul3A_100, %mul3A_293 : i32
          %dma_start3A_295 = tpu.memref_slice %arg4[%add3A_294] : memref<320000xi32, #tpu.memory_space<hbm>> -> memref<32xi32, #tpu.memory_space<hbm>>
          %dma_start3A_296 = tpu.memref_slice %arg4[%add3A_294] : memref<320000xi32, #tpu.memory_space<hbm>> -> memref<32xi32, #tpu.memory_space<hbm>>
          tpu.enqueue_dma source(%dma_start3A_296 : memref<32xi32, #tpu.memory_space<hbm>>) target(%arg15 : memref<32xi32, #tpu.memory_space<vmem>>) target_semaphore(%arg34 : memref<!tpu.dma_semaphore, #tpu.memory_space<semaphore_mem>>)
          %dma_start3A_297 = tpu.memref_slice %arg5[%add3A_294] : memref<320000xi32, #tpu.memory_space<hbm>> -> memref<32xi32, #tpu.memory_space<hbm>>
          %dma_start3A_298 = tpu.memref_slice %arg5[%add3A_294] : memref<320000xi32, #tpu.memory_space<hbm>> -> memref<32xi32, #tpu.memory_space<hbm>>
          tpu.enqueue_dma source(%dma_start3A_298 : memref<32xi32, #tpu.memory_space<hbm>>) target(%arg20 : memref<32xi32, #tpu.memory_space<vmem>>) target_semaphore(%arg34 : memref<!tpu.dma_semaphore, #tpu.memory_space<semaphore_mem>>)
        } else {
        }
        %dma_wait3A_278 = arith.constant 0 : i32
        %dma_wait3A_279 = arith.constant 0 : i32
        %dma_wait3A_280 = tpu.memref_slice %arg29[%dma_wait3A_278, %dma_wait3A_279] : memref<10240x128xf32, #tpu.memory_space<vmem_shared>> -> memref<10240x128xf32, #tpu.memory_space<vmem_shared>>
        tpu.wait_indirect_dma semaphore(%arg45 : memref<!tpu.dma_semaphore, #tpu.memory_space<semaphore_mem>>) src(%arg26 : memref<32x128xf32, #tpu.memory_space<vmem>>) dst(%dma_wait3A_280 : memref<10240x128xf32, #tpu.memory_space<vmem_shared>>)
        %lt3A_281 = arith.constant 124 : i32
        %lt3A_282 = arith.cmpi slt, %scan3A_143, %lt3A_281 : i32
        %convert_element_type3A_283 = arith.extui %lt3A_282 : i1 to i32
        %cond3A_284 = arith.constant 0 : i32
        %cond3A_285 = arith.cmpi ne, %convert_element_type3A_283, %cond3A_284 : i32
        scf.if %cond3A_285 {
          %add3A_286 = arith.constant 1 : i32
          %add3A_287 = arith.addi %scan3A_143, %add3A_286 : i32
          %mul3A_288 = arith.constant 5 : i32
          %mul3A_289 = arith.muli %add3A_287, %mul3A_288 : i32
          %add3A_290 = arith.constant 4 : i32
          %add3A_291 = arith.addi %mul3A_289, %add3A_290 : i32
          %mul3A_292 = arith.constant 32 : i32
          %mul3A_293 = arith.muli %add3A_291, %mul3A_292 : i32
          %add3A_294 = arith.addi %mul3A_100, %mul3A_293 : i32
          %dma_start3A_295 = tpu.memref_slice %arg4[%add3A_294] : memref<320000xi32, #tpu.memory_space<hbm>> -> memref<32xi32, #tpu.memory_space<hbm>>
          %dma_start3A_296 = tpu.memref_slice %arg4[%add3A_294] : memref<320000xi32, #tpu.memory_space<hbm>> -> memref<32xi32, #tpu.memory_space<hbm>>
          tpu.enqueue_dma source(%dma_start3A_296 : memref<32xi32, #tpu.memory_space<hbm>>) target(%arg16 : memref<32xi32, #tpu.memory_space<vmem>>) target_semaphore(%arg35 : memref<!tpu.dma_semaphore, #tpu.memory_space<semaphore_mem>>)
          %dma_start3A_297 = tpu.memref_slice %arg5[%add3A_294] : memref<320000xi32, #tpu.memory_space<hbm>> -> memref<32xi32, #tpu.memory_space<hbm>>
          %dma_start3A_298 = tpu.memref_slice %arg5[%add3A_294] : memref<320000xi32, #tpu.memory_space<hbm>> -> memref<32xi32, #tpu.memory_space<hbm>>
          tpu.enqueue_dma source(%dma_start3A_298 : memref<32xi32, #tpu.memory_space<hbm>>) target(%arg21 : memref<32xi32, #tpu.memory_space<vmem>>) target_semaphore(%arg35 : memref<!tpu.dma_semaphore, #tpu.memory_space<semaphore_mem>>)
        } else {
        }
      }
      %scan3A_135 = arith.constant 125 : i32
      %mul3A_136 = arith.constant 10240 : i32
      %mul3A_137 = arith.muli %arg1, %mul3A_136 : i32
      "tpu.region"() ({
        %run_scoped3A = tpu.sem_alloc : memref<!tpu.dma_semaphore, #tpu.memory_space<semaphore_mem>>
        %dma_start3A_143 = tpu.memref_slice %arg10[%mul3A_137] : memref<163840xf32, #tpu.memory_space<hbm>> -> memref<10240xf32, #tpu.memory_space<hbm>>
        %dma_start3A_144 = tpu.memref_slice %arg10[%mul3A_137] : memref<163840xf32, #tpu.memory_space<hbm>> -> memref<10240xf32, #tpu.memory_space<hbm>>
        tpu.enqueue_dma source(%arg30 : memref<10240xf32, #tpu.memory_space<vmem>>) target(%dma_start3A_144 : memref<10240xf32, #tpu.memory_space<hbm>>) target_semaphore(%run_scoped3A : memref<!tpu.dma_semaphore, #tpu.memory_space<semaphore_mem>>)
        %dma_wait3A = tpu.memref_slice %arg10[%mul3A_137] : memref<163840xf32, #tpu.memory_space<hbm>> -> memref<10240xf32, #tpu.memory_space<hbm>>
        %dma_wait3A_145 = tpu.memref_slice %arg10[%mul3A_137] : memref<163840xf32, #tpu.memory_space<hbm>> -> memref<10240xf32, #tpu.memory_space<hbm>>
        tpu.wait_dma2 semaphore(%run_scoped3A : memref<!tpu.dma_semaphore, #tpu.memory_space<semaphore_mem>>) src(%arg30 : memref<10240xf32, #tpu.memory_space<vmem>>) dst(%dma_wait3A_145 : memref<10240xf32, #tpu.memory_space<hbm>>)
        tpu.yield
      }) : () -> ()
      %barrier3A_138 = arith.constant 0 : index
      tpu.barrier barrier_id(%barrier3A_138)
      %mul3A_139 = arith.constant 640 : i32
      %mul3A_140 = arith.muli %arg1, %mul3A_139 : i32
      %mul3A_141 = arith.constant 640 : i32
      %mul3A_142 = arith.muli %arg1, %mul3A_141 : i32
      "tpu.region"() ({
        %run_scoped3A = tpu.sem_alloc : memref<!tpu.dma_semaphore, #tpu.memory_space<semaphore_mem>>
        %dma_start3A_143 = arith.constant 0 : i32
        %dma_start3A_144 = tpu.memref_slice %arg8[%mul3A_142, %dma_start3A_143] : memref<10240x128xf32, #tpu.memory_space<hbm>> -> memref<640x128xf32, #tpu.memory_space<hbm>>
        %dma_start3A_145 = arith.constant 0 : i32
        %dma_start3A_146 = tpu.memref_slice %arg29[%mul3A_140, %dma_start3A_145] : memref<10240x128xf32, #tpu.memory_space<vmem_shared>> -> memref<640x128xf32, #tpu.memory_space<vmem_shared>>
        tpu.enqueue_dma source(%dma_start3A_146 : memref<640x128xf32, #tpu.memory_space<vmem_shared>>) target(%dma_start3A_144 : memref<640x128xf32, #tpu.memory_space<hbm>>) target_semaphore(%run_scoped3A : memref<!tpu.dma_semaphore, #tpu.memory_space<semaphore_mem>>)
        %dma_wait3A = arith.constant 0 : i32
        %dma_wait3A_147 = tpu.memref_slice %arg8[%mul3A_142, %dma_wait3A] : memref<10240x128xf32, #tpu.memory_space<hbm>> -> memref<640x128xf32, #tpu.memory_space<hbm>>
        %dma_wait3A_148 = arith.constant 0 : i32
        %dma_wait3A_149 = tpu.memref_slice %arg29[%mul3A_140, %dma_wait3A_148] : memref<10240x128xf32, #tpu.memory_space<vmem_shared>> -> memref<640x128xf32, #tpu.memory_space<vmem_shared>>
        tpu.wait_dma2 semaphore(%run_scoped3A : memref<!tpu.dma_semaphore, #tpu.memory_space<semaphore_mem>>) src(%dma_wait3A_149 : memref<640x128xf32, #tpu.memory_space<vmem_shared>>) dst(%dma_wait3A_147 : memref<640x128xf32, #tpu.memory_space<hbm>>)
        tpu.yield
      }) : () -> ()
    } else {
    }
    %eq3A_16 = arith.constant 1 : i32
    %eq3A_17 = arith.cmpi eq, %arg0, %eq3A_16 : i32
    %convert_element_type3A_18 = arith.extui %eq3A_17 : i1 to i32
    %cond3A_19 = arith.constant 0 : i32
    %cond3A_20 = arith.cmpi ne, %convert_element_type3A_18, %cond3A_19 : i32
    scf.if %cond3A_20 {
      %mul3A = arith.constant 640 : i32
      %mul3A_21 = arith.muli %arg1, %mul3A : i32
      %add3A = arith.constant 0 : i32
      %add3A_22 = arith.addi %mul3A_21, %add3A : i32
      "tpu.region"() ({
        %run_scoped3A = tpu.sem_alloc : memref<!tpu.dma_semaphore, #tpu.memory_space<semaphore_mem>>
        %dma_start3A_143 = arith.constant 0 : i32
        %dma_start3A_144 = tpu.memref_slice %arg29[%add3A_22, %dma_start3A_143] : memref<10240x128xf32, #tpu.memory_space<vmem_shared>> -> memref<32x128xf32, #tpu.memory_space<vmem_shared>>
        %dma_start3A_145 = arith.constant 0 : i32
        %dma_start3A_146 = tpu.memref_slice %arg29[%add3A_22, %dma_start3A_145] : memref<10240x128xf32, #tpu.memory_space<vmem_shared>> -> memref<32x128xf32, #tpu.memory_space<vmem_shared>>
        tpu.enqueue_dma source(%arg22 : memref<32x128xf32, #tpu.memory_space<vmem>>) target(%dma_start3A_146 : memref<32x128xf32, #tpu.memory_space<vmem_shared>>) target_semaphore(%run_scoped3A : memref<!tpu.dma_semaphore, #tpu.memory_space<semaphore_mem>>)
        %dma_wait3A = arith.constant 0 : i32
        %dma_wait3A_147 = tpu.memref_slice %arg29[%add3A_22, %dma_wait3A] : memref<10240x128xf32, #tpu.memory_space<vmem_shared>> -> memref<32x128xf32, #tpu.memory_space<vmem_shared>>
        %dma_wait3A_148 = arith.constant 0 : i32
        %dma_wait3A_149 = tpu.memref_slice %arg29[%add3A_22, %dma_wait3A_148] : memref<10240x128xf32, #tpu.memory_space<vmem_shared>> -> memref<32x128xf32, #tpu.memory_space<vmem_shared>>
        tpu.wait_dma2 semaphore(%run_scoped3A : memref<!tpu.dma_semaphore, #tpu.memory_space<semaphore_mem>>) src(%arg22 : memref<32x128xf32, #tpu.memory_space<vmem>>) dst(%dma_wait3A_149 : memref<32x128xf32, #tpu.memory_space<vmem_shared>>)
        tpu.yield
      }) : () -> ()
      %mul3A_23 = arith.constant 640 : i32
      %mul3A_24 = arith.muli %arg1, %mul3A_23 : i32
      %add3A_25 = arith.constant 32 : i32
      %add3A_26 = arith.addi %mul3A_24, %add3A_25 : i32
      "tpu.region"() ({
        %run_scoped3A = tpu.sem_alloc : memref<!tpu.dma_semaphore, #tpu.memory_space<semaphore_mem>>
        %dma_start3A_143 = arith.constant 0 : i32
        %dma_start3A_144 = tpu.memref_slice %arg29[%add3A_26, %dma_start3A_143] : memref<10240x128xf32, #tpu.memory_space<vmem_shared>> -> memref<32x128xf32, #tpu.memory_space<vmem_shared>>
        %dma_start3A_145 = arith.constant 0 : i32
        %dma_start3A_146 = tpu.memref_slice %arg29[%add3A_26, %dma_start3A_145] : memref<10240x128xf32, #tpu.memory_space<vmem_shared>> -> memref<32x128xf32, #tpu.memory_space<vmem_shared>>
        tpu.enqueue_dma source(%arg22 : memref<32x128xf32, #tpu.memory_space<vmem>>) target(%dma_start3A_146 : memref<32x128xf32, #tpu.memory_space<vmem_shared>>) target_semaphore(%run_scoped3A : memref<!tpu.dma_semaphore, #tpu.memory_space<semaphore_mem>>)
        %dma_wait3A = arith.constant 0 : i32
        %dma_wait3A_147 = tpu.memref_slice %arg29[%add3A_26, %dma_wait3A] : memref<10240x128xf32, #tpu.memory_space<vmem_shared>> -> memref<32x128xf32, #tpu.memory_space<vmem_shared>>
        %dma_wait3A_148 = arith.constant 0 : i32
        %dma_wait3A_149 = tpu.memref_slice %arg29[%add3A_26, %dma_wait3A_148] : memref<10240x128xf32, #tpu.memory_space<vmem_shared>> -> memref<32x128xf32, #tpu.memory_space<vmem_shared>>
        tpu.wait_dma2 semaphore(%run_scoped3A : memref<!tpu.dma_semaphore, #tpu.memory_space<semaphore_mem>>) src(%arg22 : memref<32x128xf32, #tpu.memory_space<vmem>>) dst(%dma_wait3A_149 : memref<32x128xf32, #tpu.memory_space<vmem_shared>>)
        tpu.yield
      }) : () -> ()
      %mul3A_27 = arith.constant 640 : i32
      %mul3A_28 = arith.muli %arg1, %mul3A_27 : i32
      %add3A_29 = arith.constant 64 : i32
      %add3A_30 = arith.addi %mul3A_28, %add3A_29 : i32
      "tpu.region"() ({
        %run_scoped3A = tpu.sem_alloc : memref<!tpu.dma_semaphore, #tpu.memory_space<semaphore_mem>>
        %dma_start3A_143 = arith.constant 0 : i32
        %dma_start3A_144 = tpu.memref_slice %arg29[%add3A_30, %dma_start3A_143] : memref<10240x128xf32, #tpu.memory_space<vmem_shared>> -> memref<32x128xf32, #tpu.memory_space<vmem_shared>>
        %dma_start3A_145 = arith.constant 0 : i32
        %dma_start3A_146 = tpu.memref_slice %arg29[%add3A_30, %dma_start3A_145] : memref<10240x128xf32, #tpu.memory_space<vmem_shared>> -> memref<32x128xf32, #tpu.memory_space<vmem_shared>>
        tpu.enqueue_dma source(%arg22 : memref<32x128xf32, #tpu.memory_space<vmem>>) target(%dma_start3A_146 : memref<32x128xf32, #tpu.memory_space<vmem_shared>>) target_semaphore(%run_scoped3A : memref<!tpu.dma_semaphore, #tpu.memory_space<semaphore_mem>>)
        %dma_wait3A = arith.constant 0 : i32
        %dma_wait3A_147 = tpu.memref_slice %arg29[%add3A_30, %dma_wait3A] : memref<10240x128xf32, #tpu.memory_space<vmem_shared>> -> memref<32x128xf32, #tpu.memory_space<vmem_shared>>
        %dma_wait3A_148 = arith.constant 0 : i32
        %dma_wait3A_149 = tpu.memref_slice %arg29[%add3A_30, %dma_wait3A_148] : memref<10240x128xf32, #tpu.memory_space<vmem_shared>> -> memref<32x128xf32, #tpu.memory_space<vmem_shared>>
        tpu.wait_dma2 semaphore(%run_scoped3A : memref<!tpu.dma_semaphore, #tpu.memory_space<semaphore_mem>>) src(%arg22 : memref<32x128xf32, #tpu.memory_space<vmem>>) dst(%dma_wait3A_149 : memref<32x128xf32, #tpu.memory_space<vmem_shared>>)
        tpu.yield
      }) : () -> ()
      %mul3A_31 = arith.constant 640 : i32
      %mul3A_32 = arith.muli %arg1, %mul3A_31 : i32
      %add3A_33 = arith.constant 96 : i32
      %add3A_34 = arith.addi %mul3A_32, %add3A_33 : i32
      "tpu.region"() ({
        %run_scoped3A = tpu.sem_alloc : memref<!tpu.dma_semaphore, #tpu.memory_space<semaphore_mem>>
        %dma_start3A_143 = arith.constant 0 : i32
        %dma_start3A_144 = tpu.memref_slice %arg29[%add3A_34, %dma_start3A_143] : memref<10240x128xf32, #tpu.memory_space<vmem_shared>> -> memref<32x128xf32, #tpu.memory_space<vmem_shared>>
        %dma_start3A_145 = arith.constant 0 : i32
        %dma_start3A_146 = tpu.memref_slice %arg29[%add3A_34, %dma_start3A_145] : memref<10240x128xf32, #tpu.memory_space<vmem_shared>> -> memref<32x128xf32, #tpu.memory_space<vmem_shared>>
        tpu.enqueue_dma source(%arg22 : memref<32x128xf32, #tpu.memory_space<vmem>>) target(%dma_start3A_146 : memref<32x128xf32, #tpu.memory_space<vmem_shared>>) target_semaphore(%run_scoped3A : memref<!tpu.dma_semaphore, #tpu.memory_space<semaphore_mem>>)
        %dma_wait3A = arith.constant 0 : i32
        %dma_wait3A_147 = tpu.memref_slice %arg29[%add3A_34, %dma_wait3A] : memref<10240x128xf32, #tpu.memory_space<vmem_shared>> -> memref<32x128xf32, #tpu.memory_space<vmem_shared>>
        %dma_wait3A_148 = arith.constant 0 : i32
        %dma_wait3A_149 = tpu.memref_slice %arg29[%add3A_34, %dma_wait3A_148] : memref<10240x128xf32, #tpu.memory_space<vmem_shared>> -> memref<32x128xf32, #tpu.memory_space<vmem_shared>>
        tpu.wait_dma2 semaphore(%run_scoped3A : memref<!tpu.dma_semaphore, #tpu.memory_space<semaphore_mem>>) src(%arg22 : memref<32x128xf32, #tpu.memory_space<vmem>>) dst(%dma_wait3A_149 : memref<32x128xf32, #tpu.memory_space<vmem_shared>>)
        tpu.yield
      }) : () -> ()
      %mul3A_35 = arith.constant 640 : i32
      %mul3A_36 = arith.muli %arg1, %mul3A_35 : i32
      %add3A_37 = arith.constant 128 : i32
      %add3A_38 = arith.addi %mul3A_36, %add3A_37 : i32
      "tpu.region"() ({
        %run_scoped3A = tpu.sem_alloc : memref<!tpu.dma_semaphore, #tpu.memory_space<semaphore_mem>>
        %dma_start3A_143 = arith.constant 0 : i32
        %dma_start3A_144 = tpu.memref_slice %arg29[%add3A_38, %dma_start3A_143] : memref<10240x128xf32, #tpu.memory_space<vmem_shared>> -> memref<32x128xf32, #tpu.memory_space<vmem_shared>>
        %dma_start3A_145 = arith.constant 0 : i32
        %dma_start3A_146 = tpu.memref_slice %arg29[%add3A_38, %dma_start3A_145] : memref<10240x128xf32, #tpu.memory_space<vmem_shared>> -> memref<32x128xf32, #tpu.memory_space<vmem_shared>>
        tpu.enqueue_dma source(%arg22 : memref<32x128xf32, #tpu.memory_space<vmem>>) target(%dma_start3A_146 : memref<32x128xf32, #tpu.memory_space<vmem_shared>>) target_semaphore(%run_scoped3A : memref<!tpu.dma_semaphore, #tpu.memory_space<semaphore_mem>>)
        %dma_wait3A = arith.constant 0 : i32
        %dma_wait3A_147 = tpu.memref_slice %arg29[%add3A_38, %dma_wait3A] : memref<10240x128xf32, #tpu.memory_space<vmem_shared>> -> memref<32x128xf32, #tpu.memory_space<vmem_shared>>
        %dma_wait3A_148 = arith.constant 0 : i32
        %dma_wait3A_149 = tpu.memref_slice %arg29[%add3A_38, %dma_wait3A_148] : memref<10240x128xf32, #tpu.memory_space<vmem_shared>> -> memref<32x128xf32, #tpu.memory_space<vmem_shared>>
        tpu.wait_dma2 semaphore(%run_scoped3A : memref<!tpu.dma_semaphore, #tpu.memory_space<semaphore_mem>>) src(%arg22 : memref<32x128xf32, #tpu.memory_space<vmem>>) dst(%dma_wait3A_149 : memref<32x128xf32, #tpu.memory_space<vmem_shared>>)
        tpu.yield
      }) : () -> ()
      %mul3A_39 = arith.constant 640 : i32
      %mul3A_40 = arith.muli %arg1, %mul3A_39 : i32
      %add3A_41 = arith.constant 160 : i32
      %add3A_42 = arith.addi %mul3A_40, %add3A_41 : i32
      "tpu.region"() ({
        %run_scoped3A = tpu.sem_alloc : memref<!tpu.dma_semaphore, #tpu.memory_space<semaphore_mem>>
        %dma_start3A_143 = arith.constant 0 : i32
        %dma_start3A_144 = tpu.memref_slice %arg29[%add3A_42, %dma_start3A_143] : memref<10240x128xf32, #tpu.memory_space<vmem_shared>> -> memref<32x128xf32, #tpu.memory_space<vmem_shared>>
        %dma_start3A_145 = arith.constant 0 : i32
        %dma_start3A_146 = tpu.memref_slice %arg29[%add3A_42, %dma_start3A_145] : memref<10240x128xf32, #tpu.memory_space<vmem_shared>> -> memref<32x128xf32, #tpu.memory_space<vmem_shared>>
        tpu.enqueue_dma source(%arg22 : memref<32x128xf32, #tpu.memory_space<vmem>>) target(%dma_start3A_146 : memref<32x128xf32, #tpu.memory_space<vmem_shared>>) target_semaphore(%run_scoped3A : memref<!tpu.dma_semaphore, #tpu.memory_space<semaphore_mem>>)
        %dma_wait3A = arith.constant 0 : i32
        %dma_wait3A_147 = tpu.memref_slice %arg29[%add3A_42, %dma_wait3A] : memref<10240x128xf32, #tpu.memory_space<vmem_shared>> -> memref<32x128xf32, #tpu.memory_space<vmem_shared>>
        %dma_wait3A_148 = arith.constant 0 : i32
        %dma_wait3A_149 = tpu.memref_slice %arg29[%add3A_42, %dma_wait3A_148] : memref<10240x128xf32, #tpu.memory_space<vmem_shared>> -> memref<32x128xf32, #tpu.memory_space<vmem_shared>>
        tpu.wait_dma2 semaphore(%run_scoped3A : memref<!tpu.dma_semaphore, #tpu.memory_space<semaphore_mem>>) src(%arg22 : memref<32x128xf32, #tpu.memory_space<vmem>>) dst(%dma_wait3A_149 : memref<32x128xf32, #tpu.memory_space<vmem_shared>>)
        tpu.yield
      }) : () -> ()
      %mul3A_43 = arith.constant 640 : i32
      %mul3A_44 = arith.muli %arg1, %mul3A_43 : i32
      %add3A_45 = arith.constant 192 : i32
      %add3A_46 = arith.addi %mul3A_44, %add3A_45 : i32
      "tpu.region"() ({
        %run_scoped3A = tpu.sem_alloc : memref<!tpu.dma_semaphore, #tpu.memory_space<semaphore_mem>>
        %dma_start3A_143 = arith.constant 0 : i32
        %dma_start3A_144 = tpu.memref_slice %arg29[%add3A_46, %dma_start3A_143] : memref<10240x128xf32, #tpu.memory_space<vmem_shared>> -> memref<32x128xf32, #tpu.memory_space<vmem_shared>>
        %dma_start3A_145 = arith.constant 0 : i32
        %dma_start3A_146 = tpu.memref_slice %arg29[%add3A_46, %dma_start3A_145] : memref<10240x128xf32, #tpu.memory_space<vmem_shared>> -> memref<32x128xf32, #tpu.memory_space<vmem_shared>>
        tpu.enqueue_dma source(%arg22 : memref<32x128xf32, #tpu.memory_space<vmem>>) target(%dma_start3A_146 : memref<32x128xf32, #tpu.memory_space<vmem_shared>>) target_semaphore(%run_scoped3A : memref<!tpu.dma_semaphore, #tpu.memory_space<semaphore_mem>>)
        %dma_wait3A = arith.constant 0 : i32
        %dma_wait3A_147 = tpu.memref_slice %arg29[%add3A_46, %dma_wait3A] : memref<10240x128xf32, #tpu.memory_space<vmem_shared>> -> memref<32x128xf32, #tpu.memory_space<vmem_shared>>
        %dma_wait3A_148 = arith.constant 0 : i32
        %dma_wait3A_149 = tpu.memref_slice %arg29[%add3A_46, %dma_wait3A_148] : memref<10240x128xf32, #tpu.memory_space<vmem_shared>> -> memref<32x128xf32, #tpu.memory_space<vmem_shared>>
        tpu.wait_dma2 semaphore(%run_scoped3A : memref<!tpu.dma_semaphore, #tpu.memory_space<semaphore_mem>>) src(%arg22 : memref<32x128xf32, #tpu.memory_space<vmem>>) dst(%dma_wait3A_149 : memref<32x128xf32, #tpu.memory_space<vmem_shared>>)
        tpu.yield
      }) : () -> ()
      %mul3A_47 = arith.constant 640 : i32
      %mul3A_48 = arith.muli %arg1, %mul3A_47 : i32
      %add3A_49 = arith.constant 224 : i32
      %add3A_50 = arith.addi %mul3A_48, %add3A_49 : i32
      "tpu.region"() ({
        %run_scoped3A = tpu.sem_alloc : memref<!tpu.dma_semaphore, #tpu.memory_space<semaphore_mem>>
        %dma_start3A_143 = arith.constant 0 : i32
        %dma_start3A_144 = tpu.memref_slice %arg29[%add3A_50, %dma_start3A_143] : memref<10240x128xf32, #tpu.memory_space<vmem_shared>> -> memref<32x128xf32, #tpu.memory_space<vmem_shared>>
        %dma_start3A_145 = arith.constant 0 : i32
        %dma_start3A_146 = tpu.memref_slice %arg29[%add3A_50, %dma_start3A_145] : memref<10240x128xf32, #tpu.memory_space<vmem_shared>> -> memref<32x128xf32, #tpu.memory_space<vmem_shared>>
        tpu.enqueue_dma source(%arg22 : memref<32x128xf32, #tpu.memory_space<vmem>>) target(%dma_start3A_146 : memref<32x128xf32, #tpu.memory_space<vmem_shared>>) target_semaphore(%run_scoped3A : memref<!tpu.dma_semaphore, #tpu.memory_space<semaphore_mem>>)
        %dma_wait3A = arith.constant 0 : i32
        %dma_wait3A_147 = tpu.memref_slice %arg29[%add3A_50, %dma_wait3A] : memref<10240x128xf32, #tpu.memory_space<vmem_shared>> -> memref<32x128xf32, #tpu.memory_space<vmem_shared>>
        %dma_wait3A_148 = arith.constant 0 : i32
        %dma_wait3A_149 = tpu.memref_slice %arg29[%add3A_50, %dma_wait3A_148] : memref<10240x128xf32, #tpu.memory_space<vmem_shared>> -> memref<32x128xf32, #tpu.memory_space<vmem_shared>>
        tpu.wait_dma2 semaphore(%run_scoped3A : memref<!tpu.dma_semaphore, #tpu.memory_space<semaphore_mem>>) src(%arg22 : memref<32x128xf32, #tpu.memory_space<vmem>>) dst(%dma_wait3A_149 : memref<32x128xf32, #tpu.memory_space<vmem_shared>>)
        tpu.yield
      }) : () -> ()
      %mul3A_51 = arith.constant 640 : i32
      %mul3A_52 = arith.muli %arg1, %mul3A_51 : i32
      %add3A_53 = arith.constant 256 : i32
      %add3A_54 = arith.addi %mul3A_52, %add3A_53 : i32
      "tpu.region"() ({
        %run_scoped3A = tpu.sem_alloc : memref<!tpu.dma_semaphore, #tpu.memory_space<semaphore_mem>>
        %dma_start3A_143 = arith.constant 0 : i32
        %dma_start3A_144 = tpu.memref_slice %arg29[%add3A_54, %dma_start3A_143] : memref<10240x128xf32, #tpu.memory_space<vmem_shared>> -> memref<32x128xf32, #tpu.memory_space<vmem_shared>>
        %dma_start3A_145 = arith.constant 0 : i32
        %dma_start3A_146 = tpu.memref_slice %arg29[%add3A_54, %dma_start3A_145] : memref<10240x128xf32, #tpu.memory_space<vmem_shared>> -> memref<32x128xf32, #tpu.memory_space<vmem_shared>>
        tpu.enqueue_dma source(%arg22 : memref<32x128xf32, #tpu.memory_space<vmem>>) target(%dma_start3A_146 : memref<32x128xf32, #tpu.memory_space<vmem_shared>>) target_semaphore(%run_scoped3A : memref<!tpu.dma_semaphore, #tpu.memory_space<semaphore_mem>>)
        %dma_wait3A = arith.constant 0 : i32
        %dma_wait3A_147 = tpu.memref_slice %arg29[%add3A_54, %dma_wait3A] : memref<10240x128xf32, #tpu.memory_space<vmem_shared>> -> memref<32x128xf32, #tpu.memory_space<vmem_shared>>
        %dma_wait3A_148 = arith.constant 0 : i32
        %dma_wait3A_149 = tpu.memref_slice %arg29[%add3A_54, %dma_wait3A_148] : memref<10240x128xf32, #tpu.memory_space<vmem_shared>> -> memref<32x128xf32, #tpu.memory_space<vmem_shared>>
        tpu.wait_dma2 semaphore(%run_scoped3A : memref<!tpu.dma_semaphore, #tpu.memory_space<semaphore_mem>>) src(%arg22 : memref<32x128xf32, #tpu.memory_space<vmem>>) dst(%dma_wait3A_149 : memref<32x128xf32, #tpu.memory_space<vmem_shared>>)
        tpu.yield
      }) : () -> ()
      %mul3A_55 = arith.constant 640 : i32
      %mul3A_56 = arith.muli %arg1, %mul3A_55 : i32
      %add3A_57 = arith.constant 288 : i32
      %add3A_58 = arith.addi %mul3A_56, %add3A_57 : i32
      "tpu.region"() ({
        %run_scoped3A = tpu.sem_alloc : memref<!tpu.dma_semaphore, #tpu.memory_space<semaphore_mem>>
        %dma_start3A_143 = arith.constant 0 : i32
        %dma_start3A_144 = tpu.memref_slice %arg29[%add3A_58, %dma_start3A_143] : memref<10240x128xf32, #tpu.memory_space<vmem_shared>> -> memref<32x128xf32, #tpu.memory_space<vmem_shared>>
        %dma_start3A_145 = arith.constant 0 : i32
        %dma_start3A_146 = tpu.memref_slice %arg29[%add3A_58, %dma_start3A_145] : memref<10240x128xf32, #tpu.memory_space<vmem_shared>> -> memref<32x128xf32, #tpu.memory_space<vmem_shared>>
        tpu.enqueue_dma source(%arg22 : memref<32x128xf32, #tpu.memory_space<vmem>>) target(%dma_start3A_146 : memref<32x128xf32, #tpu.memory_space<vmem_shared>>) target_semaphore(%run_scoped3A : memref<!tpu.dma_semaphore, #tpu.memory_space<semaphore_mem>>)
        %dma_wait3A = arith.constant 0 : i32
        %dma_wait3A_147 = tpu.memref_slice %arg29[%add3A_58, %dma_wait3A] : memref<10240x128xf32, #tpu.memory_space<vmem_shared>> -> memref<32x128xf32, #tpu.memory_space<vmem_shared>>
        %dma_wait3A_148 = arith.constant 0 : i32
        %dma_wait3A_149 = tpu.memref_slice %arg29[%add3A_58, %dma_wait3A_148] : memref<10240x128xf32, #tpu.memory_space<vmem_shared>> -> memref<32x128xf32, #tpu.memory_space<vmem_shared>>
        tpu.wait_dma2 semaphore(%run_scoped3A : memref<!tpu.dma_semaphore, #tpu.memory_space<semaphore_mem>>) src(%arg22 : memref<32x128xf32, #tpu.memory_space<vmem>>) dst(%dma_wait3A_149 : memref<32x128xf32, #tpu.memory_space<vmem_shared>>)
        tpu.yield
      }) : () -> ()
      %mul3A_59 = arith.constant 640 : i32
      %mul3A_60 = arith.muli %arg1, %mul3A_59 : i32
      %add3A_61 = arith.constant 320 : i32
      %add3A_62 = arith.addi %mul3A_60, %add3A_61 : i32
      "tpu.region"() ({
        %run_scoped3A = tpu.sem_alloc : memref<!tpu.dma_semaphore, #tpu.memory_space<semaphore_mem>>
        %dma_start3A_143 = arith.constant 0 : i32
        %dma_start3A_144 = tpu.memref_slice %arg29[%add3A_62, %dma_start3A_143] : memref<10240x128xf32, #tpu.memory_space<vmem_shared>> -> memref<32x128xf32, #tpu.memory_space<vmem_shared>>
        %dma_start3A_145 = arith.constant 0 : i32
        %dma_start3A_146 = tpu.memref_slice %arg29[%add3A_62, %dma_start3A_145] : memref<10240x128xf32, #tpu.memory_space<vmem_shared>> -> memref<32x128xf32, #tpu.memory_space<vmem_shared>>
        tpu.enqueue_dma source(%arg22 : memref<32x128xf32, #tpu.memory_space<vmem>>) target(%dma_start3A_146 : memref<32x128xf32, #tpu.memory_space<vmem_shared>>) target_semaphore(%run_scoped3A : memref<!tpu.dma_semaphore, #tpu.memory_space<semaphore_mem>>)
        %dma_wait3A = arith.constant 0 : i32
        %dma_wait3A_147 = tpu.memref_slice %arg29[%add3A_62, %dma_wait3A] : memref<10240x128xf32, #tpu.memory_space<vmem_shared>> -> memref<32x128xf32, #tpu.memory_space<vmem_shared>>
        %dma_wait3A_148 = arith.constant 0 : i32
        %dma_wait3A_149 = tpu.memref_slice %arg29[%add3A_62, %dma_wait3A_148] : memref<10240x128xf32, #tpu.memory_space<vmem_shared>> -> memref<32x128xf32, #tpu.memory_space<vmem_shared>>
        tpu.wait_dma2 semaphore(%run_scoped3A : memref<!tpu.dma_semaphore, #tpu.memory_space<semaphore_mem>>) src(%arg22 : memref<32x128xf32, #tpu.memory_space<vmem>>) dst(%dma_wait3A_149 : memref<32x128xf32, #tpu.memory_space<vmem_shared>>)
        tpu.yield
      }) : () -> ()
      %mul3A_63 = arith.constant 640 : i32
      %mul3A_64 = arith.muli %arg1, %mul3A_63 : i32
      %add3A_65 = arith.constant 352 : i32
      %add3A_66 = arith.addi %mul3A_64, %add3A_65 : i32
      "tpu.region"() ({
        %run_scoped3A = tpu.sem_alloc : memref<!tpu.dma_semaphore, #tpu.memory_space<semaphore_mem>>
        %dma_start3A_143 = arith.constant 0 : i32
        %dma_start3A_144 = tpu.memref_slice %arg29[%add3A_66, %dma_start3A_143] : memref<10240x128xf32, #tpu.memory_space<vmem_shared>> -> memref<32x128xf32, #tpu.memory_space<vmem_shared>>
        %dma_start3A_145 = arith.constant 0 : i32
        %dma_start3A_146 = tpu.memref_slice %arg29[%add3A_66, %dma_start3A_145] : memref<10240x128xf32, #tpu.memory_space<vmem_shared>> -> memref<32x128xf32, #tpu.memory_space<vmem_shared>>
        tpu.enqueue_dma source(%arg22 : memref<32x128xf32, #tpu.memory_space<vmem>>) target(%dma_start3A_146 : memref<32x128xf32, #tpu.memory_space<vmem_shared>>) target_semaphore(%run_scoped3A : memref<!tpu.dma_semaphore, #tpu.memory_space<semaphore_mem>>)
        %dma_wait3A = arith.constant 0 : i32
        %dma_wait3A_147 = tpu.memref_slice %arg29[%add3A_66, %dma_wait3A] : memref<10240x128xf32, #tpu.memory_space<vmem_shared>> -> memref<32x128xf32, #tpu.memory_space<vmem_shared>>
        %dma_wait3A_148 = arith.constant 0 : i32
        %dma_wait3A_149 = tpu.memref_slice %arg29[%add3A_66, %dma_wait3A_148] : memref<10240x128xf32, #tpu.memory_space<vmem_shared>> -> memref<32x128xf32, #tpu.memory_space<vmem_shared>>
        tpu.wait_dma2 semaphore(%run_scoped3A : memref<!tpu.dma_semaphore, #tpu.memory_space<semaphore_mem>>) src(%arg22 : memref<32x128xf32, #tpu.memory_space<vmem>>) dst(%dma_wait3A_149 : memref<32x128xf32, #tpu.memory_space<vmem_shared>>)
        tpu.yield
      }) : () -> ()
      %mul3A_67 = arith.constant 640 : i32
      %mul3A_68 = arith.muli %arg1, %mul3A_67 : i32
      %add3A_69 = arith.constant 384 : i32
      %add3A_70 = arith.addi %mul3A_68, %add3A_69 : i32
      "tpu.region"() ({
        %run_scoped3A = tpu.sem_alloc : memref<!tpu.dma_semaphore, #tpu.memory_space<semaphore_mem>>
        %dma_start3A_143 = arith.constant 0 : i32
        %dma_start3A_144 = tpu.memref_slice %arg29[%add3A_70, %dma_start3A_143] : memref<10240x128xf32, #tpu.memory_space<vmem_shared>> -> memref<32x128xf32, #tpu.memory_space<vmem_shared>>
        %dma_start3A_145 = arith.constant 0 : i32
        %dma_start3A_146 = tpu.memref_slice %arg29[%add3A_70, %dma_start3A_145] : memref<10240x128xf32, #tpu.memory_space<vmem_shared>> -> memref<32x128xf32, #tpu.memory_space<vmem_shared>>
        tpu.enqueue_dma source(%arg22 : memref<32x128xf32, #tpu.memory_space<vmem>>) target(%dma_start3A_146 : memref<32x128xf32, #tpu.memory_space<vmem_shared>>) target_semaphore(%run_scoped3A : memref<!tpu.dma_semaphore, #tpu.memory_space<semaphore_mem>>)
        %dma_wait3A = arith.constant 0 : i32
        %dma_wait3A_147 = tpu.memref_slice %arg29[%add3A_70, %dma_wait3A] : memref<10240x128xf32, #tpu.memory_space<vmem_shared>> -> memref<32x128xf32, #tpu.memory_space<vmem_shared>>
        %dma_wait3A_148 = arith.constant 0 : i32
        %dma_wait3A_149 = tpu.memref_slice %arg29[%add3A_70, %dma_wait3A_148] : memref<10240x128xf32, #tpu.memory_space<vmem_shared>> -> memref<32x128xf32, #tpu.memory_space<vmem_shared>>
        tpu.wait_dma2 semaphore(%run_scoped3A : memref<!tpu.dma_semaphore, #tpu.memory_space<semaphore_mem>>) src(%arg22 : memref<32x128xf32, #tpu.memory_space<vmem>>) dst(%dma_wait3A_149 : memref<32x128xf32, #tpu.memory_space<vmem_shared>>)
        tpu.yield
      }) : () -> ()
      %mul3A_71 = arith.constant 640 : i32
      %mul3A_72 = arith.muli %arg1, %mul3A_71 : i32
      %add3A_73 = arith.constant 416 : i32
      %add3A_74 = arith.addi %mul3A_72, %add3A_73 : i32
      "tpu.region"() ({
        %run_scoped3A = tpu.sem_alloc : memref<!tpu.dma_semaphore, #tpu.memory_space<semaphore_mem>>
        %dma_start3A_143 = arith.constant 0 : i32
        %dma_start3A_144 = tpu.memref_slice %arg29[%add3A_74, %dma_start3A_143] : memref<10240x128xf32, #tpu.memory_space<vmem_shared>> -> memref<32x128xf32, #tpu.memory_space<vmem_shared>>
        %dma_start3A_145 = arith.constant 0 : i32
        %dma_start3A_146 = tpu.memref_slice %arg29[%add3A_74, %dma_start3A_145] : memref<10240x128xf32, #tpu.memory_space<vmem_shared>> -> memref<32x128xf32, #tpu.memory_space<vmem_shared>>
        tpu.enqueue_dma source(%arg22 : memref<32x128xf32, #tpu.memory_space<vmem>>) target(%dma_start3A_146 : memref<32x128xf32, #tpu.memory_space<vmem_shared>>) target_semaphore(%run_scoped3A : memref<!tpu.dma_semaphore, #tpu.memory_space<semaphore_mem>>)
        %dma_wait3A = arith.constant 0 : i32
        %dma_wait3A_147 = tpu.memref_slice %arg29[%add3A_74, %dma_wait3A] : memref<10240x128xf32, #tpu.memory_space<vmem_shared>> -> memref<32x128xf32, #tpu.memory_space<vmem_shared>>
        %dma_wait3A_148 = arith.constant 0 : i32
        %dma_wait3A_149 = tpu.memref_slice %arg29[%add3A_74, %dma_wait3A_148] : memref<10240x128xf32, #tpu.memory_space<vmem_shared>> -> memref<32x128xf32, #tpu.memory_space<vmem_shared>>
        tpu.wait_dma2 semaphore(%run_scoped3A : memref<!tpu.dma_semaphore, #tpu.memory_space<semaphore_mem>>) src(%arg22 : memref<32x128xf32, #tpu.memory_space<vmem>>) dst(%dma_wait3A_149 : memref<32x128xf32, #tpu.memory_space<vmem_shared>>)
        tpu.yield
      }) : () -> ()
      %mul3A_75 = arith.constant 640 : i32
      %mul3A_76 = arith.muli %arg1, %mul3A_75 : i32
      %add3A_77 = arith.constant 448 : i32
      %add3A_78 = arith.addi %mul3A_76, %add3A_77 : i32
      "tpu.region"() ({
        %run_scoped3A = tpu.sem_alloc : memref<!tpu.dma_semaphore, #tpu.memory_space<semaphore_mem>>
        %dma_start3A_143 = arith.constant 0 : i32
        %dma_start3A_144 = tpu.memref_slice %arg29[%add3A_78, %dma_start3A_143] : memref<10240x128xf32, #tpu.memory_space<vmem_shared>> -> memref<32x128xf32, #tpu.memory_space<vmem_shared>>
        %dma_start3A_145 = arith.constant 0 : i32
        %dma_start3A_146 = tpu.memref_slice %arg29[%add3A_78, %dma_start3A_145] : memref<10240x128xf32, #tpu.memory_space<vmem_shared>> -> memref<32x128xf32, #tpu.memory_space<vmem_shared>>
        tpu.enqueue_dma source(%arg22 : memref<32x128xf32, #tpu.memory_space<vmem>>) target(%dma_start3A_146 : memref<32x128xf32, #tpu.memory_space<vmem_shared>>) target_semaphore(%run_scoped3A : memref<!tpu.dma_semaphore, #tpu.memory_space<semaphore_mem>>)
        %dma_wait3A = arith.constant 0 : i32
        %dma_wait3A_147 = tpu.memref_slice %arg29[%add3A_78, %dma_wait3A] : memref<10240x128xf32, #tpu.memory_space<vmem_shared>> -> memref<32x128xf32, #tpu.memory_space<vmem_shared>>
        %dma_wait3A_148 = arith.constant 0 : i32
        %dma_wait3A_149 = tpu.memref_slice %arg29[%add3A_78, %dma_wait3A_148] : memref<10240x128xf32, #tpu.memory_space<vmem_shared>> -> memref<32x128xf32, #tpu.memory_space<vmem_shared>>
        tpu.wait_dma2 semaphore(%run_scoped3A : memref<!tpu.dma_semaphore, #tpu.memory_space<semaphore_mem>>) src(%arg22 : memref<32x128xf32, #tpu.memory_space<vmem>>) dst(%dma_wait3A_149 : memref<32x128xf32, #tpu.memory_space<vmem_shared>>)
        tpu.yield
      }) : () -> ()
      %mul3A_79 = arith.constant 640 : i32
      %mul3A_80 = arith.muli %arg1, %mul3A_79 : i32
      %add3A_81 = arith.constant 480 : i32
      %add3A_82 = arith.addi %mul3A_80, %add3A_81 : i32
      "tpu.region"() ({
        %run_scoped3A = tpu.sem_alloc : memref<!tpu.dma_semaphore, #tpu.memory_space<semaphore_mem>>
        %dma_start3A_143 = arith.constant 0 : i32
        %dma_start3A_144 = tpu.memref_slice %arg29[%add3A_82, %dma_start3A_143] : memref<10240x128xf32, #tpu.memory_space<vmem_shared>> -> memref<32x128xf32, #tpu.memory_space<vmem_shared>>
        %dma_start3A_145 = arith.constant 0 : i32
        %dma_start3A_146 = tpu.memref_slice %arg29[%add3A_82, %dma_start3A_145] : memref<10240x128xf32, #tpu.memory_space<vmem_shared>> -> memref<32x128xf32, #tpu.memory_space<vmem_shared>>
        tpu.enqueue_dma source(%arg22 : memref<32x128xf32, #tpu.memory_space<vmem>>) target(%dma_start3A_146 : memref<32x128xf32, #tpu.memory_space<vmem_shared>>) target_semaphore(%run_scoped3A : memref<!tpu.dma_semaphore, #tpu.memory_space<semaphore_mem>>)
        %dma_wait3A = arith.constant 0 : i32
        %dma_wait3A_147 = tpu.memref_slice %arg29[%add3A_82, %dma_wait3A] : memref<10240x128xf32, #tpu.memory_space<vmem_shared>> -> memref<32x128xf32, #tpu.memory_space<vmem_shared>>
        %dma_wait3A_148 = arith.constant 0 : i32
        %dma_wait3A_149 = tpu.memref_slice %arg29[%add3A_82, %dma_wait3A_148] : memref<10240x128xf32, #tpu.memory_space<vmem_shared>> -> memref<32x128xf32, #tpu.memory_space<vmem_shared>>
        tpu.wait_dma2 semaphore(%run_scoped3A : memref<!tpu.dma_semaphore, #tpu.memory_space<semaphore_mem>>) src(%arg22 : memref<32x128xf32, #tpu.memory_space<vmem>>) dst(%dma_wait3A_149 : memref<32x128xf32, #tpu.memory_space<vmem_shared>>)
        tpu.yield
      }) : () -> ()
      %mul3A_83 = arith.constant 640 : i32
      %mul3A_84 = arith.muli %arg1, %mul3A_83 : i32
      %add3A_85 = arith.constant 512 : i32
      %add3A_86 = arith.addi %mul3A_84, %add3A_85 : i32
      "tpu.region"() ({
        %run_scoped3A = tpu.sem_alloc : memref<!tpu.dma_semaphore, #tpu.memory_space<semaphore_mem>>
        %dma_start3A_143 = arith.constant 0 : i32
        %dma_start3A_144 = tpu.memref_slice %arg29[%add3A_86, %dma_start3A_143] : memref<10240x128xf32, #tpu.memory_space<vmem_shared>> -> memref<32x128xf32, #tpu.memory_space<vmem_shared>>
        %dma_start3A_145 = arith.constant 0 : i32
        %dma_start3A_146 = tpu.memref_slice %arg29[%add3A_86, %dma_start3A_145] : memref<10240x128xf32, #tpu.memory_space<vmem_shared>> -> memref<32x128xf32, #tpu.memory_space<vmem_shared>>
        tpu.enqueue_dma source(%arg22 : memref<32x128xf32, #tpu.memory_space<vmem>>) target(%dma_start3A_146 : memref<32x128xf32, #tpu.memory_space<vmem_shared>>) target_semaphore(%run_scoped3A : memref<!tpu.dma_semaphore, #tpu.memory_space<semaphore_mem>>)
        %dma_wait3A = arith.constant 0 : i32
        %dma_wait3A_147 = tpu.memref_slice %arg29[%add3A_86, %dma_wait3A] : memref<10240x128xf32, #tpu.memory_space<vmem_shared>> -> memref<32x128xf32, #tpu.memory_space<vmem_shared>>
        %dma_wait3A_148 = arith.constant 0 : i32
        %dma_wait3A_149 = tpu.memref_slice %arg29[%add3A_86, %dma_wait3A_148] : memref<10240x128xf32, #tpu.memory_space<vmem_shared>> -> memref<32x128xf32, #tpu.memory_space<vmem_shared>>
        tpu.wait_dma2 semaphore(%run_scoped3A : memref<!tpu.dma_semaphore, #tpu.memory_space<semaphore_mem>>) src(%arg22 : memref<32x128xf32, #tpu.memory_space<vmem>>) dst(%dma_wait3A_149 : memref<32x128xf32, #tpu.memory_space<vmem_shared>>)
        tpu.yield
      }) : () -> ()
      %mul3A_87 = arith.constant 640 : i32
      %mul3A_88 = arith.muli %arg1, %mul3A_87 : i32
      %add3A_89 = arith.constant 544 : i32
      %add3A_90 = arith.addi %mul3A_88, %add3A_89 : i32
      "tpu.region"() ({
        %run_scoped3A = tpu.sem_alloc : memref<!tpu.dma_semaphore, #tpu.memory_space<semaphore_mem>>
        %dma_start3A_143 = arith.constant 0 : i32
        %dma_start3A_144 = tpu.memref_slice %arg29[%add3A_90, %dma_start3A_143] : memref<10240x128xf32, #tpu.memory_space<vmem_shared>> -> memref<32x128xf32, #tpu.memory_space<vmem_shared>>
        %dma_start3A_145 = arith.constant 0 : i32
        %dma_start3A_146 = tpu.memref_slice %arg29[%add3A_90, %dma_start3A_145] : memref<10240x128xf32, #tpu.memory_space<vmem_shared>> -> memref<32x128xf32, #tpu.memory_space<vmem_shared>>
        tpu.enqueue_dma source(%arg22 : memref<32x128xf32, #tpu.memory_space<vmem>>) target(%dma_start3A_146 : memref<32x128xf32, #tpu.memory_space<vmem_shared>>) target_semaphore(%run_scoped3A : memref<!tpu.dma_semaphore, #tpu.memory_space<semaphore_mem>>)
        %dma_wait3A = arith.constant 0 : i32
        %dma_wait3A_147 = tpu.memref_slice %arg29[%add3A_90, %dma_wait3A] : memref<10240x128xf32, #tpu.memory_space<vmem_shared>> -> memref<32x128xf32, #tpu.memory_space<vmem_shared>>
        %dma_wait3A_148 = arith.constant 0 : i32
        %dma_wait3A_149 = tpu.memref_slice %arg29[%add3A_90, %dma_wait3A_148] : memref<10240x128xf32, #tpu.memory_space<vmem_shared>> -> memref<32x128xf32, #tpu.memory_space<vmem_shared>>
        tpu.wait_dma2 semaphore(%run_scoped3A : memref<!tpu.dma_semaphore, #tpu.memory_space<semaphore_mem>>) src(%arg22 : memref<32x128xf32, #tpu.memory_space<vmem>>) dst(%dma_wait3A_149 : memref<32x128xf32, #tpu.memory_space<vmem_shared>>)
        tpu.yield
      }) : () -> ()
      %mul3A_91 = arith.constant 640 : i32
      %mul3A_92 = arith.muli %arg1, %mul3A_91 : i32
      %add3A_93 = arith.constant 576 : i32
      %add3A_94 = arith.addi %mul3A_92, %add3A_93 : i32
      "tpu.region"() ({
        %run_scoped3A = tpu.sem_alloc : memref<!tpu.dma_semaphore, #tpu.memory_space<semaphore_mem>>
        %dma_start3A_143 = arith.constant 0 : i32
        %dma_start3A_144 = tpu.memref_slice %arg29[%add3A_94, %dma_start3A_143] : memref<10240x128xf32, #tpu.memory_space<vmem_shared>> -> memref<32x128xf32, #tpu.memory_space<vmem_shared>>
        %dma_start3A_145 = arith.constant 0 : i32
        %dma_start3A_146 = tpu.memref_slice %arg29[%add3A_94, %dma_start3A_145] : memref<10240x128xf32, #tpu.memory_space<vmem_shared>> -> memref<32x128xf32, #tpu.memory_space<vmem_shared>>
        tpu.enqueue_dma source(%arg22 : memref<32x128xf32, #tpu.memory_space<vmem>>) target(%dma_start3A_146 : memref<32x128xf32, #tpu.memory_space<vmem_shared>>) target_semaphore(%run_scoped3A : memref<!tpu.dma_semaphore, #tpu.memory_space<semaphore_mem>>)
        %dma_wait3A = arith.constant 0 : i32
        %dma_wait3A_147 = tpu.memref_slice %arg29[%add3A_94, %dma_wait3A] : memref<10240x128xf32, #tpu.memory_space<vmem_shared>> -> memref<32x128xf32, #tpu.memory_space<vmem_shared>>
        %dma_wait3A_148 = arith.constant 0 : i32
        %dma_wait3A_149 = tpu.memref_slice %arg29[%add3A_94, %dma_wait3A_148] : memref<10240x128xf32, #tpu.memory_space<vmem_shared>> -> memref<32x128xf32, #tpu.memory_space<vmem_shared>>
        tpu.wait_dma2 semaphore(%run_scoped3A : memref<!tpu.dma_semaphore, #tpu.memory_space<semaphore_mem>>) src(%arg22 : memref<32x128xf32, #tpu.memory_space<vmem>>) dst(%dma_wait3A_149 : memref<32x128xf32, #tpu.memory_space<vmem_shared>>)
        tpu.yield
      }) : () -> ()
      %mul3A_95 = arith.constant 640 : i32
      %mul3A_96 = arith.muli %arg1, %mul3A_95 : i32
      %add3A_97 = arith.constant 608 : i32
      %add3A_98 = arith.addi %mul3A_96, %add3A_97 : i32
      "tpu.region"() ({
        %run_scoped3A = tpu.sem_alloc : memref<!tpu.dma_semaphore, #tpu.memory_space<semaphore_mem>>
        %dma_start3A_143 = arith.constant 0 : i32
        %dma_start3A_144 = tpu.memref_slice %arg29[%add3A_98, %dma_start3A_143] : memref<10240x128xf32, #tpu.memory_space<vmem_shared>> -> memref<32x128xf32, #tpu.memory_space<vmem_shared>>
        %dma_start3A_145 = arith.constant 0 : i32
        %dma_start3A_146 = tpu.memref_slice %arg29[%add3A_98, %dma_start3A_145] : memref<10240x128xf32, #tpu.memory_space<vmem_shared>> -> memref<32x128xf32, #tpu.memory_space<vmem_shared>>
        tpu.enqueue_dma source(%arg22 : memref<32x128xf32, #tpu.memory_space<vmem>>) target(%dma_start3A_146 : memref<32x128xf32, #tpu.memory_space<vmem_shared>>) target_semaphore(%run_scoped3A : memref<!tpu.dma_semaphore, #tpu.memory_space<semaphore_mem>>)
        %dma_wait3A = arith.constant 0 : i32
        %dma_wait3A_147 = tpu.memref_slice %arg29[%add3A_98, %dma_wait3A] : memref<10240x128xf32, #tpu.memory_space<vmem_shared>> -> memref<32x128xf32, #tpu.memory_space<vmem_shared>>
        %dma_wait3A_148 = arith.constant 0 : i32
        %dma_wait3A_149 = tpu.memref_slice %arg29[%add3A_98, %dma_wait3A_148] : memref<10240x128xf32, #tpu.memory_space<vmem_shared>> -> memref<32x128xf32, #tpu.memory_space<vmem_shared>>
        tpu.wait_dma2 semaphore(%run_scoped3A : memref<!tpu.dma_semaphore, #tpu.memory_space<semaphore_mem>>) src(%arg22 : memref<32x128xf32, #tpu.memory_space<vmem>>) dst(%dma_wait3A_149 : memref<32x128xf32, #tpu.memory_space<vmem_shared>>)
        tpu.yield
      }) : () -> ()
      %barrier3A = arith.constant 0 : index
      tpu.barrier barrier_id(%barrier3A)
      %mul3A_99 = arith.constant 20000 : i32
      %mul3A_100 = arith.muli %arg1, %mul3A_99 : i32
      %add3A_101 = arith.constant 0 : i32
      %add3A_102 = arith.addi %mul3A_100, %add3A_101 : i32
      %dma_start3A = tpu.memref_slice %arg6[%add3A_102] : memref<320000xi32, #tpu.memory_space<hbm>> -> memref<32xi32, #tpu.memory_space<hbm>>
      %dma_start3A_103 = tpu.memref_slice %arg6[%add3A_102] : memref<320000xi32, #tpu.memory_space<hbm>> -> memref<32xi32, #tpu.memory_space<hbm>>
      tpu.enqueue_dma source(%dma_start3A_103 : memref<32xi32, #tpu.memory_space<hbm>>) target(%arg12 : memref<32xi32, #tpu.memory_space<vmem>>) target_semaphore(%arg31 : memref<!tpu.dma_semaphore, #tpu.memory_space<semaphore_mem>>)
      %dma_start3A_104 = tpu.memref_slice %arg7[%add3A_102] : memref<320000xi32, #tpu.memory_space<hbm>> -> memref<32xi32, #tpu.memory_space<hbm>>
      %dma_start3A_105 = tpu.memref_slice %arg7[%add3A_102] : memref<320000xi32, #tpu.memory_space<hbm>> -> memref<32xi32, #tpu.memory_space<hbm>>
      tpu.enqueue_dma source(%dma_start3A_105 : memref<32xi32, #tpu.memory_space<hbm>>) target(%arg17 : memref<32xi32, #tpu.memory_space<vmem>>) target_semaphore(%arg31 : memref<!tpu.dma_semaphore, #tpu.memory_space<semaphore_mem>>)
      %add3A_106 = arith.constant 32 : i32
      %add3A_107 = arith.addi %mul3A_100, %add3A_106 : i32
      %dma_start3A_108 = tpu.memref_slice %arg6[%add3A_107] : memref<320000xi32, #tpu.memory_space<hbm>> -> memref<32xi32, #tpu.memory_space<hbm>>
      %dma_start3A_109 = tpu.memref_slice %arg6[%add3A_107] : memref<320000xi32, #tpu.memory_space<hbm>> -> memref<32xi32, #tpu.memory_space<hbm>>
      tpu.enqueue_dma source(%dma_start3A_109 : memref<32xi32, #tpu.memory_space<hbm>>) target(%arg13 : memref<32xi32, #tpu.memory_space<vmem>>) target_semaphore(%arg32 : memref<!tpu.dma_semaphore, #tpu.memory_space<semaphore_mem>>)
      %dma_start3A_110 = tpu.memref_slice %arg7[%add3A_107] : memref<320000xi32, #tpu.memory_space<hbm>> -> memref<32xi32, #tpu.memory_space<hbm>>
      %dma_start3A_111 = tpu.memref_slice %arg7[%add3A_107] : memref<320000xi32, #tpu.memory_space<hbm>> -> memref<32xi32, #tpu.memory_space<hbm>>
      tpu.enqueue_dma source(%dma_start3A_111 : memref<32xi32, #tpu.memory_space<hbm>>) target(%arg18 : memref<32xi32, #tpu.memory_space<vmem>>) target_semaphore(%arg32 : memref<!tpu.dma_semaphore, #tpu.memory_space<semaphore_mem>>)
      %add3A_112 = arith.constant 64 : i32
      %add3A_113 = arith.addi %mul3A_100, %add3A_112 : i32
      %dma_start3A_114 = tpu.memref_slice %arg6[%add3A_113] : memref<320000xi32, #tpu.memory_space<hbm>> -> memref<32xi32, #tpu.memory_space<hbm>>
      %dma_start3A_115 = tpu.memref_slice %arg6[%add3A_113] : memref<320000xi32, #tpu.memory_space<hbm>> -> memref<32xi32, #tpu.memory_space<hbm>>
      tpu.enqueue_dma source(%dma_start3A_115 : memref<32xi32, #tpu.memory_space<hbm>>) target(%arg14 : memref<32xi32, #tpu.memory_space<vmem>>) target_semaphore(%arg33 : memref<!tpu.dma_semaphore, #tpu.memory_space<semaphore_mem>>)
      %dma_start3A_116 = tpu.memref_slice %arg7[%add3A_113] : memref<320000xi32, #tpu.memory_space<hbm>> -> memref<32xi32, #tpu.memory_space<hbm>>
      %dma_start3A_117 = tpu.memref_slice %arg7[%add3A_113] : memref<320000xi32, #tpu.memory_space<hbm>> -> memref<32xi32, #tpu.memory_space<hbm>>
      tpu.enqueue_dma source(%dma_start3A_117 : memref<32xi32, #tpu.memory_space<hbm>>) target(%arg19 : memref<32xi32, #tpu.memory_space<vmem>>) target_semaphore(%arg33 : memref<!tpu.dma_semaphore, #tpu.memory_space<semaphore_mem>>)
      %add3A_118 = arith.constant 96 : i32
      %add3A_119 = arith.addi %mul3A_100, %add3A_118 : i32
      %dma_start3A_120 = tpu.memref_slice %arg6[%add3A_119] : memref<320000xi32, #tpu.memory_space<hbm>> -> memref<32xi32, #tpu.memory_space<hbm>>
      %dma_start3A_121 = tpu.memref_slice %arg6[%add3A_119] : memref<320000xi32, #tpu.memory_space<hbm>> -> memref<32xi32, #tpu.memory_space<hbm>>
      tpu.enqueue_dma source(%dma_start3A_121 : memref<32xi32, #tpu.memory_space<hbm>>) target(%arg15 : memref<32xi32, #tpu.memory_space<vmem>>) target_semaphore(%arg34 : memref<!tpu.dma_semaphore, #tpu.memory_space<semaphore_mem>>)
      %dma_start3A_122 = tpu.memref_slice %arg7[%add3A_119] : memref<320000xi32, #tpu.memory_space<hbm>> -> memref<32xi32, #tpu.memory_space<hbm>>
      %dma_start3A_123 = tpu.memref_slice %arg7[%add3A_119] : memref<320000xi32, #tpu.memory_space<hbm>> -> memref<32xi32, #tpu.memory_space<hbm>>
      tpu.enqueue_dma source(%dma_start3A_123 : memref<32xi32, #tpu.memory_space<hbm>>) target(%arg20 : memref<32xi32, #tpu.memory_space<vmem>>) target_semaphore(%arg34 : memref<!tpu.dma_semaphore, #tpu.memory_space<semaphore_mem>>)
      %add3A_124 = arith.constant 128 : i32
      %add3A_125 = arith.addi %mul3A_100, %add3A_124 : i32
      %dma_start3A_126 = tpu.memref_slice %arg6[%add3A_125] : memref<320000xi32, #tpu.memory_space<hbm>> -> memref<32xi32, #tpu.memory_space<hbm>>
      %dma_start3A_127 = tpu.memref_slice %arg6[%add3A_125] : memref<320000xi32, #tpu.memory_space<hbm>> -> memref<32xi32, #tpu.memory_space<hbm>>
      tpu.enqueue_dma source(%dma_start3A_127 : memref<32xi32, #tpu.memory_space<hbm>>) target(%arg16 : memref<32xi32, #tpu.memory_space<vmem>>) target_semaphore(%arg35 : memref<!tpu.dma_semaphore, #tpu.memory_space<semaphore_mem>>)
      %dma_start3A_128 = tpu.memref_slice %arg7[%add3A_125] : memref<320000xi32, #tpu.memory_space<hbm>> -> memref<32xi32, #tpu.memory_space<hbm>>
      %dma_start3A_129 = tpu.memref_slice %arg7[%add3A_125] : memref<320000xi32, #tpu.memory_space<hbm>> -> memref<32xi32, #tpu.memory_space<hbm>>
      tpu.enqueue_dma source(%dma_start3A_129 : memref<32xi32, #tpu.memory_space<hbm>>) target(%arg21 : memref<32xi32, #tpu.memory_space<vmem>>) target_semaphore(%arg35 : memref<!tpu.dma_semaphore, #tpu.memory_space<semaphore_mem>>)
      %scan3A_130 = arith.constant 0 : i32
      %scan3A_131 = arith.constant 0 : i32
      %scan3A_132 = arith.constant 125 : i32
      %scan3A_133 = arith.addi %scan3A_131, %scan3A_132 : i32
      %scan3A_134 = arith.constant 1 : i32
      scf.for %scan3A_143 = %scan3A_131 to %scan3A_133 step %scan3A_134  : i32 {
        %dma_wait3A = arith.constant 0 : i32
        %dma_wait3A_144 = tpu.memref_slice %arg6[%dma_wait3A] : memref<320000xi32, #tpu.memory_space<hbm>> -> memref<32xi32, #tpu.memory_space<hbm>>
        %dma_wait3A_145 = arith.constant 0 : i32
        %dma_wait3A_146 = tpu.memref_slice %arg6[%dma_wait3A_145] : memref<320000xi32, #tpu.memory_space<hbm>> -> memref<32xi32, #tpu.memory_space<hbm>>
        tpu.wait_dma2 semaphore(%arg31 : memref<!tpu.dma_semaphore, #tpu.memory_space<semaphore_mem>>) src(%dma_wait3A_146 : memref<32xi32, #tpu.memory_space<hbm>>) dst(%arg12 : memref<32xi32, #tpu.memory_space<vmem>>)
        %dma_wait3A_147 = arith.constant 0 : i32
        %dma_wait3A_148 = tpu.memref_slice %arg7[%dma_wait3A_147] : memref<320000xi32, #tpu.memory_space<hbm>> -> memref<32xi32, #tpu.memory_space<hbm>>
        %dma_wait3A_149 = arith.constant 0 : i32
        %dma_wait3A_150 = tpu.memref_slice %arg7[%dma_wait3A_149] : memref<320000xi32, #tpu.memory_space<hbm>> -> memref<32xi32, #tpu.memory_space<hbm>>
        tpu.wait_dma2 semaphore(%arg31 : memref<!tpu.dma_semaphore, #tpu.memory_space<semaphore_mem>>) src(%dma_wait3A_150 : memref<32xi32, #tpu.memory_space<hbm>>) dst(%arg17 : memref<32xi32, #tpu.memory_space<vmem>>)
        %dma_start3A_151 = arith.constant 0 : i32
        %dma_start3A_152 = arith.constant 0 : i32
        %dma_start3A_153 = tpu.memref_slice %arg3[%dma_start3A_151, %dma_start3A_152] : memref<10000x128xf32, #tpu.memory_space<hbm>> -> memref<10000x128xf32, #tpu.memory_space<hbm>>
        tpu.enqueue_indirect_dma source(%dma_start3A_153 : memref<10000x128xf32, #tpu.memory_space<hbm>>) target(%arg22 : memref<32x128xf32, #tpu.memory_space<vmem>>) offsets(%arg12 : memref<32xi32, #tpu.memory_space<vmem>>) semaphore(%arg36 : memref<!tpu.dma_semaphore, #tpu.memory_space<semaphore_mem>>)
        %dma_wait3A_154 = arith.constant 0 : i32
        %dma_wait3A_155 = tpu.memref_slice %arg6[%dma_wait3A_154] : memref<320000xi32, #tpu.memory_space<hbm>> -> memref<32xi32, #tpu.memory_space<hbm>>
        %dma_wait3A_156 = arith.constant 0 : i32
        %dma_wait3A_157 = tpu.memref_slice %arg6[%dma_wait3A_156] : memref<320000xi32, #tpu.memory_space<hbm>> -> memref<32xi32, #tpu.memory_space<hbm>>
        tpu.wait_dma2 semaphore(%arg32 : memref<!tpu.dma_semaphore, #tpu.memory_space<semaphore_mem>>) src(%dma_wait3A_157 : memref<32xi32, #tpu.memory_space<hbm>>) dst(%arg13 : memref<32xi32, #tpu.memory_space<vmem>>)
        %dma_wait3A_158 = arith.constant 0 : i32
        %dma_wait3A_159 = tpu.memref_slice %arg7[%dma_wait3A_158] : memref<320000xi32, #tpu.memory_space<hbm>> -> memref<32xi32, #tpu.memory_space<hbm>>
        %dma_wait3A_160 = arith.constant 0 : i32
        %dma_wait3A_161 = tpu.memref_slice %arg7[%dma_wait3A_160] : memref<320000xi32, #tpu.memory_space<hbm>> -> memref<32xi32, #tpu.memory_space<hbm>>
        tpu.wait_dma2 semaphore(%arg32 : memref<!tpu.dma_semaphore, #tpu.memory_space<semaphore_mem>>) src(%dma_wait3A_161 : memref<32xi32, #tpu.memory_space<hbm>>) dst(%arg18 : memref<32xi32, #tpu.memory_space<vmem>>)
        %dma_start3A_162 = arith.constant 0 : i32
        %dma_start3A_163 = arith.constant 0 : i32
        %dma_start3A_164 = tpu.memref_slice %arg3[%dma_start3A_162, %dma_start3A_163] : memref<10000x128xf32, #tpu.memory_space<hbm>> -> memref<10000x128xf32, #tpu.memory_space<hbm>>
        tpu.enqueue_indirect_dma source(%dma_start3A_164 : memref<10000x128xf32, #tpu.memory_space<hbm>>) target(%arg23 : memref<32x128xf32, #tpu.memory_space<vmem>>) offsets(%arg13 : memref<32xi32, #tpu.memory_space<vmem>>) semaphore(%arg37 : memref<!tpu.dma_semaphore, #tpu.memory_space<semaphore_mem>>)
        %dma_wait3A_165 = arith.constant 0 : i32
        %dma_wait3A_166 = tpu.memref_slice %arg6[%dma_wait3A_165] : memref<320000xi32, #tpu.memory_space<hbm>> -> memref<32xi32, #tpu.memory_space<hbm>>
        %dma_wait3A_167 = arith.constant 0 : i32
        %dma_wait3A_168 = tpu.memref_slice %arg6[%dma_wait3A_167] : memref<320000xi32, #tpu.memory_space<hbm>> -> memref<32xi32, #tpu.memory_space<hbm>>
        tpu.wait_dma2 semaphore(%arg33 : memref<!tpu.dma_semaphore, #tpu.memory_space<semaphore_mem>>) src(%dma_wait3A_168 : memref<32xi32, #tpu.memory_space<hbm>>) dst(%arg14 : memref<32xi32, #tpu.memory_space<vmem>>)
        %dma_wait3A_169 = arith.constant 0 : i32
        %dma_wait3A_170 = tpu.memref_slice %arg7[%dma_wait3A_169] : memref<320000xi32, #tpu.memory_space<hbm>> -> memref<32xi32, #tpu.memory_space<hbm>>
        %dma_wait3A_171 = arith.constant 0 : i32
        %dma_wait3A_172 = tpu.memref_slice %arg7[%dma_wait3A_171] : memref<320000xi32, #tpu.memory_space<hbm>> -> memref<32xi32, #tpu.memory_space<hbm>>
        tpu.wait_dma2 semaphore(%arg33 : memref<!tpu.dma_semaphore, #tpu.memory_space<semaphore_mem>>) src(%dma_wait3A_172 : memref<32xi32, #tpu.memory_space<hbm>>) dst(%arg19 : memref<32xi32, #tpu.memory_space<vmem>>)
        %dma_start3A_173 = arith.constant 0 : i32
        %dma_start3A_174 = arith.constant 0 : i32
        %dma_start3A_175 = tpu.memref_slice %arg3[%dma_start3A_173, %dma_start3A_174] : memref<10000x128xf32, #tpu.memory_space<hbm>> -> memref<10000x128xf32, #tpu.memory_space<hbm>>
        tpu.enqueue_indirect_dma source(%dma_start3A_175 : memref<10000x128xf32, #tpu.memory_space<hbm>>) target(%arg24 : memref<32x128xf32, #tpu.memory_space<vmem>>) offsets(%arg14 : memref<32xi32, #tpu.memory_space<vmem>>) semaphore(%arg38 : memref<!tpu.dma_semaphore, #tpu.memory_space<semaphore_mem>>)
        %dma_wait3A_176 = arith.constant 0 : i32
        %dma_wait3A_177 = tpu.memref_slice %arg6[%dma_wait3A_176] : memref<320000xi32, #tpu.memory_space<hbm>> -> memref<32xi32, #tpu.memory_space<hbm>>
        %dma_wait3A_178 = arith.constant 0 : i32
        %dma_wait3A_179 = tpu.memref_slice %arg6[%dma_wait3A_178] : memref<320000xi32, #tpu.memory_space<hbm>> -> memref<32xi32, #tpu.memory_space<hbm>>
        tpu.wait_dma2 semaphore(%arg34 : memref<!tpu.dma_semaphore, #tpu.memory_space<semaphore_mem>>) src(%dma_wait3A_179 : memref<32xi32, #tpu.memory_space<hbm>>) dst(%arg15 : memref<32xi32, #tpu.memory_space<vmem>>)
        %dma_wait3A_180 = arith.constant 0 : i32
        %dma_wait3A_181 = tpu.memref_slice %arg7[%dma_wait3A_180] : memref<320000xi32, #tpu.memory_space<hbm>> -> memref<32xi32, #tpu.memory_space<hbm>>
        %dma_wait3A_182 = arith.constant 0 : i32
        %dma_wait3A_183 = tpu.memref_slice %arg7[%dma_wait3A_182] : memref<320000xi32, #tpu.memory_space<hbm>> -> memref<32xi32, #tpu.memory_space<hbm>>
        tpu.wait_dma2 semaphore(%arg34 : memref<!tpu.dma_semaphore, #tpu.memory_space<semaphore_mem>>) src(%dma_wait3A_183 : memref<32xi32, #tpu.memory_space<hbm>>) dst(%arg20 : memref<32xi32, #tpu.memory_space<vmem>>)
        %dma_start3A_184 = arith.constant 0 : i32
        %dma_start3A_185 = arith.constant 0 : i32
        %dma_start3A_186 = tpu.memref_slice %arg3[%dma_start3A_184, %dma_start3A_185] : memref<10000x128xf32, #tpu.memory_space<hbm>> -> memref<10000x128xf32, #tpu.memory_space<hbm>>
        tpu.enqueue_indirect_dma source(%dma_start3A_186 : memref<10000x128xf32, #tpu.memory_space<hbm>>) target(%arg25 : memref<32x128xf32, #tpu.memory_space<vmem>>) offsets(%arg15 : memref<32xi32, #tpu.memory_space<vmem>>) semaphore(%arg39 : memref<!tpu.dma_semaphore, #tpu.memory_space<semaphore_mem>>)
        %dma_wait3A_187 = arith.constant 0 : i32
        %dma_wait3A_188 = tpu.memref_slice %arg6[%dma_wait3A_187] : memref<320000xi32, #tpu.memory_space<hbm>> -> memref<32xi32, #tpu.memory_space<hbm>>
        %dma_wait3A_189 = arith.constant 0 : i32
        %dma_wait3A_190 = tpu.memref_slice %arg6[%dma_wait3A_189] : memref<320000xi32, #tpu.memory_space<hbm>> -> memref<32xi32, #tpu.memory_space<hbm>>
        tpu.wait_dma2 semaphore(%arg35 : memref<!tpu.dma_semaphore, #tpu.memory_space<semaphore_mem>>) src(%dma_wait3A_190 : memref<32xi32, #tpu.memory_space<hbm>>) dst(%arg16 : memref<32xi32, #tpu.memory_space<vmem>>)
        %dma_wait3A_191 = arith.constant 0 : i32
        %dma_wait3A_192 = tpu.memref_slice %arg7[%dma_wait3A_191] : memref<320000xi32, #tpu.memory_space<hbm>> -> memref<32xi32, #tpu.memory_space<hbm>>
        %dma_wait3A_193 = arith.constant 0 : i32
        %dma_wait3A_194 = tpu.memref_slice %arg7[%dma_wait3A_193] : memref<320000xi32, #tpu.memory_space<hbm>> -> memref<32xi32, #tpu.memory_space<hbm>>
        tpu.wait_dma2 semaphore(%arg35 : memref<!tpu.dma_semaphore, #tpu.memory_space<semaphore_mem>>) src(%dma_wait3A_194 : memref<32xi32, #tpu.memory_space<hbm>>) dst(%arg21 : memref<32xi32, #tpu.memory_space<vmem>>)
        %dma_start3A_195 = arith.constant 0 : i32
        %dma_start3A_196 = arith.constant 0 : i32
        %dma_start3A_197 = tpu.memref_slice %arg3[%dma_start3A_195, %dma_start3A_196] : memref<10000x128xf32, #tpu.memory_space<hbm>> -> memref<10000x128xf32, #tpu.memory_space<hbm>>
        tpu.enqueue_indirect_dma source(%dma_start3A_197 : memref<10000x128xf32, #tpu.memory_space<hbm>>) target(%arg26 : memref<32x128xf32, #tpu.memory_space<vmem>>) offsets(%arg16 : memref<32xi32, #tpu.memory_space<vmem>>) semaphore(%arg40 : memref<!tpu.dma_semaphore, #tpu.memory_space<semaphore_mem>>)
        %dma_wait3A_198 = arith.constant 0 : i32
        %dma_wait3A_199 = arith.constant 0 : i32
        %dma_wait3A_200 = tpu.memref_slice %arg3[%dma_wait3A_198, %dma_wait3A_199] : memref<10000x128xf32, #tpu.memory_space<hbm>> -> memref<10000x128xf32, #tpu.memory_space<hbm>>
        tpu.wait_indirect_dma semaphore(%arg36 : memref<!tpu.dma_semaphore, #tpu.memory_space<semaphore_mem>>) src(%dma_wait3A_200 : memref<10000x128xf32, #tpu.memory_space<hbm>>) dst(%arg22 : memref<32x128xf32, #tpu.memory_space<vmem>>)
        %dma_start3A_201 = arith.constant 0 : i32
        %dma_start3A_202 = arith.constant 0 : i32
        %dma_start3A_203 = tpu.memref_slice %arg29[%dma_start3A_201, %dma_start3A_202] : memref<10240x128xf32, #tpu.memory_space<vmem_shared>> -> memref<10240x128xf32, #tpu.memory_space<vmem_shared>>
        tpu.enqueue_indirect_dma source(%arg22 : memref<32x128xf32, #tpu.memory_space<vmem>>) target(%dma_start3A_203 : memref<10240x128xf32, #tpu.memory_space<vmem_shared>>) offsets(%arg17 : memref<32xi32, #tpu.memory_space<vmem>>) semaphore(%arg41 : memref<!tpu.dma_semaphore, #tpu.memory_space<semaphore_mem>>) {add = true}
        %get3A = arith.constant 0 : index
        %get3A_204 = tpu.vector_load %arg17[%get3A] {strides = array<i32>} : memref<32xi32, #tpu.memory_space<vmem>>, vector<16xi32>,
        tpu.vector_store_idx %arg30[%get3A_204], %broadcast_in_dim3A_2 {add = true} : memref<10240xf32, #tpu.memory_space<vmem>>[vector<16xi32>], vector<16xf32>,
        %get3A_205 = arith.constant 16 : index
        %get3A_206 = tpu.vector_load %arg17[%get3A_205] {strides = array<i32>} : memref<32xi32, #tpu.memory_space<vmem>>, vector<16xi32>,
        tpu.vector_store_idx %arg30[%get3A_206], %broadcast_in_dim3A_2 {add = true} : memref<10240xf32, #tpu.memory_space<vmem>>[vector<16xi32>], vector<16xf32>,
        %dma_wait3A_207 = arith.constant 0 : i32
        %dma_wait3A_208 = arith.constant 0 : i32
        %dma_wait3A_209 = tpu.memref_slice %arg3[%dma_wait3A_207, %dma_wait3A_208] : memref<10000x128xf32, #tpu.memory_space<hbm>> -> memref<10000x128xf32, #tpu.memory_space<hbm>>
        tpu.wait_indirect_dma semaphore(%arg37 : memref<!tpu.dma_semaphore, #tpu.memory_space<semaphore_mem>>) src(%dma_wait3A_209 : memref<10000x128xf32, #tpu.memory_space<hbm>>) dst(%arg23 : memref<32x128xf32, #tpu.memory_space<vmem>>)
        %dma_start3A_210 = arith.constant 0 : i32
        %dma_start3A_211 = arith.constant 0 : i32
        %dma_start3A_212 = tpu.memref_slice %arg29[%dma_start3A_210, %dma_start3A_211] : memref<10240x128xf32, #tpu.memory_space<vmem_shared>> -> memref<10240x128xf32, #tpu.memory_space<vmem_shared>>
        tpu.enqueue_indirect_dma source(%arg23 : memref<32x128xf32, #tpu.memory_space<vmem>>) target(%dma_start3A_212 : memref<10240x128xf32, #tpu.memory_space<vmem_shared>>) offsets(%arg18 : memref<32xi32, #tpu.memory_space<vmem>>) semaphore(%arg42 : memref<!tpu.dma_semaphore, #tpu.memory_space<semaphore_mem>>) {add = true}
        %get3A_213 = arith.constant 0 : index
        %get3A_214 = tpu.vector_load %arg18[%get3A_213] {strides = array<i32>} : memref<32xi32, #tpu.memory_space<vmem>>, vector<16xi32>,
        tpu.vector_store_idx %arg30[%get3A_214], %broadcast_in_dim3A_2 {add = true} : memref<10240xf32, #tpu.memory_space<vmem>>[vector<16xi32>], vector<16xf32>,
        %get3A_215 = arith.constant 16 : index
        %get3A_216 = tpu.vector_load %arg18[%get3A_215] {strides = array<i32>} : memref<32xi32, #tpu.memory_space<vmem>>, vector<16xi32>,
        tpu.vector_store_idx %arg30[%get3A_216], %broadcast_in_dim3A_2 {add = true} : memref<10240xf32, #tpu.memory_space<vmem>>[vector<16xi32>], vector<16xf32>,
        %dma_wait3A_217 = arith.constant 0 : i32
        %dma_wait3A_218 = arith.constant 0 : i32
        %dma_wait3A_219 = tpu.memref_slice %arg3[%dma_wait3A_217, %dma_wait3A_218] : memref<10000x128xf32, #tpu.memory_space<hbm>> -> memref<10000x128xf32, #tpu.memory_space<hbm>>
        tpu.wait_indirect_dma semaphore(%arg38 : memref<!tpu.dma_semaphore, #tpu.memory_space<semaphore_mem>>) src(%dma_wait3A_219 : memref<10000x128xf32, #tpu.memory_space<hbm>>) dst(%arg24 : memref<32x128xf32, #tpu.memory_space<vmem>>)
        %dma_start3A_220 = arith.constant 0 : i32
        %dma_start3A_221 = arith.constant 0 : i32
        %dma_start3A_222 = tpu.memref_slice %arg29[%dma_start3A_220, %dma_start3A_221] : memref<10240x128xf32, #tpu.memory_space<vmem_shared>> -> memref<10240x128xf32, #tpu.memory_space<vmem_shared>>
        tpu.enqueue_indirect_dma source(%arg24 : memref<32x128xf32, #tpu.memory_space<vmem>>) target(%dma_start3A_222 : memref<10240x128xf32, #tpu.memory_space<vmem_shared>>) offsets(%arg19 : memref<32xi32, #tpu.memory_space<vmem>>) semaphore(%arg43 : memref<!tpu.dma_semaphore, #tpu.memory_space<semaphore_mem>>) {add = true}
        %get3A_223 = arith.constant 0 : index
        %get3A_224 = tpu.vector_load %arg19[%get3A_223] {strides = array<i32>} : memref<32xi32, #tpu.memory_space<vmem>>, vector<16xi32>,
        tpu.vector_store_idx %arg30[%get3A_224], %broadcast_in_dim3A_2 {add = true} : memref<10240xf32, #tpu.memory_space<vmem>>[vector<16xi32>], vector<16xf32>,
        %get3A_225 = arith.constant 16 : index
        %get3A_226 = tpu.vector_load %arg19[%get3A_225] {strides = array<i32>} : memref<32xi32, #tpu.memory_space<vmem>>, vector<16xi32>,
        tpu.vector_store_idx %arg30[%get3A_226], %broadcast_in_dim3A_2 {add = true} : memref<10240xf32, #tpu.memory_space<vmem>>[vector<16xi32>], vector<16xf32>,
        %dma_wait3A_227 = arith.constant 0 : i32
        %dma_wait3A_228 = arith.constant 0 : i32
        %dma_wait3A_229 = tpu.memref_slice %arg3[%dma_wait3A_227, %dma_wait3A_228] : memref<10000x128xf32, #tpu.memory_space<hbm>> -> memref<10000x128xf32, #tpu.memory_space<hbm>>
        tpu.wait_indirect_dma semaphore(%arg39 : memref<!tpu.dma_semaphore, #tpu.memory_space<semaphore_mem>>) src(%dma_wait3A_229 : memref<10000x128xf32, #tpu.memory_space<hbm>>) dst(%arg25 : memref<32x128xf32, #tpu.memory_space<vmem>>)
        %dma_start3A_230 = arith.constant 0 : i32
        %dma_start3A_231 = arith.constant 0 : i32
        %dma_start3A_232 = tpu.memref_slice %arg29[%dma_start3A_230, %dma_start3A_231] : memref<10240x128xf32, #tpu.memory_space<vmem_shared>> -> memref<10240x128xf32, #tpu.memory_space<vmem_shared>>
        tpu.enqueue_indirect_dma source(%arg25 : memref<32x128xf32, #tpu.memory_space<vmem>>) target(%dma_start3A_232 : memref<10240x128xf32, #tpu.memory_space<vmem_shared>>) offsets(%arg20 : memref<32xi32, #tpu.memory_space<vmem>>) semaphore(%arg44 : memref<!tpu.dma_semaphore, #tpu.memory_space<semaphore_mem>>) {add = true}
        %get3A_233 = arith.constant 0 : index
        %get3A_234 = tpu.vector_load %arg20[%get3A_233] {strides = array<i32>} : memref<32xi32, #tpu.memory_space<vmem>>, vector<16xi32>,
        tpu.vector_store_idx %arg30[%get3A_234], %broadcast_in_dim3A_2 {add = true} : memref<10240xf32, #tpu.memory_space<vmem>>[vector<16xi32>], vector<16xf32>,
        %get3A_235 = arith.constant 16 : index
        %get3A_236 = tpu.vector_load %arg20[%get3A_235] {strides = array<i32>} : memref<32xi32, #tpu.memory_space<vmem>>, vector<16xi32>,
        tpu.vector_store_idx %arg30[%get3A_236], %broadcast_in_dim3A_2 {add = true} : memref<10240xf32, #tpu.memory_space<vmem>>[vector<16xi32>], vector<16xf32>,
        %dma_wait3A_237 = arith.constant 0 : i32
        %dma_wait3A_238 = arith.constant 0 : i32
        %dma_wait3A_239 = tpu.memref_slice %arg3[%dma_wait3A_237, %dma_wait3A_238] : memref<10000x128xf32, #tpu.memory_space<hbm>> -> memref<10000x128xf32, #tpu.memory_space<hbm>>
        tpu.wait_indirect_dma semaphore(%arg40 : memref<!tpu.dma_semaphore, #tpu.memory_space<semaphore_mem>>) src(%dma_wait3A_239 : memref<10000x128xf32, #tpu.memory_space<hbm>>) dst(%arg26 : memref<32x128xf32, #tpu.memory_space<vmem>>)
        %dma_start3A_240 = arith.constant 0 : i32
        %dma_start3A_241 = arith.constant 0 : i32
        %dma_start3A_242 = tpu.memref_slice %arg29[%dma_start3A_240, %dma_start3A_241] : memref<10240x128xf32, #tpu.memory_space<vmem_shared>> -> memref<10240x128xf32, #tpu.memory_space<vmem_shared>>
        tpu.enqueue_indirect_dma source(%arg26 : memref<32x128xf32, #tpu.memory_space<vmem>>) target(%dma_start3A_242 : memref<10240x128xf32, #tpu.memory_space<vmem_shared>>) offsets(%arg21 : memref<32xi32, #tpu.memory_space<vmem>>) semaphore(%arg45 : memref<!tpu.dma_semaphore, #tpu.memory_space<semaphore_mem>>) {add = true}
        %get3A_243 = arith.constant 0 : index
        %get3A_244 = tpu.vector_load %arg21[%get3A_243] {strides = array<i32>} : memref<32xi32, #tpu.memory_space<vmem>>, vector<16xi32>,
        tpu.vector_store_idx %arg30[%get3A_244], %broadcast_in_dim3A_2 {add = true} : memref<10240xf32, #tpu.memory_space<vmem>>[vector<16xi32>], vector<16xf32>,
        %get3A_245 = arith.constant 16 : index
        %get3A_246 = tpu.vector_load %arg21[%get3A_245] {strides = array<i32>} : memref<32xi32, #tpu.memory_space<vmem>>, vector<16xi32>,
        tpu.vector_store_idx %arg30[%get3A_246], %broadcast_in_dim3A_2 {add = true} : memref<10240xf32, #tpu.memory_space<vmem>>[vector<16xi32>], vector<16xf32>,
        %dma_wait3A_247 = arith.constant 0 : i32
        %dma_wait3A_248 = arith.constant 0 : i32
        %dma_wait3A_249 = tpu.memref_slice %arg29[%dma_wait3A_247, %dma_wait3A_248] : memref<10240x128xf32, #tpu.memory_space<vmem_shared>> -> memref<10240x128xf32, #tpu.memory_space<vmem_shared>>
        tpu.wait_indirect_dma semaphore(%arg41 : memref<!tpu.dma_semaphore, #tpu.memory_space<semaphore_mem>>) src(%arg22 : memref<32x128xf32, #tpu.memory_space<vmem>>) dst(%dma_wait3A_249 : memref<10240x128xf32, #tpu.memory_space<vmem_shared>>)
        %lt3A = arith.constant 124 : i32
        %lt3A_250 = arith.cmpi slt, %scan3A_143, %lt3A : i32
        %convert_element_type3A_251 = arith.extui %lt3A_250 : i1 to i32
        %cond3A_252 = arith.constant 0 : i32
        %cond3A_253 = arith.cmpi ne, %convert_element_type3A_251, %cond3A_252 : i32
        scf.if %cond3A_253 {
          %add3A_286 = arith.constant 1 : i32
          %add3A_287 = arith.addi %scan3A_143, %add3A_286 : i32
          %mul3A_288 = arith.constant 5 : i32
          %mul3A_289 = arith.muli %add3A_287, %mul3A_288 : i32
          %add3A_290 = arith.constant 0 : i32
          %add3A_291 = arith.addi %mul3A_289, %add3A_290 : i32
          %mul3A_292 = arith.constant 32 : i32
          %mul3A_293 = arith.muli %add3A_291, %mul3A_292 : i32
          %add3A_294 = arith.addi %mul3A_100, %mul3A_293 : i32
          %dma_start3A_295 = tpu.memref_slice %arg6[%add3A_294] : memref<320000xi32, #tpu.memory_space<hbm>> -> memref<32xi32, #tpu.memory_space<hbm>>
          %dma_start3A_296 = tpu.memref_slice %arg6[%add3A_294] : memref<320000xi32, #tpu.memory_space<hbm>> -> memref<32xi32, #tpu.memory_space<hbm>>
          tpu.enqueue_dma source(%dma_start3A_296 : memref<32xi32, #tpu.memory_space<hbm>>) target(%arg12 : memref<32xi32, #tpu.memory_space<vmem>>) target_semaphore(%arg31 : memref<!tpu.dma_semaphore, #tpu.memory_space<semaphore_mem>>)
          %dma_start3A_297 = tpu.memref_slice %arg7[%add3A_294] : memref<320000xi32, #tpu.memory_space<hbm>> -> memref<32xi32, #tpu.memory_space<hbm>>
          %dma_start3A_298 = tpu.memref_slice %arg7[%add3A_294] : memref<320000xi32, #tpu.memory_space<hbm>> -> memref<32xi32, #tpu.memory_space<hbm>>
          tpu.enqueue_dma source(%dma_start3A_298 : memref<32xi32, #tpu.memory_space<hbm>>) target(%arg17 : memref<32xi32, #tpu.memory_space<vmem>>) target_semaphore(%arg31 : memref<!tpu.dma_semaphore, #tpu.memory_space<semaphore_mem>>)
        } else {
        }
        %dma_wait3A_254 = arith.constant 0 : i32
        %dma_wait3A_255 = arith.constant 0 : i32
        %dma_wait3A_256 = tpu.memref_slice %arg29[%dma_wait3A_254, %dma_wait3A_255] : memref<10240x128xf32, #tpu.memory_space<vmem_shared>> -> memref<10240x128xf32, #tpu.memory_space<vmem_shared>>
        tpu.wait_indirect_dma semaphore(%arg42 : memref<!tpu.dma_semaphore, #tpu.memory_space<semaphore_mem>>) src(%arg23 : memref<32x128xf32, #tpu.memory_space<vmem>>) dst(%dma_wait3A_256 : memref<10240x128xf32, #tpu.memory_space<vmem_shared>>)
        %lt3A_257 = arith.constant 124 : i32
        %lt3A_258 = arith.cmpi slt, %scan3A_143, %lt3A_257 : i32
        %convert_element_type3A_259 = arith.extui %lt3A_258 : i1 to i32
        %cond3A_260 = arith.constant 0 : i32
        %cond3A_261 = arith.cmpi ne, %convert_element_type3A_259, %cond3A_260 : i32
        scf.if %cond3A_261 {
          %add3A_286 = arith.constant 1 : i32
          %add3A_287 = arith.addi %scan3A_143, %add3A_286 : i32
          %mul3A_288 = arith.constant 5 : i32
          %mul3A_289 = arith.muli %add3A_287, %mul3A_288 : i32
          %add3A_290 = arith.constant 1 : i32
          %add3A_291 = arith.addi %mul3A_289, %add3A_290 : i32
          %mul3A_292 = arith.constant 32 : i32
          %mul3A_293 = arith.muli %add3A_291, %mul3A_292 : i32
          %add3A_294 = arith.addi %mul3A_100, %mul3A_293 : i32
          %dma_start3A_295 = tpu.memref_slice %arg6[%add3A_294] : memref<320000xi32, #tpu.memory_space<hbm>> -> memref<32xi32, #tpu.memory_space<hbm>>
          %dma_start3A_296 = tpu.memref_slice %arg6[%add3A_294] : memref<320000xi32, #tpu.memory_space<hbm>> -> memref<32xi32, #tpu.memory_space<hbm>>
          tpu.enqueue_dma source(%dma_start3A_296 : memref<32xi32, #tpu.memory_space<hbm>>) target(%arg13 : memref<32xi32, #tpu.memory_space<vmem>>) target_semaphore(%arg32 : memref<!tpu.dma_semaphore, #tpu.memory_space<semaphore_mem>>)
          %dma_start3A_297 = tpu.memref_slice %arg7[%add3A_294] : memref<320000xi32, #tpu.memory_space<hbm>> -> memref<32xi32, #tpu.memory_space<hbm>>
          %dma_start3A_298 = tpu.memref_slice %arg7[%add3A_294] : memref<320000xi32, #tpu.memory_space<hbm>> -> memref<32xi32, #tpu.memory_space<hbm>>
          tpu.enqueue_dma source(%dma_start3A_298 : memref<32xi32, #tpu.memory_space<hbm>>) target(%arg18 : memref<32xi32, #tpu.memory_space<vmem>>) target_semaphore(%arg32 : memref<!tpu.dma_semaphore, #tpu.memory_space<semaphore_mem>>)
        } else {
        }
        %dma_wait3A_262 = arith.constant 0 : i32
        %dma_wait3A_263 = arith.constant 0 : i32
        %dma_wait3A_264 = tpu.memref_slice %arg29[%dma_wait3A_262, %dma_wait3A_263] : memref<10240x128xf32, #tpu.memory_space<vmem_shared>> -> memref<10240x128xf32, #tpu.memory_space<vmem_shared>>
        tpu.wait_indirect_dma semaphore(%arg43 : memref<!tpu.dma_semaphore, #tpu.memory_space<semaphore_mem>>) src(%arg24 : memref<32x128xf32, #tpu.memory_space<vmem>>) dst(%dma_wait3A_264 : memref<10240x128xf32, #tpu.memory_space<vmem_shared>>)
        %lt3A_265 = arith.constant 124 : i32
        %lt3A_266 = arith.cmpi slt, %scan3A_143, %lt3A_265 : i32
        %convert_element_type3A_267 = arith.extui %lt3A_266 : i1 to i32
        %cond3A_268 = arith.constant 0 : i32
        %cond3A_269 = arith.cmpi ne, %convert_element_type3A_267, %cond3A_268 : i32
        scf.if %cond3A_269 {
          %add3A_286 = arith.constant 1 : i32
          %add3A_287 = arith.addi %scan3A_143, %add3A_286 : i32
          %mul3A_288 = arith.constant 5 : i32
          %mul3A_289 = arith.muli %add3A_287, %mul3A_288 : i32
          %add3A_290 = arith.constant 2 : i32
          %add3A_291 = arith.addi %mul3A_289, %add3A_290 : i32
          %mul3A_292 = arith.constant 32 : i32
          %mul3A_293 = arith.muli %add3A_291, %mul3A_292 : i32
          %add3A_294 = arith.addi %mul3A_100, %mul3A_293 : i32
          %dma_start3A_295 = tpu.memref_slice %arg6[%add3A_294] : memref<320000xi32, #tpu.memory_space<hbm>> -> memref<32xi32, #tpu.memory_space<hbm>>
          %dma_start3A_296 = tpu.memref_slice %arg6[%add3A_294] : memref<320000xi32, #tpu.memory_space<hbm>> -> memref<32xi32, #tpu.memory_space<hbm>>
          tpu.enqueue_dma source(%dma_start3A_296 : memref<32xi32, #tpu.memory_space<hbm>>) target(%arg14 : memref<32xi32, #tpu.memory_space<vmem>>) target_semaphore(%arg33 : memref<!tpu.dma_semaphore, #tpu.memory_space<semaphore_mem>>)
          %dma_start3A_297 = tpu.memref_slice %arg7[%add3A_294] : memref<320000xi32, #tpu.memory_space<hbm>> -> memref<32xi32, #tpu.memory_space<hbm>>
          %dma_start3A_298 = tpu.memref_slice %arg7[%add3A_294] : memref<320000xi32, #tpu.memory_space<hbm>> -> memref<32xi32, #tpu.memory_space<hbm>>
          tpu.enqueue_dma source(%dma_start3A_298 : memref<32xi32, #tpu.memory_space<hbm>>) target(%arg19 : memref<32xi32, #tpu.memory_space<vmem>>) target_semaphore(%arg33 : memref<!tpu.dma_semaphore, #tpu.memory_space<semaphore_mem>>)
        } else {
        }
        %dma_wait3A_270 = arith.constant 0 : i32
        %dma_wait3A_271 = arith.constant 0 : i32
        %dma_wait3A_272 = tpu.memref_slice %arg29[%dma_wait3A_270, %dma_wait3A_271] : memref<10240x128xf32, #tpu.memory_space<vmem_shared>> -> memref<10240x128xf32, #tpu.memory_space<vmem_shared>>
        tpu.wait_indirect_dma semaphore(%arg44 : memref<!tpu.dma_semaphore, #tpu.memory_space<semaphore_mem>>) src(%arg25 : memref<32x128xf32, #tpu.memory_space<vmem>>) dst(%dma_wait3A_272 : memref<10240x128xf32, #tpu.memory_space<vmem_shared>>)
        %lt3A_273 = arith.constant 124 : i32
        %lt3A_274 = arith.cmpi slt, %scan3A_143, %lt3A_273 : i32
        %convert_element_type3A_275 = arith.extui %lt3A_274 : i1 to i32
        %cond3A_276 = arith.constant 0 : i32
        %cond3A_277 = arith.cmpi ne, %convert_element_type3A_275, %cond3A_276 : i32
        scf.if %cond3A_277 {
          %add3A_286 = arith.constant 1 : i32
          %add3A_287 = arith.addi %scan3A_143, %add3A_286 : i32
          %mul3A_288 = arith.constant 5 : i32
          %mul3A_289 = arith.muli %add3A_287, %mul3A_288 : i32
          %add3A_290 = arith.constant 3 : i32
          %add3A_291 = arith.addi %mul3A_289, %add3A_290 : i32
          %mul3A_292 = arith.constant 32 : i32
          %mul3A_293 = arith.muli %add3A_291, %mul3A_292 : i32
          %add3A_294 = arith.addi %mul3A_100, %mul3A_293 : i32
          %dma_start3A_295 = tpu.memref_slice %arg6[%add3A_294] : memref<320000xi32, #tpu.memory_space<hbm>> -> memref<32xi32, #tpu.memory_space<hbm>>
          %dma_start3A_296 = tpu.memref_slice %arg6[%add3A_294] : memref<320000xi32, #tpu.memory_space<hbm>> -> memref<32xi32, #tpu.memory_space<hbm>>
          tpu.enqueue_dma source(%dma_start3A_296 : memref<32xi32, #tpu.memory_space<hbm>>) target(%arg15 : memref<32xi32, #tpu.memory_space<vmem>>) target_semaphore(%arg34 : memref<!tpu.dma_semaphore, #tpu.memory_space<semaphore_mem>>)
          %dma_start3A_297 = tpu.memref_slice %arg7[%add3A_294] : memref<320000xi32, #tpu.memory_space<hbm>> -> memref<32xi32, #tpu.memory_space<hbm>>
          %dma_start3A_298 = tpu.memref_slice %arg7[%add3A_294] : memref<320000xi32, #tpu.memory_space<hbm>> -> memref<32xi32, #tpu.memory_space<hbm>>
          tpu.enqueue_dma source(%dma_start3A_298 : memref<32xi32, #tpu.memory_space<hbm>>) target(%arg20 : memref<32xi32, #tpu.memory_space<vmem>>) target_semaphore(%arg34 : memref<!tpu.dma_semaphore, #tpu.memory_space<semaphore_mem>>)
        } else {
        }
        %dma_wait3A_278 = arith.constant 0 : i32
        %dma_wait3A_279 = arith.constant 0 : i32
        %dma_wait3A_280 = tpu.memref_slice %arg29[%dma_wait3A_278, %dma_wait3A_279] : memref<10240x128xf32, #tpu.memory_space<vmem_shared>> -> memref<10240x128xf32, #tpu.memory_space<vmem_shared>>
        tpu.wait_indirect_dma semaphore(%arg45 : memref<!tpu.dma_semaphore, #tpu.memory_space<semaphore_mem>>) src(%arg26 : memref<32x128xf32, #tpu.memory_space<vmem>>) dst(%dma_wait3A_280 : memref<10240x128xf32, #tpu.memory_space<vmem_shared>>)
        %lt3A_281 = arith.constant 124 : i32
        %lt3A_282 = arith.cmpi slt, %scan3A_143, %lt3A_281 : i32
        %convert_element_type3A_283 = arith.extui %lt3A_282 : i1 to i32
        %cond3A_284 = arith.constant 0 : i32
        %cond3A_285 = arith.cmpi ne, %convert_element_type3A_283, %cond3A_284 : i32
        scf.if %cond3A_285 {
          %add3A_286 = arith.constant 1 : i32
          %add3A_287 = arith.addi %scan3A_143, %add3A_286 : i32
          %mul3A_288 = arith.constant 5 : i32
          %mul3A_289 = arith.muli %add3A_287, %mul3A_288 : i32
          %add3A_290 = arith.constant 4 : i32
          %add3A_291 = arith.addi %mul3A_289, %add3A_290 : i32
          %mul3A_292 = arith.constant 32 : i32
          %mul3A_293 = arith.muli %add3A_291, %mul3A_292 : i32
          %add3A_294 = arith.addi %mul3A_100, %mul3A_293 : i32
          %dma_start3A_295 = tpu.memref_slice %arg6[%add3A_294] : memref<320000xi32, #tpu.memory_space<hbm>> -> memref<32xi32, #tpu.memory_space<hbm>>
          %dma_start3A_296 = tpu.memref_slice %arg6[%add3A_294] : memref<320000xi32, #tpu.memory_space<hbm>> -> memref<32xi32, #tpu.memory_space<hbm>>
          tpu.enqueue_dma source(%dma_start3A_296 : memref<32xi32, #tpu.memory_space<hbm>>) target(%arg16 : memref<32xi32, #tpu.memory_space<vmem>>) target_semaphore(%arg35 : memref<!tpu.dma_semaphore, #tpu.memory_space<semaphore_mem>>)
          %dma_start3A_297 = tpu.memref_slice %arg7[%add3A_294] : memref<320000xi32, #tpu.memory_space<hbm>> -> memref<32xi32, #tpu.memory_space<hbm>>
          %dma_start3A_298 = tpu.memref_slice %arg7[%add3A_294] : memref<320000xi32, #tpu.memory_space<hbm>> -> memref<32xi32, #tpu.memory_space<hbm>>
          tpu.enqueue_dma source(%dma_start3A_298 : memref<32xi32, #tpu.memory_space<hbm>>) target(%arg21 : memref<32xi32, #tpu.memory_space<vmem>>) target_semaphore(%arg35 : memref<!tpu.dma_semaphore, #tpu.memory_space<semaphore_mem>>)
        } else {
        }
      }
      %scan3A_135 = arith.constant 125 : i32
      %mul3A_136 = arith.constant 10240 : i32
      %mul3A_137 = arith.muli %arg1, %mul3A_136 : i32
      "tpu.region"() ({
        %run_scoped3A = tpu.sem_alloc : memref<!tpu.dma_semaphore, #tpu.memory_space<semaphore_mem>>
        %dma_start3A_143 = tpu.memref_slice %arg11[%mul3A_137] : memref<163840xf32, #tpu.memory_space<hbm>> -> memref<10240xf32, #tpu.memory_space<hbm>>
        %dma_start3A_144 = tpu.memref_slice %arg11[%mul3A_137] : memref<163840xf32, #tpu.memory_space<hbm>> -> memref<10240xf32, #tpu.memory_space<hbm>>
        tpu.enqueue_dma source(%arg30 : memref<10240xf32, #tpu.memory_space<vmem>>) target(%dma_start3A_144 : memref<10240xf32, #tpu.memory_space<hbm>>) target_semaphore(%run_scoped3A : memref<!tpu.dma_semaphore, #tpu.memory_space<semaphore_mem>>)
        %dma_wait3A = tpu.memref_slice %arg11[%mul3A_137] : memref<163840xf32, #tpu.memory_space<hbm>> -> memref<10240xf32, #tpu.memory_space<hbm>>
        %dma_wait3A_145 = tpu.memref_slice %arg11[%mul3A_137] : memref<163840xf32, #tpu.memory_space<hbm>> -> memref<10240xf32, #tpu.memory_space<hbm>>
        tpu.wait_dma2 semaphore(%run_scoped3A : memref<!tpu.dma_semaphore, #tpu.memory_space<semaphore_mem>>) src(%arg30 : memref<10240xf32, #tpu.memory_space<vmem>>) dst(%dma_wait3A_145 : memref<10240xf32, #tpu.memory_space<hbm>>)
        tpu.yield
      }) : () -> ()
      %barrier3A_138 = arith.constant 0 : index
      tpu.barrier barrier_id(%barrier3A_138)
      %mul3A_139 = arith.constant 640 : i32
      %mul3A_140 = arith.muli %arg1, %mul3A_139 : i32
      %mul3A_141 = arith.constant 640 : i32
      %mul3A_142 = arith.muli %arg1, %mul3A_141 : i32
      "tpu.region"() ({
        %run_scoped3A = tpu.sem_alloc : memref<!tpu.dma_semaphore, #tpu.memory_space<semaphore_mem>>
        %dma_start3A_143 = arith.constant 0 : i32
        %dma_start3A_144 = tpu.memref_slice %arg9[%mul3A_142, %dma_start3A_143] : memref<10240x128xf32, #tpu.memory_space<hbm>> -> memref<640x128xf32, #tpu.memory_space<hbm>>
        %dma_start3A_145 = arith.constant 0 : i32
        %dma_start3A_146 = tpu.memref_slice %arg29[%mul3A_140, %dma_start3A_145] : memref<10240x128xf32, #tpu.memory_space<vmem_shared>> -> memref<640x128xf32, #tpu.memory_space<vmem_shared>>
        tpu.enqueue_dma source(%dma_start3A_146 : memref<640x128xf32, #tpu.memory_space<vmem_shared>>) target(%dma_start3A_144 : memref<640x128xf32, #tpu.memory_space<hbm>>) target_semaphore(%run_scoped3A : memref<!tpu.dma_semaphore, #tpu.memory_space<semaphore_mem>>)
        %dma_wait3A = arith.constant 0 : i32
        %dma_wait3A_147 = tpu.memref_slice %arg9[%mul3A_142, %dma_wait3A] : memref<10240x128xf32, #tpu.memory_space<hbm>> -> memref<640x128xf32, #tpu.memory_space<hbm>>
        %dma_wait3A_148 = arith.constant 0 : i32
        %dma_wait3A_149 = tpu.memref_slice %arg29[%mul3A_140, %dma_wait3A_148] : memref<10240x128xf32, #tpu.memory_space<vmem_shared>> -> memref<640x128xf32, #tpu.memory_space<vmem_shared>>
        tpu.wait_dma2 semaphore(%run_scoped3A : memref<!tpu.dma_semaphore, #tpu.memory_space<semaphore_mem>>) src(%dma_wait3A_149 : memref<640x128xf32, #tpu.memory_space<vmem_shared>>) dst(%dma_wait3A_147 : memref<640x128xf32, #tpu.memory_space<hbm>>)
        tpu.yield
      }) : () -> ()
    } else {
    }
    return
  }
}

#map = affine_map<(d0, d1) -> (0, 0)>
#map1 = affine_map<(d0, d1) -> (0)>
module attributes {stable_mosaic.version = 14 : i64} {
  func.func @_seg_body(%arg0: i32, %arg1: i32, %arg2: memref<10000x128xf32, #tpu.memory_space<hbm>>, %arg3: memref<10000x128xf32, #tpu.memory_space<hbm>>, %arg4: memref<320000xi32, #tpu.memory_space<hbm>>, %arg5: memref<320000xi32, #tpu.memory_space<hbm>>, %arg6: memref<320000xi32, #tpu.memory_space<hbm>>, %arg7: memref<320000xi32, #tpu.memory_space<hbm>>, %arg8: memref<10240x128xf32, #tpu.memory_space<hbm>>, %arg9: memref<10240x128xf32, #tpu.memory_space<hbm>>, %arg10: memref<32xi32, #tpu.memory_space<vmem>>, %arg11: memref<32xi32, #tpu.memory_space<vmem>>, %arg12: memref<32xi32, #tpu.memory_space<vmem>>, %arg13: memref<32xi32, #tpu.memory_space<vmem>>, %arg14: memref<32xi32, #tpu.memory_space<vmem>>, %arg15: memref<32xi32, #tpu.memory_space<vmem>>, %arg16: memref<32xi32, #tpu.memory_space<vmem>>, %arg17: memref<32xi32, #tpu.memory_space<vmem>>, %arg18: memref<32xi32, #tpu.memory_space<vmem>>, %arg19: memref<32xi32, #tpu.memory_space<vmem>>, %arg20: memref<32x128xf32, #tpu.memory_space<vmem>>, %arg21: memref<32x128xf32, #tpu.memory_space<vmem>>, %arg22: memref<32x128xf32, #tpu.memory_space<vmem>>, %arg23: memref<32x128xf32, #tpu.memory_space<vmem>>, %arg24: memref<32x128xf32, #tpu.memory_space<vmem>>, %arg25: memref<0xi32, #tpu.memory_space<vmem>>, %arg26: memref<0xi32, #tpu.memory_space<vmem>>, %arg27: memref<10240x128xf32, #tpu.memory_space<vmem_shared>>, %arg28: memref<!tpu.dma_semaphore, #tpu.memory_space<semaphore_mem>>, %arg29: memref<!tpu.dma_semaphore, #tpu.memory_space<semaphore_mem>>, %arg30: memref<!tpu.dma_semaphore, #tpu.memory_space<semaphore_mem>>, %arg31: memref<!tpu.dma_semaphore, #tpu.memory_space<semaphore_mem>>, %arg32: memref<!tpu.dma_semaphore, #tpu.memory_space<semaphore_mem>>, %arg33: memref<!tpu.dma_semaphore, #tpu.memory_space<semaphore_mem>>, %arg34: memref<!tpu.dma_semaphore, #tpu.memory_space<semaphore_mem>>, %arg35: memref<!tpu.dma_semaphore, #tpu.memory_space<semaphore_mem>>, %arg36: memref<!tpu.dma_semaphore, #tpu.memory_space<semaphore_mem>>, %arg37: memref<!tpu.dma_semaphore, #tpu.memory_space<semaphore_mem>>, %arg38: memref<!tpu.dma_semaphore, #tpu.memory_space<semaphore_mem>>, %arg39: memref<!tpu.dma_semaphore, #tpu.memory_space<semaphore_mem>>, %arg40: memref<!tpu.dma_semaphore, #tpu.memory_space<semaphore_mem>>, %arg41: memref<!tpu.dma_semaphore, #tpu.memory_space<semaphore_mem>>, %arg42: memref<!tpu.dma_semaphore, #tpu.memory_space<semaphore_mem>>, %arg43: memref<!tpu.dma_semaphore, #tpu.memory_space<semaphore_mem>>) attributes {dimension_semantics = [#tpu.dimension_semantics<core_parallel>, #tpu.dimension_semantics<subcore_parallel>], iteration_bounds = array<i64: 2, 16>, scalar_prefetch = 0 : i64, scratch_operands = 34 : i64, tpu.core_type = #tpu.core_type<sc_vector_subcore>, window_params = [{transform_indices = #map}, {transform_indices = #map}, {transform_indices = #map1}, {transform_indices = #map1}, {transform_indices = #map1}, {transform_indices = #map1}, {transform_indices = #map}, {transform_indices = #map}]} {
    %broadcast_in_dim3A = arith.constant 0.000000e+00 : f32
    %broadcast_in_dim3A_0 = vector.broadcast %broadcast_in_dim3A : f32 to vector<16xf32>
    %broadcast_in_dim3A_1 = arith.constant 1.000000e+00 : f32
    %broadcast_in_dim3A_2 = vector.broadcast %broadcast_in_dim3A_1 : f32 to vector<16xf32>
    %scan3A = arith.constant 0 : i32
    %scan3A_3 = arith.constant 0 : i32
    %scan3A_4 = arith.constant 32 : i32
    %scan3A_5 = arith.addi %scan3A_3, %scan3A_4 : i32
    %scan3A_6 = arith.constant 1 : i32
    scf.for %scan3A_15 = %scan3A_3 to %scan3A_5 step %scan3A_6  : i32 {
      %swap3A = arith.index_cast %scan3A_15 : i32 to index
      %swap3A_16 = arith.constant 0 : index
      %swap3A_17 = tpu.vector_load %arg20[%swap3A, %swap3A_16] {strides = array<i32>} : memref<32x128xf32, #tpu.memory_space<vmem>>, vector<16xf32>,
      tpu.vector_store %arg20[%swap3A, %swap3A_16], %broadcast_in_dim3A_0 {strides = array<i32>} : memref<32x128xf32, #tpu.memory_space<vmem>>, vector<16xf32>,
      %swap3A_18 = arith.index_cast %scan3A_15 : i32 to index
      %swap3A_19 = arith.constant 16 : index
      %swap3A_20 = tpu.vector_load %arg20[%swap3A_18, %swap3A_19] {strides = array<i32>} : memref<32x128xf32, #tpu.memory_space<vmem>>, vector<16xf32>,
      tpu.vector_store %arg20[%swap3A_18, %swap3A_19], %broadcast_in_dim3A_0 {strides = array<i32>} : memref<32x128xf32, #tpu.memory_space<vmem>>, vector<16xf32>,
      %swap3A_21 = arith.index_cast %scan3A_15 : i32 to index
      %swap3A_22 = arith.constant 32 : index
      %swap3A_23 = tpu.vector_load %arg20[%swap3A_21, %swap3A_22] {strides = array<i32>} : memref<32x128xf32, #tpu.memory_space<vmem>>, vector<16xf32>,
      tpu.vector_store %arg20[%swap3A_21, %swap3A_22], %broadcast_in_dim3A_0 {strides = array<i32>} : memref<32x128xf32, #tpu.memory_space<vmem>>, vector<16xf32>,
      %swap3A_24 = arith.index_cast %scan3A_15 : i32 to index
      %swap3A_25 = arith.constant 48 : index
      %swap3A_26 = tpu.vector_load %arg20[%swap3A_24, %swap3A_25] {strides = array<i32>} : memref<32x128xf32, #tpu.memory_space<vmem>>, vector<16xf32>,
      tpu.vector_store %arg20[%swap3A_24, %swap3A_25], %broadcast_in_dim3A_0 {strides = array<i32>} : memref<32x128xf32, #tpu.memory_space<vmem>>, vector<16xf32>,
      %swap3A_27 = arith.index_cast %scan3A_15 : i32 to index
      %swap3A_28 = arith.constant 64 : index
      %swap3A_29 = tpu.vector_load %arg20[%swap3A_27, %swap3A_28] {strides = array<i32>} : memref<32x128xf32, #tpu.memory_space<vmem>>, vector<16xf32>,
      tpu.vector_store %arg20[%swap3A_27, %swap3A_28], %broadcast_in_dim3A_0 {strides = array<i32>} : memref<32x128xf32, #tpu.memory_space<vmem>>, vector<16xf32>,
      %swap3A_30 = arith.index_cast %scan3A_15 : i32 to index
      %swap3A_31 = arith.constant 80 : index
      %swap3A_32 = tpu.vector_load %arg20[%swap3A_30, %swap3A_31] {strides = array<i32>} : memref<32x128xf32, #tpu.memory_space<vmem>>, vector<16xf32>,
      tpu.vector_store %arg20[%swap3A_30, %swap3A_31], %broadcast_in_dim3A_0 {strides = array<i32>} : memref<32x128xf32, #tpu.memory_space<vmem>>, vector<16xf32>,
      %swap3A_33 = arith.index_cast %scan3A_15 : i32 to index
      %swap3A_34 = arith.constant 96 : index
      %swap3A_35 = tpu.vector_load %arg20[%swap3A_33, %swap3A_34] {strides = array<i32>} : memref<32x128xf32, #tpu.memory_space<vmem>>, vector<16xf32>,
      tpu.vector_store %arg20[%swap3A_33, %swap3A_34], %broadcast_in_dim3A_0 {strides = array<i32>} : memref<32x128xf32, #tpu.memory_space<vmem>>, vector<16xf32>,
      %swap3A_36 = arith.index_cast %scan3A_15 : i32 to index
      %swap3A_37 = arith.constant 112 : index
      %swap3A_38 = tpu.vector_load %arg20[%swap3A_36, %swap3A_37] {strides = array<i32>} : memref<32x128xf32, #tpu.memory_space<vmem>>, vector<16xf32>,
      tpu.vector_store %arg20[%swap3A_36, %swap3A_37], %broadcast_in_dim3A_0 {strides = array<i32>} : memref<32x128xf32, #tpu.memory_space<vmem>>, vector<16xf32>,
    }
    %scan3A_7 = arith.constant 32 : i32
    %eq3A = arith.constant 0 : i32
    %eq3A_8 = arith.cmpi eq, %arg0, %eq3A : i32
    %convert_element_type3A = arith.extui %eq3A_8 : i1 to i32
    %cond3A = arith.constant 0 : i32
    %cond3A_9 = arith.cmpi ne, %convert_element_type3A, %cond3A : i32
    scf.if %cond3A_9 {
      %mul3A = arith.constant 640 : i32
      %mul3A_15 = arith.muli %arg1, %mul3A : i32
      %add3A = arith.constant 0 : i32
      %add3A_16 = arith.addi %mul3A_15, %add3A : i32
      "tpu.region"() ({
        %run_scoped3A = tpu.sem_alloc : memref<!tpu.dma_semaphore, #tpu.memory_space<semaphore_mem>>
        %dma_start3A_135 = arith.constant 0 : i32
        %dma_start3A_136 = tpu.memref_slice %arg27[%add3A_16, %dma_start3A_135] : memref<10240x128xf32, #tpu.memory_space<vmem_shared>> -> memref<32x128xf32, #tpu.memory_space<vmem_shared>>
        %dma_start3A_137 = arith.constant 0 : i32
        %dma_start3A_138 = tpu.memref_slice %arg27[%add3A_16, %dma_start3A_137] : memref<10240x128xf32, #tpu.memory_space<vmem_shared>> -> memref<32x128xf32, #tpu.memory_space<vmem_shared>>
        tpu.enqueue_dma source(%arg20 : memref<32x128xf32, #tpu.memory_space<vmem>>) target(%dma_start3A_138 : memref<32x128xf32, #tpu.memory_space<vmem_shared>>) target_semaphore(%run_scoped3A : memref<!tpu.dma_semaphore, #tpu.memory_space<semaphore_mem>>)
        %dma_wait3A = arith.constant 0 : i32
        %dma_wait3A_139 = tpu.memref_slice %arg27[%add3A_16, %dma_wait3A] : memref<10240x128xf32, #tpu.memory_space<vmem_shared>> -> memref<32x128xf32, #tpu.memory_space<vmem_shared>>
        %dma_wait3A_140 = arith.constant 0 : i32
        %dma_wait3A_141 = tpu.memref_slice %arg27[%add3A_16, %dma_wait3A_140] : memref<10240x128xf32, #tpu.memory_space<vmem_shared>> -> memref<32x128xf32, #tpu.memory_space<vmem_shared>>
        tpu.wait_dma2 semaphore(%run_scoped3A : memref<!tpu.dma_semaphore, #tpu.memory_space<semaphore_mem>>) src(%arg20 : memref<32x128xf32, #tpu.memory_space<vmem>>) dst(%dma_wait3A_141 : memref<32x128xf32, #tpu.memory_space<vmem_shared>>)
        tpu.yield
      }) : () -> ()
      %mul3A_17 = arith.constant 640 : i32
      %mul3A_18 = arith.muli %arg1, %mul3A_17 : i32
      %add3A_19 = arith.constant 32 : i32
      %add3A_20 = arith.addi %mul3A_18, %add3A_19 : i32
      "tpu.region"() ({
        %run_scoped3A = tpu.sem_alloc : memref<!tpu.dma_semaphore, #tpu.memory_space<semaphore_mem>>
        %dma_start3A_135 = arith.constant 0 : i32
        %dma_start3A_136 = tpu.memref_slice %arg27[%add3A_20, %dma_start3A_135] : memref<10240x128xf32, #tpu.memory_space<vmem_shared>> -> memref<32x128xf32, #tpu.memory_space<vmem_shared>>
        %dma_start3A_137 = arith.constant 0 : i32
        %dma_start3A_138 = tpu.memref_slice %arg27[%add3A_20, %dma_start3A_137] : memref<10240x128xf32, #tpu.memory_space<vmem_shared>> -> memref<32x128xf32, #tpu.memory_space<vmem_shared>>
        tpu.enqueue_dma source(%arg20 : memref<32x128xf32, #tpu.memory_space<vmem>>) target(%dma_start3A_138 : memref<32x128xf32, #tpu.memory_space<vmem_shared>>) target_semaphore(%run_scoped3A : memref<!tpu.dma_semaphore, #tpu.memory_space<semaphore_mem>>)
        %dma_wait3A = arith.constant 0 : i32
        %dma_wait3A_139 = tpu.memref_slice %arg27[%add3A_20, %dma_wait3A] : memref<10240x128xf32, #tpu.memory_space<vmem_shared>> -> memref<32x128xf32, #tpu.memory_space<vmem_shared>>
        %dma_wait3A_140 = arith.constant 0 : i32
        %dma_wait3A_141 = tpu.memref_slice %arg27[%add3A_20, %dma_wait3A_140] : memref<10240x128xf32, #tpu.memory_space<vmem_shared>> -> memref<32x128xf32, #tpu.memory_space<vmem_shared>>
        tpu.wait_dma2 semaphore(%run_scoped3A : memref<!tpu.dma_semaphore, #tpu.memory_space<semaphore_mem>>) src(%arg20 : memref<32x128xf32, #tpu.memory_space<vmem>>) dst(%dma_wait3A_141 : memref<32x128xf32, #tpu.memory_space<vmem_shared>>)
        tpu.yield
      }) : () -> ()
      %mul3A_21 = arith.constant 640 : i32
      %mul3A_22 = arith.muli %arg1, %mul3A_21 : i32
      %add3A_23 = arith.constant 64 : i32
      %add3A_24 = arith.addi %mul3A_22, %add3A_23 : i32
      "tpu.region"() ({
        %run_scoped3A = tpu.sem_alloc : memref<!tpu.dma_semaphore, #tpu.memory_space<semaphore_mem>>
        %dma_start3A_135 = arith.constant 0 : i32
        %dma_start3A_136 = tpu.memref_slice %arg27[%add3A_24, %dma_start3A_135] : memref<10240x128xf32, #tpu.memory_space<vmem_shared>> -> memref<32x128xf32, #tpu.memory_space<vmem_shared>>
        %dma_start3A_137 = arith.constant 0 : i32
        %dma_start3A_138 = tpu.memref_slice %arg27[%add3A_24, %dma_start3A_137] : memref<10240x128xf32, #tpu.memory_space<vmem_shared>> -> memref<32x128xf32, #tpu.memory_space<vmem_shared>>
        tpu.enqueue_dma source(%arg20 : memref<32x128xf32, #tpu.memory_space<vmem>>) target(%dma_start3A_138 : memref<32x128xf32, #tpu.memory_space<vmem_shared>>) target_semaphore(%run_scoped3A : memref<!tpu.dma_semaphore, #tpu.memory_space<semaphore_mem>>)
        %dma_wait3A = arith.constant 0 : i32
        %dma_wait3A_139 = tpu.memref_slice %arg27[%add3A_24, %dma_wait3A] : memref<10240x128xf32, #tpu.memory_space<vmem_shared>> -> memref<32x128xf32, #tpu.memory_space<vmem_shared>>
        %dma_wait3A_140 = arith.constant 0 : i32
        %dma_wait3A_141 = tpu.memref_slice %arg27[%add3A_24, %dma_wait3A_140] : memref<10240x128xf32, #tpu.memory_space<vmem_shared>> -> memref<32x128xf32, #tpu.memory_space<vmem_shared>>
        tpu.wait_dma2 semaphore(%run_scoped3A : memref<!tpu.dma_semaphore, #tpu.memory_space<semaphore_mem>>) src(%arg20 : memref<32x128xf32, #tpu.memory_space<vmem>>) dst(%dma_wait3A_141 : memref<32x128xf32, #tpu.memory_space<vmem_shared>>)
        tpu.yield
      }) : () -> ()
      %mul3A_25 = arith.constant 640 : i32
      %mul3A_26 = arith.muli %arg1, %mul3A_25 : i32
      %add3A_27 = arith.constant 96 : i32
      %add3A_28 = arith.addi %mul3A_26, %add3A_27 : i32
      "tpu.region"() ({
        %run_scoped3A = tpu.sem_alloc : memref<!tpu.dma_semaphore, #tpu.memory_space<semaphore_mem>>
        %dma_start3A_135 = arith.constant 0 : i32
        %dma_start3A_136 = tpu.memref_slice %arg27[%add3A_28, %dma_start3A_135] : memref<10240x128xf32, #tpu.memory_space<vmem_shared>> -> memref<32x128xf32, #tpu.memory_space<vmem_shared>>
        %dma_start3A_137 = arith.constant 0 : i32
        %dma_start3A_138 = tpu.memref_slice %arg27[%add3A_28, %dma_start3A_137] : memref<10240x128xf32, #tpu.memory_space<vmem_shared>> -> memref<32x128xf32, #tpu.memory_space<vmem_shared>>
        tpu.enqueue_dma source(%arg20 : memref<32x128xf32, #tpu.memory_space<vmem>>) target(%dma_start3A_138 : memref<32x128xf32, #tpu.memory_space<vmem_shared>>) target_semaphore(%run_scoped3A : memref<!tpu.dma_semaphore, #tpu.memory_space<semaphore_mem>>)
        %dma_wait3A = arith.constant 0 : i32
        %dma_wait3A_139 = tpu.memref_slice %arg27[%add3A_28, %dma_wait3A] : memref<10240x128xf32, #tpu.memory_space<vmem_shared>> -> memref<32x128xf32, #tpu.memory_space<vmem_shared>>
        %dma_wait3A_140 = arith.constant 0 : i32
        %dma_wait3A_141 = tpu.memref_slice %arg27[%add3A_28, %dma_wait3A_140] : memref<10240x128xf32, #tpu.memory_space<vmem_shared>> -> memref<32x128xf32, #tpu.memory_space<vmem_shared>>
        tpu.wait_dma2 semaphore(%run_scoped3A : memref<!tpu.dma_semaphore, #tpu.memory_space<semaphore_mem>>) src(%arg20 : memref<32x128xf32, #tpu.memory_space<vmem>>) dst(%dma_wait3A_141 : memref<32x128xf32, #tpu.memory_space<vmem_shared>>)
        tpu.yield
      }) : () -> ()
      %mul3A_29 = arith.constant 640 : i32
      %mul3A_30 = arith.muli %arg1, %mul3A_29 : i32
      %add3A_31 = arith.constant 128 : i32
      %add3A_32 = arith.addi %mul3A_30, %add3A_31 : i32
      "tpu.region"() ({
        %run_scoped3A = tpu.sem_alloc : memref<!tpu.dma_semaphore, #tpu.memory_space<semaphore_mem>>
        %dma_start3A_135 = arith.constant 0 : i32
        %dma_start3A_136 = tpu.memref_slice %arg27[%add3A_32, %dma_start3A_135] : memref<10240x128xf32, #tpu.memory_space<vmem_shared>> -> memref<32x128xf32, #tpu.memory_space<vmem_shared>>
        %dma_start3A_137 = arith.constant 0 : i32
        %dma_start3A_138 = tpu.memref_slice %arg27[%add3A_32, %dma_start3A_137] : memref<10240x128xf32, #tpu.memory_space<vmem_shared>> -> memref<32x128xf32, #tpu.memory_space<vmem_shared>>
        tpu.enqueue_dma source(%arg20 : memref<32x128xf32, #tpu.memory_space<vmem>>) target(%dma_start3A_138 : memref<32x128xf32, #tpu.memory_space<vmem_shared>>) target_semaphore(%run_scoped3A : memref<!tpu.dma_semaphore, #tpu.memory_space<semaphore_mem>>)
        %dma_wait3A = arith.constant 0 : i32
        %dma_wait3A_139 = tpu.memref_slice %arg27[%add3A_32, %dma_wait3A] : memref<10240x128xf32, #tpu.memory_space<vmem_shared>> -> memref<32x128xf32, #tpu.memory_space<vmem_shared>>
        %dma_wait3A_140 = arith.constant 0 : i32
        %dma_wait3A_141 = tpu.memref_slice %arg27[%add3A_32, %dma_wait3A_140] : memref<10240x128xf32, #tpu.memory_space<vmem_shared>> -> memref<32x128xf32, #tpu.memory_space<vmem_shared>>
        tpu.wait_dma2 semaphore(%run_scoped3A : memref<!tpu.dma_semaphore, #tpu.memory_space<semaphore_mem>>) src(%arg20 : memref<32x128xf32, #tpu.memory_space<vmem>>) dst(%dma_wait3A_141 : memref<32x128xf32, #tpu.memory_space<vmem_shared>>)
        tpu.yield
      }) : () -> ()
      %mul3A_33 = arith.constant 640 : i32
      %mul3A_34 = arith.muli %arg1, %mul3A_33 : i32
      %add3A_35 = arith.constant 160 : i32
      %add3A_36 = arith.addi %mul3A_34, %add3A_35 : i32
      "tpu.region"() ({
        %run_scoped3A = tpu.sem_alloc : memref<!tpu.dma_semaphore, #tpu.memory_space<semaphore_mem>>
        %dma_start3A_135 = arith.constant 0 : i32
        %dma_start3A_136 = tpu.memref_slice %arg27[%add3A_36, %dma_start3A_135] : memref<10240x128xf32, #tpu.memory_space<vmem_shared>> -> memref<32x128xf32, #tpu.memory_space<vmem_shared>>
        %dma_start3A_137 = arith.constant 0 : i32
        %dma_start3A_138 = tpu.memref_slice %arg27[%add3A_36, %dma_start3A_137] : memref<10240x128xf32, #tpu.memory_space<vmem_shared>> -> memref<32x128xf32, #tpu.memory_space<vmem_shared>>
        tpu.enqueue_dma source(%arg20 : memref<32x128xf32, #tpu.memory_space<vmem>>) target(%dma_start3A_138 : memref<32x128xf32, #tpu.memory_space<vmem_shared>>) target_semaphore(%run_scoped3A : memref<!tpu.dma_semaphore, #tpu.memory_space<semaphore_mem>>)
        %dma_wait3A = arith.constant 0 : i32
        %dma_wait3A_139 = tpu.memref_slice %arg27[%add3A_36, %dma_wait3A] : memref<10240x128xf32, #tpu.memory_space<vmem_shared>> -> memref<32x128xf32, #tpu.memory_space<vmem_shared>>
        %dma_wait3A_140 = arith.constant 0 : i32
        %dma_wait3A_141 = tpu.memref_slice %arg27[%add3A_36, %dma_wait3A_140] : memref<10240x128xf32, #tpu.memory_space<vmem_shared>> -> memref<32x128xf32, #tpu.memory_space<vmem_shared>>
        tpu.wait_dma2 semaphore(%run_scoped3A : memref<!tpu.dma_semaphore, #tpu.memory_space<semaphore_mem>>) src(%arg20 : memref<32x128xf32, #tpu.memory_space<vmem>>) dst(%dma_wait3A_141 : memref<32x128xf32, #tpu.memory_space<vmem_shared>>)
        tpu.yield
      }) : () -> ()
      %mul3A_37 = arith.constant 640 : i32
      %mul3A_38 = arith.muli %arg1, %mul3A_37 : i32
      %add3A_39 = arith.constant 192 : i32
      %add3A_40 = arith.addi %mul3A_38, %add3A_39 : i32
      "tpu.region"() ({
        %run_scoped3A = tpu.sem_alloc : memref<!tpu.dma_semaphore, #tpu.memory_space<semaphore_mem>>
        %dma_start3A_135 = arith.constant 0 : i32
        %dma_start3A_136 = tpu.memref_slice %arg27[%add3A_40, %dma_start3A_135] : memref<10240x128xf32, #tpu.memory_space<vmem_shared>> -> memref<32x128xf32, #tpu.memory_space<vmem_shared>>
        %dma_start3A_137 = arith.constant 0 : i32
        %dma_start3A_138 = tpu.memref_slice %arg27[%add3A_40, %dma_start3A_137] : memref<10240x128xf32, #tpu.memory_space<vmem_shared>> -> memref<32x128xf32, #tpu.memory_space<vmem_shared>>
        tpu.enqueue_dma source(%arg20 : memref<32x128xf32, #tpu.memory_space<vmem>>) target(%dma_start3A_138 : memref<32x128xf32, #tpu.memory_space<vmem_shared>>) target_semaphore(%run_scoped3A : memref<!tpu.dma_semaphore, #tpu.memory_space<semaphore_mem>>)
        %dma_wait3A = arith.constant 0 : i32
        %dma_wait3A_139 = tpu.memref_slice %arg27[%add3A_40, %dma_wait3A] : memref<10240x128xf32, #tpu.memory_space<vmem_shared>> -> memref<32x128xf32, #tpu.memory_space<vmem_shared>>
        %dma_wait3A_140 = arith.constant 0 : i32
        %dma_wait3A_141 = tpu.memref_slice %arg27[%add3A_40, %dma_wait3A_140] : memref<10240x128xf32, #tpu.memory_space<vmem_shared>> -> memref<32x128xf32, #tpu.memory_space<vmem_shared>>
        tpu.wait_dma2 semaphore(%run_scoped3A : memref<!tpu.dma_semaphore, #tpu.memory_space<semaphore_mem>>) src(%arg20 : memref<32x128xf32, #tpu.memory_space<vmem>>) dst(%dma_wait3A_141 : memref<32x128xf32, #tpu.memory_space<vmem_shared>>)
        tpu.yield
      }) : () -> ()
      %mul3A_41 = arith.constant 640 : i32
      %mul3A_42 = arith.muli %arg1, %mul3A_41 : i32
      %add3A_43 = arith.constant 224 : i32
      %add3A_44 = arith.addi %mul3A_42, %add3A_43 : i32
      "tpu.region"() ({
        %run_scoped3A = tpu.sem_alloc : memref<!tpu.dma_semaphore, #tpu.memory_space<semaphore_mem>>
        %dma_start3A_135 = arith.constant 0 : i32
        %dma_start3A_136 = tpu.memref_slice %arg27[%add3A_44, %dma_start3A_135] : memref<10240x128xf32, #tpu.memory_space<vmem_shared>> -> memref<32x128xf32, #tpu.memory_space<vmem_shared>>
        %dma_start3A_137 = arith.constant 0 : i32
        %dma_start3A_138 = tpu.memref_slice %arg27[%add3A_44, %dma_start3A_137] : memref<10240x128xf32, #tpu.memory_space<vmem_shared>> -> memref<32x128xf32, #tpu.memory_space<vmem_shared>>
        tpu.enqueue_dma source(%arg20 : memref<32x128xf32, #tpu.memory_space<vmem>>) target(%dma_start3A_138 : memref<32x128xf32, #tpu.memory_space<vmem_shared>>) target_semaphore(%run_scoped3A : memref<!tpu.dma_semaphore, #tpu.memory_space<semaphore_mem>>)
        %dma_wait3A = arith.constant 0 : i32
        %dma_wait3A_139 = tpu.memref_slice %arg27[%add3A_44, %dma_wait3A] : memref<10240x128xf32, #tpu.memory_space<vmem_shared>> -> memref<32x128xf32, #tpu.memory_space<vmem_shared>>
        %dma_wait3A_140 = arith.constant 0 : i32
        %dma_wait3A_141 = tpu.memref_slice %arg27[%add3A_44, %dma_wait3A_140] : memref<10240x128xf32, #tpu.memory_space<vmem_shared>> -> memref<32x128xf32, #tpu.memory_space<vmem_shared>>
        tpu.wait_dma2 semaphore(%run_scoped3A : memref<!tpu.dma_semaphore, #tpu.memory_space<semaphore_mem>>) src(%arg20 : memref<32x128xf32, #tpu.memory_space<vmem>>) dst(%dma_wait3A_141 : memref<32x128xf32, #tpu.memory_space<vmem_shared>>)
        tpu.yield
      }) : () -> ()
      %mul3A_45 = arith.constant 640 : i32
      %mul3A_46 = arith.muli %arg1, %mul3A_45 : i32
      %add3A_47 = arith.constant 256 : i32
      %add3A_48 = arith.addi %mul3A_46, %add3A_47 : i32
      "tpu.region"() ({
        %run_scoped3A = tpu.sem_alloc : memref<!tpu.dma_semaphore, #tpu.memory_space<semaphore_mem>>
        %dma_start3A_135 = arith.constant 0 : i32
        %dma_start3A_136 = tpu.memref_slice %arg27[%add3A_48, %dma_start3A_135] : memref<10240x128xf32, #tpu.memory_space<vmem_shared>> -> memref<32x128xf32, #tpu.memory_space<vmem_shared>>
        %dma_start3A_137 = arith.constant 0 : i32
        %dma_start3A_138 = tpu.memref_slice %arg27[%add3A_48, %dma_start3A_137] : memref<10240x128xf32, #tpu.memory_space<vmem_shared>> -> memref<32x128xf32, #tpu.memory_space<vmem_shared>>
        tpu.enqueue_dma source(%arg20 : memref<32x128xf32, #tpu.memory_space<vmem>>) target(%dma_start3A_138 : memref<32x128xf32, #tpu.memory_space<vmem_shared>>) target_semaphore(%run_scoped3A : memref<!tpu.dma_semaphore, #tpu.memory_space<semaphore_mem>>)
        %dma_wait3A = arith.constant 0 : i32
        %dma_wait3A_139 = tpu.memref_slice %arg27[%add3A_48, %dma_wait3A] : memref<10240x128xf32, #tpu.memory_space<vmem_shared>> -> memref<32x128xf32, #tpu.memory_space<vmem_shared>>
        %dma_wait3A_140 = arith.constant 0 : i32
        %dma_wait3A_141 = tpu.memref_slice %arg27[%add3A_48, %dma_wait3A_140] : memref<10240x128xf32, #tpu.memory_space<vmem_shared>> -> memref<32x128xf32, #tpu.memory_space<vmem_shared>>
        tpu.wait_dma2 semaphore(%run_scoped3A : memref<!tpu.dma_semaphore, #tpu.memory_space<semaphore_mem>>) src(%arg20 : memref<32x128xf32, #tpu.memory_space<vmem>>) dst(%dma_wait3A_141 : memref<32x128xf32, #tpu.memory_space<vmem_shared>>)
        tpu.yield
      }) : () -> ()
      %mul3A_49 = arith.constant 640 : i32
      %mul3A_50 = arith.muli %arg1, %mul3A_49 : i32
      %add3A_51 = arith.constant 288 : i32
      %add3A_52 = arith.addi %mul3A_50, %add3A_51 : i32
      "tpu.region"() ({
        %run_scoped3A = tpu.sem_alloc : memref<!tpu.dma_semaphore, #tpu.memory_space<semaphore_mem>>
        %dma_start3A_135 = arith.constant 0 : i32
        %dma_start3A_136 = tpu.memref_slice %arg27[%add3A_52, %dma_start3A_135] : memref<10240x128xf32, #tpu.memory_space<vmem_shared>> -> memref<32x128xf32, #tpu.memory_space<vmem_shared>>
        %dma_start3A_137 = arith.constant 0 : i32
        %dma_start3A_138 = tpu.memref_slice %arg27[%add3A_52, %dma_start3A_137] : memref<10240x128xf32, #tpu.memory_space<vmem_shared>> -> memref<32x128xf32, #tpu.memory_space<vmem_shared>>
        tpu.enqueue_dma source(%arg20 : memref<32x128xf32, #tpu.memory_space<vmem>>) target(%dma_start3A_138 : memref<32x128xf32, #tpu.memory_space<vmem_shared>>) target_semaphore(%run_scoped3A : memref<!tpu.dma_semaphore, #tpu.memory_space<semaphore_mem>>)
        %dma_wait3A = arith.constant 0 : i32
        %dma_wait3A_139 = tpu.memref_slice %arg27[%add3A_52, %dma_wait3A] : memref<10240x128xf32, #tpu.memory_space<vmem_shared>> -> memref<32x128xf32, #tpu.memory_space<vmem_shared>>
        %dma_wait3A_140 = arith.constant 0 : i32
        %dma_wait3A_141 = tpu.memref_slice %arg27[%add3A_52, %dma_wait3A_140] : memref<10240x128xf32, #tpu.memory_space<vmem_shared>> -> memref<32x128xf32, #tpu.memory_space<vmem_shared>>
        tpu.wait_dma2 semaphore(%run_scoped3A : memref<!tpu.dma_semaphore, #tpu.memory_space<semaphore_mem>>) src(%arg20 : memref<32x128xf32, #tpu.memory_space<vmem>>) dst(%dma_wait3A_141 : memref<32x128xf32, #tpu.memory_space<vmem_shared>>)
        tpu.yield
      }) : () -> ()
      %mul3A_53 = arith.constant 640 : i32
      %mul3A_54 = arith.muli %arg1, %mul3A_53 : i32
      %add3A_55 = arith.constant 320 : i32
      %add3A_56 = arith.addi %mul3A_54, %add3A_55 : i32
      "tpu.region"() ({
        %run_scoped3A = tpu.sem_alloc : memref<!tpu.dma_semaphore, #tpu.memory_space<semaphore_mem>>
        %dma_start3A_135 = arith.constant 0 : i32
        %dma_start3A_136 = tpu.memref_slice %arg27[%add3A_56, %dma_start3A_135] : memref<10240x128xf32, #tpu.memory_space<vmem_shared>> -> memref<32x128xf32, #tpu.memory_space<vmem_shared>>
        %dma_start3A_137 = arith.constant 0 : i32
        %dma_start3A_138 = tpu.memref_slice %arg27[%add3A_56, %dma_start3A_137] : memref<10240x128xf32, #tpu.memory_space<vmem_shared>> -> memref<32x128xf32, #tpu.memory_space<vmem_shared>>
        tpu.enqueue_dma source(%arg20 : memref<32x128xf32, #tpu.memory_space<vmem>>) target(%dma_start3A_138 : memref<32x128xf32, #tpu.memory_space<vmem_shared>>) target_semaphore(%run_scoped3A : memref<!tpu.dma_semaphore, #tpu.memory_space<semaphore_mem>>)
        %dma_wait3A = arith.constant 0 : i32
        %dma_wait3A_139 = tpu.memref_slice %arg27[%add3A_56, %dma_wait3A] : memref<10240x128xf32, #tpu.memory_space<vmem_shared>> -> memref<32x128xf32, #tpu.memory_space<vmem_shared>>
        %dma_wait3A_140 = arith.constant 0 : i32
        %dma_wait3A_141 = tpu.memref_slice %arg27[%add3A_56, %dma_wait3A_140] : memref<10240x128xf32, #tpu.memory_space<vmem_shared>> -> memref<32x128xf32, #tpu.memory_space<vmem_shared>>
        tpu.wait_dma2 semaphore(%run_scoped3A : memref<!tpu.dma_semaphore, #tpu.memory_space<semaphore_mem>>) src(%arg20 : memref<32x128xf32, #tpu.memory_space<vmem>>) dst(%dma_wait3A_141 : memref<32x128xf32, #tpu.memory_space<vmem_shared>>)
        tpu.yield
      }) : () -> ()
      %mul3A_57 = arith.constant 640 : i32
      %mul3A_58 = arith.muli %arg1, %mul3A_57 : i32
      %add3A_59 = arith.constant 352 : i32
      %add3A_60 = arith.addi %mul3A_58, %add3A_59 : i32
      "tpu.region"() ({
        %run_scoped3A = tpu.sem_alloc : memref<!tpu.dma_semaphore, #tpu.memory_space<semaphore_mem>>
        %dma_start3A_135 = arith.constant 0 : i32
        %dma_start3A_136 = tpu.memref_slice %arg27[%add3A_60, %dma_start3A_135] : memref<10240x128xf32, #tpu.memory_space<vmem_shared>> -> memref<32x128xf32, #tpu.memory_space<vmem_shared>>
        %dma_start3A_137 = arith.constant 0 : i32
        %dma_start3A_138 = tpu.memref_slice %arg27[%add3A_60, %dma_start3A_137] : memref<10240x128xf32, #tpu.memory_space<vmem_shared>> -> memref<32x128xf32, #tpu.memory_space<vmem_shared>>
        tpu.enqueue_dma source(%arg20 : memref<32x128xf32, #tpu.memory_space<vmem>>) target(%dma_start3A_138 : memref<32x128xf32, #tpu.memory_space<vmem_shared>>) target_semaphore(%run_scoped3A : memref<!tpu.dma_semaphore, #tpu.memory_space<semaphore_mem>>)
        %dma_wait3A = arith.constant 0 : i32
        %dma_wait3A_139 = tpu.memref_slice %arg27[%add3A_60, %dma_wait3A] : memref<10240x128xf32, #tpu.memory_space<vmem_shared>> -> memref<32x128xf32, #tpu.memory_space<vmem_shared>>
        %dma_wait3A_140 = arith.constant 0 : i32
        %dma_wait3A_141 = tpu.memref_slice %arg27[%add3A_60, %dma_wait3A_140] : memref<10240x128xf32, #tpu.memory_space<vmem_shared>> -> memref<32x128xf32, #tpu.memory_space<vmem_shared>>
        tpu.wait_dma2 semaphore(%run_scoped3A : memref<!tpu.dma_semaphore, #tpu.memory_space<semaphore_mem>>) src(%arg20 : memref<32x128xf32, #tpu.memory_space<vmem>>) dst(%dma_wait3A_141 : memref<32x128xf32, #tpu.memory_space<vmem_shared>>)
        tpu.yield
      }) : () -> ()
      %mul3A_61 = arith.constant 640 : i32
      %mul3A_62 = arith.muli %arg1, %mul3A_61 : i32
      %add3A_63 = arith.constant 384 : i32
      %add3A_64 = arith.addi %mul3A_62, %add3A_63 : i32
      "tpu.region"() ({
        %run_scoped3A = tpu.sem_alloc : memref<!tpu.dma_semaphore, #tpu.memory_space<semaphore_mem>>
        %dma_start3A_135 = arith.constant 0 : i32
        %dma_start3A_136 = tpu.memref_slice %arg27[%add3A_64, %dma_start3A_135] : memref<10240x128xf32, #tpu.memory_space<vmem_shared>> -> memref<32x128xf32, #tpu.memory_space<vmem_shared>>
        %dma_start3A_137 = arith.constant 0 : i32
        %dma_start3A_138 = tpu.memref_slice %arg27[%add3A_64, %dma_start3A_137] : memref<10240x128xf32, #tpu.memory_space<vmem_shared>> -> memref<32x128xf32, #tpu.memory_space<vmem_shared>>
        tpu.enqueue_dma source(%arg20 : memref<32x128xf32, #tpu.memory_space<vmem>>) target(%dma_start3A_138 : memref<32x128xf32, #tpu.memory_space<vmem_shared>>) target_semaphore(%run_scoped3A : memref<!tpu.dma_semaphore, #tpu.memory_space<semaphore_mem>>)
        %dma_wait3A = arith.constant 0 : i32
        %dma_wait3A_139 = tpu.memref_slice %arg27[%add3A_64, %dma_wait3A] : memref<10240x128xf32, #tpu.memory_space<vmem_shared>> -> memref<32x128xf32, #tpu.memory_space<vmem_shared>>
        %dma_wait3A_140 = arith.constant 0 : i32
        %dma_wait3A_141 = tpu.memref_slice %arg27[%add3A_64, %dma_wait3A_140] : memref<10240x128xf32, #tpu.memory_space<vmem_shared>> -> memref<32x128xf32, #tpu.memory_space<vmem_shared>>
        tpu.wait_dma2 semaphore(%run_scoped3A : memref<!tpu.dma_semaphore, #tpu.memory_space<semaphore_mem>>) src(%arg20 : memref<32x128xf32, #tpu.memory_space<vmem>>) dst(%dma_wait3A_141 : memref<32x128xf32, #tpu.memory_space<vmem_shared>>)
        tpu.yield
      }) : () -> ()
      %mul3A_65 = arith.constant 640 : i32
      %mul3A_66 = arith.muli %arg1, %mul3A_65 : i32
      %add3A_67 = arith.constant 416 : i32
      %add3A_68 = arith.addi %mul3A_66, %add3A_67 : i32
      "tpu.region"() ({
        %run_scoped3A = tpu.sem_alloc : memref<!tpu.dma_semaphore, #tpu.memory_space<semaphore_mem>>
        %dma_start3A_135 = arith.constant 0 : i32
        %dma_start3A_136 = tpu.memref_slice %arg27[%add3A_68, %dma_start3A_135] : memref<10240x128xf32, #tpu.memory_space<vmem_shared>> -> memref<32x128xf32, #tpu.memory_space<vmem_shared>>
        %dma_start3A_137 = arith.constant 0 : i32
        %dma_start3A_138 = tpu.memref_slice %arg27[%add3A_68, %dma_start3A_137] : memref<10240x128xf32, #tpu.memory_space<vmem_shared>> -> memref<32x128xf32, #tpu.memory_space<vmem_shared>>
        tpu.enqueue_dma source(%arg20 : memref<32x128xf32, #tpu.memory_space<vmem>>) target(%dma_start3A_138 : memref<32x128xf32, #tpu.memory_space<vmem_shared>>) target_semaphore(%run_scoped3A : memref<!tpu.dma_semaphore, #tpu.memory_space<semaphore_mem>>)
        %dma_wait3A = arith.constant 0 : i32
        %dma_wait3A_139 = tpu.memref_slice %arg27[%add3A_68, %dma_wait3A] : memref<10240x128xf32, #tpu.memory_space<vmem_shared>> -> memref<32x128xf32, #tpu.memory_space<vmem_shared>>
        %dma_wait3A_140 = arith.constant 0 : i32
        %dma_wait3A_141 = tpu.memref_slice %arg27[%add3A_68, %dma_wait3A_140] : memref<10240x128xf32, #tpu.memory_space<vmem_shared>> -> memref<32x128xf32, #tpu.memory_space<vmem_shared>>
        tpu.wait_dma2 semaphore(%run_scoped3A : memref<!tpu.dma_semaphore, #tpu.memory_space<semaphore_mem>>) src(%arg20 : memref<32x128xf32, #tpu.memory_space<vmem>>) dst(%dma_wait3A_141 : memref<32x128xf32, #tpu.memory_space<vmem_shared>>)
        tpu.yield
      }) : () -> ()
      %mul3A_69 = arith.constant 640 : i32
      %mul3A_70 = arith.muli %arg1, %mul3A_69 : i32
      %add3A_71 = arith.constant 448 : i32
      %add3A_72 = arith.addi %mul3A_70, %add3A_71 : i32
      "tpu.region"() ({
        %run_scoped3A = tpu.sem_alloc : memref<!tpu.dma_semaphore, #tpu.memory_space<semaphore_mem>>
        %dma_start3A_135 = arith.constant 0 : i32
        %dma_start3A_136 = tpu.memref_slice %arg27[%add3A_72, %dma_start3A_135] : memref<10240x128xf32, #tpu.memory_space<vmem_shared>> -> memref<32x128xf32, #tpu.memory_space<vmem_shared>>
        %dma_start3A_137 = arith.constant 0 : i32
        %dma_start3A_138 = tpu.memref_slice %arg27[%add3A_72, %dma_start3A_137] : memref<10240x128xf32, #tpu.memory_space<vmem_shared>> -> memref<32x128xf32, #tpu.memory_space<vmem_shared>>
        tpu.enqueue_dma source(%arg20 : memref<32x128xf32, #tpu.memory_space<vmem>>) target(%dma_start3A_138 : memref<32x128xf32, #tpu.memory_space<vmem_shared>>) target_semaphore(%run_scoped3A : memref<!tpu.dma_semaphore, #tpu.memory_space<semaphore_mem>>)
        %dma_wait3A = arith.constant 0 : i32
        %dma_wait3A_139 = tpu.memref_slice %arg27[%add3A_72, %dma_wait3A] : memref<10240x128xf32, #tpu.memory_space<vmem_shared>> -> memref<32x128xf32, #tpu.memory_space<vmem_shared>>
        %dma_wait3A_140 = arith.constant 0 : i32
        %dma_wait3A_141 = tpu.memref_slice %arg27[%add3A_72, %dma_wait3A_140] : memref<10240x128xf32, #tpu.memory_space<vmem_shared>> -> memref<32x128xf32, #tpu.memory_space<vmem_shared>>
        tpu.wait_dma2 semaphore(%run_scoped3A : memref<!tpu.dma_semaphore, #tpu.memory_space<semaphore_mem>>) src(%arg20 : memref<32x128xf32, #tpu.memory_space<vmem>>) dst(%dma_wait3A_141 : memref<32x128xf32, #tpu.memory_space<vmem_shared>>)
        tpu.yield
      }) : () -> ()
      %mul3A_73 = arith.constant 640 : i32
      %mul3A_74 = arith.muli %arg1, %mul3A_73 : i32
      %add3A_75 = arith.constant 480 : i32
      %add3A_76 = arith.addi %mul3A_74, %add3A_75 : i32
      "tpu.region"() ({
        %run_scoped3A = tpu.sem_alloc : memref<!tpu.dma_semaphore, #tpu.memory_space<semaphore_mem>>
        %dma_start3A_135 = arith.constant 0 : i32
        %dma_start3A_136 = tpu.memref_slice %arg27[%add3A_76, %dma_start3A_135] : memref<10240x128xf32, #tpu.memory_space<vmem_shared>> -> memref<32x128xf32, #tpu.memory_space<vmem_shared>>
        %dma_start3A_137 = arith.constant 0 : i32
        %dma_start3A_138 = tpu.memref_slice %arg27[%add3A_76, %dma_start3A_137] : memref<10240x128xf32, #tpu.memory_space<vmem_shared>> -> memref<32x128xf32, #tpu.memory_space<vmem_shared>>
        tpu.enqueue_dma source(%arg20 : memref<32x128xf32, #tpu.memory_space<vmem>>) target(%dma_start3A_138 : memref<32x128xf32, #tpu.memory_space<vmem_shared>>) target_semaphore(%run_scoped3A : memref<!tpu.dma_semaphore, #tpu.memory_space<semaphore_mem>>)
        %dma_wait3A = arith.constant 0 : i32
        %dma_wait3A_139 = tpu.memref_slice %arg27[%add3A_76, %dma_wait3A] : memref<10240x128xf32, #tpu.memory_space<vmem_shared>> -> memref<32x128xf32, #tpu.memory_space<vmem_shared>>
        %dma_wait3A_140 = arith.constant 0 : i32
        %dma_wait3A_141 = tpu.memref_slice %arg27[%add3A_76, %dma_wait3A_140] : memref<10240x128xf32, #tpu.memory_space<vmem_shared>> -> memref<32x128xf32, #tpu.memory_space<vmem_shared>>
        tpu.wait_dma2 semaphore(%run_scoped3A : memref<!tpu.dma_semaphore, #tpu.memory_space<semaphore_mem>>) src(%arg20 : memref<32x128xf32, #tpu.memory_space<vmem>>) dst(%dma_wait3A_141 : memref<32x128xf32, #tpu.memory_space<vmem_shared>>)
        tpu.yield
      }) : () -> ()
      %mul3A_77 = arith.constant 640 : i32
      %mul3A_78 = arith.muli %arg1, %mul3A_77 : i32
      %add3A_79 = arith.constant 512 : i32
      %add3A_80 = arith.addi %mul3A_78, %add3A_79 : i32
      "tpu.region"() ({
        %run_scoped3A = tpu.sem_alloc : memref<!tpu.dma_semaphore, #tpu.memory_space<semaphore_mem>>
        %dma_start3A_135 = arith.constant 0 : i32
        %dma_start3A_136 = tpu.memref_slice %arg27[%add3A_80, %dma_start3A_135] : memref<10240x128xf32, #tpu.memory_space<vmem_shared>> -> memref<32x128xf32, #tpu.memory_space<vmem_shared>>
        %dma_start3A_137 = arith.constant 0 : i32
        %dma_start3A_138 = tpu.memref_slice %arg27[%add3A_80, %dma_start3A_137] : memref<10240x128xf32, #tpu.memory_space<vmem_shared>> -> memref<32x128xf32, #tpu.memory_space<vmem_shared>>
        tpu.enqueue_dma source(%arg20 : memref<32x128xf32, #tpu.memory_space<vmem>>) target(%dma_start3A_138 : memref<32x128xf32, #tpu.memory_space<vmem_shared>>) target_semaphore(%run_scoped3A : memref<!tpu.dma_semaphore, #tpu.memory_space<semaphore_mem>>)
        %dma_wait3A = arith.constant 0 : i32
        %dma_wait3A_139 = tpu.memref_slice %arg27[%add3A_80, %dma_wait3A] : memref<10240x128xf32, #tpu.memory_space<vmem_shared>> -> memref<32x128xf32, #tpu.memory_space<vmem_shared>>
        %dma_wait3A_140 = arith.constant 0 : i32
        %dma_wait3A_141 = tpu.memref_slice %arg27[%add3A_80, %dma_wait3A_140] : memref<10240x128xf32, #tpu.memory_space<vmem_shared>> -> memref<32x128xf32, #tpu.memory_space<vmem_shared>>
        tpu.wait_dma2 semaphore(%run_scoped3A : memref<!tpu.dma_semaphore, #tpu.memory_space<semaphore_mem>>) src(%arg20 : memref<32x128xf32, #tpu.memory_space<vmem>>) dst(%dma_wait3A_141 : memref<32x128xf32, #tpu.memory_space<vmem_shared>>)
        tpu.yield
      }) : () -> ()
      %mul3A_81 = arith.constant 640 : i32
      %mul3A_82 = arith.muli %arg1, %mul3A_81 : i32
      %add3A_83 = arith.constant 544 : i32
      %add3A_84 = arith.addi %mul3A_82, %add3A_83 : i32
      "tpu.region"() ({
        %run_scoped3A = tpu.sem_alloc : memref<!tpu.dma_semaphore, #tpu.memory_space<semaphore_mem>>
        %dma_start3A_135 = arith.constant 0 : i32
        %dma_start3A_136 = tpu.memref_slice %arg27[%add3A_84, %dma_start3A_135] : memref<10240x128xf32, #tpu.memory_space<vmem_shared>> -> memref<32x128xf32, #tpu.memory_space<vmem_shared>>
        %dma_start3A_137 = arith.constant 0 : i32
        %dma_start3A_138 = tpu.memref_slice %arg27[%add3A_84, %dma_start3A_137] : memref<10240x128xf32, #tpu.memory_space<vmem_shared>> -> memref<32x128xf32, #tpu.memory_space<vmem_shared>>
        tpu.enqueue_dma source(%arg20 : memref<32x128xf32, #tpu.memory_space<vmem>>) target(%dma_start3A_138 : memref<32x128xf32, #tpu.memory_space<vmem_shared>>) target_semaphore(%run_scoped3A : memref<!tpu.dma_semaphore, #tpu.memory_space<semaphore_mem>>)
        %dma_wait3A = arith.constant 0 : i32
        %dma_wait3A_139 = tpu.memref_slice %arg27[%add3A_84, %dma_wait3A] : memref<10240x128xf32, #tpu.memory_space<vmem_shared>> -> memref<32x128xf32, #tpu.memory_space<vmem_shared>>
        %dma_wait3A_140 = arith.constant 0 : i32
        %dma_wait3A_141 = tpu.memref_slice %arg27[%add3A_84, %dma_wait3A_140] : memref<10240x128xf32, #tpu.memory_space<vmem_shared>> -> memref<32x128xf32, #tpu.memory_space<vmem_shared>>
        tpu.wait_dma2 semaphore(%run_scoped3A : memref<!tpu.dma_semaphore, #tpu.memory_space<semaphore_mem>>) src(%arg20 : memref<32x128xf32, #tpu.memory_space<vmem>>) dst(%dma_wait3A_141 : memref<32x128xf32, #tpu.memory_space<vmem_shared>>)
        tpu.yield
      }) : () -> ()
      %mul3A_85 = arith.constant 640 : i32
      %mul3A_86 = arith.muli %arg1, %mul3A_85 : i32
      %add3A_87 = arith.constant 576 : i32
      %add3A_88 = arith.addi %mul3A_86, %add3A_87 : i32
      "tpu.region"() ({
        %run_scoped3A = tpu.sem_alloc : memref<!tpu.dma_semaphore, #tpu.memory_space<semaphore_mem>>
        %dma_start3A_135 = arith.constant 0 : i32
        %dma_start3A_136 = tpu.memref_slice %arg27[%add3A_88, %dma_start3A_135] : memref<10240x128xf32, #tpu.memory_space<vmem_shared>> -> memref<32x128xf32, #tpu.memory_space<vmem_shared>>
        %dma_start3A_137 = arith.constant 0 : i32
        %dma_start3A_138 = tpu.memref_slice %arg27[%add3A_88, %dma_start3A_137] : memref<10240x128xf32, #tpu.memory_space<vmem_shared>> -> memref<32x128xf32, #tpu.memory_space<vmem_shared>>
        tpu.enqueue_dma source(%arg20 : memref<32x128xf32, #tpu.memory_space<vmem>>) target(%dma_start3A_138 : memref<32x128xf32, #tpu.memory_space<vmem_shared>>) target_semaphore(%run_scoped3A : memref<!tpu.dma_semaphore, #tpu.memory_space<semaphore_mem>>)
        %dma_wait3A = arith.constant 0 : i32
        %dma_wait3A_139 = tpu.memref_slice %arg27[%add3A_88, %dma_wait3A] : memref<10240x128xf32, #tpu.memory_space<vmem_shared>> -> memref<32x128xf32, #tpu.memory_space<vmem_shared>>
        %dma_wait3A_140 = arith.constant 0 : i32
        %dma_wait3A_141 = tpu.memref_slice %arg27[%add3A_88, %dma_wait3A_140] : memref<10240x128xf32, #tpu.memory_space<vmem_shared>> -> memref<32x128xf32, #tpu.memory_space<vmem_shared>>
        tpu.wait_dma2 semaphore(%run_scoped3A : memref<!tpu.dma_semaphore, #tpu.memory_space<semaphore_mem>>) src(%arg20 : memref<32x128xf32, #tpu.memory_space<vmem>>) dst(%dma_wait3A_141 : memref<32x128xf32, #tpu.memory_space<vmem_shared>>)
        tpu.yield
      }) : () -> ()
      %mul3A_89 = arith.constant 640 : i32
      %mul3A_90 = arith.muli %arg1, %mul3A_89 : i32
      %add3A_91 = arith.constant 608 : i32
      %add3A_92 = arith.addi %mul3A_90, %add3A_91 : i32
      "tpu.region"() ({
        %run_scoped3A = tpu.sem_alloc : memref<!tpu.dma_semaphore, #tpu.memory_space<semaphore_mem>>
        %dma_start3A_135 = arith.constant 0 : i32
        %dma_start3A_136 = tpu.memref_slice %arg27[%add3A_92, %dma_start3A_135] : memref<10240x128xf32, #tpu.memory_space<vmem_shared>> -> memref<32x128xf32, #tpu.memory_space<vmem_shared>>
        %dma_start3A_137 = arith.constant 0 : i32
        %dma_start3A_138 = tpu.memref_slice %arg27[%add3A_92, %dma_start3A_137] : memref<10240x128xf32, #tpu.memory_space<vmem_shared>> -> memref<32x128xf32, #tpu.memory_space<vmem_shared>>
        tpu.enqueue_dma source(%arg20 : memref<32x128xf32, #tpu.memory_space<vmem>>) target(%dma_start3A_138 : memref<32x128xf32, #tpu.memory_space<vmem_shared>>) target_semaphore(%run_scoped3A : memref<!tpu.dma_semaphore, #tpu.memory_space<semaphore_mem>>)
        %dma_wait3A = arith.constant 0 : i32
        %dma_wait3A_139 = tpu.memref_slice %arg27[%add3A_92, %dma_wait3A] : memref<10240x128xf32, #tpu.memory_space<vmem_shared>> -> memref<32x128xf32, #tpu.memory_space<vmem_shared>>
        %dma_wait3A_140 = arith.constant 0 : i32
        %dma_wait3A_141 = tpu.memref_slice %arg27[%add3A_92, %dma_wait3A_140] : memref<10240x128xf32, #tpu.memory_space<vmem_shared>> -> memref<32x128xf32, #tpu.memory_space<vmem_shared>>
        tpu.wait_dma2 semaphore(%run_scoped3A : memref<!tpu.dma_semaphore, #tpu.memory_space<semaphore_mem>>) src(%arg20 : memref<32x128xf32, #tpu.memory_space<vmem>>) dst(%dma_wait3A_141 : memref<32x128xf32, #tpu.memory_space<vmem_shared>>)
        tpu.yield
      }) : () -> ()
      %barrier3A = arith.constant 0 : index
      tpu.barrier barrier_id(%barrier3A)
      %mul3A_93 = arith.constant 20000 : i32
      %mul3A_94 = arith.muli %arg1, %mul3A_93 : i32
      %add3A_95 = arith.constant 0 : i32
      %add3A_96 = arith.addi %mul3A_94, %add3A_95 : i32
      %dma_start3A = tpu.memref_slice %arg4[%add3A_96] : memref<320000xi32, #tpu.memory_space<hbm>> -> memref<32xi32, #tpu.memory_space<hbm>>
      %dma_start3A_97 = tpu.memref_slice %arg4[%add3A_96] : memref<320000xi32, #tpu.memory_space<hbm>> -> memref<32xi32, #tpu.memory_space<hbm>>
      tpu.enqueue_dma source(%dma_start3A_97 : memref<32xi32, #tpu.memory_space<hbm>>) target(%arg10 : memref<32xi32, #tpu.memory_space<vmem>>) target_semaphore(%arg28 : memref<!tpu.dma_semaphore, #tpu.memory_space<semaphore_mem>>)
      %dma_start3A_98 = tpu.memref_slice %arg5[%add3A_96] : memref<320000xi32, #tpu.memory_space<hbm>> -> memref<32xi32, #tpu.memory_space<hbm>>
      %dma_start3A_99 = tpu.memref_slice %arg5[%add3A_96] : memref<320000xi32, #tpu.memory_space<hbm>> -> memref<32xi32, #tpu.memory_space<hbm>>
      tpu.enqueue_dma source(%dma_start3A_99 : memref<32xi32, #tpu.memory_space<hbm>>) target(%arg15 : memref<32xi32, #tpu.memory_space<vmem>>) target_semaphore(%arg28 : memref<!tpu.dma_semaphore, #tpu.memory_space<semaphore_mem>>)
      %add3A_100 = arith.constant 32 : i32
      %add3A_101 = arith.addi %mul3A_94, %add3A_100 : i32
      %dma_start3A_102 = tpu.memref_slice %arg4[%add3A_101] : memref<320000xi32, #tpu.memory_space<hbm>> -> memref<32xi32, #tpu.memory_space<hbm>>
      %dma_start3A_103 = tpu.memref_slice %arg4[%add3A_101] : memref<320000xi32, #tpu.memory_space<hbm>> -> memref<32xi32, #tpu.memory_space<hbm>>
      tpu.enqueue_dma source(%dma_start3A_103 : memref<32xi32, #tpu.memory_space<hbm>>) target(%arg11 : memref<32xi32, #tpu.memory_space<vmem>>) target_semaphore(%arg29 : memref<!tpu.dma_semaphore, #tpu.memory_space<semaphore_mem>>)
      %dma_start3A_104 = tpu.memref_slice %arg5[%add3A_101] : memref<320000xi32, #tpu.memory_space<hbm>> -> memref<32xi32, #tpu.memory_space<hbm>>
      %dma_start3A_105 = tpu.memref_slice %arg5[%add3A_101] : memref<320000xi32, #tpu.memory_space<hbm>> -> memref<32xi32, #tpu.memory_space<hbm>>
      tpu.enqueue_dma source(%dma_start3A_105 : memref<32xi32, #tpu.memory_space<hbm>>) target(%arg16 : memref<32xi32, #tpu.memory_space<vmem>>) target_semaphore(%arg29 : memref<!tpu.dma_semaphore, #tpu.memory_space<semaphore_mem>>)
      %add3A_106 = arith.constant 64 : i32
      %add3A_107 = arith.addi %mul3A_94, %add3A_106 : i32
      %dma_start3A_108 = tpu.memref_slice %arg4[%add3A_107] : memref<320000xi32, #tpu.memory_space<hbm>> -> memref<32xi32, #tpu.memory_space<hbm>>
      %dma_start3A_109 = tpu.memref_slice %arg4[%add3A_107] : memref<320000xi32, #tpu.memory_space<hbm>> -> memref<32xi32, #tpu.memory_space<hbm>>
      tpu.enqueue_dma source(%dma_start3A_109 : memref<32xi32, #tpu.memory_space<hbm>>) target(%arg12 : memref<32xi32, #tpu.memory_space<vmem>>) target_semaphore(%arg30 : memref<!tpu.dma_semaphore, #tpu.memory_space<semaphore_mem>>)
      %dma_start3A_110 = tpu.memref_slice %arg5[%add3A_107] : memref<320000xi32, #tpu.memory_space<hbm>> -> memref<32xi32, #tpu.memory_space<hbm>>
      %dma_start3A_111 = tpu.memref_slice %arg5[%add3A_107] : memref<320000xi32, #tpu.memory_space<hbm>> -> memref<32xi32, #tpu.memory_space<hbm>>
      tpu.enqueue_dma source(%dma_start3A_111 : memref<32xi32, #tpu.memory_space<hbm>>) target(%arg17 : memref<32xi32, #tpu.memory_space<vmem>>) target_semaphore(%arg30 : memref<!tpu.dma_semaphore, #tpu.memory_space<semaphore_mem>>)
      %add3A_112 = arith.constant 96 : i32
      %add3A_113 = arith.addi %mul3A_94, %add3A_112 : i32
      %dma_start3A_114 = tpu.memref_slice %arg4[%add3A_113] : memref<320000xi32, #tpu.memory_space<hbm>> -> memref<32xi32, #tpu.memory_space<hbm>>
      %dma_start3A_115 = tpu.memref_slice %arg4[%add3A_113] : memref<320000xi32, #tpu.memory_space<hbm>> -> memref<32xi32, #tpu.memory_space<hbm>>
      tpu.enqueue_dma source(%dma_start3A_115 : memref<32xi32, #tpu.memory_space<hbm>>) target(%arg13 : memref<32xi32, #tpu.memory_space<vmem>>) target_semaphore(%arg31 : memref<!tpu.dma_semaphore, #tpu.memory_space<semaphore_mem>>)
      %dma_start3A_116 = tpu.memref_slice %arg5[%add3A_113] : memref<320000xi32, #tpu.memory_space<hbm>> -> memref<32xi32, #tpu.memory_space<hbm>>
      %dma_start3A_117 = tpu.memref_slice %arg5[%add3A_113] : memref<320000xi32, #tpu.memory_space<hbm>> -> memref<32xi32, #tpu.memory_space<hbm>>
      tpu.enqueue_dma source(%dma_start3A_117 : memref<32xi32, #tpu.memory_space<hbm>>) target(%arg18 : memref<32xi32, #tpu.memory_space<vmem>>) target_semaphore(%arg31 : memref<!tpu.dma_semaphore, #tpu.memory_space<semaphore_mem>>)
      %add3A_118 = arith.constant 128 : i32
      %add3A_119 = arith.addi %mul3A_94, %add3A_118 : i32
      %dma_start3A_120 = tpu.memref_slice %arg4[%add3A_119] : memref<320000xi32, #tpu.memory_space<hbm>> -> memref<32xi32, #tpu.memory_space<hbm>>
      %dma_start3A_121 = tpu.memref_slice %arg4[%add3A_119] : memref<320000xi32, #tpu.memory_space<hbm>> -> memref<32xi32, #tpu.memory_space<hbm>>
      tpu.enqueue_dma source(%dma_start3A_121 : memref<32xi32, #tpu.memory_space<hbm>>) target(%arg14 : memref<32xi32, #tpu.memory_space<vmem>>) target_semaphore(%arg32 : memref<!tpu.dma_semaphore, #tpu.memory_space<semaphore_mem>>)
      %dma_start3A_122 = tpu.memref_slice %arg5[%add3A_119] : memref<320000xi32, #tpu.memory_space<hbm>> -> memref<32xi32, #tpu.memory_space<hbm>>
      %dma_start3A_123 = tpu.memref_slice %arg5[%add3A_119] : memref<320000xi32, #tpu.memory_space<hbm>> -> memref<32xi32, #tpu.memory_space<hbm>>
      tpu.enqueue_dma source(%dma_start3A_123 : memref<32xi32, #tpu.memory_space<hbm>>) target(%arg19 : memref<32xi32, #tpu.memory_space<vmem>>) target_semaphore(%arg32 : memref<!tpu.dma_semaphore, #tpu.memory_space<semaphore_mem>>)
      %scan3A_124 = arith.constant 0 : i32
      %scan3A_125 = arith.constant 0 : i32
      %scan3A_126 = arith.constant 125 : i32
      %scan3A_127 = arith.addi %scan3A_125, %scan3A_126 : i32
      %scan3A_128 = arith.constant 1 : i32
      scf.for %scan3A_135 = %scan3A_125 to %scan3A_127 step %scan3A_128  : i32 {
        %dma_wait3A = arith.constant 0 : i32
        %dma_wait3A_136 = tpu.memref_slice %arg4[%dma_wait3A] : memref<320000xi32, #tpu.memory_space<hbm>> -> memref<32xi32, #tpu.memory_space<hbm>>
        %dma_wait3A_137 = arith.constant 0 : i32
        %dma_wait3A_138 = tpu.memref_slice %arg4[%dma_wait3A_137] : memref<320000xi32, #tpu.memory_space<hbm>> -> memref<32xi32, #tpu.memory_space<hbm>>
        tpu.wait_dma2 semaphore(%arg28 : memref<!tpu.dma_semaphore, #tpu.memory_space<semaphore_mem>>) src(%dma_wait3A_138 : memref<32xi32, #tpu.memory_space<hbm>>) dst(%arg10 : memref<32xi32, #tpu.memory_space<vmem>>)
        %dma_wait3A_139 = arith.constant 0 : i32
        %dma_wait3A_140 = tpu.memref_slice %arg5[%dma_wait3A_139] : memref<320000xi32, #tpu.memory_space<hbm>> -> memref<32xi32, #tpu.memory_space<hbm>>
        %dma_wait3A_141 = arith.constant 0 : i32
        %dma_wait3A_142 = tpu.memref_slice %arg5[%dma_wait3A_141] : memref<320000xi32, #tpu.memory_space<hbm>> -> memref<32xi32, #tpu.memory_space<hbm>>
        tpu.wait_dma2 semaphore(%arg28 : memref<!tpu.dma_semaphore, #tpu.memory_space<semaphore_mem>>) src(%dma_wait3A_142 : memref<32xi32, #tpu.memory_space<hbm>>) dst(%arg15 : memref<32xi32, #tpu.memory_space<vmem>>)
        %dma_start3A_143 = arith.constant 0 : i32
        %dma_start3A_144 = arith.constant 0 : i32
        %dma_start3A_145 = tpu.memref_slice %arg2[%dma_start3A_143, %dma_start3A_144] : memref<10000x128xf32, #tpu.memory_space<hbm>> -> memref<10000x128xf32, #tpu.memory_space<hbm>>
        tpu.enqueue_indirect_dma source(%dma_start3A_145 : memref<10000x128xf32, #tpu.memory_space<hbm>>) target(%arg20 : memref<32x128xf32, #tpu.memory_space<vmem>>) offsets(%arg10 : memref<32xi32, #tpu.memory_space<vmem>>) semaphore(%arg33 : memref<!tpu.dma_semaphore, #tpu.memory_space<semaphore_mem>>)
        %dma_wait3A_146 = arith.constant 0 : i32
        %dma_wait3A_147 = tpu.memref_slice %arg4[%dma_wait3A_146] : memref<320000xi32, #tpu.memory_space<hbm>> -> memref<32xi32, #tpu.memory_space<hbm>>
        %dma_wait3A_148 = arith.constant 0 : i32
        %dma_wait3A_149 = tpu.memref_slice %arg4[%dma_wait3A_148] : memref<320000xi32, #tpu.memory_space<hbm>> -> memref<32xi32, #tpu.memory_space<hbm>>
        tpu.wait_dma2 semaphore(%arg29 : memref<!tpu.dma_semaphore, #tpu.memory_space<semaphore_mem>>) src(%dma_wait3A_149 : memref<32xi32, #tpu.memory_space<hbm>>) dst(%arg11 : memref<32xi32, #tpu.memory_space<vmem>>)
        %dma_wait3A_150 = arith.constant 0 : i32
        %dma_wait3A_151 = tpu.memref_slice %arg5[%dma_wait3A_150] : memref<320000xi32, #tpu.memory_space<hbm>> -> memref<32xi32, #tpu.memory_space<hbm>>
        %dma_wait3A_152 = arith.constant 0 : i32
        %dma_wait3A_153 = tpu.memref_slice %arg5[%dma_wait3A_152] : memref<320000xi32, #tpu.memory_space<hbm>> -> memref<32xi32, #tpu.memory_space<hbm>>
        tpu.wait_dma2 semaphore(%arg29 : memref<!tpu.dma_semaphore, #tpu.memory_space<semaphore_mem>>) src(%dma_wait3A_153 : memref<32xi32, #tpu.memory_space<hbm>>) dst(%arg16 : memref<32xi32, #tpu.memory_space<vmem>>)
        %dma_start3A_154 = arith.constant 0 : i32
        %dma_start3A_155 = arith.constant 0 : i32
        %dma_start3A_156 = tpu.memref_slice %arg2[%dma_start3A_154, %dma_start3A_155] : memref<10000x128xf32, #tpu.memory_space<hbm>> -> memref<10000x128xf32, #tpu.memory_space<hbm>>
        tpu.enqueue_indirect_dma source(%dma_start3A_156 : memref<10000x128xf32, #tpu.memory_space<hbm>>) target(%arg21 : memref<32x128xf32, #tpu.memory_space<vmem>>) offsets(%arg11 : memref<32xi32, #tpu.memory_space<vmem>>) semaphore(%arg34 : memref<!tpu.dma_semaphore, #tpu.memory_space<semaphore_mem>>)
        %dma_wait3A_157 = arith.constant 0 : i32
        %dma_wait3A_158 = tpu.memref_slice %arg4[%dma_wait3A_157] : memref<320000xi32, #tpu.memory_space<hbm>> -> memref<32xi32, #tpu.memory_space<hbm>>
        %dma_wait3A_159 = arith.constant 0 : i32
        %dma_wait3A_160 = tpu.memref_slice %arg4[%dma_wait3A_159] : memref<320000xi32, #tpu.memory_space<hbm>> -> memref<32xi32, #tpu.memory_space<hbm>>
        tpu.wait_dma2 semaphore(%arg30 : memref<!tpu.dma_semaphore, #tpu.memory_space<semaphore_mem>>) src(%dma_wait3A_160 : memref<32xi32, #tpu.memory_space<hbm>>) dst(%arg12 : memref<32xi32, #tpu.memory_space<vmem>>)
        %dma_wait3A_161 = arith.constant 0 : i32
        %dma_wait3A_162 = tpu.memref_slice %arg5[%dma_wait3A_161] : memref<320000xi32, #tpu.memory_space<hbm>> -> memref<32xi32, #tpu.memory_space<hbm>>
        %dma_wait3A_163 = arith.constant 0 : i32
        %dma_wait3A_164 = tpu.memref_slice %arg5[%dma_wait3A_163] : memref<320000xi32, #tpu.memory_space<hbm>> -> memref<32xi32, #tpu.memory_space<hbm>>
        tpu.wait_dma2 semaphore(%arg30 : memref<!tpu.dma_semaphore, #tpu.memory_space<semaphore_mem>>) src(%dma_wait3A_164 : memref<32xi32, #tpu.memory_space<hbm>>) dst(%arg17 : memref<32xi32, #tpu.memory_space<vmem>>)
        %dma_start3A_165 = arith.constant 0 : i32
        %dma_start3A_166 = arith.constant 0 : i32
        %dma_start3A_167 = tpu.memref_slice %arg2[%dma_start3A_165, %dma_start3A_166] : memref<10000x128xf32, #tpu.memory_space<hbm>> -> memref<10000x128xf32, #tpu.memory_space<hbm>>
        tpu.enqueue_indirect_dma source(%dma_start3A_167 : memref<10000x128xf32, #tpu.memory_space<hbm>>) target(%arg22 : memref<32x128xf32, #tpu.memory_space<vmem>>) offsets(%arg12 : memref<32xi32, #tpu.memory_space<vmem>>) semaphore(%arg35 : memref<!tpu.dma_semaphore, #tpu.memory_space<semaphore_mem>>)
        %dma_wait3A_168 = arith.constant 0 : i32
        %dma_wait3A_169 = tpu.memref_slice %arg4[%dma_wait3A_168] : memref<320000xi32, #tpu.memory_space<hbm>> -> memref<32xi32, #tpu.memory_space<hbm>>
        %dma_wait3A_170 = arith.constant 0 : i32
        %dma_wait3A_171 = tpu.memref_slice %arg4[%dma_wait3A_170] : memref<320000xi32, #tpu.memory_space<hbm>> -> memref<32xi32, #tpu.memory_space<hbm>>
        tpu.wait_dma2 semaphore(%arg31 : memref<!tpu.dma_semaphore, #tpu.memory_space<semaphore_mem>>) src(%dma_wait3A_171 : memref<32xi32, #tpu.memory_space<hbm>>) dst(%arg13 : memref<32xi32, #tpu.memory_space<vmem>>)
        %dma_wait3A_172 = arith.constant 0 : i32
        %dma_wait3A_173 = tpu.memref_slice %arg5[%dma_wait3A_172] : memref<320000xi32, #tpu.memory_space<hbm>> -> memref<32xi32, #tpu.memory_space<hbm>>
        %dma_wait3A_174 = arith.constant 0 : i32
        %dma_wait3A_175 = tpu.memref_slice %arg5[%dma_wait3A_174] : memref<320000xi32, #tpu.memory_space<hbm>> -> memref<32xi32, #tpu.memory_space<hbm>>
        tpu.wait_dma2 semaphore(%arg31 : memref<!tpu.dma_semaphore, #tpu.memory_space<semaphore_mem>>) src(%dma_wait3A_175 : memref<32xi32, #tpu.memory_space<hbm>>) dst(%arg18 : memref<32xi32, #tpu.memory_space<vmem>>)
        %dma_start3A_176 = arith.constant 0 : i32
        %dma_start3A_177 = arith.constant 0 : i32
        %dma_start3A_178 = tpu.memref_slice %arg2[%dma_start3A_176, %dma_start3A_177] : memref<10000x128xf32, #tpu.memory_space<hbm>> -> memref<10000x128xf32, #tpu.memory_space<hbm>>
        tpu.enqueue_indirect_dma source(%dma_start3A_178 : memref<10000x128xf32, #tpu.memory_space<hbm>>) target(%arg23 : memref<32x128xf32, #tpu.memory_space<vmem>>) offsets(%arg13 : memref<32xi32, #tpu.memory_space<vmem>>) semaphore(%arg36 : memref<!tpu.dma_semaphore, #tpu.memory_space<semaphore_mem>>)
        %dma_wait3A_179 = arith.constant 0 : i32
        %dma_wait3A_180 = tpu.memref_slice %arg4[%dma_wait3A_179] : memref<320000xi32, #tpu.memory_space<hbm>> -> memref<32xi32, #tpu.memory_space<hbm>>
        %dma_wait3A_181 = arith.constant 0 : i32
        %dma_wait3A_182 = tpu.memref_slice %arg4[%dma_wait3A_181] : memref<320000xi32, #tpu.memory_space<hbm>> -> memref<32xi32, #tpu.memory_space<hbm>>
        tpu.wait_dma2 semaphore(%arg32 : memref<!tpu.dma_semaphore, #tpu.memory_space<semaphore_mem>>) src(%dma_wait3A_182 : memref<32xi32, #tpu.memory_space<hbm>>) dst(%arg14 : memref<32xi32, #tpu.memory_space<vmem>>)
        %dma_wait3A_183 = arith.constant 0 : i32
        %dma_wait3A_184 = tpu.memref_slice %arg5[%dma_wait3A_183] : memref<320000xi32, #tpu.memory_space<hbm>> -> memref<32xi32, #tpu.memory_space<hbm>>
        %dma_wait3A_185 = arith.constant 0 : i32
        %dma_wait3A_186 = tpu.memref_slice %arg5[%dma_wait3A_185] : memref<320000xi32, #tpu.memory_space<hbm>> -> memref<32xi32, #tpu.memory_space<hbm>>
        tpu.wait_dma2 semaphore(%arg32 : memref<!tpu.dma_semaphore, #tpu.memory_space<semaphore_mem>>) src(%dma_wait3A_186 : memref<32xi32, #tpu.memory_space<hbm>>) dst(%arg19 : memref<32xi32, #tpu.memory_space<vmem>>)
        %dma_start3A_187 = arith.constant 0 : i32
        %dma_start3A_188 = arith.constant 0 : i32
        %dma_start3A_189 = tpu.memref_slice %arg2[%dma_start3A_187, %dma_start3A_188] : memref<10000x128xf32, #tpu.memory_space<hbm>> -> memref<10000x128xf32, #tpu.memory_space<hbm>>
        tpu.enqueue_indirect_dma source(%dma_start3A_189 : memref<10000x128xf32, #tpu.memory_space<hbm>>) target(%arg24 : memref<32x128xf32, #tpu.memory_space<vmem>>) offsets(%arg14 : memref<32xi32, #tpu.memory_space<vmem>>) semaphore(%arg37 : memref<!tpu.dma_semaphore, #tpu.memory_space<semaphore_mem>>)
        %dma_wait3A_190 = arith.constant 0 : i32
        %dma_wait3A_191 = arith.constant 0 : i32
        %dma_wait3A_192 = tpu.memref_slice %arg2[%dma_wait3A_190, %dma_wait3A_191] : memref<10000x128xf32, #tpu.memory_space<hbm>> -> memref<10000x128xf32, #tpu.memory_space<hbm>>
        tpu.wait_indirect_dma semaphore(%arg33 : memref<!tpu.dma_semaphore, #tpu.memory_space<semaphore_mem>>) src(%dma_wait3A_192 : memref<10000x128xf32, #tpu.memory_space<hbm>>) dst(%arg20 : memref<32x128xf32, #tpu.memory_space<vmem>>)
        %dma_start3A_193 = arith.constant 0 : i32
        %dma_start3A_194 = arith.constant 0 : i32
        %dma_start3A_195 = tpu.memref_slice %arg27[%dma_start3A_193, %dma_start3A_194] : memref<10240x128xf32, #tpu.memory_space<vmem_shared>> -> memref<10240x128xf32, #tpu.memory_space<vmem_shared>>
        tpu.enqueue_indirect_dma source(%arg20 : memref<32x128xf32, #tpu.memory_space<vmem>>) target(%dma_start3A_195 : memref<10240x128xf32, #tpu.memory_space<vmem_shared>>) offsets(%arg15 : memref<32xi32, #tpu.memory_space<vmem>>) semaphore(%arg38 : memref<!tpu.dma_semaphore, #tpu.memory_space<semaphore_mem>>) {add = true}
        %dma_wait3A_196 = arith.constant 0 : i32
        %dma_wait3A_197 = arith.constant 0 : i32
        %dma_wait3A_198 = tpu.memref_slice %arg2[%dma_wait3A_196, %dma_wait3A_197] : memref<10000x128xf32, #tpu.memory_space<hbm>> -> memref<10000x128xf32, #tpu.memory_space<hbm>>
        tpu.wait_indirect_dma semaphore(%arg34 : memref<!tpu.dma_semaphore, #tpu.memory_space<semaphore_mem>>) src(%dma_wait3A_198 : memref<10000x128xf32, #tpu.memory_space<hbm>>) dst(%arg21 : memref<32x128xf32, #tpu.memory_space<vmem>>)
        %dma_start3A_199 = arith.constant 0 : i32
        %dma_start3A_200 = arith.constant 0 : i32
        %dma_start3A_201 = tpu.memref_slice %arg27[%dma_start3A_199, %dma_start3A_200] : memref<10240x128xf32, #tpu.memory_space<vmem_shared>> -> memref<10240x128xf32, #tpu.memory_space<vmem_shared>>
        tpu.enqueue_indirect_dma source(%arg21 : memref<32x128xf32, #tpu.memory_space<vmem>>) target(%dma_start3A_201 : memref<10240x128xf32, #tpu.memory_space<vmem_shared>>) offsets(%arg16 : memref<32xi32, #tpu.memory_space<vmem>>) semaphore(%arg39 : memref<!tpu.dma_semaphore, #tpu.memory_space<semaphore_mem>>) {add = true}
        %dma_wait3A_202 = arith.constant 0 : i32
        %dma_wait3A_203 = arith.constant 0 : i32
        %dma_wait3A_204 = tpu.memref_slice %arg2[%dma_wait3A_202, %dma_wait3A_203] : memref<10000x128xf32, #tpu.memory_space<hbm>> -> memref<10000x128xf32, #tpu.memory_space<hbm>>
        tpu.wait_indirect_dma semaphore(%arg35 : memref<!tpu.dma_semaphore, #tpu.memory_space<semaphore_mem>>) src(%dma_wait3A_204 : memref<10000x128xf32, #tpu.memory_space<hbm>>) dst(%arg22 : memref<32x128xf32, #tpu.memory_space<vmem>>)
        %dma_start3A_205 = arith.constant 0 : i32
        %dma_start3A_206 = arith.constant 0 : i32
        %dma_start3A_207 = tpu.memref_slice %arg27[%dma_start3A_205, %dma_start3A_206] : memref<10240x128xf32, #tpu.memory_space<vmem_shared>> -> memref<10240x128xf32, #tpu.memory_space<vmem_shared>>
        tpu.enqueue_indirect_dma source(%arg22 : memref<32x128xf32, #tpu.memory_space<vmem>>) target(%dma_start3A_207 : memref<10240x128xf32, #tpu.memory_space<vmem_shared>>) offsets(%arg17 : memref<32xi32, #tpu.memory_space<vmem>>) semaphore(%arg40 : memref<!tpu.dma_semaphore, #tpu.memory_space<semaphore_mem>>) {add = true}
        %dma_wait3A_208 = arith.constant 0 : i32
        %dma_wait3A_209 = arith.constant 0 : i32
        %dma_wait3A_210 = tpu.memref_slice %arg2[%dma_wait3A_208, %dma_wait3A_209] : memref<10000x128xf32, #tpu.memory_space<hbm>> -> memref<10000x128xf32, #tpu.memory_space<hbm>>
        tpu.wait_indirect_dma semaphore(%arg36 : memref<!tpu.dma_semaphore, #tpu.memory_space<semaphore_mem>>) src(%dma_wait3A_210 : memref<10000x128xf32, #tpu.memory_space<hbm>>) dst(%arg23 : memref<32x128xf32, #tpu.memory_space<vmem>>)
        %dma_start3A_211 = arith.constant 0 : i32
        %dma_start3A_212 = arith.constant 0 : i32
        %dma_start3A_213 = tpu.memref_slice %arg27[%dma_start3A_211, %dma_start3A_212] : memref<10240x128xf32, #tpu.memory_space<vmem_shared>> -> memref<10240x128xf32, #tpu.memory_space<vmem_shared>>
        tpu.enqueue_indirect_dma source(%arg23 : memref<32x128xf32, #tpu.memory_space<vmem>>) target(%dma_start3A_213 : memref<10240x128xf32, #tpu.memory_space<vmem_shared>>) offsets(%arg18 : memref<32xi32, #tpu.memory_space<vmem>>) semaphore(%arg41 : memref<!tpu.dma_semaphore, #tpu.memory_space<semaphore_mem>>) {add = true}
        %dma_wait3A_214 = arith.constant 0 : i32
        %dma_wait3A_215 = arith.constant 0 : i32
        %dma_wait3A_216 = tpu.memref_slice %arg2[%dma_wait3A_214, %dma_wait3A_215] : memref<10000x128xf32, #tpu.memory_space<hbm>> -> memref<10000x128xf32, #tpu.memory_space<hbm>>
        tpu.wait_indirect_dma semaphore(%arg37 : memref<!tpu.dma_semaphore, #tpu.memory_space<semaphore_mem>>) src(%dma_wait3A_216 : memref<10000x128xf32, #tpu.memory_space<hbm>>) dst(%arg24 : memref<32x128xf32, #tpu.memory_space<vmem>>)
        %dma_start3A_217 = arith.constant 0 : i32
        %dma_start3A_218 = arith.constant 0 : i32
        %dma_start3A_219 = tpu.memref_slice %arg27[%dma_start3A_217, %dma_start3A_218] : memref<10240x128xf32, #tpu.memory_space<vmem_shared>> -> memref<10240x128xf32, #tpu.memory_space<vmem_shared>>
        tpu.enqueue_indirect_dma source(%arg24 : memref<32x128xf32, #tpu.memory_space<vmem>>) target(%dma_start3A_219 : memref<10240x128xf32, #tpu.memory_space<vmem_shared>>) offsets(%arg19 : memref<32xi32, #tpu.memory_space<vmem>>) semaphore(%arg42 : memref<!tpu.dma_semaphore, #tpu.memory_space<semaphore_mem>>) {add = true}
        %dma_wait3A_220 = arith.constant 0 : i32
        %dma_wait3A_221 = arith.constant 0 : i32
        %dma_wait3A_222 = tpu.memref_slice %arg27[%dma_wait3A_220, %dma_wait3A_221] : memref<10240x128xf32, #tpu.memory_space<vmem_shared>> -> memref<10240x128xf32, #tpu.memory_space<vmem_shared>>
        tpu.wait_indirect_dma semaphore(%arg38 : memref<!tpu.dma_semaphore, #tpu.memory_space<semaphore_mem>>) src(%arg20 : memref<32x128xf32, #tpu.memory_space<vmem>>) dst(%dma_wait3A_222 : memref<10240x128xf32, #tpu.memory_space<vmem_shared>>)
        %lt3A = arith.constant 124 : i32
        %lt3A_223 = arith.cmpi slt, %scan3A_135, %lt3A : i32
        %convert_element_type3A_224 = arith.extui %lt3A_223 : i1 to i32
        %cond3A_225 = arith.constant 0 : i32
        %cond3A_226 = arith.cmpi ne, %convert_element_type3A_224, %cond3A_225 : i32
        scf.if %cond3A_226 {
          %add3A_259 = arith.constant 1 : i32
          %add3A_260 = arith.addi %scan3A_135, %add3A_259 : i32
          %mul3A_261 = arith.constant 5 : i32
          %mul3A_262 = arith.muli %add3A_260, %mul3A_261 : i32
          %add3A_263 = arith.constant 0 : i32
          %add3A_264 = arith.addi %mul3A_262, %add3A_263 : i32
          %mul3A_265 = arith.constant 32 : i32
          %mul3A_266 = arith.muli %add3A_264, %mul3A_265 : i32
          %add3A_267 = arith.addi %mul3A_94, %mul3A_266 : i32
          %dma_start3A_268 = tpu.memref_slice %arg4[%add3A_267] : memref<320000xi32, #tpu.memory_space<hbm>> -> memref<32xi32, #tpu.memory_space<hbm>>
          %dma_start3A_269 = tpu.memref_slice %arg4[%add3A_267] : memref<320000xi32, #tpu.memory_space<hbm>> -> memref<32xi32, #tpu.memory_space<hbm>>
          tpu.enqueue_dma source(%dma_start3A_269 : memref<32xi32, #tpu.memory_space<hbm>>) target(%arg10 : memref<32xi32, #tpu.memory_space<vmem>>) target_semaphore(%arg28 : memref<!tpu.dma_semaphore, #tpu.memory_space<semaphore_mem>>)
          %dma_start3A_270 = tpu.memref_slice %arg5[%add3A_267] : memref<320000xi32, #tpu.memory_space<hbm>> -> memref<32xi32, #tpu.memory_space<hbm>>
          %dma_start3A_271 = tpu.memref_slice %arg5[%add3A_267] : memref<320000xi32, #tpu.memory_space<hbm>> -> memref<32xi32, #tpu.memory_space<hbm>>
          tpu.enqueue_dma source(%dma_start3A_271 : memref<32xi32, #tpu.memory_space<hbm>>) target(%arg15 : memref<32xi32, #tpu.memory_space<vmem>>) target_semaphore(%arg28 : memref<!tpu.dma_semaphore, #tpu.memory_space<semaphore_mem>>)
        } else {
        }
        %dma_wait3A_227 = arith.constant 0 : i32
        %dma_wait3A_228 = arith.constant 0 : i32
        %dma_wait3A_229 = tpu.memref_slice %arg27[%dma_wait3A_227, %dma_wait3A_228] : memref<10240x128xf32, #tpu.memory_space<vmem_shared>> -> memref<10240x128xf32, #tpu.memory_space<vmem_shared>>
        tpu.wait_indirect_dma semaphore(%arg39 : memref<!tpu.dma_semaphore, #tpu.memory_space<semaphore_mem>>) src(%arg21 : memref<32x128xf32, #tpu.memory_space<vmem>>) dst(%dma_wait3A_229 : memref<10240x128xf32, #tpu.memory_space<vmem_shared>>)
        %lt3A_230 = arith.constant 124 : i32
        %lt3A_231 = arith.cmpi slt, %scan3A_135, %lt3A_230 : i32
        %convert_element_type3A_232 = arith.extui %lt3A_231 : i1 to i32
        %cond3A_233 = arith.constant 0 : i32
        %cond3A_234 = arith.cmpi ne, %convert_element_type3A_232, %cond3A_233 : i32
        scf.if %cond3A_234 {
          %add3A_259 = arith.constant 1 : i32
          %add3A_260 = arith.addi %scan3A_135, %add3A_259 : i32
          %mul3A_261 = arith.constant 5 : i32
          %mul3A_262 = arith.muli %add3A_260, %mul3A_261 : i32
          %add3A_263 = arith.constant 1 : i32
          %add3A_264 = arith.addi %mul3A_262, %add3A_263 : i32
          %mul3A_265 = arith.constant 32 : i32
          %mul3A_266 = arith.muli %add3A_264, %mul3A_265 : i32
          %add3A_267 = arith.addi %mul3A_94, %mul3A_266 : i32
          %dma_start3A_268 = tpu.memref_slice %arg4[%add3A_267] : memref<320000xi32, #tpu.memory_space<hbm>> -> memref<32xi32, #tpu.memory_space<hbm>>
          %dma_start3A_269 = tpu.memref_slice %arg4[%add3A_267] : memref<320000xi32, #tpu.memory_space<hbm>> -> memref<32xi32, #tpu.memory_space<hbm>>
          tpu.enqueue_dma source(%dma_start3A_269 : memref<32xi32, #tpu.memory_space<hbm>>) target(%arg11 : memref<32xi32, #tpu.memory_space<vmem>>) target_semaphore(%arg29 : memref<!tpu.dma_semaphore, #tpu.memory_space<semaphore_mem>>)
          %dma_start3A_270 = tpu.memref_slice %arg5[%add3A_267] : memref<320000xi32, #tpu.memory_space<hbm>> -> memref<32xi32, #tpu.memory_space<hbm>>
          %dma_start3A_271 = tpu.memref_slice %arg5[%add3A_267] : memref<320000xi32, #tpu.memory_space<hbm>> -> memref<32xi32, #tpu.memory_space<hbm>>
          tpu.enqueue_dma source(%dma_start3A_271 : memref<32xi32, #tpu.memory_space<hbm>>) target(%arg16 : memref<32xi32, #tpu.memory_space<vmem>>) target_semaphore(%arg29 : memref<!tpu.dma_semaphore, #tpu.memory_space<semaphore_mem>>)
        } else {
        }
        %dma_wait3A_235 = arith.constant 0 : i32
        %dma_wait3A_236 = arith.constant 0 : i32
        %dma_wait3A_237 = tpu.memref_slice %arg27[%dma_wait3A_235, %dma_wait3A_236] : memref<10240x128xf32, #tpu.memory_space<vmem_shared>> -> memref<10240x128xf32, #tpu.memory_space<vmem_shared>>
        tpu.wait_indirect_dma semaphore(%arg40 : memref<!tpu.dma_semaphore, #tpu.memory_space<semaphore_mem>>) src(%arg22 : memref<32x128xf32, #tpu.memory_space<vmem>>) dst(%dma_wait3A_237 : memref<10240x128xf32, #tpu.memory_space<vmem_shared>>)
        %lt3A_238 = arith.constant 124 : i32
        %lt3A_239 = arith.cmpi slt, %scan3A_135, %lt3A_238 : i32
        %convert_element_type3A_240 = arith.extui %lt3A_239 : i1 to i32
        %cond3A_241 = arith.constant 0 : i32
        %cond3A_242 = arith.cmpi ne, %convert_element_type3A_240, %cond3A_241 : i32
        scf.if %cond3A_242 {
          %add3A_259 = arith.constant 1 : i32
          %add3A_260 = arith.addi %scan3A_135, %add3A_259 : i32
          %mul3A_261 = arith.constant 5 : i32
          %mul3A_262 = arith.muli %add3A_260, %mul3A_261 : i32
          %add3A_263 = arith.constant 2 : i32
          %add3A_264 = arith.addi %mul3A_262, %add3A_263 : i32
          %mul3A_265 = arith.constant 32 : i32
          %mul3A_266 = arith.muli %add3A_264, %mul3A_265 : i32
          %add3A_267 = arith.addi %mul3A_94, %mul3A_266 : i32
          %dma_start3A_268 = tpu.memref_slice %arg4[%add3A_267] : memref<320000xi32, #tpu.memory_space<hbm>> -> memref<32xi32, #tpu.memory_space<hbm>>
          %dma_start3A_269 = tpu.memref_slice %arg4[%add3A_267] : memref<320000xi32, #tpu.memory_space<hbm>> -> memref<32xi32, #tpu.memory_space<hbm>>
          tpu.enqueue_dma source(%dma_start3A_269 : memref<32xi32, #tpu.memory_space<hbm>>) target(%arg12 : memref<32xi32, #tpu.memory_space<vmem>>) target_semaphore(%arg30 : memref<!tpu.dma_semaphore, #tpu.memory_space<semaphore_mem>>)
          %dma_start3A_270 = tpu.memref_slice %arg5[%add3A_267] : memref<320000xi32, #tpu.memory_space<hbm>> -> memref<32xi32, #tpu.memory_space<hbm>>
          %dma_start3A_271 = tpu.memref_slice %arg5[%add3A_267] : memref<320000xi32, #tpu.memory_space<hbm>> -> memref<32xi32, #tpu.memory_space<hbm>>
          tpu.enqueue_dma source(%dma_start3A_271 : memref<32xi32, #tpu.memory_space<hbm>>) target(%arg17 : memref<32xi32, #tpu.memory_space<vmem>>) target_semaphore(%arg30 : memref<!tpu.dma_semaphore, #tpu.memory_space<semaphore_mem>>)
        } else {
        }
        %dma_wait3A_243 = arith.constant 0 : i32
        %dma_wait3A_244 = arith.constant 0 : i32
        %dma_wait3A_245 = tpu.memref_slice %arg27[%dma_wait3A_243, %dma_wait3A_244] : memref<10240x128xf32, #tpu.memory_space<vmem_shared>> -> memref<10240x128xf32, #tpu.memory_space<vmem_shared>>
        tpu.wait_indirect_dma semaphore(%arg41 : memref<!tpu.dma_semaphore, #tpu.memory_space<semaphore_mem>>) src(%arg23 : memref<32x128xf32, #tpu.memory_space<vmem>>) dst(%dma_wait3A_245 : memref<10240x128xf32, #tpu.memory_space<vmem_shared>>)
        %lt3A_246 = arith.constant 124 : i32
        %lt3A_247 = arith.cmpi slt, %scan3A_135, %lt3A_246 : i32
        %convert_element_type3A_248 = arith.extui %lt3A_247 : i1 to i32
        %cond3A_249 = arith.constant 0 : i32
        %cond3A_250 = arith.cmpi ne, %convert_element_type3A_248, %cond3A_249 : i32
        scf.if %cond3A_250 {
          %add3A_259 = arith.constant 1 : i32
          %add3A_260 = arith.addi %scan3A_135, %add3A_259 : i32
          %mul3A_261 = arith.constant 5 : i32
          %mul3A_262 = arith.muli %add3A_260, %mul3A_261 : i32
          %add3A_263 = arith.constant 3 : i32
          %add3A_264 = arith.addi %mul3A_262, %add3A_263 : i32
          %mul3A_265 = arith.constant 32 : i32
          %mul3A_266 = arith.muli %add3A_264, %mul3A_265 : i32
          %add3A_267 = arith.addi %mul3A_94, %mul3A_266 : i32
          %dma_start3A_268 = tpu.memref_slice %arg4[%add3A_267] : memref<320000xi32, #tpu.memory_space<hbm>> -> memref<32xi32, #tpu.memory_space<hbm>>
          %dma_start3A_269 = tpu.memref_slice %arg4[%add3A_267] : memref<320000xi32, #tpu.memory_space<hbm>> -> memref<32xi32, #tpu.memory_space<hbm>>
          tpu.enqueue_dma source(%dma_start3A_269 : memref<32xi32, #tpu.memory_space<hbm>>) target(%arg13 : memref<32xi32, #tpu.memory_space<vmem>>) target_semaphore(%arg31 : memref<!tpu.dma_semaphore, #tpu.memory_space<semaphore_mem>>)
          %dma_start3A_270 = tpu.memref_slice %arg5[%add3A_267] : memref<320000xi32, #tpu.memory_space<hbm>> -> memref<32xi32, #tpu.memory_space<hbm>>
          %dma_start3A_271 = tpu.memref_slice %arg5[%add3A_267] : memref<320000xi32, #tpu.memory_space<hbm>> -> memref<32xi32, #tpu.memory_space<hbm>>
          tpu.enqueue_dma source(%dma_start3A_271 : memref<32xi32, #tpu.memory_space<hbm>>) target(%arg18 : memref<32xi32, #tpu.memory_space<vmem>>) target_semaphore(%arg31 : memref<!tpu.dma_semaphore, #tpu.memory_space<semaphore_mem>>)
        } else {
        }
        %dma_wait3A_251 = arith.constant 0 : i32
        %dma_wait3A_252 = arith.constant 0 : i32
        %dma_wait3A_253 = tpu.memref_slice %arg27[%dma_wait3A_251, %dma_wait3A_252] : memref<10240x128xf32, #tpu.memory_space<vmem_shared>> -> memref<10240x128xf32, #tpu.memory_space<vmem_shared>>
        tpu.wait_indirect_dma semaphore(%arg42 : memref<!tpu.dma_semaphore, #tpu.memory_space<semaphore_mem>>) src(%arg24 : memref<32x128xf32, #tpu.memory_space<vmem>>) dst(%dma_wait3A_253 : memref<10240x128xf32, #tpu.memory_space<vmem_shared>>)
        %lt3A_254 = arith.constant 124 : i32
        %lt3A_255 = arith.cmpi slt, %scan3A_135, %lt3A_254 : i32
        %convert_element_type3A_256 = arith.extui %lt3A_255 : i1 to i32
        %cond3A_257 = arith.constant 0 : i32
        %cond3A_258 = arith.cmpi ne, %convert_element_type3A_256, %cond3A_257 : i32
        scf.if %cond3A_258 {
          %add3A_259 = arith.constant 1 : i32
          %add3A_260 = arith.addi %scan3A_135, %add3A_259 : i32
          %mul3A_261 = arith.constant 5 : i32
          %mul3A_262 = arith.muli %add3A_260, %mul3A_261 : i32
          %add3A_263 = arith.constant 4 : i32
          %add3A_264 = arith.addi %mul3A_262, %add3A_263 : i32
          %mul3A_265 = arith.constant 32 : i32
          %mul3A_266 = arith.muli %add3A_264, %mul3A_265 : i32
          %add3A_267 = arith.addi %mul3A_94, %mul3A_266 : i32
          %dma_start3A_268 = tpu.memref_slice %arg4[%add3A_267] : memref<320000xi32, #tpu.memory_space<hbm>> -> memref<32xi32, #tpu.memory_space<hbm>>
          %dma_start3A_269 = tpu.memref_slice %arg4[%add3A_267] : memref<320000xi32, #tpu.memory_space<hbm>> -> memref<32xi32, #tpu.memory_space<hbm>>
          tpu.enqueue_dma source(%dma_start3A_269 : memref<32xi32, #tpu.memory_space<hbm>>) target(%arg14 : memref<32xi32, #tpu.memory_space<vmem>>) target_semaphore(%arg32 : memref<!tpu.dma_semaphore, #tpu.memory_space<semaphore_mem>>)
          %dma_start3A_270 = tpu.memref_slice %arg5[%add3A_267] : memref<320000xi32, #tpu.memory_space<hbm>> -> memref<32xi32, #tpu.memory_space<hbm>>
          %dma_start3A_271 = tpu.memref_slice %arg5[%add3A_267] : memref<320000xi32, #tpu.memory_space<hbm>> -> memref<32xi32, #tpu.memory_space<hbm>>
          tpu.enqueue_dma source(%dma_start3A_271 : memref<32xi32, #tpu.memory_space<hbm>>) target(%arg19 : memref<32xi32, #tpu.memory_space<vmem>>) target_semaphore(%arg32 : memref<!tpu.dma_semaphore, #tpu.memory_space<semaphore_mem>>)
        } else {
        }
      }
      %scan3A_129 = arith.constant 125 : i32
      %barrier3A_130 = arith.constant 0 : index
      tpu.barrier barrier_id(%barrier3A_130)
      %mul3A_131 = arith.constant 640 : i32
      %mul3A_132 = arith.muli %arg1, %mul3A_131 : i32
      %mul3A_133 = arith.constant 640 : i32
      %mul3A_134 = arith.muli %arg1, %mul3A_133 : i32
      "tpu.region"() ({
        %run_scoped3A = tpu.sem_alloc : memref<!tpu.dma_semaphore, #tpu.memory_space<semaphore_mem>>
        %dma_start3A_135 = arith.constant 0 : i32
        %dma_start3A_136 = tpu.memref_slice %arg8[%mul3A_134, %dma_start3A_135] : memref<10240x128xf32, #tpu.memory_space<hbm>> -> memref<640x128xf32, #tpu.memory_space<hbm>>
        %dma_start3A_137 = arith.constant 0 : i32
        %dma_start3A_138 = tpu.memref_slice %arg27[%mul3A_132, %dma_start3A_137] : memref<10240x128xf32, #tpu.memory_space<vmem_shared>> -> memref<640x128xf32, #tpu.memory_space<vmem_shared>>
        tpu.enqueue_dma source(%dma_start3A_138 : memref<640x128xf32, #tpu.memory_space<vmem_shared>>) target(%dma_start3A_136 : memref<640x128xf32, #tpu.memory_space<hbm>>) target_semaphore(%run_scoped3A : memref<!tpu.dma_semaphore, #tpu.memory_space<semaphore_mem>>)
        %dma_wait3A = arith.constant 0 : i32
        %dma_wait3A_139 = tpu.memref_slice %arg8[%mul3A_134, %dma_wait3A] : memref<10240x128xf32, #tpu.memory_space<hbm>> -> memref<640x128xf32, #tpu.memory_space<hbm>>
        %dma_wait3A_140 = arith.constant 0 : i32
        %dma_wait3A_141 = tpu.memref_slice %arg27[%mul3A_132, %dma_wait3A_140] : memref<10240x128xf32, #tpu.memory_space<vmem_shared>> -> memref<640x128xf32, #tpu.memory_space<vmem_shared>>
        tpu.wait_dma2 semaphore(%run_scoped3A : memref<!tpu.dma_semaphore, #tpu.memory_space<semaphore_mem>>) src(%dma_wait3A_141 : memref<640x128xf32, #tpu.memory_space<vmem_shared>>) dst(%dma_wait3A_139 : memref<640x128xf32, #tpu.memory_space<hbm>>)
        tpu.yield
      }) : () -> ()
    } else {
    }
    %eq3A_10 = arith.constant 1 : i32
    %eq3A_11 = arith.cmpi eq, %arg0, %eq3A_10 : i32
    %convert_element_type3A_12 = arith.extui %eq3A_11 : i1 to i32
    %cond3A_13 = arith.constant 0 : i32
    %cond3A_14 = arith.cmpi ne, %convert_element_type3A_12, %cond3A_13 : i32
    scf.if %cond3A_14 {
      %mul3A = arith.constant 640 : i32
      %mul3A_15 = arith.muli %arg1, %mul3A : i32
      %add3A = arith.constant 0 : i32
      %add3A_16 = arith.addi %mul3A_15, %add3A : i32
      "tpu.region"() ({
        %run_scoped3A = tpu.sem_alloc : memref<!tpu.dma_semaphore, #tpu.memory_space<semaphore_mem>>
        %dma_start3A_135 = arith.constant 0 : i32
        %dma_start3A_136 = tpu.memref_slice %arg27[%add3A_16, %dma_start3A_135] : memref<10240x128xf32, #tpu.memory_space<vmem_shared>> -> memref<32x128xf32, #tpu.memory_space<vmem_shared>>
        %dma_start3A_137 = arith.constant 0 : i32
        %dma_start3A_138 = tpu.memref_slice %arg27[%add3A_16, %dma_start3A_137] : memref<10240x128xf32, #tpu.memory_space<vmem_shared>> -> memref<32x128xf32, #tpu.memory_space<vmem_shared>>
        tpu.enqueue_dma source(%arg20 : memref<32x128xf32, #tpu.memory_space<vmem>>) target(%dma_start3A_138 : memref<32x128xf32, #tpu.memory_space<vmem_shared>>) target_semaphore(%run_scoped3A : memref<!tpu.dma_semaphore, #tpu.memory_space<semaphore_mem>>)
        %dma_wait3A = arith.constant 0 : i32
        %dma_wait3A_139 = tpu.memref_slice %arg27[%add3A_16, %dma_wait3A] : memref<10240x128xf32, #tpu.memory_space<vmem_shared>> -> memref<32x128xf32, #tpu.memory_space<vmem_shared>>
        %dma_wait3A_140 = arith.constant 0 : i32
        %dma_wait3A_141 = tpu.memref_slice %arg27[%add3A_16, %dma_wait3A_140] : memref<10240x128xf32, #tpu.memory_space<vmem_shared>> -> memref<32x128xf32, #tpu.memory_space<vmem_shared>>
        tpu.wait_dma2 semaphore(%run_scoped3A : memref<!tpu.dma_semaphore, #tpu.memory_space<semaphore_mem>>) src(%arg20 : memref<32x128xf32, #tpu.memory_space<vmem>>) dst(%dma_wait3A_141 : memref<32x128xf32, #tpu.memory_space<vmem_shared>>)
        tpu.yield
      }) : () -> ()
      %mul3A_17 = arith.constant 640 : i32
      %mul3A_18 = arith.muli %arg1, %mul3A_17 : i32
      %add3A_19 = arith.constant 32 : i32
      %add3A_20 = arith.addi %mul3A_18, %add3A_19 : i32
      "tpu.region"() ({
        %run_scoped3A = tpu.sem_alloc : memref<!tpu.dma_semaphore, #tpu.memory_space<semaphore_mem>>
        %dma_start3A_135 = arith.constant 0 : i32
        %dma_start3A_136 = tpu.memref_slice %arg27[%add3A_20, %dma_start3A_135] : memref<10240x128xf32, #tpu.memory_space<vmem_shared>> -> memref<32x128xf32, #tpu.memory_space<vmem_shared>>
        %dma_start3A_137 = arith.constant 0 : i32
        %dma_start3A_138 = tpu.memref_slice %arg27[%add3A_20, %dma_start3A_137] : memref<10240x128xf32, #tpu.memory_space<vmem_shared>> -> memref<32x128xf32, #tpu.memory_space<vmem_shared>>
        tpu.enqueue_dma source(%arg20 : memref<32x128xf32, #tpu.memory_space<vmem>>) target(%dma_start3A_138 : memref<32x128xf32, #tpu.memory_space<vmem_shared>>) target_semaphore(%run_scoped3A : memref<!tpu.dma_semaphore, #tpu.memory_space<semaphore_mem>>)
        %dma_wait3A = arith.constant 0 : i32
        %dma_wait3A_139 = tpu.memref_slice %arg27[%add3A_20, %dma_wait3A] : memref<10240x128xf32, #tpu.memory_space<vmem_shared>> -> memref<32x128xf32, #tpu.memory_space<vmem_shared>>
        %dma_wait3A_140 = arith.constant 0 : i32
        %dma_wait3A_141 = tpu.memref_slice %arg27[%add3A_20, %dma_wait3A_140] : memref<10240x128xf32, #tpu.memory_space<vmem_shared>> -> memref<32x128xf32, #tpu.memory_space<vmem_shared>>
        tpu.wait_dma2 semaphore(%run_scoped3A : memref<!tpu.dma_semaphore, #tpu.memory_space<semaphore_mem>>) src(%arg20 : memref<32x128xf32, #tpu.memory_space<vmem>>) dst(%dma_wait3A_141 : memref<32x128xf32, #tpu.memory_space<vmem_shared>>)
        tpu.yield
      }) : () -> ()
      %mul3A_21 = arith.constant 640 : i32
      %mul3A_22 = arith.muli %arg1, %mul3A_21 : i32
      %add3A_23 = arith.constant 64 : i32
      %add3A_24 = arith.addi %mul3A_22, %add3A_23 : i32
      "tpu.region"() ({
        %run_scoped3A = tpu.sem_alloc : memref<!tpu.dma_semaphore, #tpu.memory_space<semaphore_mem>>
        %dma_start3A_135 = arith.constant 0 : i32
        %dma_start3A_136 = tpu.memref_slice %arg27[%add3A_24, %dma_start3A_135] : memref<10240x128xf32, #tpu.memory_space<vmem_shared>> -> memref<32x128xf32, #tpu.memory_space<vmem_shared>>
        %dma_start3A_137 = arith.constant 0 : i32
        %dma_start3A_138 = tpu.memref_slice %arg27[%add3A_24, %dma_start3A_137] : memref<10240x128xf32, #tpu.memory_space<vmem_shared>> -> memref<32x128xf32, #tpu.memory_space<vmem_shared>>
        tpu.enqueue_dma source(%arg20 : memref<32x128xf32, #tpu.memory_space<vmem>>) target(%dma_start3A_138 : memref<32x128xf32, #tpu.memory_space<vmem_shared>>) target_semaphore(%run_scoped3A : memref<!tpu.dma_semaphore, #tpu.memory_space<semaphore_mem>>)
        %dma_wait3A = arith.constant 0 : i32
        %dma_wait3A_139 = tpu.memref_slice %arg27[%add3A_24, %dma_wait3A] : memref<10240x128xf32, #tpu.memory_space<vmem_shared>> -> memref<32x128xf32, #tpu.memory_space<vmem_shared>>
        %dma_wait3A_140 = arith.constant 0 : i32
        %dma_wait3A_141 = tpu.memref_slice %arg27[%add3A_24, %dma_wait3A_140] : memref<10240x128xf32, #tpu.memory_space<vmem_shared>> -> memref<32x128xf32, #tpu.memory_space<vmem_shared>>
        tpu.wait_dma2 semaphore(%run_scoped3A : memref<!tpu.dma_semaphore, #tpu.memory_space<semaphore_mem>>) src(%arg20 : memref<32x128xf32, #tpu.memory_space<vmem>>) dst(%dma_wait3A_141 : memref<32x128xf32, #tpu.memory_space<vmem_shared>>)
        tpu.yield
      }) : () -> ()
      %mul3A_25 = arith.constant 640 : i32
      %mul3A_26 = arith.muli %arg1, %mul3A_25 : i32
      %add3A_27 = arith.constant 96 : i32
      %add3A_28 = arith.addi %mul3A_26, %add3A_27 : i32
      "tpu.region"() ({
        %run_scoped3A = tpu.sem_alloc : memref<!tpu.dma_semaphore, #tpu.memory_space<semaphore_mem>>
        %dma_start3A_135 = arith.constant 0 : i32
        %dma_start3A_136 = tpu.memref_slice %arg27[%add3A_28, %dma_start3A_135] : memref<10240x128xf32, #tpu.memory_space<vmem_shared>> -> memref<32x128xf32, #tpu.memory_space<vmem_shared>>
        %dma_start3A_137 = arith.constant 0 : i32
        %dma_start3A_138 = tpu.memref_slice %arg27[%add3A_28, %dma_start3A_137] : memref<10240x128xf32, #tpu.memory_space<vmem_shared>> -> memref<32x128xf32, #tpu.memory_space<vmem_shared>>
        tpu.enqueue_dma source(%arg20 : memref<32x128xf32, #tpu.memory_space<vmem>>) target(%dma_start3A_138 : memref<32x128xf32, #tpu.memory_space<vmem_shared>>) target_semaphore(%run_scoped3A : memref<!tpu.dma_semaphore, #tpu.memory_space<semaphore_mem>>)
        %dma_wait3A = arith.constant 0 : i32
        %dma_wait3A_139 = tpu.memref_slice %arg27[%add3A_28, %dma_wait3A] : memref<10240x128xf32, #tpu.memory_space<vmem_shared>> -> memref<32x128xf32, #tpu.memory_space<vmem_shared>>
        %dma_wait3A_140 = arith.constant 0 : i32
        %dma_wait3A_141 = tpu.memref_slice %arg27[%add3A_28, %dma_wait3A_140] : memref<10240x128xf32, #tpu.memory_space<vmem_shared>> -> memref<32x128xf32, #tpu.memory_space<vmem_shared>>
        tpu.wait_dma2 semaphore(%run_scoped3A : memref<!tpu.dma_semaphore, #tpu.memory_space<semaphore_mem>>) src(%arg20 : memref<32x128xf32, #tpu.memory_space<vmem>>) dst(%dma_wait3A_141 : memref<32x128xf32, #tpu.memory_space<vmem_shared>>)
        tpu.yield
      }) : () -> ()
      %mul3A_29 = arith.constant 640 : i32
      %mul3A_30 = arith.muli %arg1, %mul3A_29 : i32
      %add3A_31 = arith.constant 128 : i32
      %add3A_32 = arith.addi %mul3A_30, %add3A_31 : i32
      "tpu.region"() ({
        %run_scoped3A = tpu.sem_alloc : memref<!tpu.dma_semaphore, #tpu.memory_space<semaphore_mem>>
        %dma_start3A_135 = arith.constant 0 : i32
        %dma_start3A_136 = tpu.memref_slice %arg27[%add3A_32, %dma_start3A_135] : memref<10240x128xf32, #tpu.memory_space<vmem_shared>> -> memref<32x128xf32, #tpu.memory_space<vmem_shared>>
        %dma_start3A_137 = arith.constant 0 : i32
        %dma_start3A_138 = tpu.memref_slice %arg27[%add3A_32, %dma_start3A_137] : memref<10240x128xf32, #tpu.memory_space<vmem_shared>> -> memref<32x128xf32, #tpu.memory_space<vmem_shared>>
        tpu.enqueue_dma source(%arg20 : memref<32x128xf32, #tpu.memory_space<vmem>>) target(%dma_start3A_138 : memref<32x128xf32, #tpu.memory_space<vmem_shared>>) target_semaphore(%run_scoped3A : memref<!tpu.dma_semaphore, #tpu.memory_space<semaphore_mem>>)
        %dma_wait3A = arith.constant 0 : i32
        %dma_wait3A_139 = tpu.memref_slice %arg27[%add3A_32, %dma_wait3A] : memref<10240x128xf32, #tpu.memory_space<vmem_shared>> -> memref<32x128xf32, #tpu.memory_space<vmem_shared>>
        %dma_wait3A_140 = arith.constant 0 : i32
        %dma_wait3A_141 = tpu.memref_slice %arg27[%add3A_32, %dma_wait3A_140] : memref<10240x128xf32, #tpu.memory_space<vmem_shared>> -> memref<32x128xf32, #tpu.memory_space<vmem_shared>>
        tpu.wait_dma2 semaphore(%run_scoped3A : memref<!tpu.dma_semaphore, #tpu.memory_space<semaphore_mem>>) src(%arg20 : memref<32x128xf32, #tpu.memory_space<vmem>>) dst(%dma_wait3A_141 : memref<32x128xf32, #tpu.memory_space<vmem_shared>>)
        tpu.yield
      }) : () -> ()
      %mul3A_33 = arith.constant 640 : i32
      %mul3A_34 = arith.muli %arg1, %mul3A_33 : i32
      %add3A_35 = arith.constant 160 : i32
      %add3A_36 = arith.addi %mul3A_34, %add3A_35 : i32
      "tpu.region"() ({
        %run_scoped3A = tpu.sem_alloc : memref<!tpu.dma_semaphore, #tpu.memory_space<semaphore_mem>>
        %dma_start3A_135 = arith.constant 0 : i32
        %dma_start3A_136 = tpu.memref_slice %arg27[%add3A_36, %dma_start3A_135] : memref<10240x128xf32, #tpu.memory_space<vmem_shared>> -> memref<32x128xf32, #tpu.memory_space<vmem_shared>>
        %dma_start3A_137 = arith.constant 0 : i32
        %dma_start3A_138 = tpu.memref_slice %arg27[%add3A_36, %dma_start3A_137] : memref<10240x128xf32, #tpu.memory_space<vmem_shared>> -> memref<32x128xf32, #tpu.memory_space<vmem_shared>>
        tpu.enqueue_dma source(%arg20 : memref<32x128xf32, #tpu.memory_space<vmem>>) target(%dma_start3A_138 : memref<32x128xf32, #tpu.memory_space<vmem_shared>>) target_semaphore(%run_scoped3A : memref<!tpu.dma_semaphore, #tpu.memory_space<semaphore_mem>>)
        %dma_wait3A = arith.constant 0 : i32
        %dma_wait3A_139 = tpu.memref_slice %arg27[%add3A_36, %dma_wait3A] : memref<10240x128xf32, #tpu.memory_space<vmem_shared>> -> memref<32x128xf32, #tpu.memory_space<vmem_shared>>
        %dma_wait3A_140 = arith.constant 0 : i32
        %dma_wait3A_141 = tpu.memref_slice %arg27[%add3A_36, %dma_wait3A_140] : memref<10240x128xf32, #tpu.memory_space<vmem_shared>> -> memref<32x128xf32, #tpu.memory_space<vmem_shared>>
        tpu.wait_dma2 semaphore(%run_scoped3A : memref<!tpu.dma_semaphore, #tpu.memory_space<semaphore_mem>>) src(%arg20 : memref<32x128xf32, #tpu.memory_space<vmem>>) dst(%dma_wait3A_141 : memref<32x128xf32, #tpu.memory_space<vmem_shared>>)
        tpu.yield
      }) : () -> ()
      %mul3A_37 = arith.constant 640 : i32
      %mul3A_38 = arith.muli %arg1, %mul3A_37 : i32
      %add3A_39 = arith.constant 192 : i32
      %add3A_40 = arith.addi %mul3A_38, %add3A_39 : i32
      "tpu.region"() ({
        %run_scoped3A = tpu.sem_alloc : memref<!tpu.dma_semaphore, #tpu.memory_space<semaphore_mem>>
        %dma_start3A_135 = arith.constant 0 : i32
        %dma_start3A_136 = tpu.memref_slice %arg27[%add3A_40, %dma_start3A_135] : memref<10240x128xf32, #tpu.memory_space<vmem_shared>> -> memref<32x128xf32, #tpu.memory_space<vmem_shared>>
        %dma_start3A_137 = arith.constant 0 : i32
        %dma_start3A_138 = tpu.memref_slice %arg27[%add3A_40, %dma_start3A_137] : memref<10240x128xf32, #tpu.memory_space<vmem_shared>> -> memref<32x128xf32, #tpu.memory_space<vmem_shared>>
        tpu.enqueue_dma source(%arg20 : memref<32x128xf32, #tpu.memory_space<vmem>>) target(%dma_start3A_138 : memref<32x128xf32, #tpu.memory_space<vmem_shared>>) target_semaphore(%run_scoped3A : memref<!tpu.dma_semaphore, #tpu.memory_space<semaphore_mem>>)
        %dma_wait3A = arith.constant 0 : i32
        %dma_wait3A_139 = tpu.memref_slice %arg27[%add3A_40, %dma_wait3A] : memref<10240x128xf32, #tpu.memory_space<vmem_shared>> -> memref<32x128xf32, #tpu.memory_space<vmem_shared>>
        %dma_wait3A_140 = arith.constant 0 : i32
        %dma_wait3A_141 = tpu.memref_slice %arg27[%add3A_40, %dma_wait3A_140] : memref<10240x128xf32, #tpu.memory_space<vmem_shared>> -> memref<32x128xf32, #tpu.memory_space<vmem_shared>>
        tpu.wait_dma2 semaphore(%run_scoped3A : memref<!tpu.dma_semaphore, #tpu.memory_space<semaphore_mem>>) src(%arg20 : memref<32x128xf32, #tpu.memory_space<vmem>>) dst(%dma_wait3A_141 : memref<32x128xf32, #tpu.memory_space<vmem_shared>>)
        tpu.yield
      }) : () -> ()
      %mul3A_41 = arith.constant 640 : i32
      %mul3A_42 = arith.muli %arg1, %mul3A_41 : i32
      %add3A_43 = arith.constant 224 : i32
      %add3A_44 = arith.addi %mul3A_42, %add3A_43 : i32
      "tpu.region"() ({
        %run_scoped3A = tpu.sem_alloc : memref<!tpu.dma_semaphore, #tpu.memory_space<semaphore_mem>>
        %dma_start3A_135 = arith.constant 0 : i32
        %dma_start3A_136 = tpu.memref_slice %arg27[%add3A_44, %dma_start3A_135] : memref<10240x128xf32, #tpu.memory_space<vmem_shared>> -> memref<32x128xf32, #tpu.memory_space<vmem_shared>>
        %dma_start3A_137 = arith.constant 0 : i32
        %dma_start3A_138 = tpu.memref_slice %arg27[%add3A_44, %dma_start3A_137] : memref<10240x128xf32, #tpu.memory_space<vmem_shared>> -> memref<32x128xf32, #tpu.memory_space<vmem_shared>>
        tpu.enqueue_dma source(%arg20 : memref<32x128xf32, #tpu.memory_space<vmem>>) target(%dma_start3A_138 : memref<32x128xf32, #tpu.memory_space<vmem_shared>>) target_semaphore(%run_scoped3A : memref<!tpu.dma_semaphore, #tpu.memory_space<semaphore_mem>>)
        %dma_wait3A = arith.constant 0 : i32
        %dma_wait3A_139 = tpu.memref_slice %arg27[%add3A_44, %dma_wait3A] : memref<10240x128xf32, #tpu.memory_space<vmem_shared>> -> memref<32x128xf32, #tpu.memory_space<vmem_shared>>
        %dma_wait3A_140 = arith.constant 0 : i32
        %dma_wait3A_141 = tpu.memref_slice %arg27[%add3A_44, %dma_wait3A_140] : memref<10240x128xf32, #tpu.memory_space<vmem_shared>> -> memref<32x128xf32, #tpu.memory_space<vmem_shared>>
        tpu.wait_dma2 semaphore(%run_scoped3A : memref<!tpu.dma_semaphore, #tpu.memory_space<semaphore_mem>>) src(%arg20 : memref<32x128xf32, #tpu.memory_space<vmem>>) dst(%dma_wait3A_141 : memref<32x128xf32, #tpu.memory_space<vmem_shared>>)
        tpu.yield
      }) : () -> ()
      %mul3A_45 = arith.constant 640 : i32
      %mul3A_46 = arith.muli %arg1, %mul3A_45 : i32
      %add3A_47 = arith.constant 256 : i32
      %add3A_48 = arith.addi %mul3A_46, %add3A_47 : i32
      "tpu.region"() ({
        %run_scoped3A = tpu.sem_alloc : memref<!tpu.dma_semaphore, #tpu.memory_space<semaphore_mem>>
        %dma_start3A_135 = arith.constant 0 : i32
        %dma_start3A_136 = tpu.memref_slice %arg27[%add3A_48, %dma_start3A_135] : memref<10240x128xf32, #tpu.memory_space<vmem_shared>> -> memref<32x128xf32, #tpu.memory_space<vmem_shared>>
        %dma_start3A_137 = arith.constant 0 : i32
        %dma_start3A_138 = tpu.memref_slice %arg27[%add3A_48, %dma_start3A_137] : memref<10240x128xf32, #tpu.memory_space<vmem_shared>> -> memref<32x128xf32, #tpu.memory_space<vmem_shared>>
        tpu.enqueue_dma source(%arg20 : memref<32x128xf32, #tpu.memory_space<vmem>>) target(%dma_start3A_138 : memref<32x128xf32, #tpu.memory_space<vmem_shared>>) target_semaphore(%run_scoped3A : memref<!tpu.dma_semaphore, #tpu.memory_space<semaphore_mem>>)
        %dma_wait3A = arith.constant 0 : i32
        %dma_wait3A_139 = tpu.memref_slice %arg27[%add3A_48, %dma_wait3A] : memref<10240x128xf32, #tpu.memory_space<vmem_shared>> -> memref<32x128xf32, #tpu.memory_space<vmem_shared>>
        %dma_wait3A_140 = arith.constant 0 : i32
        %dma_wait3A_141 = tpu.memref_slice %arg27[%add3A_48, %dma_wait3A_140] : memref<10240x128xf32, #tpu.memory_space<vmem_shared>> -> memref<32x128xf32, #tpu.memory_space<vmem_shared>>
        tpu.wait_dma2 semaphore(%run_scoped3A : memref<!tpu.dma_semaphore, #tpu.memory_space<semaphore_mem>>) src(%arg20 : memref<32x128xf32, #tpu.memory_space<vmem>>) dst(%dma_wait3A_141 : memref<32x128xf32, #tpu.memory_space<vmem_shared>>)
        tpu.yield
      }) : () -> ()
      %mul3A_49 = arith.constant 640 : i32
      %mul3A_50 = arith.muli %arg1, %mul3A_49 : i32
      %add3A_51 = arith.constant 288 : i32
      %add3A_52 = arith.addi %mul3A_50, %add3A_51 : i32
      "tpu.region"() ({
        %run_scoped3A = tpu.sem_alloc : memref<!tpu.dma_semaphore, #tpu.memory_space<semaphore_mem>>
        %dma_start3A_135 = arith.constant 0 : i32
        %dma_start3A_136 = tpu.memref_slice %arg27[%add3A_52, %dma_start3A_135] : memref<10240x128xf32, #tpu.memory_space<vmem_shared>> -> memref<32x128xf32, #tpu.memory_space<vmem_shared>>
        %dma_start3A_137 = arith.constant 0 : i32
        %dma_start3A_138 = tpu.memref_slice %arg27[%add3A_52, %dma_start3A_137] : memref<10240x128xf32, #tpu.memory_space<vmem_shared>> -> memref<32x128xf32, #tpu.memory_space<vmem_shared>>
        tpu.enqueue_dma source(%arg20 : memref<32x128xf32, #tpu.memory_space<vmem>>) target(%dma_start3A_138 : memref<32x128xf32, #tpu.memory_space<vmem_shared>>) target_semaphore(%run_scoped3A : memref<!tpu.dma_semaphore, #tpu.memory_space<semaphore_mem>>)
        %dma_wait3A = arith.constant 0 : i32
        %dma_wait3A_139 = tpu.memref_slice %arg27[%add3A_52, %dma_wait3A] : memref<10240x128xf32, #tpu.memory_space<vmem_shared>> -> memref<32x128xf32, #tpu.memory_space<vmem_shared>>
        %dma_wait3A_140 = arith.constant 0 : i32
        %dma_wait3A_141 = tpu.memref_slice %arg27[%add3A_52, %dma_wait3A_140] : memref<10240x128xf32, #tpu.memory_space<vmem_shared>> -> memref<32x128xf32, #tpu.memory_space<vmem_shared>>
        tpu.wait_dma2 semaphore(%run_scoped3A : memref<!tpu.dma_semaphore, #tpu.memory_space<semaphore_mem>>) src(%arg20 : memref<32x128xf32, #tpu.memory_space<vmem>>) dst(%dma_wait3A_141 : memref<32x128xf32, #tpu.memory_space<vmem_shared>>)
        tpu.yield
      }) : () -> ()
      %mul3A_53 = arith.constant 640 : i32
      %mul3A_54 = arith.muli %arg1, %mul3A_53 : i32
      %add3A_55 = arith.constant 320 : i32
      %add3A_56 = arith.addi %mul3A_54, %add3A_55 : i32
      "tpu.region"() ({
        %run_scoped3A = tpu.sem_alloc : memref<!tpu.dma_semaphore, #tpu.memory_space<semaphore_mem>>
        %dma_start3A_135 = arith.constant 0 : i32
        %dma_start3A_136 = tpu.memref_slice %arg27[%add3A_56, %dma_start3A_135] : memref<10240x128xf32, #tpu.memory_space<vmem_shared>> -> memref<32x128xf32, #tpu.memory_space<vmem_shared>>
        %dma_start3A_137 = arith.constant 0 : i32
        %dma_start3A_138 = tpu.memref_slice %arg27[%add3A_56, %dma_start3A_137] : memref<10240x128xf32, #tpu.memory_space<vmem_shared>> -> memref<32x128xf32, #tpu.memory_space<vmem_shared>>
        tpu.enqueue_dma source(%arg20 : memref<32x128xf32, #tpu.memory_space<vmem>>) target(%dma_start3A_138 : memref<32x128xf32, #tpu.memory_space<vmem_shared>>) target_semaphore(%run_scoped3A : memref<!tpu.dma_semaphore, #tpu.memory_space<semaphore_mem>>)
        %dma_wait3A = arith.constant 0 : i32
        %dma_wait3A_139 = tpu.memref_slice %arg27[%add3A_56, %dma_wait3A] : memref<10240x128xf32, #tpu.memory_space<vmem_shared>> -> memref<32x128xf32, #tpu.memory_space<vmem_shared>>
        %dma_wait3A_140 = arith.constant 0 : i32
        %dma_wait3A_141 = tpu.memref_slice %arg27[%add3A_56, %dma_wait3A_140] : memref<10240x128xf32, #tpu.memory_space<vmem_shared>> -> memref<32x128xf32, #tpu.memory_space<vmem_shared>>
        tpu.wait_dma2 semaphore(%run_scoped3A : memref<!tpu.dma_semaphore, #tpu.memory_space<semaphore_mem>>) src(%arg20 : memref<32x128xf32, #tpu.memory_space<vmem>>) dst(%dma_wait3A_141 : memref<32x128xf32, #tpu.memory_space<vmem_shared>>)
        tpu.yield
      }) : () -> ()
      %mul3A_57 = arith.constant 640 : i32
      %mul3A_58 = arith.muli %arg1, %mul3A_57 : i32
      %add3A_59 = arith.constant 352 : i32
      %add3A_60 = arith.addi %mul3A_58, %add3A_59 : i32
      "tpu.region"() ({
        %run_scoped3A = tpu.sem_alloc : memref<!tpu.dma_semaphore, #tpu.memory_space<semaphore_mem>>
        %dma_start3A_135 = arith.constant 0 : i32
        %dma_start3A_136 = tpu.memref_slice %arg27[%add3A_60, %dma_start3A_135] : memref<10240x128xf32, #tpu.memory_space<vmem_shared>> -> memref<32x128xf32, #tpu.memory_space<vmem_shared>>
        %dma_start3A_137 = arith.constant 0 : i32
        %dma_start3A_138 = tpu.memref_slice %arg27[%add3A_60, %dma_start3A_137] : memref<10240x128xf32, #tpu.memory_space<vmem_shared>> -> memref<32x128xf32, #tpu.memory_space<vmem_shared>>
        tpu.enqueue_dma source(%arg20 : memref<32x128xf32, #tpu.memory_space<vmem>>) target(%dma_start3A_138 : memref<32x128xf32, #tpu.memory_space<vmem_shared>>) target_semaphore(%run_scoped3A : memref<!tpu.dma_semaphore, #tpu.memory_space<semaphore_mem>>)
        %dma_wait3A = arith.constant 0 : i32
        %dma_wait3A_139 = tpu.memref_slice %arg27[%add3A_60, %dma_wait3A] : memref<10240x128xf32, #tpu.memory_space<vmem_shared>> -> memref<32x128xf32, #tpu.memory_space<vmem_shared>>
        %dma_wait3A_140 = arith.constant 0 : i32
        %dma_wait3A_141 = tpu.memref_slice %arg27[%add3A_60, %dma_wait3A_140] : memref<10240x128xf32, #tpu.memory_space<vmem_shared>> -> memref<32x128xf32, #tpu.memory_space<vmem_shared>>
        tpu.wait_dma2 semaphore(%run_scoped3A : memref<!tpu.dma_semaphore, #tpu.memory_space<semaphore_mem>>) src(%arg20 : memref<32x128xf32, #tpu.memory_space<vmem>>) dst(%dma_wait3A_141 : memref<32x128xf32, #tpu.memory_space<vmem_shared>>)
        tpu.yield
      }) : () -> ()
      %mul3A_61 = arith.constant 640 : i32
      %mul3A_62 = arith.muli %arg1, %mul3A_61 : i32
      %add3A_63 = arith.constant 384 : i32
      %add3A_64 = arith.addi %mul3A_62, %add3A_63 : i32
      "tpu.region"() ({
        %run_scoped3A = tpu.sem_alloc : memref<!tpu.dma_semaphore, #tpu.memory_space<semaphore_mem>>
        %dma_start3A_135 = arith.constant 0 : i32
        %dma_start3A_136 = tpu.memref_slice %arg27[%add3A_64, %dma_start3A_135] : memref<10240x128xf32, #tpu.memory_space<vmem_shared>> -> memref<32x128xf32, #tpu.memory_space<vmem_shared>>
        %dma_start3A_137 = arith.constant 0 : i32
        %dma_start3A_138 = tpu.memref_slice %arg27[%add3A_64, %dma_start3A_137] : memref<10240x128xf32, #tpu.memory_space<vmem_shared>> -> memref<32x128xf32, #tpu.memory_space<vmem_shared>>
        tpu.enqueue_dma source(%arg20 : memref<32x128xf32, #tpu.memory_space<vmem>>) target(%dma_start3A_138 : memref<32x128xf32, #tpu.memory_space<vmem_shared>>) target_semaphore(%run_scoped3A : memref<!tpu.dma_semaphore, #tpu.memory_space<semaphore_mem>>)
        %dma_wait3A = arith.constant 0 : i32
        %dma_wait3A_139 = tpu.memref_slice %arg27[%add3A_64, %dma_wait3A] : memref<10240x128xf32, #tpu.memory_space<vmem_shared>> -> memref<32x128xf32, #tpu.memory_space<vmem_shared>>
        %dma_wait3A_140 = arith.constant 0 : i32
        %dma_wait3A_141 = tpu.memref_slice %arg27[%add3A_64, %dma_wait3A_140] : memref<10240x128xf32, #tpu.memory_space<vmem_shared>> -> memref<32x128xf32, #tpu.memory_space<vmem_shared>>
        tpu.wait_dma2 semaphore(%run_scoped3A : memref<!tpu.dma_semaphore, #tpu.memory_space<semaphore_mem>>) src(%arg20 : memref<32x128xf32, #tpu.memory_space<vmem>>) dst(%dma_wait3A_141 : memref<32x128xf32, #tpu.memory_space<vmem_shared>>)
        tpu.yield
      }) : () -> ()
      %mul3A_65 = arith.constant 640 : i32
      %mul3A_66 = arith.muli %arg1, %mul3A_65 : i32
      %add3A_67 = arith.constant 416 : i32
      %add3A_68 = arith.addi %mul3A_66, %add3A_67 : i32
      "tpu.region"() ({
        %run_scoped3A = tpu.sem_alloc : memref<!tpu.dma_semaphore, #tpu.memory_space<semaphore_mem>>
        %dma_start3A_135 = arith.constant 0 : i32
        %dma_start3A_136 = tpu.memref_slice %arg27[%add3A_68, %dma_start3A_135] : memref<10240x128xf32, #tpu.memory_space<vmem_shared>> -> memref<32x128xf32, #tpu.memory_space<vmem_shared>>
        %dma_start3A_137 = arith.constant 0 : i32
        %dma_start3A_138 = tpu.memref_slice %arg27[%add3A_68, %dma_start3A_137] : memref<10240x128xf32, #tpu.memory_space<vmem_shared>> -> memref<32x128xf32, #tpu.memory_space<vmem_shared>>
        tpu.enqueue_dma source(%arg20 : memref<32x128xf32, #tpu.memory_space<vmem>>) target(%dma_start3A_138 : memref<32x128xf32, #tpu.memory_space<vmem_shared>>) target_semaphore(%run_scoped3A : memref<!tpu.dma_semaphore, #tpu.memory_space<semaphore_mem>>)
        %dma_wait3A = arith.constant 0 : i32
        %dma_wait3A_139 = tpu.memref_slice %arg27[%add3A_68, %dma_wait3A] : memref<10240x128xf32, #tpu.memory_space<vmem_shared>> -> memref<32x128xf32, #tpu.memory_space<vmem_shared>>
        %dma_wait3A_140 = arith.constant 0 : i32
        %dma_wait3A_141 = tpu.memref_slice %arg27[%add3A_68, %dma_wait3A_140] : memref<10240x128xf32, #tpu.memory_space<vmem_shared>> -> memref<32x128xf32, #tpu.memory_space<vmem_shared>>
        tpu.wait_dma2 semaphore(%run_scoped3A : memref<!tpu.dma_semaphore, #tpu.memory_space<semaphore_mem>>) src(%arg20 : memref<32x128xf32, #tpu.memory_space<vmem>>) dst(%dma_wait3A_141 : memref<32x128xf32, #tpu.memory_space<vmem_shared>>)
        tpu.yield
      }) : () -> ()
      %mul3A_69 = arith.constant 640 : i32
      %mul3A_70 = arith.muli %arg1, %mul3A_69 : i32
      %add3A_71 = arith.constant 448 : i32
      %add3A_72 = arith.addi %mul3A_70, %add3A_71 : i32
      "tpu.region"() ({
        %run_scoped3A = tpu.sem_alloc : memref<!tpu.dma_semaphore, #tpu.memory_space<semaphore_mem>>
        %dma_start3A_135 = arith.constant 0 : i32
        %dma_start3A_136 = tpu.memref_slice %arg27[%add3A_72, %dma_start3A_135] : memref<10240x128xf32, #tpu.memory_space<vmem_shared>> -> memref<32x128xf32, #tpu.memory_space<vmem_shared>>
        %dma_start3A_137 = arith.constant 0 : i32
        %dma_start3A_138 = tpu.memref_slice %arg27[%add3A_72, %dma_start3A_137] : memref<10240x128xf32, #tpu.memory_space<vmem_shared>> -> memref<32x128xf32, #tpu.memory_space<vmem_shared>>
        tpu.enqueue_dma source(%arg20 : memref<32x128xf32, #tpu.memory_space<vmem>>) target(%dma_start3A_138 : memref<32x128xf32, #tpu.memory_space<vmem_shared>>) target_semaphore(%run_scoped3A : memref<!tpu.dma_semaphore, #tpu.memory_space<semaphore_mem>>)
        %dma_wait3A = arith.constant 0 : i32
        %dma_wait3A_139 = tpu.memref_slice %arg27[%add3A_72, %dma_wait3A] : memref<10240x128xf32, #tpu.memory_space<vmem_shared>> -> memref<32x128xf32, #tpu.memory_space<vmem_shared>>
        %dma_wait3A_140 = arith.constant 0 : i32
        %dma_wait3A_141 = tpu.memref_slice %arg27[%add3A_72, %dma_wait3A_140] : memref<10240x128xf32, #tpu.memory_space<vmem_shared>> -> memref<32x128xf32, #tpu.memory_space<vmem_shared>>
        tpu.wait_dma2 semaphore(%run_scoped3A : memref<!tpu.dma_semaphore, #tpu.memory_space<semaphore_mem>>) src(%arg20 : memref<32x128xf32, #tpu.memory_space<vmem>>) dst(%dma_wait3A_141 : memref<32x128xf32, #tpu.memory_space<vmem_shared>>)
        tpu.yield
      }) : () -> ()
      %mul3A_73 = arith.constant 640 : i32
      %mul3A_74 = arith.muli %arg1, %mul3A_73 : i32
      %add3A_75 = arith.constant 480 : i32
      %add3A_76 = arith.addi %mul3A_74, %add3A_75 : i32
      "tpu.region"() ({
        %run_scoped3A = tpu.sem_alloc : memref<!tpu.dma_semaphore, #tpu.memory_space<semaphore_mem>>
        %dma_start3A_135 = arith.constant 0 : i32
        %dma_start3A_136 = tpu.memref_slice %arg27[%add3A_76, %dma_start3A_135] : memref<10240x128xf32, #tpu.memory_space<vmem_shared>> -> memref<32x128xf32, #tpu.memory_space<vmem_shared>>
        %dma_start3A_137 = arith.constant 0 : i32
        %dma_start3A_138 = tpu.memref_slice %arg27[%add3A_76, %dma_start3A_137] : memref<10240x128xf32, #tpu.memory_space<vmem_shared>> -> memref<32x128xf32, #tpu.memory_space<vmem_shared>>
        tpu.enqueue_dma source(%arg20 : memref<32x128xf32, #tpu.memory_space<vmem>>) target(%dma_start3A_138 : memref<32x128xf32, #tpu.memory_space<vmem_shared>>) target_semaphore(%run_scoped3A : memref<!tpu.dma_semaphore, #tpu.memory_space<semaphore_mem>>)
        %dma_wait3A = arith.constant 0 : i32
        %dma_wait3A_139 = tpu.memref_slice %arg27[%add3A_76, %dma_wait3A] : memref<10240x128xf32, #tpu.memory_space<vmem_shared>> -> memref<32x128xf32, #tpu.memory_space<vmem_shared>>
        %dma_wait3A_140 = arith.constant 0 : i32
        %dma_wait3A_141 = tpu.memref_slice %arg27[%add3A_76, %dma_wait3A_140] : memref<10240x128xf32, #tpu.memory_space<vmem_shared>> -> memref<32x128xf32, #tpu.memory_space<vmem_shared>>
        tpu.wait_dma2 semaphore(%run_scoped3A : memref<!tpu.dma_semaphore, #tpu.memory_space<semaphore_mem>>) src(%arg20 : memref<32x128xf32, #tpu.memory_space<vmem>>) dst(%dma_wait3A_141 : memref<32x128xf32, #tpu.memory_space<vmem_shared>>)
        tpu.yield
      }) : () -> ()
      %mul3A_77 = arith.constant 640 : i32
      %mul3A_78 = arith.muli %arg1, %mul3A_77 : i32
      %add3A_79 = arith.constant 512 : i32
      %add3A_80 = arith.addi %mul3A_78, %add3A_79 : i32
      "tpu.region"() ({
        %run_scoped3A = tpu.sem_alloc : memref<!tpu.dma_semaphore, #tpu.memory_space<semaphore_mem>>
        %dma_start3A_135 = arith.constant 0 : i32
        %dma_start3A_136 = tpu.memref_slice %arg27[%add3A_80, %dma_start3A_135] : memref<10240x128xf32, #tpu.memory_space<vmem_shared>> -> memref<32x128xf32, #tpu.memory_space<vmem_shared>>
        %dma_start3A_137 = arith.constant 0 : i32
        %dma_start3A_138 = tpu.memref_slice %arg27[%add3A_80, %dma_start3A_137] : memref<10240x128xf32, #tpu.memory_space<vmem_shared>> -> memref<32x128xf32, #tpu.memory_space<vmem_shared>>
        tpu.enqueue_dma source(%arg20 : memref<32x128xf32, #tpu.memory_space<vmem>>) target(%dma_start3A_138 : memref<32x128xf32, #tpu.memory_space<vmem_shared>>) target_semaphore(%run_scoped3A : memref<!tpu.dma_semaphore, #tpu.memory_space<semaphore_mem>>)
        %dma_wait3A = arith.constant 0 : i32
        %dma_wait3A_139 = tpu.memref_slice %arg27[%add3A_80, %dma_wait3A] : memref<10240x128xf32, #tpu.memory_space<vmem_shared>> -> memref<32x128xf32, #tpu.memory_space<vmem_shared>>
        %dma_wait3A_140 = arith.constant 0 : i32
        %dma_wait3A_141 = tpu.memref_slice %arg27[%add3A_80, %dma_wait3A_140] : memref<10240x128xf32, #tpu.memory_space<vmem_shared>> -> memref<32x128xf32, #tpu.memory_space<vmem_shared>>
        tpu.wait_dma2 semaphore(%run_scoped3A : memref<!tpu.dma_semaphore, #tpu.memory_space<semaphore_mem>>) src(%arg20 : memref<32x128xf32, #tpu.memory_space<vmem>>) dst(%dma_wait3A_141 : memref<32x128xf32, #tpu.memory_space<vmem_shared>>)
        tpu.yield
      }) : () -> ()
      %mul3A_81 = arith.constant 640 : i32
      %mul3A_82 = arith.muli %arg1, %mul3A_81 : i32
      %add3A_83 = arith.constant 544 : i32
      %add3A_84 = arith.addi %mul3A_82, %add3A_83 : i32
      "tpu.region"() ({
        %run_scoped3A = tpu.sem_alloc : memref<!tpu.dma_semaphore, #tpu.memory_space<semaphore_mem>>
        %dma_start3A_135 = arith.constant 0 : i32
        %dma_start3A_136 = tpu.memref_slice %arg27[%add3A_84, %dma_start3A_135] : memref<10240x128xf32, #tpu.memory_space<vmem_shared>> -> memref<32x128xf32, #tpu.memory_space<vmem_shared>>
        %dma_start3A_137 = arith.constant 0 : i32
        %dma_start3A_138 = tpu.memref_slice %arg27[%add3A_84, %dma_start3A_137] : memref<10240x128xf32, #tpu.memory_space<vmem_shared>> -> memref<32x128xf32, #tpu.memory_space<vmem_shared>>
        tpu.enqueue_dma source(%arg20 : memref<32x128xf32, #tpu.memory_space<vmem>>) target(%dma_start3A_138 : memref<32x128xf32, #tpu.memory_space<vmem_shared>>) target_semaphore(%run_scoped3A : memref<!tpu.dma_semaphore, #tpu.memory_space<semaphore_mem>>)
        %dma_wait3A = arith.constant 0 : i32
        %dma_wait3A_139 = tpu.memref_slice %arg27[%add3A_84, %dma_wait3A] : memref<10240x128xf32, #tpu.memory_space<vmem_shared>> -> memref<32x128xf32, #tpu.memory_space<vmem_shared>>
        %dma_wait3A_140 = arith.constant 0 : i32
        %dma_wait3A_141 = tpu.memref_slice %arg27[%add3A_84, %dma_wait3A_140] : memref<10240x128xf32, #tpu.memory_space<vmem_shared>> -> memref<32x128xf32, #tpu.memory_space<vmem_shared>>
        tpu.wait_dma2 semaphore(%run_scoped3A : memref<!tpu.dma_semaphore, #tpu.memory_space<semaphore_mem>>) src(%arg20 : memref<32x128xf32, #tpu.memory_space<vmem>>) dst(%dma_wait3A_141 : memref<32x128xf32, #tpu.memory_space<vmem_shared>>)
        tpu.yield
      }) : () -> ()
      %mul3A_85 = arith.constant 640 : i32
      %mul3A_86 = arith.muli %arg1, %mul3A_85 : i32
      %add3A_87 = arith.constant 576 : i32
      %add3A_88 = arith.addi %mul3A_86, %add3A_87 : i32
      "tpu.region"() ({
        %run_scoped3A = tpu.sem_alloc : memref<!tpu.dma_semaphore, #tpu.memory_space<semaphore_mem>>
        %dma_start3A_135 = arith.constant 0 : i32
        %dma_start3A_136 = tpu.memref_slice %arg27[%add3A_88, %dma_start3A_135] : memref<10240x128xf32, #tpu.memory_space<vmem_shared>> -> memref<32x128xf32, #tpu.memory_space<vmem_shared>>
        %dma_start3A_137 = arith.constant 0 : i32
        %dma_start3A_138 = tpu.memref_slice %arg27[%add3A_88, %dma_start3A_137] : memref<10240x128xf32, #tpu.memory_space<vmem_shared>> -> memref<32x128xf32, #tpu.memory_space<vmem_shared>>
        tpu.enqueue_dma source(%arg20 : memref<32x128xf32, #tpu.memory_space<vmem>>) target(%dma_start3A_138 : memref<32x128xf32, #tpu.memory_space<vmem_shared>>) target_semaphore(%run_scoped3A : memref<!tpu.dma_semaphore, #tpu.memory_space<semaphore_mem>>)
        %dma_wait3A = arith.constant 0 : i32
        %dma_wait3A_139 = tpu.memref_slice %arg27[%add3A_88, %dma_wait3A] : memref<10240x128xf32, #tpu.memory_space<vmem_shared>> -> memref<32x128xf32, #tpu.memory_space<vmem_shared>>
        %dma_wait3A_140 = arith.constant 0 : i32
        %dma_wait3A_141 = tpu.memref_slice %arg27[%add3A_88, %dma_wait3A_140] : memref<10240x128xf32, #tpu.memory_space<vmem_shared>> -> memref<32x128xf32, #tpu.memory_space<vmem_shared>>
        tpu.wait_dma2 semaphore(%run_scoped3A : memref<!tpu.dma_semaphore, #tpu.memory_space<semaphore_mem>>) src(%arg20 : memref<32x128xf32, #tpu.memory_space<vmem>>) dst(%dma_wait3A_141 : memref<32x128xf32, #tpu.memory_space<vmem_shared>>)
        tpu.yield
      }) : () -> ()
      %mul3A_89 = arith.constant 640 : i32
      %mul3A_90 = arith.muli %arg1, %mul3A_89 : i32
      %add3A_91 = arith.constant 608 : i32
      %add3A_92 = arith.addi %mul3A_90, %add3A_91 : i32
      "tpu.region"() ({
        %run_scoped3A = tpu.sem_alloc : memref<!tpu.dma_semaphore, #tpu.memory_space<semaphore_mem>>
        %dma_start3A_135 = arith.constant 0 : i32
        %dma_start3A_136 = tpu.memref_slice %arg27[%add3A_92, %dma_start3A_135] : memref<10240x128xf32, #tpu.memory_space<vmem_shared>> -> memref<32x128xf32, #tpu.memory_space<vmem_shared>>
        %dma_start3A_137 = arith.constant 0 : i32
        %dma_start3A_138 = tpu.memref_slice %arg27[%add3A_92, %dma_start3A_137] : memref<10240x128xf32, #tpu.memory_space<vmem_shared>> -> memref<32x128xf32, #tpu.memory_space<vmem_shared>>
        tpu.enqueue_dma source(%arg20 : memref<32x128xf32, #tpu.memory_space<vmem>>) target(%dma_start3A_138 : memref<32x128xf32, #tpu.memory_space<vmem_shared>>) target_semaphore(%run_scoped3A : memref<!tpu.dma_semaphore, #tpu.memory_space<semaphore_mem>>)
        %dma_wait3A = arith.constant 0 : i32
        %dma_wait3A_139 = tpu.memref_slice %arg27[%add3A_92, %dma_wait3A] : memref<10240x128xf32, #tpu.memory_space<vmem_shared>> -> memref<32x128xf32, #tpu.memory_space<vmem_shared>>
        %dma_wait3A_140 = arith.constant 0 : i32
        %dma_wait3A_141 = tpu.memref_slice %arg27[%add3A_92, %dma_wait3A_140] : memref<10240x128xf32, #tpu.memory_space<vmem_shared>> -> memref<32x128xf32, #tpu.memory_space<vmem_shared>>
        tpu.wait_dma2 semaphore(%run_scoped3A : memref<!tpu.dma_semaphore, #tpu.memory_space<semaphore_mem>>) src(%arg20 : memref<32x128xf32, #tpu.memory_space<vmem>>) dst(%dma_wait3A_141 : memref<32x128xf32, #tpu.memory_space<vmem_shared>>)
        tpu.yield
      }) : () -> ()
      %barrier3A = arith.constant 0 : index
      tpu.barrier barrier_id(%barrier3A)
      %mul3A_93 = arith.constant 20000 : i32
      %mul3A_94 = arith.muli %arg1, %mul3A_93 : i32
      %add3A_95 = arith.constant 0 : i32
      %add3A_96 = arith.addi %mul3A_94, %add3A_95 : i32
      %dma_start3A = tpu.memref_slice %arg6[%add3A_96] : memref<320000xi32, #tpu.memory_space<hbm>> -> memref<32xi32, #tpu.memory_space<hbm>>
      %dma_start3A_97 = tpu.memref_slice %arg6[%add3A_96] : memref<320000xi32, #tpu.memory_space<hbm>> -> memref<32xi32, #tpu.memory_space<hbm>>
      tpu.enqueue_dma source(%dma_start3A_97 : memref<32xi32, #tpu.memory_space<hbm>>) target(%arg10 : memref<32xi32, #tpu.memory_space<vmem>>) target_semaphore(%arg28 : memref<!tpu.dma_semaphore, #tpu.memory_space<semaphore_mem>>)
      %dma_start3A_98 = tpu.memref_slice %arg7[%add3A_96] : memref<320000xi32, #tpu.memory_space<hbm>> -> memref<32xi32, #tpu.memory_space<hbm>>
      %dma_start3A_99 = tpu.memref_slice %arg7[%add3A_96] : memref<320000xi32, #tpu.memory_space<hbm>> -> memref<32xi32, #tpu.memory_space<hbm>>
      tpu.enqueue_dma source(%dma_start3A_99 : memref<32xi32, #tpu.memory_space<hbm>>) target(%arg15 : memref<32xi32, #tpu.memory_space<vmem>>) target_semaphore(%arg28 : memref<!tpu.dma_semaphore, #tpu.memory_space<semaphore_mem>>)
      %add3A_100 = arith.constant 32 : i32
      %add3A_101 = arith.addi %mul3A_94, %add3A_100 : i32
      %dma_start3A_102 = tpu.memref_slice %arg6[%add3A_101] : memref<320000xi32, #tpu.memory_space<hbm>> -> memref<32xi32, #tpu.memory_space<hbm>>
      %dma_start3A_103 = tpu.memref_slice %arg6[%add3A_101] : memref<320000xi32, #tpu.memory_space<hbm>> -> memref<32xi32, #tpu.memory_space<hbm>>
      tpu.enqueue_dma source(%dma_start3A_103 : memref<32xi32, #tpu.memory_space<hbm>>) target(%arg11 : memref<32xi32, #tpu.memory_space<vmem>>) target_semaphore(%arg29 : memref<!tpu.dma_semaphore, #tpu.memory_space<semaphore_mem>>)
      %dma_start3A_104 = tpu.memref_slice %arg7[%add3A_101] : memref<320000xi32, #tpu.memory_space<hbm>> -> memref<32xi32, #tpu.memory_space<hbm>>
      %dma_start3A_105 = tpu.memref_slice %arg7[%add3A_101] : memref<320000xi32, #tpu.memory_space<hbm>> -> memref<32xi32, #tpu.memory_space<hbm>>
      tpu.enqueue_dma source(%dma_start3A_105 : memref<32xi32, #tpu.memory_space<hbm>>) target(%arg16 : memref<32xi32, #tpu.memory_space<vmem>>) target_semaphore(%arg29 : memref<!tpu.dma_semaphore, #tpu.memory_space<semaphore_mem>>)
      %add3A_106 = arith.constant 64 : i32
      %add3A_107 = arith.addi %mul3A_94, %add3A_106 : i32
      %dma_start3A_108 = tpu.memref_slice %arg6[%add3A_107] : memref<320000xi32, #tpu.memory_space<hbm>> -> memref<32xi32, #tpu.memory_space<hbm>>
      %dma_start3A_109 = tpu.memref_slice %arg6[%add3A_107] : memref<320000xi32, #tpu.memory_space<hbm>> -> memref<32xi32, #tpu.memory_space<hbm>>
      tpu.enqueue_dma source(%dma_start3A_109 : memref<32xi32, #tpu.memory_space<hbm>>) target(%arg12 : memref<32xi32, #tpu.memory_space<vmem>>) target_semaphore(%arg30 : memref<!tpu.dma_semaphore, #tpu.memory_space<semaphore_mem>>)
      %dma_start3A_110 = tpu.memref_slice %arg7[%add3A_107] : memref<320000xi32, #tpu.memory_space<hbm>> -> memref<32xi32, #tpu.memory_space<hbm>>
      %dma_start3A_111 = tpu.memref_slice %arg7[%add3A_107] : memref<320000xi32, #tpu.memory_space<hbm>> -> memref<32xi32, #tpu.memory_space<hbm>>
      tpu.enqueue_dma source(%dma_start3A_111 : memref<32xi32, #tpu.memory_space<hbm>>) target(%arg17 : memref<32xi32, #tpu.memory_space<vmem>>) target_semaphore(%arg30 : memref<!tpu.dma_semaphore, #tpu.memory_space<semaphore_mem>>)
      %add3A_112 = arith.constant 96 : i32
      %add3A_113 = arith.addi %mul3A_94, %add3A_112 : i32
      %dma_start3A_114 = tpu.memref_slice %arg6[%add3A_113] : memref<320000xi32, #tpu.memory_space<hbm>> -> memref<32xi32, #tpu.memory_space<hbm>>
      %dma_start3A_115 = tpu.memref_slice %arg6[%add3A_113] : memref<320000xi32, #tpu.memory_space<hbm>> -> memref<32xi32, #tpu.memory_space<hbm>>
      tpu.enqueue_dma source(%dma_start3A_115 : memref<32xi32, #tpu.memory_space<hbm>>) target(%arg13 : memref<32xi32, #tpu.memory_space<vmem>>) target_semaphore(%arg31 : memref<!tpu.dma_semaphore, #tpu.memory_space<semaphore_mem>>)
      %dma_start3A_116 = tpu.memref_slice %arg7[%add3A_113] : memref<320000xi32, #tpu.memory_space<hbm>> -> memref<32xi32, #tpu.memory_space<hbm>>
      %dma_start3A_117 = tpu.memref_slice %arg7[%add3A_113] : memref<320000xi32, #tpu.memory_space<hbm>> -> memref<32xi32, #tpu.memory_space<hbm>>
      tpu.enqueue_dma source(%dma_start3A_117 : memref<32xi32, #tpu.memory_space<hbm>>) target(%arg18 : memref<32xi32, #tpu.memory_space<vmem>>) target_semaphore(%arg31 : memref<!tpu.dma_semaphore, #tpu.memory_space<semaphore_mem>>)
      %add3A_118 = arith.constant 128 : i32
      %add3A_119 = arith.addi %mul3A_94, %add3A_118 : i32
      %dma_start3A_120 = tpu.memref_slice %arg6[%add3A_119] : memref<320000xi32, #tpu.memory_space<hbm>> -> memref<32xi32, #tpu.memory_space<hbm>>
      %dma_start3A_121 = tpu.memref_slice %arg6[%add3A_119] : memref<320000xi32, #tpu.memory_space<hbm>> -> memref<32xi32, #tpu.memory_space<hbm>>
      tpu.enqueue_dma source(%dma_start3A_121 : memref<32xi32, #tpu.memory_space<hbm>>) target(%arg14 : memref<32xi32, #tpu.memory_space<vmem>>) target_semaphore(%arg32 : memref<!tpu.dma_semaphore, #tpu.memory_space<semaphore_mem>>)
      %dma_start3A_122 = tpu.memref_slice %arg7[%add3A_119] : memref<320000xi32, #tpu.memory_space<hbm>> -> memref<32xi32, #tpu.memory_space<hbm>>
      %dma_start3A_123 = tpu.memref_slice %arg7[%add3A_119] : memref<320000xi32, #tpu.memory_space<hbm>> -> memref<32xi32, #tpu.memory_space<hbm>>
      tpu.enqueue_dma source(%dma_start3A_123 : memref<32xi32, #tpu.memory_space<hbm>>) target(%arg19 : memref<32xi32, #tpu.memory_space<vmem>>) target_semaphore(%arg32 : memref<!tpu.dma_semaphore, #tpu.memory_space<semaphore_mem>>)
      %scan3A_124 = arith.constant 0 : i32
      %scan3A_125 = arith.constant 0 : i32
      %scan3A_126 = arith.constant 125 : i32
      %scan3A_127 = arith.addi %scan3A_125, %scan3A_126 : i32
      %scan3A_128 = arith.constant 1 : i32
      scf.for %scan3A_135 = %scan3A_125 to %scan3A_127 step %scan3A_128  : i32 {
        %dma_wait3A = arith.constant 0 : i32
        %dma_wait3A_136 = tpu.memref_slice %arg6[%dma_wait3A] : memref<320000xi32, #tpu.memory_space<hbm>> -> memref<32xi32, #tpu.memory_space<hbm>>
        %dma_wait3A_137 = arith.constant 0 : i32
        %dma_wait3A_138 = tpu.memref_slice %arg6[%dma_wait3A_137] : memref<320000xi32, #tpu.memory_space<hbm>> -> memref<32xi32, #tpu.memory_space<hbm>>
        tpu.wait_dma2 semaphore(%arg28 : memref<!tpu.dma_semaphore, #tpu.memory_space<semaphore_mem>>) src(%dma_wait3A_138 : memref<32xi32, #tpu.memory_space<hbm>>) dst(%arg10 : memref<32xi32, #tpu.memory_space<vmem>>)
        %dma_wait3A_139 = arith.constant 0 : i32
        %dma_wait3A_140 = tpu.memref_slice %arg7[%dma_wait3A_139] : memref<320000xi32, #tpu.memory_space<hbm>> -> memref<32xi32, #tpu.memory_space<hbm>>
        %dma_wait3A_141 = arith.constant 0 : i32
        %dma_wait3A_142 = tpu.memref_slice %arg7[%dma_wait3A_141] : memref<320000xi32, #tpu.memory_space<hbm>> -> memref<32xi32, #tpu.memory_space<hbm>>
        tpu.wait_dma2 semaphore(%arg28 : memref<!tpu.dma_semaphore, #tpu.memory_space<semaphore_mem>>) src(%dma_wait3A_142 : memref<32xi32, #tpu.memory_space<hbm>>) dst(%arg15 : memref<32xi32, #tpu.memory_space<vmem>>)
        %dma_start3A_143 = arith.constant 0 : i32
        %dma_start3A_144 = arith.constant 0 : i32
        %dma_start3A_145 = tpu.memref_slice %arg3[%dma_start3A_143, %dma_start3A_144] : memref<10000x128xf32, #tpu.memory_space<hbm>> -> memref<10000x128xf32, #tpu.memory_space<hbm>>
        tpu.enqueue_indirect_dma source(%dma_start3A_145 : memref<10000x128xf32, #tpu.memory_space<hbm>>) target(%arg20 : memref<32x128xf32, #tpu.memory_space<vmem>>) offsets(%arg10 : memref<32xi32, #tpu.memory_space<vmem>>) semaphore(%arg33 : memref<!tpu.dma_semaphore, #tpu.memory_space<semaphore_mem>>)
        %dma_wait3A_146 = arith.constant 0 : i32
        %dma_wait3A_147 = tpu.memref_slice %arg6[%dma_wait3A_146] : memref<320000xi32, #tpu.memory_space<hbm>> -> memref<32xi32, #tpu.memory_space<hbm>>
        %dma_wait3A_148 = arith.constant 0 : i32
        %dma_wait3A_149 = tpu.memref_slice %arg6[%dma_wait3A_148] : memref<320000xi32, #tpu.memory_space<hbm>> -> memref<32xi32, #tpu.memory_space<hbm>>
        tpu.wait_dma2 semaphore(%arg29 : memref<!tpu.dma_semaphore, #tpu.memory_space<semaphore_mem>>) src(%dma_wait3A_149 : memref<32xi32, #tpu.memory_space<hbm>>) dst(%arg11 : memref<32xi32, #tpu.memory_space<vmem>>)
        %dma_wait3A_150 = arith.constant 0 : i32
        %dma_wait3A_151 = tpu.memref_slice %arg7[%dma_wait3A_150] : memref<320000xi32, #tpu.memory_space<hbm>> -> memref<32xi32, #tpu.memory_space<hbm>>
        %dma_wait3A_152 = arith.constant 0 : i32
        %dma_wait3A_153 = tpu.memref_slice %arg7[%dma_wait3A_152] : memref<320000xi32, #tpu.memory_space<hbm>> -> memref<32xi32, #tpu.memory_space<hbm>>
        tpu.wait_dma2 semaphore(%arg29 : memref<!tpu.dma_semaphore, #tpu.memory_space<semaphore_mem>>) src(%dma_wait3A_153 : memref<32xi32, #tpu.memory_space<hbm>>) dst(%arg16 : memref<32xi32, #tpu.memory_space<vmem>>)
        %dma_start3A_154 = arith.constant 0 : i32
        %dma_start3A_155 = arith.constant 0 : i32
        %dma_start3A_156 = tpu.memref_slice %arg3[%dma_start3A_154, %dma_start3A_155] : memref<10000x128xf32, #tpu.memory_space<hbm>> -> memref<10000x128xf32, #tpu.memory_space<hbm>>
        tpu.enqueue_indirect_dma source(%dma_start3A_156 : memref<10000x128xf32, #tpu.memory_space<hbm>>) target(%arg21 : memref<32x128xf32, #tpu.memory_space<vmem>>) offsets(%arg11 : memref<32xi32, #tpu.memory_space<vmem>>) semaphore(%arg34 : memref<!tpu.dma_semaphore, #tpu.memory_space<semaphore_mem>>)
        %dma_wait3A_157 = arith.constant 0 : i32
        %dma_wait3A_158 = tpu.memref_slice %arg6[%dma_wait3A_157] : memref<320000xi32, #tpu.memory_space<hbm>> -> memref<32xi32, #tpu.memory_space<hbm>>
        %dma_wait3A_159 = arith.constant 0 : i32
        %dma_wait3A_160 = tpu.memref_slice %arg6[%dma_wait3A_159] : memref<320000xi32, #tpu.memory_space<hbm>> -> memref<32xi32, #tpu.memory_space<hbm>>
        tpu.wait_dma2 semaphore(%arg30 : memref<!tpu.dma_semaphore, #tpu.memory_space<semaphore_mem>>) src(%dma_wait3A_160 : memref<32xi32, #tpu.memory_space<hbm>>) dst(%arg12 : memref<32xi32, #tpu.memory_space<vmem>>)
        %dma_wait3A_161 = arith.constant 0 : i32
        %dma_wait3A_162 = tpu.memref_slice %arg7[%dma_wait3A_161] : memref<320000xi32, #tpu.memory_space<hbm>> -> memref<32xi32, #tpu.memory_space<hbm>>
        %dma_wait3A_163 = arith.constant 0 : i32
        %dma_wait3A_164 = tpu.memref_slice %arg7[%dma_wait3A_163] : memref<320000xi32, #tpu.memory_space<hbm>> -> memref<32xi32, #tpu.memory_space<hbm>>
        tpu.wait_dma2 semaphore(%arg30 : memref<!tpu.dma_semaphore, #tpu.memory_space<semaphore_mem>>) src(%dma_wait3A_164 : memref<32xi32, #tpu.memory_space<hbm>>) dst(%arg17 : memref<32xi32, #tpu.memory_space<vmem>>)
        %dma_start3A_165 = arith.constant 0 : i32
        %dma_start3A_166 = arith.constant 0 : i32
        %dma_start3A_167 = tpu.memref_slice %arg3[%dma_start3A_165, %dma_start3A_166] : memref<10000x128xf32, #tpu.memory_space<hbm>> -> memref<10000x128xf32, #tpu.memory_space<hbm>>
        tpu.enqueue_indirect_dma source(%dma_start3A_167 : memref<10000x128xf32, #tpu.memory_space<hbm>>) target(%arg22 : memref<32x128xf32, #tpu.memory_space<vmem>>) offsets(%arg12 : memref<32xi32, #tpu.memory_space<vmem>>) semaphore(%arg35 : memref<!tpu.dma_semaphore, #tpu.memory_space<semaphore_mem>>)
        %dma_wait3A_168 = arith.constant 0 : i32
        %dma_wait3A_169 = tpu.memref_slice %arg6[%dma_wait3A_168] : memref<320000xi32, #tpu.memory_space<hbm>> -> memref<32xi32, #tpu.memory_space<hbm>>
        %dma_wait3A_170 = arith.constant 0 : i32
        %dma_wait3A_171 = tpu.memref_slice %arg6[%dma_wait3A_170] : memref<320000xi32, #tpu.memory_space<hbm>> -> memref<32xi32, #tpu.memory_space<hbm>>
        tpu.wait_dma2 semaphore(%arg31 : memref<!tpu.dma_semaphore, #tpu.memory_space<semaphore_mem>>) src(%dma_wait3A_171 : memref<32xi32, #tpu.memory_space<hbm>>) dst(%arg13 : memref<32xi32, #tpu.memory_space<vmem>>)
        %dma_wait3A_172 = arith.constant 0 : i32
        %dma_wait3A_173 = tpu.memref_slice %arg7[%dma_wait3A_172] : memref<320000xi32, #tpu.memory_space<hbm>> -> memref<32xi32, #tpu.memory_space<hbm>>
        %dma_wait3A_174 = arith.constant 0 : i32
        %dma_wait3A_175 = tpu.memref_slice %arg7[%dma_wait3A_174] : memref<320000xi32, #tpu.memory_space<hbm>> -> memref<32xi32, #tpu.memory_space<hbm>>
        tpu.wait_dma2 semaphore(%arg31 : memref<!tpu.dma_semaphore, #tpu.memory_space<semaphore_mem>>) src(%dma_wait3A_175 : memref<32xi32, #tpu.memory_space<hbm>>) dst(%arg18 : memref<32xi32, #tpu.memory_space<vmem>>)
        %dma_start3A_176 = arith.constant 0 : i32
        %dma_start3A_177 = arith.constant 0 : i32
        %dma_start3A_178 = tpu.memref_slice %arg3[%dma_start3A_176, %dma_start3A_177] : memref<10000x128xf32, #tpu.memory_space<hbm>> -> memref<10000x128xf32, #tpu.memory_space<hbm>>
        tpu.enqueue_indirect_dma source(%dma_start3A_178 : memref<10000x128xf32, #tpu.memory_space<hbm>>) target(%arg23 : memref<32x128xf32, #tpu.memory_space<vmem>>) offsets(%arg13 : memref<32xi32, #tpu.memory_space<vmem>>) semaphore(%arg36 : memref<!tpu.dma_semaphore, #tpu.memory_space<semaphore_mem>>)
        %dma_wait3A_179 = arith.constant 0 : i32
        %dma_wait3A_180 = tpu.memref_slice %arg6[%dma_wait3A_179] : memref<320000xi32, #tpu.memory_space<hbm>> -> memref<32xi32, #tpu.memory_space<hbm>>
        %dma_wait3A_181 = arith.constant 0 : i32
        %dma_wait3A_182 = tpu.memref_slice %arg6[%dma_wait3A_181] : memref<320000xi32, #tpu.memory_space<hbm>> -> memref<32xi32, #tpu.memory_space<hbm>>
        tpu.wait_dma2 semaphore(%arg32 : memref<!tpu.dma_semaphore, #tpu.memory_space<semaphore_mem>>) src(%dma_wait3A_182 : memref<32xi32, #tpu.memory_space<hbm>>) dst(%arg14 : memref<32xi32, #tpu.memory_space<vmem>>)
        %dma_wait3A_183 = arith.constant 0 : i32
        %dma_wait3A_184 = tpu.memref_slice %arg7[%dma_wait3A_183] : memref<320000xi32, #tpu.memory_space<hbm>> -> memref<32xi32, #tpu.memory_space<hbm>>
        %dma_wait3A_185 = arith.constant 0 : i32
        %dma_wait3A_186 = tpu.memref_slice %arg7[%dma_wait3A_185] : memref<320000xi32, #tpu.memory_space<hbm>> -> memref<32xi32, #tpu.memory_space<hbm>>
        tpu.wait_dma2 semaphore(%arg32 : memref<!tpu.dma_semaphore, #tpu.memory_space<semaphore_mem>>) src(%dma_wait3A_186 : memref<32xi32, #tpu.memory_space<hbm>>) dst(%arg19 : memref<32xi32, #tpu.memory_space<vmem>>)
        %dma_start3A_187 = arith.constant 0 : i32
        %dma_start3A_188 = arith.constant 0 : i32
        %dma_start3A_189 = tpu.memref_slice %arg3[%dma_start3A_187, %dma_start3A_188] : memref<10000x128xf32, #tpu.memory_space<hbm>> -> memref<10000x128xf32, #tpu.memory_space<hbm>>
        tpu.enqueue_indirect_dma source(%dma_start3A_189 : memref<10000x128xf32, #tpu.memory_space<hbm>>) target(%arg24 : memref<32x128xf32, #tpu.memory_space<vmem>>) offsets(%arg14 : memref<32xi32, #tpu.memory_space<vmem>>) semaphore(%arg37 : memref<!tpu.dma_semaphore, #tpu.memory_space<semaphore_mem>>)
        %dma_wait3A_190 = arith.constant 0 : i32
        %dma_wait3A_191 = arith.constant 0 : i32
        %dma_wait3A_192 = tpu.memref_slice %arg3[%dma_wait3A_190, %dma_wait3A_191] : memref<10000x128xf32, #tpu.memory_space<hbm>> -> memref<10000x128xf32, #tpu.memory_space<hbm>>
        tpu.wait_indirect_dma semaphore(%arg33 : memref<!tpu.dma_semaphore, #tpu.memory_space<semaphore_mem>>) src(%dma_wait3A_192 : memref<10000x128xf32, #tpu.memory_space<hbm>>) dst(%arg20 : memref<32x128xf32, #tpu.memory_space<vmem>>)
        %dma_start3A_193 = arith.constant 0 : i32
        %dma_start3A_194 = arith.constant 0 : i32
        %dma_start3A_195 = tpu.memref_slice %arg27[%dma_start3A_193, %dma_start3A_194] : memref<10240x128xf32, #tpu.memory_space<vmem_shared>> -> memref<10240x128xf32, #tpu.memory_space<vmem_shared>>
        tpu.enqueue_indirect_dma source(%arg20 : memref<32x128xf32, #tpu.memory_space<vmem>>) target(%dma_start3A_195 : memref<10240x128xf32, #tpu.memory_space<vmem_shared>>) offsets(%arg15 : memref<32xi32, #tpu.memory_space<vmem>>) semaphore(%arg38 : memref<!tpu.dma_semaphore, #tpu.memory_space<semaphore_mem>>) {add = true}
        %dma_wait3A_196 = arith.constant 0 : i32
        %dma_wait3A_197 = arith.constant 0 : i32
        %dma_wait3A_198 = tpu.memref_slice %arg3[%dma_wait3A_196, %dma_wait3A_197] : memref<10000x128xf32, #tpu.memory_space<hbm>> -> memref<10000x128xf32, #tpu.memory_space<hbm>>
        tpu.wait_indirect_dma semaphore(%arg34 : memref<!tpu.dma_semaphore, #tpu.memory_space<semaphore_mem>>) src(%dma_wait3A_198 : memref<10000x128xf32, #tpu.memory_space<hbm>>) dst(%arg21 : memref<32x128xf32, #tpu.memory_space<vmem>>)
        %dma_start3A_199 = arith.constant 0 : i32
        %dma_start3A_200 = arith.constant 0 : i32
        %dma_start3A_201 = tpu.memref_slice %arg27[%dma_start3A_199, %dma_start3A_200] : memref<10240x128xf32, #tpu.memory_space<vmem_shared>> -> memref<10240x128xf32, #tpu.memory_space<vmem_shared>>
        tpu.enqueue_indirect_dma source(%arg21 : memref<32x128xf32, #tpu.memory_space<vmem>>) target(%dma_start3A_201 : memref<10240x128xf32, #tpu.memory_space<vmem_shared>>) offsets(%arg16 : memref<32xi32, #tpu.memory_space<vmem>>) semaphore(%arg39 : memref<!tpu.dma_semaphore, #tpu.memory_space<semaphore_mem>>) {add = true}
        %dma_wait3A_202 = arith.constant 0 : i32
        %dma_wait3A_203 = arith.constant 0 : i32
        %dma_wait3A_204 = tpu.memref_slice %arg3[%dma_wait3A_202, %dma_wait3A_203] : memref<10000x128xf32, #tpu.memory_space<hbm>> -> memref<10000x128xf32, #tpu.memory_space<hbm>>
        tpu.wait_indirect_dma semaphore(%arg35 : memref<!tpu.dma_semaphore, #tpu.memory_space<semaphore_mem>>) src(%dma_wait3A_204 : memref<10000x128xf32, #tpu.memory_space<hbm>>) dst(%arg22 : memref<32x128xf32, #tpu.memory_space<vmem>>)
        %dma_start3A_205 = arith.constant 0 : i32
        %dma_start3A_206 = arith.constant 0 : i32
        %dma_start3A_207 = tpu.memref_slice %arg27[%dma_start3A_205, %dma_start3A_206] : memref<10240x128xf32, #tpu.memory_space<vmem_shared>> -> memref<10240x128xf32, #tpu.memory_space<vmem_shared>>
        tpu.enqueue_indirect_dma source(%arg22 : memref<32x128xf32, #tpu.memory_space<vmem>>) target(%dma_start3A_207 : memref<10240x128xf32, #tpu.memory_space<vmem_shared>>) offsets(%arg17 : memref<32xi32, #tpu.memory_space<vmem>>) semaphore(%arg40 : memref<!tpu.dma_semaphore, #tpu.memory_space<semaphore_mem>>) {add = true}
        %dma_wait3A_208 = arith.constant 0 : i32
        %dma_wait3A_209 = arith.constant 0 : i32
        %dma_wait3A_210 = tpu.memref_slice %arg3[%dma_wait3A_208, %dma_wait3A_209] : memref<10000x128xf32, #tpu.memory_space<hbm>> -> memref<10000x128xf32, #tpu.memory_space<hbm>>
        tpu.wait_indirect_dma semaphore(%arg36 : memref<!tpu.dma_semaphore, #tpu.memory_space<semaphore_mem>>) src(%dma_wait3A_210 : memref<10000x128xf32, #tpu.memory_space<hbm>>) dst(%arg23 : memref<32x128xf32, #tpu.memory_space<vmem>>)
        %dma_start3A_211 = arith.constant 0 : i32
        %dma_start3A_212 = arith.constant 0 : i32
        %dma_start3A_213 = tpu.memref_slice %arg27[%dma_start3A_211, %dma_start3A_212] : memref<10240x128xf32, #tpu.memory_space<vmem_shared>> -> memref<10240x128xf32, #tpu.memory_space<vmem_shared>>
        tpu.enqueue_indirect_dma source(%arg23 : memref<32x128xf32, #tpu.memory_space<vmem>>) target(%dma_start3A_213 : memref<10240x128xf32, #tpu.memory_space<vmem_shared>>) offsets(%arg18 : memref<32xi32, #tpu.memory_space<vmem>>) semaphore(%arg41 : memref<!tpu.dma_semaphore, #tpu.memory_space<semaphore_mem>>) {add = true}
        %dma_wait3A_214 = arith.constant 0 : i32
        %dma_wait3A_215 = arith.constant 0 : i32
        %dma_wait3A_216 = tpu.memref_slice %arg3[%dma_wait3A_214, %dma_wait3A_215] : memref<10000x128xf32, #tpu.memory_space<hbm>> -> memref<10000x128xf32, #tpu.memory_space<hbm>>
        tpu.wait_indirect_dma semaphore(%arg37 : memref<!tpu.dma_semaphore, #tpu.memory_space<semaphore_mem>>) src(%dma_wait3A_216 : memref<10000x128xf32, #tpu.memory_space<hbm>>) dst(%arg24 : memref<32x128xf32, #tpu.memory_space<vmem>>)
        %dma_start3A_217 = arith.constant 0 : i32
        %dma_start3A_218 = arith.constant 0 : i32
        %dma_start3A_219 = tpu.memref_slice %arg27[%dma_start3A_217, %dma_start3A_218] : memref<10240x128xf32, #tpu.memory_space<vmem_shared>> -> memref<10240x128xf32, #tpu.memory_space<vmem_shared>>
        tpu.enqueue_indirect_dma source(%arg24 : memref<32x128xf32, #tpu.memory_space<vmem>>) target(%dma_start3A_219 : memref<10240x128xf32, #tpu.memory_space<vmem_shared>>) offsets(%arg19 : memref<32xi32, #tpu.memory_space<vmem>>) semaphore(%arg42 : memref<!tpu.dma_semaphore, #tpu.memory_space<semaphore_mem>>) {add = true}
        %dma_wait3A_220 = arith.constant 0 : i32
        %dma_wait3A_221 = arith.constant 0 : i32
        %dma_wait3A_222 = tpu.memref_slice %arg27[%dma_wait3A_220, %dma_wait3A_221] : memref<10240x128xf32, #tpu.memory_space<vmem_shared>> -> memref<10240x128xf32, #tpu.memory_space<vmem_shared>>
        tpu.wait_indirect_dma semaphore(%arg38 : memref<!tpu.dma_semaphore, #tpu.memory_space<semaphore_mem>>) src(%arg20 : memref<32x128xf32, #tpu.memory_space<vmem>>) dst(%dma_wait3A_222 : memref<10240x128xf32, #tpu.memory_space<vmem_shared>>)
        %lt3A = arith.constant 124 : i32
        %lt3A_223 = arith.cmpi slt, %scan3A_135, %lt3A : i32
        %convert_element_type3A_224 = arith.extui %lt3A_223 : i1 to i32
        %cond3A_225 = arith.constant 0 : i32
        %cond3A_226 = arith.cmpi ne, %convert_element_type3A_224, %cond3A_225 : i32
        scf.if %cond3A_226 {
          %add3A_259 = arith.constant 1 : i32
          %add3A_260 = arith.addi %scan3A_135, %add3A_259 : i32
          %mul3A_261 = arith.constant 5 : i32
          %mul3A_262 = arith.muli %add3A_260, %mul3A_261 : i32
          %add3A_263 = arith.constant 0 : i32
          %add3A_264 = arith.addi %mul3A_262, %add3A_263 : i32
          %mul3A_265 = arith.constant 32 : i32
          %mul3A_266 = arith.muli %add3A_264, %mul3A_265 : i32
          %add3A_267 = arith.addi %mul3A_94, %mul3A_266 : i32
          %dma_start3A_268 = tpu.memref_slice %arg6[%add3A_267] : memref<320000xi32, #tpu.memory_space<hbm>> -> memref<32xi32, #tpu.memory_space<hbm>>
          %dma_start3A_269 = tpu.memref_slice %arg6[%add3A_267] : memref<320000xi32, #tpu.memory_space<hbm>> -> memref<32xi32, #tpu.memory_space<hbm>>
          tpu.enqueue_dma source(%dma_start3A_269 : memref<32xi32, #tpu.memory_space<hbm>>) target(%arg10 : memref<32xi32, #tpu.memory_space<vmem>>) target_semaphore(%arg28 : memref<!tpu.dma_semaphore, #tpu.memory_space<semaphore_mem>>)
          %dma_start3A_270 = tpu.memref_slice %arg7[%add3A_267] : memref<320000xi32, #tpu.memory_space<hbm>> -> memref<32xi32, #tpu.memory_space<hbm>>
          %dma_start3A_271 = tpu.memref_slice %arg7[%add3A_267] : memref<320000xi32, #tpu.memory_space<hbm>> -> memref<32xi32, #tpu.memory_space<hbm>>
          tpu.enqueue_dma source(%dma_start3A_271 : memref<32xi32, #tpu.memory_space<hbm>>) target(%arg15 : memref<32xi32, #tpu.memory_space<vmem>>) target_semaphore(%arg28 : memref<!tpu.dma_semaphore, #tpu.memory_space<semaphore_mem>>)
        } else {
        }
        %dma_wait3A_227 = arith.constant 0 : i32
        %dma_wait3A_228 = arith.constant 0 : i32
        %dma_wait3A_229 = tpu.memref_slice %arg27[%dma_wait3A_227, %dma_wait3A_228] : memref<10240x128xf32, #tpu.memory_space<vmem_shared>> -> memref<10240x128xf32, #tpu.memory_space<vmem_shared>>
        tpu.wait_indirect_dma semaphore(%arg39 : memref<!tpu.dma_semaphore, #tpu.memory_space<semaphore_mem>>) src(%arg21 : memref<32x128xf32, #tpu.memory_space<vmem>>) dst(%dma_wait3A_229 : memref<10240x128xf32, #tpu.memory_space<vmem_shared>>)
        %lt3A_230 = arith.constant 124 : i32
        %lt3A_231 = arith.cmpi slt, %scan3A_135, %lt3A_230 : i32
        %convert_element_type3A_232 = arith.extui %lt3A_231 : i1 to i32
        %cond3A_233 = arith.constant 0 : i32
        %cond3A_234 = arith.cmpi ne, %convert_element_type3A_232, %cond3A_233 : i32
        scf.if %cond3A_234 {
          %add3A_259 = arith.constant 1 : i32
          %add3A_260 = arith.addi %scan3A_135, %add3A_259 : i32
          %mul3A_261 = arith.constant 5 : i32
          %mul3A_262 = arith.muli %add3A_260, %mul3A_261 : i32
          %add3A_263 = arith.constant 1 : i32
          %add3A_264 = arith.addi %mul3A_262, %add3A_263 : i32
          %mul3A_265 = arith.constant 32 : i32
          %mul3A_266 = arith.muli %add3A_264, %mul3A_265 : i32
          %add3A_267 = arith.addi %mul3A_94, %mul3A_266 : i32
          %dma_start3A_268 = tpu.memref_slice %arg6[%add3A_267] : memref<320000xi32, #tpu.memory_space<hbm>> -> memref<32xi32, #tpu.memory_space<hbm>>
          %dma_start3A_269 = tpu.memref_slice %arg6[%add3A_267] : memref<320000xi32, #tpu.memory_space<hbm>> -> memref<32xi32, #tpu.memory_space<hbm>>
          tpu.enqueue_dma source(%dma_start3A_269 : memref<32xi32, #tpu.memory_space<hbm>>) target(%arg11 : memref<32xi32, #tpu.memory_space<vmem>>) target_semaphore(%arg29 : memref<!tpu.dma_semaphore, #tpu.memory_space<semaphore_mem>>)
          %dma_start3A_270 = tpu.memref_slice %arg7[%add3A_267] : memref<320000xi32, #tpu.memory_space<hbm>> -> memref<32xi32, #tpu.memory_space<hbm>>
          %dma_start3A_271 = tpu.memref_slice %arg7[%add3A_267] : memref<320000xi32, #tpu.memory_space<hbm>> -> memref<32xi32, #tpu.memory_space<hbm>>
          tpu.enqueue_dma source(%dma_start3A_271 : memref<32xi32, #tpu.memory_space<hbm>>) target(%arg16 : memref<32xi32, #tpu.memory_space<vmem>>) target_semaphore(%arg29 : memref<!tpu.dma_semaphore, #tpu.memory_space<semaphore_mem>>)
        } else {
        }
        %dma_wait3A_235 = arith.constant 0 : i32
        %dma_wait3A_236 = arith.constant 0 : i32
        %dma_wait3A_237 = tpu.memref_slice %arg27[%dma_wait3A_235, %dma_wait3A_236] : memref<10240x128xf32, #tpu.memory_space<vmem_shared>> -> memref<10240x128xf32, #tpu.memory_space<vmem_shared>>
        tpu.wait_indirect_dma semaphore(%arg40 : memref<!tpu.dma_semaphore, #tpu.memory_space<semaphore_mem>>) src(%arg22 : memref<32x128xf32, #tpu.memory_space<vmem>>) dst(%dma_wait3A_237 : memref<10240x128xf32, #tpu.memory_space<vmem_shared>>)
        %lt3A_238 = arith.constant 124 : i32
        %lt3A_239 = arith.cmpi slt, %scan3A_135, %lt3A_238 : i32
        %convert_element_type3A_240 = arith.extui %lt3A_239 : i1 to i32
        %cond3A_241 = arith.constant 0 : i32
        %cond3A_242 = arith.cmpi ne, %convert_element_type3A_240, %cond3A_241 : i32
        scf.if %cond3A_242 {
          %add3A_259 = arith.constant 1 : i32
          %add3A_260 = arith.addi %scan3A_135, %add3A_259 : i32
          %mul3A_261 = arith.constant 5 : i32
          %mul3A_262 = arith.muli %add3A_260, %mul3A_261 : i32
          %add3A_263 = arith.constant 2 : i32
          %add3A_264 = arith.addi %mul3A_262, %add3A_263 : i32
          %mul3A_265 = arith.constant 32 : i32
          %mul3A_266 = arith.muli %add3A_264, %mul3A_265 : i32
          %add3A_267 = arith.addi %mul3A_94, %mul3A_266 : i32
          %dma_start3A_268 = tpu.memref_slice %arg6[%add3A_267] : memref<320000xi32, #tpu.memory_space<hbm>> -> memref<32xi32, #tpu.memory_space<hbm>>
          %dma_start3A_269 = tpu.memref_slice %arg6[%add3A_267] : memref<320000xi32, #tpu.memory_space<hbm>> -> memref<32xi32, #tpu.memory_space<hbm>>
          tpu.enqueue_dma source(%dma_start3A_269 : memref<32xi32, #tpu.memory_space<hbm>>) target(%arg12 : memref<32xi32, #tpu.memory_space<vmem>>) target_semaphore(%arg30 : memref<!tpu.dma_semaphore, #tpu.memory_space<semaphore_mem>>)
          %dma_start3A_270 = tpu.memref_slice %arg7[%add3A_267] : memref<320000xi32, #tpu.memory_space<hbm>> -> memref<32xi32, #tpu.memory_space<hbm>>
          %dma_start3A_271 = tpu.memref_slice %arg7[%add3A_267] : memref<320000xi32, #tpu.memory_space<hbm>> -> memref<32xi32, #tpu.memory_space<hbm>>
          tpu.enqueue_dma source(%dma_start3A_271 : memref<32xi32, #tpu.memory_space<hbm>>) target(%arg17 : memref<32xi32, #tpu.memory_space<vmem>>) target_semaphore(%arg30 : memref<!tpu.dma_semaphore, #tpu.memory_space<semaphore_mem>>)
        } else {
        }
        %dma_wait3A_243 = arith.constant 0 : i32
        %dma_wait3A_244 = arith.constant 0 : i32
        %dma_wait3A_245 = tpu.memref_slice %arg27[%dma_wait3A_243, %dma_wait3A_244] : memref<10240x128xf32, #tpu.memory_space<vmem_shared>> -> memref<10240x128xf32, #tpu.memory_space<vmem_shared>>
        tpu.wait_indirect_dma semaphore(%arg41 : memref<!tpu.dma_semaphore, #tpu.memory_space<semaphore_mem>>) src(%arg23 : memref<32x128xf32, #tpu.memory_space<vmem>>) dst(%dma_wait3A_245 : memref<10240x128xf32, #tpu.memory_space<vmem_shared>>)
        %lt3A_246 = arith.constant 124 : i32
        %lt3A_247 = arith.cmpi slt, %scan3A_135, %lt3A_246 : i32
        %convert_element_type3A_248 = arith.extui %lt3A_247 : i1 to i32
        %cond3A_249 = arith.constant 0 : i32
        %cond3A_250 = arith.cmpi ne, %convert_element_type3A_248, %cond3A_249 : i32
        scf.if %cond3A_250 {
          %add3A_259 = arith.constant 1 : i32
          %add3A_260 = arith.addi %scan3A_135, %add3A_259 : i32
          %mul3A_261 = arith.constant 5 : i32
          %mul3A_262 = arith.muli %add3A_260, %mul3A_261 : i32
          %add3A_263 = arith.constant 3 : i32
          %add3A_264 = arith.addi %mul3A_262, %add3A_263 : i32
          %mul3A_265 = arith.constant 32 : i32
          %mul3A_266 = arith.muli %add3A_264, %mul3A_265 : i32
          %add3A_267 = arith.addi %mul3A_94, %mul3A_266 : i32
          %dma_start3A_268 = tpu.memref_slice %arg6[%add3A_267] : memref<320000xi32, #tpu.memory_space<hbm>> -> memref<32xi32, #tpu.memory_space<hbm>>
          %dma_start3A_269 = tpu.memref_slice %arg6[%add3A_267] : memref<320000xi32, #tpu.memory_space<hbm>> -> memref<32xi32, #tpu.memory_space<hbm>>
          tpu.enqueue_dma source(%dma_start3A_269 : memref<32xi32, #tpu.memory_space<hbm>>) target(%arg13 : memref<32xi32, #tpu.memory_space<vmem>>) target_semaphore(%arg31 : memref<!tpu.dma_semaphore, #tpu.memory_space<semaphore_mem>>)
          %dma_start3A_270 = tpu.memref_slice %arg7[%add3A_267] : memref<320000xi32, #tpu.memory_space<hbm>> -> memref<32xi32, #tpu.memory_space<hbm>>
          %dma_start3A_271 = tpu.memref_slice %arg7[%add3A_267] : memref<320000xi32, #tpu.memory_space<hbm>> -> memref<32xi32, #tpu.memory_space<hbm>>
          tpu.enqueue_dma source(%dma_start3A_271 : memref<32xi32, #tpu.memory_space<hbm>>) target(%arg18 : memref<32xi32, #tpu.memory_space<vmem>>) target_semaphore(%arg31 : memref<!tpu.dma_semaphore, #tpu.memory_space<semaphore_mem>>)
        } else {
        }
        %dma_wait3A_251 = arith.constant 0 : i32
        %dma_wait3A_252 = arith.constant 0 : i32
        %dma_wait3A_253 = tpu.memref_slice %arg27[%dma_wait3A_251, %dma_wait3A_252] : memref<10240x128xf32, #tpu.memory_space<vmem_shared>> -> memref<10240x128xf32, #tpu.memory_space<vmem_shared>>
        tpu.wait_indirect_dma semaphore(%arg42 : memref<!tpu.dma_semaphore, #tpu.memory_space<semaphore_mem>>) src(%arg24 : memref<32x128xf32, #tpu.memory_space<vmem>>) dst(%dma_wait3A_253 : memref<10240x128xf32, #tpu.memory_space<vmem_shared>>)
        %lt3A_254 = arith.constant 124 : i32
        %lt3A_255 = arith.cmpi slt, %scan3A_135, %lt3A_254 : i32
        %convert_element_type3A_256 = arith.extui %lt3A_255 : i1 to i32
        %cond3A_257 = arith.constant 0 : i32
        %cond3A_258 = arith.cmpi ne, %convert_element_type3A_256, %cond3A_257 : i32
        scf.if %cond3A_258 {
          %add3A_259 = arith.constant 1 : i32
          %add3A_260 = arith.addi %scan3A_135, %add3A_259 : i32
          %mul3A_261 = arith.constant 5 : i32
          %mul3A_262 = arith.muli %add3A_260, %mul3A_261 : i32
          %add3A_263 = arith.constant 4 : i32
          %add3A_264 = arith.addi %mul3A_262, %add3A_263 : i32
          %mul3A_265 = arith.constant 32 : i32
          %mul3A_266 = arith.muli %add3A_264, %mul3A_265 : i32
          %add3A_267 = arith.addi %mul3A_94, %mul3A_266 : i32
          %dma_start3A_268 = tpu.memref_slice %arg6[%add3A_267] : memref<320000xi32, #tpu.memory_space<hbm>> -> memref<32xi32, #tpu.memory_space<hbm>>
          %dma_start3A_269 = tpu.memref_slice %arg6[%add3A_267] : memref<320000xi32, #tpu.memory_space<hbm>> -> memref<32xi32, #tpu.memory_space<hbm>>
          tpu.enqueue_dma source(%dma_start3A_269 : memref<32xi32, #tpu.memory_space<hbm>>) target(%arg14 : memref<32xi32, #tpu.memory_space<vmem>>) target_semaphore(%arg32 : memref<!tpu.dma_semaphore, #tpu.memory_space<semaphore_mem>>)
          %dma_start3A_270 = tpu.memref_slice %arg7[%add3A_267] : memref<320000xi32, #tpu.memory_space<hbm>> -> memref<32xi32, #tpu.memory_space<hbm>>
          %dma_start3A_271 = tpu.memref_slice %arg7[%add3A_267] : memref<320000xi32, #tpu.memory_space<hbm>> -> memref<32xi32, #tpu.memory_space<hbm>>
          tpu.enqueue_dma source(%dma_start3A_271 : memref<32xi32, #tpu.memory_space<hbm>>) target(%arg19 : memref<32xi32, #tpu.memory_space<vmem>>) target_semaphore(%arg32 : memref<!tpu.dma_semaphore, #tpu.memory_space<semaphore_mem>>)
        } else {
        }
      }
      %scan3A_129 = arith.constant 125 : i32
      %barrier3A_130 = arith.constant 0 : index
      tpu.barrier barrier_id(%barrier3A_130)
      %mul3A_131 = arith.constant 640 : i32
      %mul3A_132 = arith.muli %arg1, %mul3A_131 : i32
      %mul3A_133 = arith.constant 640 : i32
      %mul3A_134 = arith.muli %arg1, %mul3A_133 : i32
      "tpu.region"() ({
        %run_scoped3A = tpu.sem_alloc : memref<!tpu.dma_semaphore, #tpu.memory_space<semaphore_mem>>
        %dma_start3A_135 = arith.constant 0 : i32
        %dma_start3A_136 = tpu.memref_slice %arg9[%mul3A_134, %dma_start3A_135] : memref<10240x128xf32, #tpu.memory_space<hbm>> -> memref<640x128xf32, #tpu.memory_space<hbm>>
        %dma_start3A_137 = arith.constant 0 : i32
        %dma_start3A_138 = tpu.memref_slice %arg27[%mul3A_132, %dma_start3A_137] : memref<10240x128xf32, #tpu.memory_space<vmem_shared>> -> memref<640x128xf32, #tpu.memory_space<vmem_shared>>
        tpu.enqueue_dma source(%dma_start3A_138 : memref<640x128xf32, #tpu.memory_space<vmem_shared>>) target(%dma_start3A_136 : memref<640x128xf32, #tpu.memory_space<hbm>>) target_semaphore(%run_scoped3A : memref<!tpu.dma_semaphore, #tpu.memory_space<semaphore_mem>>)
        %dma_wait3A = arith.constant 0 : i32
        %dma_wait3A_139 = tpu.memref_slice %arg9[%mul3A_134, %dma_wait3A] : memref<10240x128xf32, #tpu.memory_space<hbm>> -> memref<640x128xf32, #tpu.memory_space<hbm>>
        %dma_wait3A_140 = arith.constant 0 : i32
        %dma_wait3A_141 = tpu.memref_slice %arg27[%mul3A_132, %dma_wait3A_140] : memref<10240x128xf32, #tpu.memory_space<vmem_shared>> -> memref<640x128xf32, #tpu.memory_space<vmem_shared>>
        tpu.wait_dma2 semaphore(%run_scoped3A : memref<!tpu.dma_semaphore, #tpu.memory_space<semaphore_mem>>) src(%dma_wait3A_141 : memref<640x128xf32, #tpu.memory_space<vmem_shared>>) dst(%dma_wait3A_139 : memref<640x128xf32, #tpu.memory_space<hbm>>)
        tpu.yield
      }) : () -> ()
    } else {
    }
    return
  }
}

module attributes {stable_mosaic.version = 14 : i64} {
  func.func @_proj_body(%arg0: i32, %arg1: memref<1000x128xf32, #tpu.memory_space<vmem>>, %arg2: memref<128x128xf32, #tpu.memory_space<vmem>>, %arg3: memref<128xf32, #tpu.memory_space<vmem>>, %arg4: memref<1000x128xf32, #tpu.memory_space<vmem>>) attributes {dimension_semantics = [#tpu.dimension_semantics<arbitrary>], iteration_bounds = array<i64: 10>, scalar_prefetch = 0 : i64, scratch_operands = 0 : i64, tpu.core_type = #tpu.core_type<tc>, window_params = [{transform_indices = @transform_0, window_bounds = array<i64: 1000, 128>}, {pipeline_mode = #tpu.pipeline_mode<synchronous>, transform_indices = @transform_1, window_bounds = array<i64: 128, 128>}, {pipeline_mode = #tpu.pipeline_mode<synchronous>, transform_indices = @transform_2, window_bounds = array<i64: 128>}, {transform_indices = @transform_3, window_bounds = array<i64: 1000, 128>}]} {
    %get3A = arith.constant 0 : index
    %get3A_0 = arith.constant 0 : index
    %get3A_1 = vector.load %arg1[%get3A, %get3A_0] : memref<1000x128xf32, #tpu.memory_space<vmem>>, vector<1000x128xf32>
    %get3A_2 = arith.constant 0 : index
    %get3A_3 = arith.constant 0 : index
    %get3A_4 = vector.load %arg2[%get3A_2, %get3A_3] : memref<128x128xf32, #tpu.memory_space<vmem>>, vector<128x128xf32>
    %dot_general3A = arith.constant dense<0.000000e+00> : vector<1000x128xf32>
    %dot_general3A_5 = tpu.matmul %get3A_1, %get3A_4, %dot_general3A {dimension_numbers = #tpu.dot_dimension_numbers<[1], [0], [0], [1], [0, 0, 1, 1], [], []>, precision = #tpu.contract_precision<fp32>, transpose_lhs_hint = false} : vector<1000x128xf32>, vector<128x128xf32>, vector<1000x128xf32> -> vector<1000x128xf32>
    %get3A_6 = arith.constant 0 : index
    %get3A_7 = vector.load %arg3[%get3A_6] : memref<128xf32, #tpu.memory_space<vmem>>, vector<128xf32>
    %broadcast_in_dim3A = vector.shape_cast %get3A_7 : vector<128xf32> to vector<1x128xf32>
    %add3A = vector.broadcast %broadcast_in_dim3A : vector<1x128xf32> to vector<1000x128xf32>
    %add3A_8 = arith.addf %dot_general3A_5, %add3A : vector<1000x128xf32>
    %max3A = arith.constant 0.000000e+00 : f32
    %max3A_9 = vector.broadcast %max3A : f32 to vector<1000x128xf32>
    %max3A_10 = arith.maximumf %add3A_8, %max3A_9 : vector<1000x128xf32>
    %swap3A = arith.constant 0 : index
    %swap3A_11 = arith.constant 0 : index
    %swap3A_12 = vector.load %arg4[%swap3A, %swap3A_11] : memref<1000x128xf32, #tpu.memory_space<vmem>>, vector<1000x128xf32>
    tpu.vector_store %arg4[%swap3A, %swap3A_11], %max3A_10 {strides = array<i32>} : memref<1000x128xf32, #tpu.memory_space<vmem>>, vector<1000x128xf32>,
    return
  }
  func.func @transform_0(%arg0: i32) -> (i32, i32) {
    %c0_i32 = arith.constant 0 : i32
    %c0_i32_0 = arith.constant 0 : i32
    return %arg0, %c0_i32 : i32, i32
  }
  func.func @transform_1(%arg0: i32) -> (i32, i32) {
    %c0_i32 = arith.constant 0 : i32
    %c0_i32_0 = arith.constant 0 : i32
    %c0_i32_1 = arith.constant 0 : i32
    return %c0_i32, %c0_i32_0 : i32, i32
  }
  func.func @transform_2(%arg0: i32) -> i32 {
    %c0_i32 = arith.constant 0 : i32
    %c0_i32_0 = arith.constant 0 : i32
    return %c0_i32 : i32
  }
  func.func @transform_3(%arg0: i32) -> (i32, i32) {
    %c0_i32 = arith.constant 0 : i32
    %c0_i32_0 = arith.constant 0 : i32
    return %arg0, %c0_i32 : i32, i32
  }
}

module attributes {stable_mosaic.version = 14 : i64} {
  func.func @_combine_body(%arg0: i32, %arg1: memref<1000x128xf32, #tpu.memory_space<vmem>>, %arg2: memref<1000x128xf32, #tpu.memory_space<vmem>>, %arg3: memref<1000x16xf32, #tpu.memory_space<vmem>>, %arg4: memref<128x128xf32, #tpu.memory_space<vmem>>, %arg5: memref<128x128xf32, #tpu.memory_space<vmem>>, %arg6: memref<128xf32, #tpu.memory_space<vmem>>, %arg7: memref<1000x128xf32, #tpu.memory_space<vmem>>) attributes {dimension_semantics = [#tpu.dimension_semantics<arbitrary>], iteration_bounds = array<i64: 10>, scalar_prefetch = 0 : i64, scratch_operands = 0 : i64, tpu.core_type = #tpu.core_type<tc>, window_params = [{transform_indices = @transform_0, window_bounds = array<i64: 1000, 128>}, {transform_indices = @transform_1, window_bounds = array<i64: 1000, 128>}, {transform_indices = @transform_2, window_bounds = array<i64: 1000, 16>}, {pipeline_mode = #tpu.pipeline_mode<synchronous>, transform_indices = @transform_3, window_bounds = array<i64: 128, 128>}, {pipeline_mode = #tpu.pipeline_mode<synchronous>, transform_indices = @transform_4, window_bounds = array<i64: 128, 128>}, {pipeline_mode = #tpu.pipeline_mode<synchronous>, transform_indices = @transform_5, window_bounds = array<i64: 128>}, {transform_indices = @transform_6, window_bounds = array<i64: 1000, 128>}]} {
    %get3A = arith.constant 0 : index
    %get3A_0 = arith.constant 0 : index
    %get3A_1 = vector.load %arg3[%get3A, %get3A_0] : memref<1000x16xf32, #tpu.memory_space<vmem>>, vector<1000x16xf32>
    %reduce_sum3A = arith.constant dense<0.000000e+00> : vector<1000xf32>
    %reduce_sum3A_2 = vector.multi_reduction <add>, %get3A_1, %reduce_sum3A [1] : vector<1000x16xf32> to vector<1000xf32>
    %get3A_3 = arith.constant 0 : index
    %get3A_4 = arith.constant 0 : index
    %get3A_5 = vector.load %arg2[%get3A_3, %get3A_4] : memref<1000x128xf32, #tpu.memory_space<vmem>>, vector<1000x128xf32>
    %max3A = arith.constant 1.000000e+00 : f32
    %max3A_6 = vector.broadcast %max3A : f32 to vector<1000xf32>
    %max3A_7 = arith.maximumf %reduce_sum3A_2, %max3A_6 : vector<1000xf32>
    %broadcast_in_dim3A = vector.shape_cast %max3A_7 : vector<1000xf32> to vector<1000x1xf32>
    %div3A = vector.broadcast %broadcast_in_dim3A : vector<1000x1xf32> to vector<1000x128xf32>
    %div3A_8 = arith.divf %get3A_5, %div3A : vector<1000x128xf32>
    %get3A_9 = arith.constant 0 : index
    %get3A_10 = arith.constant 0 : index
    %get3A_11 = vector.load %arg1[%get3A_9, %get3A_10] : memref<1000x128xf32, #tpu.memory_space<vmem>>, vector<1000x128xf32>
    %get3A_12 = arith.constant 0 : index
    %get3A_13 = arith.constant 0 : index
    %get3A_14 = vector.load %arg4[%get3A_12, %get3A_13] : memref<128x128xf32, #tpu.memory_space<vmem>>, vector<128x128xf32>
    %dot_general3A = arith.constant dense<0.000000e+00> : vector<1000x128xf32>
    %dot_general3A_15 = tpu.matmul %get3A_11, %get3A_14, %dot_general3A {dimension_numbers = #tpu.dot_dimension_numbers<[1], [0], [0], [1], [0, 0, 1, 1], [], []>, precision = #tpu.contract_precision<fp32>, transpose_lhs_hint = false} : vector<1000x128xf32>, vector<128x128xf32>, vector<1000x128xf32> -> vector<1000x128xf32>
    %get3A_16 = arith.constant 0 : index
    %get3A_17 = arith.constant 0 : index
    %get3A_18 = vector.load %arg5[%get3A_16, %get3A_17] : memref<128x128xf32, #tpu.memory_space<vmem>>, vector<128x128xf32>
    %dot_general3A_19 = arith.constant dense<0.000000e+00> : vector<1000x128xf32>
    %dot_general3A_20 = tpu.matmul %div3A_8, %get3A_18, %dot_general3A_19 {dimension_numbers = #tpu.dot_dimension_numbers<[1], [0], [0], [1], [0, 0, 1, 1], [], []>, precision = #tpu.contract_precision<fp32>, transpose_lhs_hint = false} : vector<1000x128xf32>, vector<128x128xf32>, vector<1000x128xf32> -> vector<1000x128xf32>
    %add3A = arith.addf %dot_general3A_15, %dot_general3A_20 : vector<1000x128xf32>
    %get3A_21 = arith.constant 0 : index
    %get3A_22 = vector.load %arg6[%get3A_21] : memref<128xf32, #tpu.memory_space<vmem>>, vector<128xf32>
    %broadcast_in_dim3A_23 = vector.shape_cast %get3A_22 : vector<128xf32> to vector<1x128xf32>
    %add3A_24 = vector.broadcast %broadcast_in_dim3A_23 : vector<1x128xf32> to vector<1000x128xf32>
    %add3A_25 = arith.addf %add3A, %add3A_24 : vector<1000x128xf32>
    %max3A_26 = arith.constant 0.000000e+00 : f32
    %max3A_27 = vector.broadcast %max3A_26 : f32 to vector<1000x128xf32>
    %max3A_28 = arith.maximumf %add3A_25, %max3A_27 : vector<1000x128xf32>
    %swap3A = arith.constant 0 : index
    %swap3A_29 = arith.constant 0 : index
    %swap3A_30 = vector.load %arg7[%swap3A, %swap3A_29] : memref<1000x128xf32, #tpu.memory_space<vmem>>, vector<1000x128xf32>
    tpu.vector_store %arg7[%swap3A, %swap3A_29], %max3A_28 {strides = array<i32>} : memref<1000x128xf32, #tpu.memory_space<vmem>>, vector<1000x128xf32>,
    return
  }
  func.func @transform_0(%arg0: i32) -> (i32, i32) {
    %c0_i32 = arith.constant 0 : i32
    %c0_i32_0 = arith.constant 0 : i32
    return %arg0, %c0_i32 : i32, i32
  }
  func.func @transform_1(%arg0: i32) -> (i32, i32) {
    %c0_i32 = arith.constant 0 : i32
    %c0_i32_0 = arith.constant 0 : i32
    return %arg0, %c0_i32 : i32, i32
  }
  func.func @transform_2(%arg0: i32) -> (i32, i32) {
    %c0_i32 = arith.constant 0 : i32
    %c0_i32_0 = arith.constant 0 : i32
    return %arg0, %c0_i32 : i32, i32
  }
  func.func @transform_3(%arg0: i32) -> (i32, i32) {
    %c0_i32 = arith.constant 0 : i32
    %c0_i32_0 = arith.constant 0 : i32
    %c0_i32_1 = arith.constant 0 : i32
    return %c0_i32, %c0_i32_0 : i32, i32
  }
  func.func @transform_4(%arg0: i32) -> (i32, i32) {
    %c0_i32 = arith.constant 0 : i32
    %c0_i32_0 = arith.constant 0 : i32
    %c0_i32_1 = arith.constant 0 : i32
    return %c0_i32, %c0_i32_0 : i32, i32
  }
  func.func @transform_5(%arg0: i32) -> i32 {
    %c0_i32 = arith.constant 0 : i32
    %c0_i32_0 = arith.constant 0 : i32
    return %c0_i32 : i32
  }
  func.func @transform_6(%arg0: i32) -> (i32, i32) {
    %c0_i32 = arith.constant 0 : i32
    %c0_i32_0 = arith.constant 0 : i32
    return %arg0, %c0_i32 : i32, i32
  }
}

module attributes {stable_mosaic.version = 14 : i64} {
  func.func @_combine_body(%arg0: i32, %arg1: memref<1000x128xf32, #tpu.memory_space<vmem>>, %arg2: memref<1000x128xf32, #tpu.memory_space<vmem>>, %arg3: memref<1000x16xf32, #tpu.memory_space<vmem>>, %arg4: memref<128x128xf32, #tpu.memory_space<vmem>>, %arg5: memref<128x128xf32, #tpu.memory_space<vmem>>, %arg6: memref<128xf32, #tpu.memory_space<vmem>>, %arg7: memref<1000x128xf32, #tpu.memory_space<vmem>>) attributes {dimension_semantics = [#tpu.dimension_semantics<arbitrary>], iteration_bounds = array<i64: 10>, scalar_prefetch = 0 : i64, scratch_operands = 0 : i64, tpu.core_type = #tpu.core_type<tc>, window_params = [{transform_indices = @transform_0, window_bounds = array<i64: 1000, 128>}, {transform_indices = @transform_1, window_bounds = array<i64: 1000, 128>}, {transform_indices = @transform_2, window_bounds = array<i64: 1000, 16>}, {pipeline_mode = #tpu.pipeline_mode<synchronous>, transform_indices = @transform_3, window_bounds = array<i64: 128, 128>}, {pipeline_mode = #tpu.pipeline_mode<synchronous>, transform_indices = @transform_4, window_bounds = array<i64: 128, 128>}, {pipeline_mode = #tpu.pipeline_mode<synchronous>, transform_indices = @transform_5, window_bounds = array<i64: 128>}, {transform_indices = @transform_6, window_bounds = array<i64: 1000, 128>}]} {
    %get3A = arith.constant 0 : index
    %get3A_0 = arith.constant 0 : index
    %get3A_1 = vector.load %arg3[%get3A, %get3A_0] : memref<1000x16xf32, #tpu.memory_space<vmem>>, vector<1000x16xf32>
    %reduce_sum3A = arith.constant dense<0.000000e+00> : vector<1000xf32>
    %reduce_sum3A_2 = vector.multi_reduction <add>, %get3A_1, %reduce_sum3A [1] : vector<1000x16xf32> to vector<1000xf32>
    %get3A_3 = arith.constant 0 : index
    %get3A_4 = arith.constant 0 : index
    %get3A_5 = vector.load %arg2[%get3A_3, %get3A_4] : memref<1000x128xf32, #tpu.memory_space<vmem>>, vector<1000x128xf32>
    %max3A = arith.constant 1.000000e+00 : f32
    %max3A_6 = vector.broadcast %max3A : f32 to vector<1000xf32>
    %max3A_7 = arith.maximumf %reduce_sum3A_2, %max3A_6 : vector<1000xf32>
    %broadcast_in_dim3A = vector.shape_cast %max3A_7 : vector<1000xf32> to vector<1000x1xf32>
    %div3A = vector.broadcast %broadcast_in_dim3A : vector<1000x1xf32> to vector<1000x128xf32>
    %div3A_8 = arith.divf %get3A_5, %div3A : vector<1000x128xf32>
    %get3A_9 = arith.constant 0 : index
    %get3A_10 = arith.constant 0 : index
    %get3A_11 = vector.load %arg1[%get3A_9, %get3A_10] : memref<1000x128xf32, #tpu.memory_space<vmem>>, vector<1000x128xf32>
    %get3A_12 = arith.constant 0 : index
    %get3A_13 = arith.constant 0 : index
    %get3A_14 = vector.load %arg4[%get3A_12, %get3A_13] : memref<128x128xf32, #tpu.memory_space<vmem>>, vector<128x128xf32>
    %dot_general3A = arith.constant dense<0.000000e+00> : vector<1000x128xf32>
    %dot_general3A_15 = tpu.matmul %get3A_11, %get3A_14, %dot_general3A {dimension_numbers = #tpu.dot_dimension_numbers<[1], [0], [0], [1], [0, 0, 1, 1], [], []>, precision = #tpu.contract_precision<fp32>, transpose_lhs_hint = false} : vector<1000x128xf32>, vector<128x128xf32>, vector<1000x128xf32> -> vector<1000x128xf32>
    %get3A_16 = arith.constant 0 : index
    %get3A_17 = arith.constant 0 : index
    %get3A_18 = vector.load %arg5[%get3A_16, %get3A_17] : memref<128x128xf32, #tpu.memory_space<vmem>>, vector<128x128xf32>
    %dot_general3A_19 = arith.constant dense<0.000000e+00> : vector<1000x128xf32>
    %dot_general3A_20 = tpu.matmul %div3A_8, %get3A_18, %dot_general3A_19 {dimension_numbers = #tpu.dot_dimension_numbers<[1], [0], [0], [1], [0, 0, 1, 1], [], []>, precision = #tpu.contract_precision<fp32>, transpose_lhs_hint = false} : vector<1000x128xf32>, vector<128x128xf32>, vector<1000x128xf32> -> vector<1000x128xf32>
    %add3A = arith.addf %dot_general3A_15, %dot_general3A_20 : vector<1000x128xf32>
    %get3A_21 = arith.constant 0 : index
    %get3A_22 = vector.load %arg6[%get3A_21] : memref<128xf32, #tpu.memory_space<vmem>>, vector<128xf32>
    %broadcast_in_dim3A_23 = vector.shape_cast %get3A_22 : vector<128xf32> to vector<1x128xf32>
    %add3A_24 = vector.broadcast %broadcast_in_dim3A_23 : vector<1x128xf32> to vector<1000x128xf32>
    %add3A_25 = arith.addf %add3A, %add3A_24 : vector<1000x128xf32>
    %max3A_26 = arith.constant 0.000000e+00 : f32
    %max3A_27 = vector.broadcast %max3A_26 : f32 to vector<1000x128xf32>
    %max3A_28 = arith.maximumf %add3A_25, %max3A_27 : vector<1000x128xf32>
    %mul3A = arith.mulf %max3A_28, %max3A_28 : vector<1000x128xf32>
    %reduce_sum3A_29 = arith.constant dense<0.000000e+00> : vector<1000xf32>
    %reduce_sum3A_30 = vector.multi_reduction <add>, %mul3A, %reduce_sum3A_29 [1] : vector<1000x128xf32> to vector<1000xf32>
    %broadcast_in_dim3A_31 = vector.shape_cast %reduce_sum3A_30 : vector<1000xf32> to vector<1000x1xf32>
    %sqrt3A = math.sqrt %broadcast_in_dim3A_31 : vector<1000x1xf32>
    %max3A_32 = arith.constant 9.99999996E-13 : f32
    %max3A_33 = vector.broadcast %max3A_32 : f32 to vector<1000x1xf32>
    %max3A_34 = arith.maximumf %sqrt3A, %max3A_33 : vector<1000x1xf32>
    %div3A_35 = vector.broadcast %max3A_34 : vector<1000x1xf32> to vector<1000x128xf32>
    %div3A_36 = arith.divf %max3A_28, %div3A_35 : vector<1000x128xf32>
    %swap3A = arith.constant 0 : index
    %swap3A_37 = arith.constant 0 : index
    %swap3A_38 = vector.load %arg7[%swap3A, %swap3A_37] : memref<1000x128xf32, #tpu.memory_space<vmem>>, vector<1000x128xf32>
    tpu.vector_store %arg7[%swap3A, %swap3A_37], %div3A_36 {strides = array<i32>} : memref<1000x128xf32, #tpu.memory_space<vmem>>, vector<1000x128xf32>,
    return
  }
  func.func @transform_0(%arg0: i32) -> (i32, i32) {
    %c0_i32 = arith.constant 0 : i32
    %c0_i32_0 = arith.constant 0 : i32
    return %arg0, %c0_i32 : i32, i32
  }
  func.func @transform_1(%arg0: i32) -> (i32, i32) {
    %c0_i32 = arith.constant 0 : i32
    %c0_i32_0 = arith.constant 0 : i32
    return %arg0, %c0_i32 : i32, i32
  }
  func.func @transform_2(%arg0: i32) -> (i32, i32) {
    %c0_i32 = arith.constant 0 : i32
    %c0_i32_0 = arith.constant 0 : i32
    return %arg0, %c0_i32 : i32, i32
  }
  func.func @transform_3(%arg0: i32) -> (i32, i32) {
    %c0_i32 = arith.constant 0 : i32
    %c0_i32_0 = arith.constant 0 : i32
    %c0_i32_1 = arith.constant 0 : i32
    return %c0_i32, %c0_i32_0 : i32, i32
  }
  func.func @transform_4(%arg0: i32) -> (i32, i32) {
    %c0_i32 = arith.constant 0 : i32
    %c0_i32_0 = arith.constant 0 : i32
    %c0_i32_1 = arith.constant 0 : i32
    return %c0_i32, %c0_i32_0 : i32, i32
  }
  func.func @transform_5(%arg0: i32) -> i32 {
    %c0_i32 = arith.constant 0 : i32
    %c0_i32_0 = arith.constant 0 : i32
    return %c0_i32 : i32
  }
  func.func @transform_6(%arg0: i32) -> (i32, i32) {
    %c0_i32 = arith.constant 0 : i32
    %c0_i32_0 = arith.constant 0 : i32
    return %arg0, %c0_i32 : i32, i32
  }
}

</mosaic_0001>

<sc_bundles>
// kernel: kernel.10.cloned.1.call-start
scs
__scs_entry_jumppad:
0x0: {  	(pc) =	sbr.rel $0x88, $3  }
0x1: {  	(tag) =	ssettag $0x0;
	lr =	simm.s32 $0x1  }
0x2: {  	[smem:$0x3F8D] =	sst lr;
	_ =	strace $0xD0000000  }
0x3: {  	_ = 	snop  }
0x4: {  	_ = 	snop  }
0x5: {  	_ = 	snop  }
0x6: {  	_ = 	snop  }
0x7: {  	_ = 	snop  }
__scs_overlays_trampoline_lowered:
0x8: {  	[smem:$0x3F9C] =	sst s0  }
0x9: {  	[smem:$0x3F9D] =	sst s1  }
0xa: {  	[smem:$0x3F9E] =	sst s2  }
0xb: {  	[smem:$0x3F9F] =	sst s3  }
0xc: {  	[smem:$0x3FA0] =	sst s4  }
0xd: {  	[smem:$0x3FA1] =	sst s5  }
0xe: {  	[smem:$0x3FA2] =	sst s6  }
0xf: {  	[smem:$0x3FA3] =	sst s7  }
0x10: {  	[smem:$0x3FA4] =	sst s8  }
0x11: {  	[smem:$0x3FA5] =	sst s9;
	s0 =	simm.s32 @!p0 $0x0  }
0x12: {  	s1 =	sld [smem:$0x3F8B];
	s0 =	simm.s32 @p0 $0x1  }
0x13: {  	[smem:$0x3FA6] =	sst s0;
	s0 =	simm.s32 @!p1 $0x0  }
0x14: {  	s2 =	sld [smem:$0x3F8A];
	s0 =	simm.s32 @p1 $0x1  }
0x15: {  	[smem:$0x3FA7] =	sst s0;
	s0 =	simm.s32 @!p2 $0x0  }
0x16: {  	s3 =	sld [smem:$0x3FDB];
	s0 =	simm.s32 @p2 $0x1  }
0x17: {  	s4 =	simm.s32 $0x1BF5;
	[smem:$0x3FA9] =	sst s0  }
0x18: {  	s0 =	sld [smem:$0x3F8C];
	_ =	swait.ge [sflag:s4], $0x0  }
0x19: {  	s7 =	sld [smem:$0x3F8D]  }
0x1a: {  	s8 =	sadd.s32 $0xFFFFE003, lr  }
0x1b: {  	s9 =	sadd.s32 $0xFFFFFEF7, lr;
	s5 =	simm.s32 $0xFFFFFFFF;
	p2 =	slt.u32 s8, $0xFFFFF086  }
0x1c: {  	p1 =	slt.u32 s9, $0xF7A;
	s5 =	simm.s32 @!p2 $0x0  }
0x1d: {  	s5 =	simm.s32 @p1 $0x1;
	p0 =	seq.s32 s7, s2  }
0x1e: {  	s7 =	smul.u32 @!p0 $0xF7A, s2;
	p2 =	seq.s32 @!p0 s5, $0x0  }
0x1f: {  	s9 =	smul.u32 $0xF7A, s1;
	s8 =	simm.s32 @!p0 $0x1BF5;
	p2 =	por !p2, p0  }
0x20: {  	[sflag:s8] =	ssyncset.s32 @!p0 $0xFFFFF086;
	s6 =	sadd.s32 @!p0 s3, s7;
	s7 =	simm.s32 @!p0 $0x108  }
0x21: {  	s3 =	sadd.s32 s3, s9;
	s6 =	sadd.s32 @!p0 $0x88, s6;
	s7 =	simm.s32 @p2 $0x1082  }
0x22: {  	[simem:s7], [sflag:s8] =	dma.local @!p0 [hbm:s6], $0xF7A  }
0x23: {  	s9 =	sor.u32 $0xD0000000, s2;
	s6 =	simm.s32 $0x108;
	_ =	swait.ge @!p0 [sflag:s8], $0x0  }
0x24: {  	s3 =	sadd.s32 $0x88, s3;
	s6 =	simm.s32 @!p1 $0x1082;
	[sflag:s4] =	ssyncset.s32 $0xFFFFF086  }
0x25: {  	[simem:s6], [sflag:s4] =	dma.local [hbm:s3], $0xF7A  }
0x26: {  	[smem:$0x3F8D] =	sst s1;
	(tag) =	ssettag s2;
	_ =	strace s9  }
0x27: {  	s1 =	sld [smem:$0x3F9D]  }
0x28: {  	s2 =	sld [smem:$0x3F9E]  }
0x29: {  	s4 =	sld [smem:$0x3FA0]  }
0x2a: {  	p0 =	seq.s32 s5, $0x0;
	s5 =	sld [smem:$0x3FA1]  }
0x2b: {  	s6 =	sld [smem:$0x3FA2]  }
0x2c: {  	s7 =	sld [smem:$0x3FA3]  }
0x2d: {  	s3 =	simm.s32 $0x108;
	s8 =	sld [smem:$0x3FA4]  }
0x2e: {  	s3 =	simm.s32 @!p0 $0x1082;
	s9 =	sld [smem:$0x3FA5]  }
0x2f: {  	lr =	sadd.s32 s0, s3;
	s0 =	sld [smem:$0x3F9C]  }
0x30: {  	s3 =	sld [smem:$0x3F9F]  }
0x31: {  	[smem:$0x3FA8] =	sst s10  }
0x32: {  	s10 =	sld [smem:$0x3FA6];
	_ =	sdelay $0x3  }
0x33: {  	p0 =	seq.s32 s10, $0x1;
	s10 =	sld [smem:$0x3FA8];
	_ =	sdelay $0x3  }
0x34: {  	[smem:$0x3FA8] =	sst s10  }
0x35: {  	s10 =	sld [smem:$0x3FA7];
	_ =	sdelay $0x3  }
0x36: {  	p1 =	seq.s32 s10, $0x1;
	s10 =	sld [smem:$0x3FA8];
	_ =	sdelay $0x3  }
0x37: {  	[smem:$0x3FA8] =	sst s10  }
0x38: {  	s10 =	sld [smem:$0x3FA9]  }
0x39: {  	_ = 	snop;
	(pc) =	sbr.ind lr, $3  }
0x3a: {  	_ = 	snop  }
0x3b: {  	_ = 	snop  }
0x3c: {  	p2 =	seq.s32 s10, $0x1;
	s10 =	sld [smem:$0x3FA8]  }
0x3d: {  	_ =	shalt  }
0x3e: {  	_ =	shalt  }
0x3f: {  	_ =	shalt  }
0x40: {  	_ =	shalt  }
0x41: {  	_ =	shalt  }
0x42: {  	_ =	shalt  }
0x43: {  	_ =	shalt  }
0x44: {  	_ =	shalt  }
0x45: {  	_ =	shalt  }
0x46: {  	_ =	shalt  }
0x47: {  	_ =	shalt  }
0x48: {  	_ =	shalt  }
0x49: {  	_ =	shalt  }
0x4a: {  	_ =	shalt  }
0x4b: {  	_ =	shalt  }
0x4c: {  	_ =	shalt  }
0x4d: {  	_ =	shalt  }
0x4e: {  	_ =	shalt  }
0x4f: {  	_ =	shalt  }
0x50: {  	_ =	shalt  }
0x51: {  	_ =	shalt  }
0x52: {  	_ =	shalt  }
0x53: {  	_ =	shalt  }
0x54: {  	_ =	shalt  }
0x55: {  	_ =	shalt  }
0x56: {  	_ =	shalt  }
0x57: {  	_ =	shalt  }
0x58: {  	_ =	shalt  }
0x59: {  	_ =	shalt  }
0x5a: {  	_ =	shalt  }
0x5b: {  	_ =	shalt  }
0x5c: {  	_ =	shalt  }
0x5d: {  	_ =	shalt  }
0x5e: {  	_ =	shalt  }
0x5f: {  	_ =	shalt  }
0x60: {  	_ =	shalt  }
0x61: {  	_ =	shalt  }
0x62: {  	_ =	shalt  }
0x63: {  	_ =	shalt  }
0x64: {  	_ =	shalt  }
0x65: {  	_ =	shalt  }
0x66: {  	_ =	shalt  }
0x67: {  	_ =	shalt  }
0x68: {  	_ =	shalt  }
0x69: {  	_ =	shalt  }
0x6a: {  	_ =	shalt  }
0x6b: {  	_ =	shalt  }
0x6c: {  	_ =	shalt  }
0x6d: {  	_ =	shalt  }
0x6e: {  	_ =	shalt  }
0x6f: {  	_ =	shalt  }
0x70: {  	_ =	shalt  }
0x71: {  	_ =	shalt  }
0x72: {  	_ =	shalt  }
0x73: {  	_ =	shalt  }
0x74: {  	_ =	shalt  }
0x75: {  	_ =	shalt  }
0x76: {  	_ =	shalt  }
0x77: {  	_ =	shalt  }
0x78: {  	_ =	shalt  }
0x79: {  	_ =	shalt  }
0x7a: {  	_ =	shalt  }
0x7b: {  	_ =	shalt  }
0x7c: {  	_ =	shalt  }
0x7d: {  	_ =	shalt  }
0x7e: {  	_ =	shalt  }
0x7f: {  	_ =	shalt  }
0x80: {  	_ =	shalt  }
0x81: {  	_ =	shalt  }
0x82: {  	_ =	shalt  }
0x83: {  	_ =	shalt  }
0x84: {  	_ =	shalt  }
0x85: {  	_ =	shalt  }
0x86: {  	_ =	shalt  }
0x87: {  	_ =	shalt  }
.Lfunc_end0:
.L_simem_size_0:
called_computation_lowered:
.L_overlay_start_0:
0x88: {  	s2 =	sld [smem:$0x3FD9]  }
0x89: {  	s3 =	sld [smem:$0x3FFE];
	_ =	sdelay $0x1  }
0x8a: {  	s1 =	srdreg.scid  }
0x8b: {  	s0 =	sand.u32 $0x1, s1  }
0x8c: {  	s14 =	sshll.u32 s0, $0xA;
	s2 =	sadd.s32 s3, s2  }
0x8d: {  	s2 =	sadd.s32 s2, s14  }
0x8e: {  	[smem:$0x3FB4] =	sst s2  }
0x8f: {  	_ = 	snop  }
0x90: {  	s2 =	sld [smem:$0x3FD0];
	_ =	sdelay $0x2  }
0x91: {  	s15 =	simm.s32 $0xA;
	s4 =	simm.s32 $0x10  }
0x92: {  	[smem:s4], [sflag:s15] =	dma.local [hbm:s2], $0x1  }
0x93: {  	_ =	swait.eq [sflag:s15], $0x1  }
0x94: {  	[sflag:s15] =	ssyncset.done $0x0  }
0x95: {  	s16 =	sld [smem:$0x10];
	[sflag:s15] =	ssyncadd.s32 $0xFFFFFFFF  }
0x96: {  	s17 =	sld [smem:$0x11];
	(tm) =	ssettm $0x1  }
0x97: {  	s18 =	sld [smem:$0x3FFB];
	_ =	sdelay $0x3  }
0x98: {  	_ =	strace s18  }
0x99: {  	s4 =	sld [smem:$0x3FFC];
	_ =	sdelay $0x3  }
0x9a: {  	_ =	strace s4  }
0x9b: {  	s4 =	sld [smem:$0x3FFD];
	_ =	sdelay $0x3  }
0x9c: {  	_ =	strace s4  }
0x9d: {  	_ =	strace $0x8FFFFFFF  }
0x9e: {  	s19 =	sld [smem:$0x3FDB];
	_ =	sdelay $0x1  }
0x9f: {  	s5 =	simm.s32 $_scs_section_size  }
0xa0: {  	s6 =	simm.s32 $_size__tile_overlayer_lowered;
	s7 =	simm.s32 $_tile_overlayer_lowered  }
0xa1: {  	s22 =	simm.s32 $0x1BFF;
	s21 =	sshll.u32 s7, $0x1;
	s4 =	sadd.s32 s5, s19  }
0xa2: {  	s8 =	simm.s32 $0x0;
	s20 =	sshll.u32 s6, $0x1;
	s6 =	sadd.s32 s21, s4  }
0xa3: {  	[timem:s8], [sflag:s22] =	dma.local [hbm:s6], s20  }
0xa4: {  	_ =	swait.ge [sflag:s22], s20  }
0xa5: {  	s5 =	ssub.s32 $0x0, s20;
	[sflag:s22] =	ssyncset.done $0x0  }
0xa6: {  	[sflag:s22] =	ssyncadd.s32 s5;
	_ =	sdelay $0x1  }
0xa7: {  	s23 =	simm.s32 $0x1B8B  }
0xa8: {  	_ =	swait.ge [sflag:s23], $0x1  }
0xa9: {  	[sflag:s23] =	ssyncset.done $0x0  }
0xaa: {  	s25 =	simm.s32 $0x1B8E;
	s24 =	sld [smem:$0x3FFE];
	[sflag:s23] =	ssyncadd.s32 $0xFFFFFFFF  }
0xab: {  	s26 =	simm.s32 $execute0_lowered;
	[smem:$0x3FD2] =	sst s25  }
0xac: {  	s6 =	sshll.u32 s26, $0x1;
	_ =	strace $0x80000046;
	[dreg:$0x1] =	wrdreg $0xFFFFFFFF  }
0xad: {  	s28 =	simm.s32 $_size_execute0_lowered;
	s4 =	sadd.s32 s4, s6;
	[dreg:$0x0] =	wrdreg $0x0  }
0xae: {  	s6 =	sshll.u32 s28, $0x1;
	[dreg:$0x2] =	wrdreg s4  }
0xaf: {  	[dreg:$0x3] =	wrdreg s6  }
0xb0: {  	[dreg:$0x4] =	wrdreg $0xC0  }
0xb1: {  	_ =	task [dreg:s8], $0x5FFFF  }
0xb2: {  	[dreg:$0x1] =	wrdreg $0xFFFFFFFF  }
0xb3: {  	[dreg:$0x0] =	wrdreg $0x60  }
0xb4: {  	[dreg:$0x2] =	wrdreg s16  }
0xb5: {  	[dreg:$0x3] =	wrdreg s17  }
0xb6: {  	[dreg:$0x4] =	wrdreg s24  }
0xb7: {  	[dreg:$0x5] =	wrdreg $0x55000  }
0xb8: {  	[dreg:$0x6] =	wrdreg $0x9  }
0xb9: {  	_ =	task.clear_ibuf [dreg:s8], $0x7FFFF;
	_ =	strace $0x90000046  }
0xba: {  	s29 =	simm.s32 $0x9;
	_ =	strace $0x80000048  }
0xbb: {  	_ =	swait.ge [sflag:s29], $0x1  }
0xbc: {  	[sflag:s29] =	ssyncadd.s32 $0xFFFFFFFF  }
0xbd: {  	_ =	strace $0x90000048  }
0xbe: {  	_ =	sfence  }
0xbf: {  	s30 =	sld [smem:$0x0];
	_ =	sdelay $0x2  }
0xc0: {  	s31 =	sshll.u32 s1, $0xD;
	s1 =	sshrl.u32 s1, $0x2  }
0xc1: {  	s3 =	sand.u32 $0x4000, s31;
	s1 =	sadd.s32 s1, s30  }
0xc2: {  	s0 =	sor.u32 s3, s0;
	s1 =	sshll.u32 s1, $0x11  }
0xc3: {  	s0 =	sor.u32 s1, s0  }
0xc4: {  	s0 =	sadd.s32 $0x8F2B, s0  }
0xc5: {  	[sflag:s0] =	ssyncadd.remote.s32 $0x1  }
0xc6: {  	_ =	sfence.sel $0xFFFF  }
0xc7: {  	[dreg:$0x0] =	wrdreg $0xFFFFFFFF;
	(pc) =	sbr.abs _section_cstart, $3  }
0xc8: {  	[dreg:$0x1] =	wrdreg $0xFFFFFFFF  }
0xc9: {  	_ =	task.clear_ibuf [dreg:s8], $0x2FFFF;
	_ =	strace $0x9FFFFFFF  }
0xca: {  	(tm) =	ssettm $0x7FFFFFFF  }
0xcb: {  	_ =	shalt  }
tec
execute0_lowered:
.L_overlay_start_1:
0x0: {  	(tag) =	ssettag $0x1  }
0x1: {  	s13 =	stileid.u32  }
0x2: {  	s1 =	rddreg [dreg:$0x2];
	s2 =	simm.s32 $0x0;
	s6 =	smul.u32 $0x4E20, s13  }
0x3: {  	[smem:$0x7FF] =	sst s2;
	s4 =	sadd.s32 $0x1A400, s1  }
0x4: {  	s7 =	sadd.s32 $0x24200, s1;
	s8 =	sadd.s32 $0x10600, s1;
	s6 =	sshrl.u32 s6, $0x3  }
0x5: {  	s10 =	sadd.s32 $0x6800, s1;
	s16 =	sadd.s32 s4, s6;
	s17 =	sadd.s32 $0x4, s6  }
0x6: {  	s18 =	sadd.s32 s7, s6;
	s20 =	sadd.s32 $0x8, s6;
	[dreg:$0x5] =	wrdreg s16  }
0x7: {  	s22 =	sadd.s32 $0xC, s6;
	s14 =	sadd.s32 s8, s6;
	[dreg:$0x6] =	wrdreg s18  }
0x8: {  	s25 =	sadd.s32 $0x10, s6;
	s6 =	sadd.s32 s10, s6;
	[dreg:$0xd] =	wrdreg s14  }
0x9: {  	s19 =	sadd.s32 s4, s17;
	[dreg:$0xe] =	wrdreg s6  }
0xa: {  	s11 =	sadd.s32 s7, s17;
	[dreg:$0x7] =	wrdreg s19  }
0xb: {  	s21 =	sadd.s32 s4, s20;
	[dreg:$0x8] =	wrdreg s11  }
0xc: {  	s12 =	sadd.s32 s7, s20;
	[dreg:$0x9] =	wrdreg s21  }
0xd: {  	s3 =	srdreg.scid;
	s23 =	sadd.s32 s4, s22;
	[dreg:$0xa] =	wrdreg s12  }
0xe: {  	s3 =	sand.u32 $0x1, s3;
	s24 =	sadd.s32 s7, s22;
	[dreg:$0xb] =	wrdreg s23  }
0xf: {  	s5 =	ssub.s32 $0x2, s3;
	s26 =	sadd.s32 s8, s17;
	[dreg:$0xc] =	wrdreg s24  }
0x10: {  	p0 =	seq.s32 s3, $0x1;
	s3 =	sadd.s32 s10, s17;
	[dreg:$0xf] =	wrdreg s26  }
0x11: {  	s0 =	sadd.s32 s8, s20;
	[dreg:$0x10] =	wrdreg s3  }
0x12: {  	s9 =	sshrl.u32 s5, $0x1;
	s6 =	sadd.s32 s10, s20;
	[dreg:$0x11] =	wrdreg s0  }
0x13: {  	s5 =	ssub.s32 s5, s9;
	s9 =	sadd.s32 s8, s22;
	[dreg:$0x12] =	wrdreg s6  }
0x14: {  	s14 =	sadd.s32 s4, s25;
	[dreg:$0x13] =	wrdreg s9  }
0x15: {  	s15 =	sadd.s32 s7, s25;
	[dreg:$0x15] =	wrdreg s14  }
0x16: {  	s17 =	sadd.s32 s8, s25;
	[dreg:$0x16] =	wrdreg s15  }
0x17: {  	s18 =	sadd.s32 s10, s25;
	[dreg:$0x17] =	wrdreg s17  }
0x18: {  	s16 =	smul.u32 $0x9C4, s13;
	[dreg:$0x18] =	wrdreg s18  }
0x19: {  	s11 =	sadd.s32 s10, s22;
	s26 =	rddreg [dreg:$0x3]  }
0x1a: {  	[dreg:$0x14] =	wrdreg s11;
	s19 =	sadd.s32 s16, s7  }
0x1b: {  	s4 =	sadd.s32 s16, s4;
	[dreg:$0x19] =	wrdreg s19  }
0x1c: {  	s21 =	sadd.s32 s16, s10;
	[dreg:$0x1a] =	wrdreg s4  }
0x1d: {  	s3 =	sadd.s32 s16, s8;
	[dreg:$0x1b] =	wrdreg s21  }
0x1e: {  	s23 =	sadd.s32 $0x2E000, s1;
	[dreg:$0x1c] =	wrdreg s3  }
0x1f: {  	s24 =	sadd.s32 $0x5B000, s1;
	_ =	strace $0x80000047;
	[dreg:$0x1d] =	wrdreg s23  }
0x20: {  	s20 =	smul.u32 $0x50000, s13;
	s25 =	sadd.s32 $0x56000, s1;
	[dreg:$0x1e] =	wrdreg s24  }
0x21: {  	s1 =	sadd.s32 $0x83000, s1;
	[dreg:$0x1f] =	wrdreg s25  }
0x22: {  	s22 =	sshrl.u32 s20, $0x2;
	s4 =	smax.u32 s5, $0x1;
	[smem:$0x7E6] =	sst s1  }
0x23: {  	s0 =	sadd.s32 s22, s26;
	[smem:$0x7E7] =	sst s4  }
0x24: {  	s5 =	sadd.s32 $0x1000, s0;
	[smem:$0x7FB] =	sst s0  }
0x25: {  	s6 =	sadd.s32 $0x2000, s0;
	[smem:$0x7E8] =	sst s5  }
0x26: {  	s7 =	sadd.s32 $0x3000, s0;
	[smem:$0x7E9] =	sst s6  }
0x27: {  	s8 =	sadd.s32 $0x4000, s0;
	[smem:$0x7EA] =	sst s7  }
0x28: {  	s9 =	sadd.s32 $0x5000, s0;
	[smem:$0x7EB] =	sst s8  }
0x29: {  	s10 =	sadd.s32 $0x6000, s0;
	[smem:$0x7EC] =	sst s9  }
0x2a: {  	s11 =	sadd.s32 $0x7000, s0;
	[smem:$0x7ED] =	sst s10  }
0x2b: {  	s12 =	sadd.s32 $0x8000, s0;
	[smem:$0x7EE] =	sst s11  }
0x2c: {  	s14 =	sadd.s32 $0x9000, s0;
	[smem:$0x7EF] =	sst s12  }
0x2d: {  	s15 =	sadd.s32 $0xA000, s0;
	[smem:$0x7F0] =	sst s14  }
0x2e: {  	s16 =	sadd.s32 $0xB000, s0;
	[smem:$0x7F1] =	sst s15  }
0x2f: {  	s17 =	sadd.s32 $0xC000, s0;
	[smem:$0x7F2] =	sst s16  }
0x30: {  	s31 =	simm.s32 $0x4;
	s18 =	sadd.s32 $0xD000, s0;
	[smem:$0x7F3] =	sst s17  }
0x31: {  	s28 =	simm.s32 $0x8;
	s19 =	sadd.s32 $0xE000, s0;
	[smem:$0x7F4] =	sst s18  }
0x32: {  	s29 =	simm.s32 $0x9;
	s20 =	sadd.s32 $0xF000, s0;
	[smem:$0x7F5] =	sst s19  }
0x33: {  	s30 =	simm.s32 $0xA;
	s21 =	sadd.s32 $0x10000, s0;
	[smem:$0x7F6] =	sst s20  }
0x34: {  	s3 =	simm.s32 $0x5;
	s22 =	sadd.s32 $0x11000, s0;
	[smem:$0x7F7] =	sst s21  }
0x35: {  	s23 =	smul.u32 $0x500, s13;
	s24 =	sadd.s32 $0x12000, s0;
	[smem:$0x7F8] =	sst s22  }
0x36: {  	s1 =	sadd.s32 $0x13000, s0;
	s25 =	smul.u32 $0x2800, s13;
	[smem:$0x7FA] =	sst s24  }
0x37: {  	s0 =	simm.s32 $0x0;
	[smem:$0x7FC] =	sst s1;
	s16 =	simm.s32 $0x280  }
.Ltmp0:
0x38: {  	s20 =	simm.s32 $0x80;
	s15 =	simm.s32 $0x300;
	(pc) =	sbr.rel .LBB2_1-.Ltmp0, $4  }
0x39: {  	s17 =	simm.s32 $0x1;
	s18 =	simm.s32 $0x20;
	s19 =	simm.s32 $0x2  }
0x3a: {  	s21 =	simm.s32 $0x3;
	s5 =	simm.s32 $0x19500;
	s8 =	simm.s32 $0xB  }
0x3b: {  	s9 =	simm.s32 $0xC;
	s10 =	simm.s32 $0xD;
	[smem:$0x7F9] =	sst s23  }
0x3c: {  	v0 =	vimm.f32 $0.0e+00;
	v1 =	vimm.f32 $1.000000000e+00;
	s11 =	simm.s32 $0xE;
	s12 =	simm.s32 $0xF;
	[smem:$0x7FD] =	sst s25  }
.LBB2_12:
0x3d: {  	s14 =	sld [smem:$0x7E6]  }
0x3e: {  	s13 =	rddreg [dreg:$0x1e]  }
0x3f: {  	s0 =	sld [smem:$0x7E5]  }
.LBB2_13:
0x40: {  	_ =	swait.ge [sflag:s9], $0x1000  }
0x41: {  	[sflag:s9] =	ssyncset.done $0x0  }
0x42: {  	[sflag:s9] =	ssyncadd.s32 $0xFFFFF000  }
0x43: {  	_ =	swait.ge [sflag:s10], $0x1000  }
0x44: {  	[sflag:s10] =	ssyncset.done $0x0  }
0x45: {  	[sflag:s10] =	ssyncadd.s32 $0xFFFFF000  }
0x46: {  	_ =	swait.ge [sflag:s11], $0x1000  }
0x47: {  	[sflag:s11] =	ssyncset.done $0x0  }
0x48: {  	[sflag:s11] =	ssyncadd.s32 $0xFFFFF000  }
0x49: {  	_ =	swait.ge [sflag:s12], $0x1000  }
0x4a: {  	s15 =	sld [smem:$0x7F9];
	_ =	sdelay $0x1  }
0x4b: {  	[sflag:s12] =	ssyncset.done $0x0  }
0x4c: {  	s7 =	simm.s32 $0x10;
	[sflag:s12] =	ssyncadd.s32 $0xFFFFF000;
	s14 =	sadd.s32 s14, s15  }
0x4d: {  	[hbm4b:s14+s2] =	stream.linear.scatter [tilespmem:s5], [sflag:$0x10], $0x2800, $0x38;
	[tilespmem:$0x1BD00] =	vst v63  }
0x4e: {  	_ =	swait.ge [sflag:s7], $0x2800  }
0x4f: {  	[sflag:s7] =	ssyncset.done $0x0  }
0x50: {  	[sflag:s7] =	ssyncadd.s32 $0xFFFFD800  }
0x51: {  	s22 =	sld [smem:$0x7FD];
	[bflag:$0x0] =	sbarrier.arrive $0xFFFF  }
0x52: {  	s24 =	sld [smem:$0x7FB]  }
0x53: {  	s23 =	stileid.u32  }
0x54: {  	s14 =	sshll.u32 s23, $0x6  }
0x55: {  	s14 =	sor.u32 $0x1C10, s14;
	s13 =	sadd.s32 s13, s22;
	s15 =	sshrl.u32 s24, $0x3  }
0x56: {  	[hbm:s13], [sflag:s14] =	dma.local [spmem:s15], $0x2800  }
0x57: {  	_ =	swait.ge [sflag:s7], $0x2800  }
0x58: {  	s25 =	sld [smem:$0x7E7];
	_ =	sdelay $0x1  }
0x59: {  	s0 =	sadd.s32 $0x1, s0  }
0x5a: {  	p1 =	sne.s32 s0, s25  }
.Ltmp1:
0x5b: {  	_ = 	snop;
	(pc) =	sbr.rel @!p1 .LBB2_14-.Ltmp1, $3  }
0x5c: {  	_ =	sdelay $0x1  }
0x5d: {  	[sflag:s7] =	ssyncset.done $0x0  }
0x5e: {  	s15 =	simm.s32 $0x300;
	[sflag:s7] =	ssyncadd.s32 $0xFFFFD800  }
.LBB2_1:
0x5f: {  	s13 =	simm.s32 $0x0;
	s14 =	simm.s32 $0x200  }
.LBB2_2:
0x60: {  	p1 =	sne.s32 s14, $0x3E00;
	[tilespmem:s13+$0x570] =	vst v0  }
0x61: {  	[tilespmem:s13+$0x500] =	vst v0  }
0x62: {  	[tilespmem:s13+$0x510] =	vst v0  }
.Ltmp2:
0x63: {  	[tilespmem:s13+$0x520] =	vst v0;
	(pc) =	sbr.rel @p1 .LBB2_2-.Ltmp2, $4  }
0x64: {  	[tilespmem:s13+$0x530] =	vst v0  }
0x65: {  	[tilespmem:s13+$0x540] =	vst v0  }
0x66: {  	[tilespmem:s13+$0x550] =	vst v0  }
0x67: {  	[tilespmem:s13+$0x560] =	vst v0;
	s13 =	sshra.s32 s14, $0x2;
	s14 =	sadd.s32 $0x200, s14  }
0x68: {  	[tilespmem:s13+$0x570] =	vst v0  }
0x69: {  	[tilespmem:s13+$0x500] =	vst v0  }
0x6a: {  	[tilespmem:s13+$0x510] =	vst v0  }
0x6b: {  	[tilespmem:s13+$0x520] =	vst v0  }
0x6c: {  	[tilespmem:s13+$0x530] =	vst v0  }
0x6d: {  	[tilespmem:s13+$0x540] =	vst v0  }
0x6e: {  	[tilespmem:s13+$0x550] =	vst v0  }
0x6f: {  	[smem:$0x7E5] =	sst s0;
	[tilespmem:s13+$0x560] =	vst v0;
	s13 =	simm.s32 $0x40;
	s14 =	simm.s32 $0x0  }
.LBB2_4:
0x70: {  	p1 =	sne.s32 s13, $0x9FC0;
	[tilespmem:s14+$0x19500] =	vst v0;
	s14 =	smov.u32 s13;
	s13 =	sadd.s32 $0x40, s13  }
.Ltmp3:
0x71: {  	(pc) =	sbr.rel @p1 .LBB2_4-.Ltmp3, $2  }
0x72: {  	_ =	sdelay $0x2  }
0x73: {  	s14 =	sshra.s32 s14, $0x2  }
0x74: {  	s13 =	sld [smem:$0x7FB];
	_ =	sdelay $0x1  }
0x75: {  	[tilespmem:s14+$0x19500] =	vst v0;
	s0 =	simm.s32 $0x500;
	s7 =	simm.s32 $0x10  }
0x76: {  	[spmem:s13] =	stream.linear.scatter [tilespmem:s0], [sflag:$0x10], $0x1000, $0x38;
	[tilespmem:$0x1BD00] =	vst v63  }
0x77: {  	_ =	swait.ge [sflag:s7], $0x1000  }
0x78: {  	s23 =	sld [smem:$0x7E8]  }
0x79: {  	[sflag:s7] =	ssyncset.done $0x0  }
0x7a: {  	[sflag:s7] =	ssyncadd.s32 $0xFFFFF000  }
0x7b: {  	[spmem:s23] =	stream.linear.scatter [tilespmem:s0], [sflag:$0x10], $0x1000, $0x38;
	[tilespmem:$0x1BD00] =	vst v63  }
0x7c: {  	_ =	swait.ge [sflag:s7], $0x1000  }
0x7d: {  	s24 =	sld [smem:$0x7E9]  }
0x7e: {  	[sflag:s7] =	ssyncset.done $0x0  }
0x7f: {  	[sflag:s7] =	ssyncadd.s32 $0xFFFFF000  }
0x80: {  	[spmem:s24] =	stream.linear.scatter [tilespmem:s0], [sflag:$0x10], $0x1000, $0x38;
	[tilespmem:$0x1BD00] =	vst v63  }
0x81: {  	_ =	swait.ge [sflag:s7], $0x1000  }
0x82: {  	s25 =	sld [smem:$0x7EA]  }
0x83: {  	[sflag:s7] =	ssyncset.done $0x0  }
0x84: {  	[sflag:s7] =	ssyncadd.s32 $0xFFFFF000  }
0x85: {  	[spmem:s25] =	stream.linear.scatter [tilespmem:s0], [sflag:$0x10], $0x1000, $0x38;
	[tilespmem:$0x1BD00] =	vst v63  }
0x86: {  	_ =	swait.ge [sflag:s7], $0x1000  }
0x87: {  	s1 =	sld [smem:$0x7EB]  }
0x88: {  	[sflag:s7] =	ssyncset.done $0x0  }
0x89: {  	[sflag:s7] =	ssyncadd.s32 $0xFFFFF000  }
0x8a: {  	[spmem:s1] =	stream.linear.scatter [tilespmem:s0], [sflag:$0x10], $0x1000, $0x38;
	[tilespmem:$0x1BD00] =	vst v63  }
0x8b: {  	_ =	swait.ge [sflag:s7], $0x1000  }
0x8c: {  	s4 =	sld [smem:$0x7EC]  }
0x8d: {  	[sflag:s7] =	ssyncset.done $0x0  }
0x8e: {  	[sflag:s7] =	ssyncadd.s32 $0xFFFFF000  }
0x8f: {  	[spmem:s4] =	stream.linear.scatter [tilespmem:s0], [sflag:$0x10], $0x1000, $0x38;
	[tilespmem:$0x1BD00] =	vst v63  }
0x90: {  	_ =	swait.ge [sflag:s7], $0x1000  }
0x91: {  	s6 =	sld [smem:$0x7ED]  }
0x92: {  	[sflag:s7] =	ssyncset.done $0x0  }
0x93: {  	[sflag:s7] =	ssyncadd.s32 $0xFFFFF000  }
0x94: {  	[spmem:s6] =	stream.linear.scatter [tilespmem:s0], [sflag:$0x10], $0x1000, $0x38;
	[tilespmem:$0x1BD00] =	vst v63  }
0x95: {  	_ =	swait.ge [sflag:s7], $0x1000  }
0x96: {  	s14 =	sld [smem:$0x7EE]  }
0x97: {  	[sflag:s7] =	ssyncset.done $0x0  }
0x98: {  	[sflag:s7] =	ssyncadd.s32 $0xFFFFF000  }
0x99: {  	[spmem:s14] =	stream.linear.scatter [tilespmem:s0], [sflag:$0x10], $0x1000, $0x38;
	[tilespmem:$0x1BD00] =	vst v63  }
0x9a: {  	_ =	swait.ge [sflag:s7], $0x1000  }
0x9b: {  	s22 =	sld [smem:$0x7EF]  }
0x9c: {  	[sflag:s7] =	ssyncset.done $0x0  }
0x9d: {  	[sflag:s7] =	ssyncadd.s32 $0xFFFFF000  }
0x9e: {  	[spmem:s22] =	stream.linear.scatter [tilespmem:s0], [sflag:$0x10], $0x1000, $0x38;
	[tilespmem:$0x1BD00] =	vst v63  }
0x9f: {  	_ =	swait.ge [sflag:s7], $0x1000  }
0xa0: {  	s23 =	sld [smem:$0x7F0]  }
0xa1: {  	[sflag:s7] =	ssyncset.done $0x0  }
0xa2: {  	[sflag:s7] =	ssyncadd.s32 $0xFFFFF000  }
0xa3: {  	[spmem:s23] =	stream.linear.scatter [tilespmem:s0], [sflag:$0x10], $0x1000, $0x38;
	[tilespmem:$0x1BD00] =	vst v63  }
0xa4: {  	_ =	swait.ge [sflag:s7], $0x1000  }
0xa5: {  	s24 =	sld [smem:$0x7F1]  }
0xa6: {  	[sflag:s7] =	ssyncset.done $0x0  }
0xa7: {  	[sflag:s7] =	ssyncadd.s32 $0xFFFFF000  }
0xa8: {  	[spmem:s24] =	stream.linear.scatter [tilespmem:s0], [sflag:$0x10], $0x1000, $0x38;
	[tilespmem:$0x1BD00] =	vst v63  }
0xa9: {  	_ =	swait.ge [sflag:s7], $0x1000  }
0xaa: {  	s25 =	sld [smem:$0x7F2]  }
0xab: {  	[sflag:s7] =	ssyncset.done $0x0  }
0xac: {  	[sflag:s7] =	ssyncadd.s32 $0xFFFFF000  }
0xad: {  	[spmem:s25] =	stream.linear.scatter [tilespmem:s0], [sflag:$0x10], $0x1000, $0x38;
	[tilespmem:$0x1BD00] =	vst v63  }
0xae: {  	_ =	swait.ge [sflag:s7], $0x1000  }
0xaf: {  	s1 =	sld [smem:$0x7F3]  }
0xb0: {  	[sflag:s7] =	ssyncset.done $0x0  }
0xb1: {  	[sflag:s7] =	ssyncadd.s32 $0xFFFFF000  }
0xb2: {  	[spmem:s1] =	stream.linear.scatter [tilespmem:s0], [sflag:$0x10], $0x1000, $0x38;
	[tilespmem:$0x1BD00] =	vst v63  }
0xb3: {  	_ =	swait.ge [sflag:s7], $0x1000  }
0xb4: {  	s4 =	sld [smem:$0x7F4]  }
0xb5: {  	[sflag:s7] =	ssyncset.done $0x0  }
0xb6: {  	[sflag:s7] =	ssyncadd.s32 $0xFFFFF000  }
0xb7: {  	[spmem:s4] =	stream.linear.scatter [tilespmem:s0], [sflag:$0x10], $0x1000, $0x38;
	[tilespmem:$0x1BD00] =	vst v63  }
0xb8: {  	_ =	swait.ge [sflag:s7], $0x1000  }
0xb9: {  	s6 =	sld [smem:$0x7F5]  }
0xba: {  	[sflag:s7] =	ssyncset.done $0x0  }
0xbb: {  	[sflag:s7] =	ssyncadd.s32 $0xFFFFF000  }
0xbc: {  	[spmem:s6] =	stream.linear.scatter [tilespmem:s0], [sflag:$0x10], $0x1000, $0x38;
	[tilespmem:$0x1BD00] =	vst v63  }
0xbd: {  	_ =	swait.ge [sflag:s7], $0x1000  }
0xbe: {  	s14 =	sld [smem:$0x7F6]  }
0xbf: {  	[sflag:s7] =	ssyncset.done $0x0  }
0xc0: {  	[sflag:s7] =	ssyncadd.s32 $0xFFFFF000  }
0xc1: {  	[spmem:s14] =	stream.linear.scatter [tilespmem:s0], [sflag:$0x10], $0x1000, $0x38;
	[tilespmem:$0x1BD00] =	vst v63  }
0xc2: {  	_ =	swait.ge [sflag:s7], $0x1000  }
0xc3: {  	s22 =	sld [smem:$0x7F7]  }
0xc4: {  	[sflag:s7] =	ssyncset.done $0x0  }
0xc5: {  	[sflag:s7] =	ssyncadd.s32 $0xFFFFF000  }
0xc6: {  	[spmem:s22] =	stream.linear.scatter [tilespmem:s0], [sflag:$0x10], $0x1000, $0x38;
	[tilespmem:$0x1BD00] =	vst v63  }
0xc7: {  	_ =	swait.ge [sflag:s7], $0x1000  }
0xc8: {  	s23 =	sld [smem:$0x7F8]  }
0xc9: {  	[sflag:s7] =	ssyncset.done $0x0  }
0xca: {  	[sflag:s7] =	ssyncadd.s32 $0xFFFFF000  }
0xcb: {  	[spmem:s23] =	stream.linear.scatter [tilespmem:s0], [sflag:$0x10], $0x1000, $0x38;
	[tilespmem:$0x1BD00] =	vst v63  }
0xcc: {  	_ =	swait.ge [sflag:s7], $0x1000  }
0xcd: {  	s24 =	sld [smem:$0x7FA]  }
0xce: {  	[sflag:s7] =	ssyncset.done $0x0  }
0xcf: {  	[sflag:s7] =	ssyncadd.s32 $0xFFFFF000  }
0xd0: {  	[spmem:s24] =	stream.linear.scatter [tilespmem:s0], [sflag:$0x10], $0x1000, $0x38;
	[tilespmem:$0x1BD00] =	vst v63  }
0xd1: {  	_ =	swait.ge [sflag:s7], $0x1000  }
0xd2: {  	s25 =	sld [smem:$0x7FC]  }
0xd3: {  	[sflag:s7] =	ssyncset.done $0x0  }
0xd4: {  	[sflag:s7] =	ssyncadd.s32 $0xFFFFF000  }
0xd5: {  	[spmem:s25] =	stream.linear.scatter [tilespmem:s0], [sflag:$0x10], $0x1000, $0x38;
	[tilespmem:$0x1BD00] =	vst v63  }
.Ltmp4:
0xd6: {  	_ =	swait.ge [sflag:s7], $0x1000;
	(pc) =	sbr.rel @!p0 .LBB2_6-.Ltmp4, $4  }
0xd7: {  	[sflag:s7] =	ssyncset.done $0x0  }
0xd8: {  	[sflag:s7] =	ssyncadd.s32 $0xFFFFF000  }
0xd9: {  	[bflag:$0x0] =	sbarrier.arrive $0xFFFF  }
0xda: {  	s13 =	simm.s32 $0x0  }
0xdb: {  	s14 =	rddreg [dreg:$0xd]  }
0xdc: {  	[tilespmem:s13], [sflag:$0x1] =	stream.linear.gather [hbm4b:s14+s13], $0x20, $0x38;
	[tilespmem:$0x1BD00] =	vst v63  }
0xdd: {  	s23 =	rddreg [dreg:$0xe]  }
0xde: {  	[tilespmem:s16], [sflag:$0x1] =	stream.linear.gather [hbm4b:s23+s13], $0x20, $0x38;
	[tilespmem:$0x1BD00] =	vst v63  }
0xdf: {  	s24 =	rddreg [dreg:$0xf]  }
0xe0: {  	[tilespmem:s20], [sflag:$0x2] =	stream.linear.gather [hbm4b:s24+s13], $0x20, $0x38;
	[tilespmem:$0x1BD00] =	vst v63  }
0xe1: {  	s25 =	rddreg [dreg:$0x10]  }
0xe2: {  	[tilespmem:s15], [sflag:$0x2] =	stream.linear.gather [hbm4b:s25+s13], $0x20, $0x38;
	[tilespmem:$0x1BD00] =	vst v63  }
0xe3: {  	s0 =	rddreg [dreg:$0x11];
	s7 =	simm.s32 $0x100  }
0xe4: {  	[tilespmem:s7], [sflag:$0x3] =	stream.linear.gather [hbm4b:s0+s13], $0x20, $0x38;
	[tilespmem:$0x1BD00] =	vst v63  }
0xe5: {  	s1 =	rddreg [dreg:$0x12];
	s22 =	simm.s32 $0x380  }
0xe6: {  	[tilespmem:s22], [sflag:$0x3] =	stream.linear.gather [hbm4b:s1+s13], $0x20, $0x38;
	[tilespmem:$0x1BD00] =	vst v63  }
0xe7: {  	s4 =	rddreg [dreg:$0x13];
	s23 =	simm.s32 $0x180  }
0xe8: {  	[tilespmem:s23], [sflag:$0x4] =	stream.linear.gather [hbm4b:s4+s13], $0x20, $0x38;
	[tilespmem:$0x1BD00] =	vst v63  }
0xe9: {  	s6 =	rddreg [dreg:$0x14];
	s4 =	simm.s32 $0x400  }
0xea: {  	[tilespmem:s4], [sflag:$0x4] =	stream.linear.gather [hbm4b:s6+s13], $0x20, $0x38;
	[tilespmem:$0x1BD00] =	vst v63  }
0xeb: {  	s24 =	rddreg [dreg:$0x17];
	s0 =	simm.s32 $0x200  }
0xec: {  	[tilespmem:s0], [sflag:$0x5] =	stream.linear.gather [hbm4b:s24+s13], $0x20, $0x38;
	[tilespmem:$0x1BD00] =	vst v63  }
0xed: {  	s14 =	simm.s32 $0x480;
	s25 =	rddreg [dreg:$0x18];
	s24 =	simm.s32 $0x480  }
0xee: {  	[tilespmem:s24], [sflag:$0x5] =	stream.linear.gather [hbm4b:s25+s13], $0x20, $0x38;
	[tilespmem:$0x1BD00] =	vst v63  }
.LBB2_11:
0xef: {  	_ =	swait.ge [sflag:s17], $0x20  }
0xf0: {  	[sflag:s17] =	ssyncset.done $0x0  }
0xf1: {  	[sflag:s17] =	ssyncadd.s32 $0xFFFFFFE0  }
0xf2: {  	_ =	swait.ge [sflag:s17], $0x20  }
0xf3: {  	[sflag:s17] =	ssyncset.done $0x0  }
0xf4: {  	[sflag:s17] =	ssyncadd.s32 $0xFFFFFFE0  }
0xf5: {  	s1 =	simm.s32 $0x500;
	s24 =	rddreg [dreg:$0x1]  }
0xf6: {  	[tilespmem:s1], [sflag:$0x6] =	stream.indirect.gather [hbm4b:s24+s18], $0x80, s2, s18, $0xb8;
	[tilespmem:$0x1BD00] =	vst v63  }
0xf7: {  	_ =	swait.ge [sflag:s19], $0x20  }
0xf8: {  	[sflag:s19] =	ssyncset.done $0x0  }
0xf9: {  	[sflag:s19] =	ssyncadd.s32 $0xFFFFFFE0  }
0xfa: {  	_ =	swait.ge [sflag:s19], $0x20  }
0xfb: {  	[sflag:s19] =	ssyncset.done $0x0  }
0xfc: {  	s6 =	simm.s32 $0x1500;
	[sflag:s19] =	ssyncadd.s32 $0xFFFFFFE0  }
0xfd: {  	[tilespmem:s6], [sflag:$0x7] =	stream.indirect.gather [hbm4b:s24+s18], $0x80, s20, s18, $0xb8;
	[tilespmem:$0x1BD00] =	vst v63  }
0xfe: {  	_ =	swait.ge [sflag:s21], $0x20  }
0xff: {  	[sflag:s21] =	ssyncset.done $0x0  }
0x100: {  	[sflag:s21] =	ssyncadd.s32 $0xFFFFFFE0  }
0x101: {  	_ =	swait.ge [sflag:s21], $0x20  }
0x102: {  	[sflag:s21] =	ssyncset.done $0x0  }
0x103: {  	s25 =	simm.s32 $0x2500;
	[sflag:s21] =	ssyncadd.s32 $0xFFFFFFE0  }
0x104: {  	[tilespmem:s25], [sflag:$0x8] =	stream.indirect.gather [hbm4b:s24+s18], $0x80, s7, s18, $0xb8;
	[tilespmem:$0x1BD00] =	vst v63  }
0x105: {  	_ =	swait.ge [sflag:s31], $0x20  }
0x106: {  	[sflag:s31] =	ssyncset.done $0x0  }
0x107: {  	[sflag:s31] =	ssyncadd.s32 $0xFFFFFFE0  }
0x108: {  	_ =	swait.ge [sflag:s31], $0x20  }
0x109: {  	[sflag:s31] =	ssyncset.done $0x0  }
0x10a: {  	s7 =	simm.s32 $0x3500;
	[sflag:s31] =	ssyncadd.s32 $0xFFFFFFE0  }
0x10b: {  	[tilespmem:s7], [sflag:$0x9] =	stream.indirect.gather [hbm4b:s24+s18], $0x80, s23, s18, $0xb8;
	[tilespmem:$0x1BD00] =	vst v63  }
0x10c: {  	_ =	swait.ge [sflag:s3], $0x20  }
0x10d: {  	[sflag:s3] =	ssyncset.done $0x0  }
0x10e: {  	[sflag:s3] =	ssyncadd.s32 $0xFFFFFFE0  }
0x10f: {  	_ =	swait.ge [sflag:s3], $0x20  }
0x110: {  	[sflag:s3] =	ssyncset.done $0x0  }
0x111: {  	s23 =	simm.s32 $0x4500;
	[sflag:s3] =	ssyncadd.s32 $0xFFFFFFE0  }
0x112: {  	[tilespmem:s23], [sflag:$0xA] =	stream.indirect.gather [hbm4b:s24+s18], $0x80, s0, s18, $0xb8;
	[tilespmem:$0x1BD00] =	vst v63  }
0x113: {  	s24 =	simm.s32 $0x6  }
0x114: {  	_ =	swait.ge [sflag:s24], $0x1000  }
0x115: {  	[sflag:s24] =	ssyncset.done $0x0  }
0x116: {  	[sflag:s24] =	ssyncadd.s32 $0xFFFFF000  }
0x117: {  	[spmem:s26] =	stream.indirect.scatter.add.f32 [tilespmem:s1], [sflag:$0xB], $0x80, s16, s18, $0xb8;
	[tilespmem:$0x1BD00] =	vst v63  }
0x118: {  	v2 =	vld [tilespmem:$0x280];
	_ =	sdelay $0x7  }
0x119: {  	[tilespmem:v2+s5+$0x0] =	vst.idx.add.f32.msk $0xffff, v1  }
0x11a: {  	v2 =	vld [tilespmem:$0x290];
	_ =	sdelay $0x7  }
0x11b: {  	s24 =	simm.s32 $0x7;
	[tilespmem:v2+s5+$0x0] =	vst.idx.add.f32.msk $0xffff, v1  }
0x11c: {  	_ =	swait.ge [sflag:s24], $0x1000  }
0x11d: {  	[sflag:s24] =	ssyncset.done $0x0  }
0x11e: {  	[sflag:s24] =	ssyncadd.s32 $0xFFFFF000  }
0x11f: {  	[spmem:s26] =	stream.indirect.scatter.add.f32 [tilespmem:s6], [sflag:$0xC], $0x80, s15, s18, $0xb8;
	[tilespmem:$0x1BD00] =	vst v63  }
0x120: {  	v2 =	vld [tilespmem:$0x300];
	_ =	sdelay $0x7  }
0x121: {  	[tilespmem:v2+s5+$0x0] =	vst.idx.add.f32.msk $0xffff, v1  }
0x122: {  	v2 =	vld [tilespmem:$0x310];
	_ =	sdelay $0x7  }
0x123: {  	[tilespmem:v2+s5+$0x0] =	vst.idx.add.f32.msk $0xffff, v1  }
0x124: {  	_ =	swait.ge [sflag:s28], $0x1000  }
0x125: {  	[sflag:s28] =	ssyncset.done $0x0  }
0x126: {  	[sflag:s28] =	ssyncadd.s32 $0xFFFFF000  }
0x127: {  	[spmem:s26] =	stream.indirect.scatter.add.f32 [tilespmem:s25], [sflag:$0xD], $0x80, s22, s18, $0xb8;
	[tilespmem:$0x1BD00] =	vst v63  }
0x128: {  	v2 =	vld [tilespmem:$0x380];
	_ =	sdelay $0x7  }
0x129: {  	[tilespmem:v2+s5+$0x0] =	vst.idx.add.f32.msk $0xffff, v1  }
0x12a: {  	v2 =	vld [tilespmem:$0x390];
	_ =	sdelay $0x7  }
0x12b: {  	[tilespmem:v2+s5+$0x0] =	vst.idx.add.f32.msk $0xffff, v1  }
0x12c: {  	_ =	swait.ge [sflag:s29], $0x1000  }
0x12d: {  	[sflag:s29] =	ssyncset.done $0x0  }
0x12e: {  	[sflag:s29] =	ssyncadd.s32 $0xFFFFF000  }
0x12f: {  	[spmem:s26] =	stream.indirect.scatter.add.f32 [tilespmem:s7], [sflag:$0xE], $0x80, s4, s18, $0xb8;
	[tilespmem:$0x1BD00] =	vst v63  }
0x130: {  	v2 =	vld [tilespmem:$0x400];
	_ =	sdelay $0x7  }
0x131: {  	[tilespmem:v2+s5+$0x0] =	vst.idx.add.f32.msk $0xffff, v1  }
0x132: {  	v2 =	vld [tilespmem:$0x410];
	_ =	sdelay $0x7  }
0x133: {  	[tilespmem:v2+s5+$0x0] =	vst.idx.add.f32.msk $0xffff, v1  }
0x134: {  	_ =	swait.ge [sflag:s30], $0x1000  }
0x135: {  	[sflag:s30] =	ssyncset.done $0x0  }
0x136: {  	[sflag:s30] =	ssyncadd.s32 $0xFFFFF000  }
0x137: {  	[spmem:s26] =	stream.indirect.scatter.add.f32 [tilespmem:s23], [sflag:$0xF], $0x80, s14, s18, $0xb8;
	[tilespmem:$0x1BD00] =	vst v63  }
0x138: {  	v2 =	vld [tilespmem:$0x480];
	_ =	sdelay $0x7  }
0x139: {  	[tilespmem:v2+s5+$0x0] =	vst.idx.add.f32.msk $0xffff, v1  }
0x13a: {  	v2 =	vld [tilespmem:$0x490];
	_ =	sdelay $0x5  }
0x13b: {  	p1 =	seq.s32 s13, $0x9B0  }
.Ltmp5:
0x13c: {  	_ = 	snop;
	(pc) =	sbr.rel @p1 .LBB2_12-.Ltmp5, $4  }
0x13d: {  	[tilespmem:v2+s5+$0x0] =	vst.idx.add.f32.msk $0xffff, v1  }
0x13e: {  	_ =	swait.ge [sflag:s8], $0x1000  }
0x13f: {  	[sflag:s8] =	ssyncset.done $0x0  }
0x140: {  	s24 =	simm.s32 $0x480;
	[sflag:s8] =	ssyncadd.s32 $0xFFFFF000  }
0x141: {  	s14 =	rddreg [dreg:$0x1c]  }
0x142: {  	s14 =	sadd.s32 s13, s14  }
0x143: {  	s20 =	rddreg [dreg:$0x1b];
	s15 =	sadd.s32 $0x14, s14  }
0x144: {  	[tilespmem:s2], [sflag:$0x1] =	stream.linear.gather [hbm4b:s15+s2], $0x20, $0x38;
	[tilespmem:$0x1BD00] =	vst v63  }
0x145: {  	s15 =	sadd.s32 s13, s20  }
0x146: {  	s20 =	simm.s32 $0x280;
	s16 =	sadd.s32 $0x14, s15  }
0x147: {  	[tilespmem:s20], [sflag:$0x1] =	stream.linear.gather [hbm4b:s16+s2], $0x20, $0x38;
	[tilespmem:$0x1BD00] =	vst v63  }
0x148: {  	_ =	swait.ge [sflag:s9], $0x1000  }
0x149: {  	[sflag:s9] =	ssyncset.done $0x0  }
0x14a: {  	s25 =	sadd.s32 $0x18, s14;
	s20 =	simm.s32 $0x80;
	[sflag:s9] =	ssyncadd.s32 $0xFFFFF000  }
0x14b: {  	[tilespmem:s20], [sflag:$0x2] =	stream.linear.gather [hbm4b:s25+s2], $0x20, $0x38;
	[tilespmem:$0x1BD00] =	vst v63  }
0x14c: {  	s7 =	simm.s32 $0x300;
	s1 =	sadd.s32 $0x18, s15  }
0x14d: {  	[tilespmem:s7], [sflag:$0x2] =	stream.linear.gather [hbm4b:s1+s2], $0x20, $0x38;
	[tilespmem:$0x1BD00] =	vst v63  }
0x14e: {  	_ =	swait.ge [sflag:s10], $0x1000  }
0x14f: {  	[sflag:s10] =	ssyncset.done $0x0  }
0x150: {  	s6 =	sadd.s32 $0x1C, s14;
	s7 =	simm.s32 $0x100;
	[sflag:s10] =	ssyncadd.s32 $0xFFFFF000  }
0x151: {  	[tilespmem:s7], [sflag:$0x3] =	stream.linear.gather [hbm4b:s6+s2], $0x20, $0x38;
	[tilespmem:$0x1BD00] =	vst v63  }
0x152: {  	s22 =	simm.s32 $0x380;
	s25 =	sadd.s32 $0x1C, s15  }
0x153: {  	[tilespmem:s22], [sflag:$0x3] =	stream.linear.gather [hbm4b:s25+s2], $0x20, $0x38;
	[tilespmem:$0x1BD00] =	vst v63  }
0x154: {  	_ =	swait.ge [sflag:s11], $0x1000  }
0x155: {  	[sflag:s11] =	ssyncset.done $0x0  }
0x156: {  	s23 =	simm.s32 $0x180;
	s1 =	sadd.s32 $0x20, s14;
	[sflag:s11] =	ssyncadd.s32 $0xFFFFF000  }
0x157: {  	[tilespmem:s23], [sflag:$0x4] =	stream.linear.gather [hbm4b:s1+s2], $0x20, $0x38;
	[tilespmem:$0x1BD00] =	vst v63  }
0x158: {  	s4 =	simm.s32 $0x400;
	s6 =	sadd.s32 $0x20, s15  }
0x159: {  	[tilespmem:s4], [sflag:$0x4] =	stream.linear.gather [hbm4b:s6+s2], $0x20, $0x38;
	[tilespmem:$0x1BD00] =	vst v63  }
0x15a: {  	s0 =	simm.s32 $0x200;
	_ =	swait.ge [sflag:s12], $0x1000  }
.Ltmp6:
0x15b: {  	s13 =	sadd.s32 $0x14, s13;
	[sflag:s12] =	ssyncset.done $0x0;
	(pc) =	sbr.rel .LBB2_11-.Ltmp6, $4  }
0x15c: {  	s16 =	simm.s32 $0x280;
	s14 =	sadd.s32 $0x24, s14;
	[sflag:s12] =	ssyncadd.s32 $0xFFFFF000  }
0x15d: {  	[tilespmem:s0], [sflag:$0x5] =	stream.linear.gather [hbm4b:s14+s2], $0x20, $0x38;
	[tilespmem:$0x1BD00] =	vst v63  }
0x15e: {  	s25 =	sadd.s32 $0x24, s15;
	s15 =	simm.s32 $0x300;
	s14 =	simm.s32 $0x480  }
0x15f: {  	[tilespmem:s24], [sflag:$0x5] =	stream.linear.gather [hbm4b:s25+s2], $0x20, $0x38;
	[tilespmem:$0x1BD00] =	vst v63  }
.LBB2_6:
0x160: {  	s14 =	rddreg [dreg:$0x5]  }
0x161: {  	[tilespmem:s13], [sflag:$0x1] =	stream.linear.gather [hbm4b:s14+s13], $0x20, $0x38;
	[tilespmem:$0x1BD00] =	vst v63  }
0x162: {  	s23 =	rddreg [dreg:$0x6]  }
0x163: {  	[tilespmem:s16], [sflag:$0x1] =	stream.linear.gather [hbm4b:s23+s13], $0x20, $0x38;
	[tilespmem:$0x1BD00] =	vst v63  }
0x164: {  	s24 =	rddreg [dreg:$0x7]  }
0x165: {  	[tilespmem:s20], [sflag:$0x2] =	stream.linear.gather [hbm4b:s24+s13], $0x20, $0x38;
	[tilespmem:$0x1BD00] =	vst v63  }
0x166: {  	s25 =	rddreg [dreg:$0x8]  }
0x167: {  	[tilespmem:s15], [sflag:$0x2] =	stream.linear.gather [hbm4b:s25+s13], $0x20, $0x38;
	[tilespmem:$0x1BD00] =	vst v63  }
0x168: {  	s0 =	rddreg [dreg:$0x9];
	s7 =	simm.s32 $0x100  }
0x169: {  	[tilespmem:s7], [sflag:$0x3] =	stream.linear.gather [hbm4b:s0+s13], $0x20, $0x38;
	[tilespmem:$0x1BD00] =	vst v63  }
0x16a: {  	s1 =	rddreg [dreg:$0xa];
	s22 =	simm.s32 $0x380  }
0x16b: {  	[tilespmem:s22], [sflag:$0x3] =	stream.linear.gather [hbm4b:s1+s13], $0x20, $0x38;
	[tilespmem:$0x1BD00] =	vst v63  }
0x16c: {  	s4 =	rddreg [dreg:$0xb];
	s23 =	simm.s32 $0x180  }
0x16d: {  	[tilespmem:s23], [sflag:$0x4] =	stream.linear.gather [hbm4b:s4+s13], $0x20, $0x38;
	[tilespmem:$0x1BD00] =	vst v63  }
0x16e: {  	s6 =	rddreg [dreg:$0xc];
	s4 =	simm.s32 $0x400  }
0x16f: {  	[tilespmem:s4], [sflag:$0x4] =	stream.linear.gather [hbm4b:s6+s13], $0x20, $0x38;
	[tilespmem:$0x1BD00] =	vst v63  }
0x170: {  	s24 =	rddreg [dreg:$0x15];
	s0 =	simm.s32 $0x200  }
0x171: {  	[tilespmem:s0], [sflag:$0x5] =	stream.linear.gather [hbm4b:s24+s13], $0x20, $0x38;
	[tilespmem:$0x1BD00] =	vst v63  }
0x172: {  	s25 =	rddreg [dreg:$0x16];
	s24 =	simm.s32 $0x480  }
0x173: {  	[tilespmem:s24], [sflag:$0x5] =	stream.linear.gather [hbm4b:s25+s13], $0x20, $0x38;
	[tilespmem:$0x1BD00] =	vst v63  }
.LBB2_7:
0x174: {  	_ =	swait.ge [sflag:s17], $0x20  }
0x175: {  	[sflag:s17] =	ssyncset.done $0x0  }
0x176: {  	[sflag:s17] =	ssyncadd.s32 $0xFFFFFFE0  }
0x177: {  	_ =	swait.ge [sflag:s17], $0x20  }
0x178: {  	[sflag:s17] =	ssyncset.done $0x0  }
0x179: {  	[sflag:s17] =	ssyncadd.s32 $0xFFFFFFE0  }
0x17a: {  	s1 =	simm.s32 $0x500;
	s14 =	rddreg [dreg:$0x0]  }
0x17b: {  	[tilespmem:s1], [sflag:$0x6] =	stream.indirect.gather [hbm4b:s14+s18], $0x80, s2, s18, $0xb8;
	[tilespmem:$0x1BD00] =	vst v63  }
0x17c: {  	_ =	swait.ge [sflag:s19], $0x20  }
0x17d: {  	[sflag:s19] =	ssyncset.done $0x0  }
0x17e: {  	[sflag:s19] =	ssyncadd.s32 $0xFFFFFFE0  }
0x17f: {  	_ =	swait.ge [sflag:s19], $0x20  }
0x180: {  	[sflag:s19] =	ssyncset.done $0x0  }
0x181: {  	s6 =	simm.s32 $0x1500;
	[sflag:s19] =	ssyncadd.s32 $0xFFFFFFE0  }
0x182: {  	[tilespmem:s6], [sflag:$0x7] =	stream.indirect.gather [hbm4b:s14+s18], $0x80, s20, s18, $0xb8;
	[tilespmem:$0x1BD00] =	vst v63  }
0x183: {  	_ =	swait.ge [sflag:s21], $0x20  }
0x184: {  	[sflag:s21] =	ssyncset.done $0x0  }
0x185: {  	[sflag:s21] =	ssyncadd.s32 $0xFFFFFFE0  }
0x186: {  	_ =	swait.ge [sflag:s21], $0x20  }
0x187: {  	[sflag:s21] =	ssyncset.done $0x0  }
0x188: {  	s25 =	simm.s32 $0x2500;
	[sflag:s21] =	ssyncadd.s32 $0xFFFFFFE0  }
0x189: {  	[tilespmem:s25], [sflag:$0x8] =	stream.indirect.gather [hbm4b:s14+s18], $0x80, s7, s18, $0xb8;
	[tilespmem:$0x1BD00] =	vst v63  }
0x18a: {  	_ =	swait.ge [sflag:s31], $0x20  }
0x18b: {  	[sflag:s31] =	ssyncset.done $0x0  }
0x18c: {  	[sflag:s31] =	ssyncadd.s32 $0xFFFFFFE0  }
0x18d: {  	_ =	swait.ge [sflag:s31], $0x20  }
0x18e: {  	[sflag:s31] =	ssyncset.done $0x0  }
0x18f: {  	s7 =	simm.s32 $0x3500;
	[sflag:s31] =	ssyncadd.s32 $0xFFFFFFE0  }
0x190: {  	[tilespmem:s7], [sflag:$0x9] =	stream.indirect.gather [hbm4b:s14+s18], $0x80, s23, s18, $0xb8;
	[tilespmem:$0x1BD00] =	vst v63  }
0x191: {  	_ =	swait.ge [sflag:s3], $0x20  }
0x192: {  	[sflag:s3] =	ssyncset.done $0x0  }
0x193: {  	[sflag:s3] =	ssyncadd.s32 $0xFFFFFFE0  }
0x194: {  	_ =	swait.ge [sflag:s3], $0x20  }
0x195: {  	[sflag:s3] =	ssyncset.done $0x0  }
0x196: {  	s23 =	simm.s32 $0x4500;
	[sflag:s3] =	ssyncadd.s32 $0xFFFFFFE0  }
0x197: {  	[tilespmem:s23], [sflag:$0xA] =	stream.indirect.gather [hbm4b:s14+s18], $0x80, s0, s18, $0xb8;
	[tilespmem:$0x1BD00] =	vst v63  }
0x198: {  	s14 =	simm.s32 $0x6  }
0x199: {  	_ =	swait.ge [sflag:s14], $0x1000  }
0x19a: {  	[sflag:s14] =	ssyncset.done $0x0  }
0x19b: {  	[sflag:s14] =	ssyncadd.s32 $0xFFFFF000  }
0x19c: {  	[spmem:s26] =	stream.indirect.scatter.add.f32 [tilespmem:s1], [sflag:$0xB], $0x80, s16, s18, $0xb8;
	[tilespmem:$0x1BD00] =	vst v63  }
0x19d: {  	v2 =	vld [tilespmem:$0x280];
	_ =	sdelay $0x7  }
0x19e: {  	[tilespmem:v2+s5+$0x0] =	vst.idx.add.f32.msk $0xffff, v1  }
0x19f: {  	v2 =	vld [tilespmem:$0x290];
	_ =	sdelay $0x7  }
0x1a0: {  	s14 =	simm.s32 $0x7;
	[tilespmem:v2+s5+$0x0] =	vst.idx.add.f32.msk $0xffff, v1  }
0x1a1: {  	_ =	swait.ge [sflag:s14], $0x1000  }
0x1a2: {  	[sflag:s14] =	ssyncset.done $0x0  }
0x1a3: {  	[sflag:s14] =	ssyncadd.s32 $0xFFFFF000  }
0x1a4: {  	[spmem:s26] =	stream.indirect.scatter.add.f32 [tilespmem:s6], [sflag:$0xC], $0x80, s15, s18, $0xb8;
	[tilespmem:$0x1BD00] =	vst v63  }
0x1a5: {  	v2 =	vld [tilespmem:$0x300];
	_ =	sdelay $0x7  }
0x1a6: {  	[tilespmem:v2+s5+$0x0] =	vst.idx.add.f32.msk $0xffff, v1  }
0x1a7: {  	v2 =	vld [tilespmem:$0x310];
	_ =	sdelay $0x7  }
0x1a8: {  	[tilespmem:v2+s5+$0x0] =	vst.idx.add.f32.msk $0xffff, v1  }
0x1a9: {  	_ =	swait.ge [sflag:s28], $0x1000  }
0x1aa: {  	[sflag:s28] =	ssyncset.done $0x0  }
0x1ab: {  	[sflag:s28] =	ssyncadd.s32 $0xFFFFF000  }
0x1ac: {  	[spmem:s26] =	stream.indirect.scatter.add.f32 [tilespmem:s25], [sflag:$0xD], $0x80, s22, s18, $0xb8;
	[tilespmem:$0x1BD00] =	vst v63  }
0x1ad: {  	v2 =	vld [tilespmem:$0x380];
	_ =	sdelay $0x7  }
0x1ae: {  	[tilespmem:v2+s5+$0x0] =	vst.idx.add.f32.msk $0xffff, v1  }
0x1af: {  	v2 =	vld [tilespmem:$0x390];
	_ =	sdelay $0x7  }
0x1b0: {  	[tilespmem:v2+s5+$0x0] =	vst.idx.add.f32.msk $0xffff, v1  }
0x1b1: {  	_ =	swait.ge [sflag:s29], $0x1000  }
0x1b2: {  	[sflag:s29] =	ssyncset.done $0x0  }
0x1b3: {  	[sflag:s29] =	ssyncadd.s32 $0xFFFFF000  }
0x1b4: {  	[spmem:s26] =	stream.indirect.scatter.add.f32 [tilespmem:s7], [sflag:$0xE], $0x80, s4, s18, $0xb8;
	[tilespmem:$0x1BD00] =	vst v63  }
0x1b5: {  	v2 =	vld [tilespmem:$0x400];
	_ =	sdelay $0x7  }
0x1b6: {  	[tilespmem:v2+s5+$0x0] =	vst.idx.add.f32.msk $0xffff, v1  }
0x1b7: {  	v2 =	vld [tilespmem:$0x410];
	_ =	sdelay $0x7  }
0x1b8: {  	[tilespmem:v2+s5+$0x0] =	vst.idx.add.f32.msk $0xffff, v1  }
0x1b9: {  	_ =	swait.ge [sflag:s30], $0x1000  }
0x1ba: {  	[sflag:s30] =	ssyncset.done $0x0  }
0x1bb: {  	[sflag:s30] =	ssyncadd.s32 $0xFFFFF000  }
0x1bc: {  	[spmem:s26] =	stream.indirect.scatter.add.f32 [tilespmem:s23], [sflag:$0xF], $0x80, s24, s18, $0xb8;
	[tilespmem:$0x1BD00] =	vst v63  }
0x1bd: {  	v2 =	vld [tilespmem:$0x480];
	_ =	sdelay $0x7  }
0x1be: {  	[tilespmem:v2+s5+$0x0] =	vst.idx.add.f32.msk $0xffff, v1  }
0x1bf: {  	v2 =	vld [tilespmem:$0x490];
	_ =	sdelay $0x5  }
0x1c0: {  	p1 =	seq.s32 s13, $0x9B0  }
.Ltmp7:
0x1c1: {  	_ = 	snop;
	(pc) =	sbr.rel @p1 .LBB2_8-.Ltmp7, $4  }
0x1c2: {  	[tilespmem:v2+s5+$0x0] =	vst.idx.add.f32.msk $0xffff, v1  }
0x1c3: {  	_ =	swait.ge [sflag:s8], $0x1000  }
0x1c4: {  	[sflag:s8] =	ssyncset.done $0x0  }
0x1c5: {  	[sflag:s8] =	ssyncadd.s32 $0xFFFFF000  }
0x1c6: {  	s14 =	rddreg [dreg:$0x1a]  }
0x1c7: {  	s14 =	sadd.s32 s13, s14  }
0x1c8: {  	s20 =	rddreg [dreg:$0x19];
	s15 =	sadd.s32 $0x14, s14  }
0x1c9: {  	[tilespmem:s2], [sflag:$0x1] =	stream.linear.gather [hbm4b:s15+s2], $0x20, $0x38;
	[tilespmem:$0x1BD00] =	vst v63  }
0x1ca: {  	s15 =	sadd.s32 s13, s20  }
0x1cb: {  	s20 =	simm.s32 $0x280;
	s16 =	sadd.s32 $0x14, s15  }
0x1cc: {  	[tilespmem:s20], [sflag:$0x1] =	stream.linear.gather [hbm4b:s16+s2], $0x20, $0x38;
	[tilespmem:$0x1BD00] =	vst v63  }
0x1cd: {  	_ =	swait.ge [sflag:s9], $0x1000  }
0x1ce: {  	[sflag:s9] =	ssyncset.done $0x0  }
0x1cf: {  	s25 =	sadd.s32 $0x18, s14;
	s20 =	simm.s32 $0x80;
	[sflag:s9] =	ssyncadd.s32 $0xFFFFF000  }
0x1d0: {  	[tilespmem:s20], [sflag:$0x2] =	stream.linear.gather [hbm4b:s25+s2], $0x20, $0x38;
	[tilespmem:$0x1BD00] =	vst v63  }
0x1d1: {  	s7 =	simm.s32 $0x300;
	s1 =	sadd.s32 $0x18, s15  }
0x1d2: {  	[tilespmem:s7], [sflag:$0x2] =	stream.linear.gather [hbm4b:s1+s2], $0x20, $0x38;
	[tilespmem:$0x1BD00] =	vst v63  }
0x1d3: {  	_ =	swait.ge [sflag:s10], $0x1000  }
0x1d4: {  	[sflag:s10] =	ssyncset.done $0x0  }
0x1d5: {  	s6 =	sadd.s32 $0x1C, s14;
	s7 =	simm.s32 $0x100;
	[sflag:s10] =	ssyncadd.s32 $0xFFFFF000  }
0x1d6: {  	[tilespmem:s7], [sflag:$0x3] =	stream.linear.gather [hbm4b:s6+s2], $0x20, $0x38;
	[tilespmem:$0x1BD00] =	vst v63  }
0x1d7: {  	s22 =	simm.s32 $0x380;
	s25 =	sadd.s32 $0x1C, s15  }
0x1d8: {  	[tilespmem:s22], [sflag:$0x3] =	stream.linear.gather [hbm4b:s25+s2], $0x20, $0x38;
	[tilespmem:$0x1BD00] =	vst v63  }
0x1d9: {  	_ =	swait.ge [sflag:s11], $0x1000  }
0x1da: {  	[sflag:s11] =	ssyncset.done $0x0  }
0x1db: {  	s23 =	simm.s32 $0x180;
	s1 =	sadd.s32 $0x20, s14;
	[sflag:s11] =	ssyncadd.s32 $0xFFFFF000  }
0x1dc: {  	[tilespmem:s23], [sflag:$0x4] =	stream.linear.gather [hbm4b:s1+s2], $0x20, $0x38;
	[tilespmem:$0x1BD00] =	vst v63  }
0x1dd: {  	s4 =	simm.s32 $0x400;
	s6 =	sadd.s32 $0x20, s15  }
0x1de: {  	[tilespmem:s4], [sflag:$0x4] =	stream.linear.gather [hbm4b:s6+s2], $0x20, $0x38;
	[tilespmem:$0x1BD00] =	vst v63  }
0x1df: {  	_ =	swait.ge [sflag:s12], $0x1000  }
.Ltmp8:
0x1e0: {  	s0 =	simm.s32 $0x200;
	[sflag:s12] =	ssyncset.done $0x0;
	(pc) =	sbr.rel .LBB2_7-.Ltmp8, $4  }
0x1e1: {  	s13 =	sadd.s32 $0x14, s13;
	s14 =	sadd.s32 $0x24, s14;
	[sflag:s12] =	ssyncadd.s32 $0xFFFFF000  }
0x1e2: {  	[tilespmem:s0], [sflag:$0x5] =	stream.linear.gather [hbm4b:s14+s2], $0x20, $0x38;
	[tilespmem:$0x1BD00] =	vst v63  }
0x1e3: {  	s16 =	simm.s32 $0x280;
	s25 =	sadd.s32 $0x24, s15;
	s15 =	simm.s32 $0x300  }
0x1e4: {  	[tilespmem:s24], [sflag:$0x5] =	stream.linear.gather [hbm4b:s25+s2], $0x20, $0x38;
	[tilespmem:$0x1BD00] =	vst v63  }
.LBB2_8:
.Ltmp9:
0x1e5: {  	(pc) =	sbr.rel .LBB2_13-.Ltmp9, $4  }
0x1e6: {  	_ = 	snop  }
0x1e7: {  	s14 =	rddreg [dreg:$0x1f]  }
0x1e8: {  	s13 =	rddreg [dreg:$0x1d]  }
0x1e9: {  	s0 =	sld [smem:$0x7E5]  }
.LBB2_14:
0x1ea: {  	_ =	sfence.sel $0x180000  }
0x1eb: {  	[bflag:$0x0] =	sbarrier.arrive $0xFFFF  }
0x1ec: {  	_ =	strace $0x90000047  }
0x1ed: {  	s0 =	stileid.u32;
	[bflag:$0x2] =	sbarrier.arrive $0xFFFF  }
0x1ee: {  	p0 =	sne.s32 s0, $0x0;
	s0 =	rddreg [dreg:$0x4]  }
0x1ef: {  	s0 =	sadd.s32 @!p0 $0x100000, s0  }
0x1f0: {  	[sflag:s0] =	ssyncadd.tile.s32 @!p0 $0x1;
	_ =	shalt  }
.Lfunc_end2:
_tile_overlayer_lowered:
.L_overlay_start_2:
0x1f1: {  	(tag) =	ssettag $0x2  }
0x1f2: {  	s0 =	rddreg [dreg:$0x0];
	s2 =	stileid.u32  }
0x1f3: {  	s1 =	rddreg [dreg:$0x1];
	p0 =	sne.s32 s2, $0x0  }
0x1f4: {  	s3 =	rddreg [dreg:$0x2];
	[bflag:$0x3] =	sbarrier.arrive $0xFFFF;
	s2 =	simm.s32 @!p0 $0x1C10  }
0x1f5: {  	[timem:s3], [sflag:s2] =	dma.local @!p0 [hbm:s0], s1  }
0x1f6: {  	s0 =	simm.s32 @!p0 $0x10  }
0x1f7: {  	_ =	swait.ge @!p0 [sflag:s0], s1  }
0x1f8: {  	s1 =	ssub.s32 @!p0 $0x0, s1;
	[sflag:s0] =	ssyncset.done @!p0 $0x0  }
0x1f9: {  	[sflag:s0] =	ssyncadd.s32 @!p0 s1  }
0x1fa: {  	[bflag:$0x3] =	sbarrier.arrive $0xFFFF  }
0x1fb: {  	_ =	shalt  }

// kernel: kernel.13.cloned.1.call-start
scs
__scs_entry_jumppad:
0x0: {  	(pc) =	sbr.rel $0x88, $3  }
0x1: {  	(tag) =	ssettag $0x0;
	lr =	simm.s32 $0x1  }
0x2: {  	[smem:$0x3F8D] =	sst lr;
	_ =	strace $0xD0000000  }
0x3: {  	_ = 	snop  }
0x4: {  	_ = 	snop  }
0x5: {  	_ = 	snop  }
0x6: {  	_ = 	snop  }
0x7: {  	_ = 	snop  }
__scs_overlays_trampoline_lowered:
0x8: {  	[smem:$0x3F9C] =	sst s0  }
0x9: {  	[smem:$0x3F9D] =	sst s1  }
0xa: {  	[smem:$0x3F9E] =	sst s2  }
0xb: {  	[smem:$0x3F9F] =	sst s3  }
0xc: {  	[smem:$0x3FA0] =	sst s4  }
0xd: {  	[smem:$0x3FA1] =	sst s5  }
0xe: {  	[smem:$0x3FA2] =	sst s6  }
0xf: {  	[smem:$0x3FA3] =	sst s7  }
0x10: {  	[smem:$0x3FA4] =	sst s8  }
0x11: {  	[smem:$0x3FA5] =	sst s9;
	s0 =	simm.s32 @!p0 $0x0  }
0x12: {  	s1 =	sld [smem:$0x3F8B];
	s0 =	simm.s32 @p0 $0x1  }
0x13: {  	[smem:$0x3FA6] =	sst s0;
	s0 =	simm.s32 @!p1 $0x0  }
0x14: {  	s2 =	sld [smem:$0x3F8A];
	s0 =	simm.s32 @p1 $0x1  }
0x15: {  	[smem:$0x3FA7] =	sst s0;
	s0 =	simm.s32 @!p2 $0x0  }
0x16: {  	s3 =	sld [smem:$0x3FDB];
	s0 =	simm.s32 @p2 $0x1  }
0x17: {  	s4 =	simm.s32 $0x1BF5;
	[smem:$0x3FA9] =	sst s0  }
0x18: {  	s0 =	sld [smem:$0x3F8C];
	_ =	swait.ge [sflag:s4], $0x0  }
0x19: {  	s7 =	sld [smem:$0x3F8D]  }
0x1a: {  	s8 =	sadd.s32 $0xFFFFE003, lr  }
0x1b: {  	s9 =	sadd.s32 $0xFFFFFEF7, lr;
	s5 =	simm.s32 $0xFFFFFFFF;
	p2 =	slt.u32 s8, $0xFFFFF086  }
0x1c: {  	p1 =	slt.u32 s9, $0xF7A;
	s5 =	simm.s32 @!p2 $0x0  }
0x1d: {  	s5 =	simm.s32 @p1 $0x1;
	p0 =	seq.s32 s7, s2  }
0x1e: {  	s7 =	smul.u32 @!p0 $0xF7A, s2;
	p2 =	seq.s32 @!p0 s5, $0x0  }
0x1f: {  	s9 =	smul.u32 $0xF7A, s1;
	s8 =	simm.s32 @!p0 $0x1BF5;
	p2 =	por !p2, p0  }
0x20: {  	[sflag:s8] =	ssyncset.s32 @!p0 $0xFFFFF086;
	s6 =	sadd.s32 @!p0 s3, s7;
	s7 =	simm.s32 @!p0 $0x108  }
0x21: {  	s3 =	sadd.s32 s3, s9;
	s6 =	sadd.s32 @!p0 $0x88, s6;
	s7 =	simm.s32 @p2 $0x1082  }
0x22: {  	[simem:s7], [sflag:s8] =	dma.local @!p0 [hbm:s6], $0xF7A  }
0x23: {  	s9 =	sor.u32 $0xD0000000, s2;
	s6 =	simm.s32 $0x108;
	_ =	swait.ge @!p0 [sflag:s8], $0x0  }
0x24: {  	s3 =	sadd.s32 $0x88, s3;
	s6 =	simm.s32 @!p1 $0x1082;
	[sflag:s4] =	ssyncset.s32 $0xFFFFF086  }
0x25: {  	[simem:s6], [sflag:s4] =	dma.local [hbm:s3], $0xF7A  }
0x26: {  	[smem:$0x3F8D] =	sst s1;
	(tag) =	ssettag s2;
	_ =	strace s9  }
0x27: {  	s1 =	sld [smem:$0x3F9D]  }
0x28: {  	s2 =	sld [smem:$0x3F9E]  }
0x29: {  	s4 =	sld [smem:$0x3FA0]  }
0x2a: {  	p0 =	seq.s32 s5, $0x0;
	s5 =	sld [smem:$0x3FA1]  }
0x2b: {  	s6 =	sld [smem:$0x3FA2]  }
0x2c: {  	s7 =	sld [smem:$0x3FA3]  }
0x2d: {  	s3 =	simm.s32 $0x108;
	s8 =	sld [smem:$0x3FA4]  }
0x2e: {  	s3 =	simm.s32 @!p0 $0x1082;
	s9 =	sld [smem:$0x3FA5]  }
0x2f: {  	lr =	sadd.s32 s0, s3;
	s0 =	sld [smem:$0x3F9C]  }
0x30: {  	s3 =	sld [smem:$0x3F9F]  }
0x31: {  	[smem:$0x3FA8] =	sst s10  }
0x32: {  	s10 =	sld [smem:$0x3FA6];
	_ =	sdelay $0x3  }
0x33: {  	p0 =	seq.s32 s10, $0x1;
	s10 =	sld [smem:$0x3FA8];
	_ =	sdelay $0x3  }
0x34: {  	[smem:$0x3FA8] =	sst s10  }
0x35: {  	s10 =	sld [smem:$0x3FA7];
	_ =	sdelay $0x3  }
0x36: {  	p1 =	seq.s32 s10, $0x1;
	s10 =	sld [smem:$0x3FA8];
	_ =	sdelay $0x3  }
0x37: {  	[smem:$0x3FA8] =	sst s10  }
0x38: {  	s10 =	sld [smem:$0x3FA9]  }
0x39: {  	_ = 	snop;
	(pc) =	sbr.ind lr, $3  }
0x3a: {  	_ = 	snop  }
0x3b: {  	_ = 	snop  }
0x3c: {  	p2 =	seq.s32 s10, $0x1;
	s10 =	sld [smem:$0x3FA8]  }
0x3d: {  	_ =	shalt  }
0x3e: {  	_ =	shalt  }
0x3f: {  	_ =	shalt  }
0x40: {  	_ =	shalt  }
0x41: {  	_ =	shalt  }
0x42: {  	_ =	shalt  }
0x43: {  	_ =	shalt  }
0x44: {  	_ =	shalt  }
0x45: {  	_ =	shalt  }
0x46: {  	_ =	shalt  }
0x47: {  	_ =	shalt  }
0x48: {  	_ =	shalt  }
0x49: {  	_ =	shalt  }
0x4a: {  	_ =	shalt  }
0x4b: {  	_ =	shalt  }
0x4c: {  	_ =	shalt  }
0x4d: {  	_ =	shalt  }
0x4e: {  	_ =	shalt  }
0x4f: {  	_ =	shalt  }
0x50: {  	_ =	shalt  }
0x51: {  	_ =	shalt  }
0x52: {  	_ =	shalt  }
0x53: {  	_ =	shalt  }
0x54: {  	_ =	shalt  }
0x55: {  	_ =	shalt  }
0x56: {  	_ =	shalt  }
0x57: {  	_ =	shalt  }
0x58: {  	_ =	shalt  }
0x59: {  	_ =	shalt  }
0x5a: {  	_ =	shalt  }
0x5b: {  	_ =	shalt  }
0x5c: {  	_ =	shalt  }
0x5d: {  	_ =	shalt  }
0x5e: {  	_ =	shalt  }
0x5f: {  	_ =	shalt  }
0x60: {  	_ =	shalt  }
0x61: {  	_ =	shalt  }
0x62: {  	_ =	shalt  }
0x63: {  	_ =	shalt  }
0x64: {  	_ =	shalt  }
0x65: {  	_ =	shalt  }
0x66: {  	_ =	shalt  }
0x67: {  	_ =	shalt  }
0x68: {  	_ =	shalt  }
0x69: {  	_ =	shalt  }
0x6a: {  	_ =	shalt  }
0x6b: {  	_ =	shalt  }
0x6c: {  	_ =	shalt  }
0x6d: {  	_ =	shalt  }
0x6e: {  	_ =	shalt  }
0x6f: {  	_ =	shalt  }
0x70: {  	_ =	shalt  }
0x71: {  	_ =	shalt  }
0x72: {  	_ =	shalt  }
0x73: {  	_ =	shalt  }
0x74: {  	_ =	shalt  }
0x75: {  	_ =	shalt  }
0x76: {  	_ =	shalt  }
0x77: {  	_ =	shalt  }
0x78: {  	_ =	shalt  }
0x79: {  	_ =	shalt  }
0x7a: {  	_ =	shalt  }
0x7b: {  	_ =	shalt  }
0x7c: {  	_ =	shalt  }
0x7d: {  	_ =	shalt  }
0x7e: {  	_ =	shalt  }
0x7f: {  	_ =	shalt  }
0x80: {  	_ =	shalt  }
0x81: {  	_ =	shalt  }
0x82: {  	_ =	shalt  }
0x83: {  	_ =	shalt  }
0x84: {  	_ =	shalt  }
0x85: {  	_ =	shalt  }
0x86: {  	_ =	shalt  }
0x87: {  	_ =	shalt  }
.Lfunc_end0:
.L_simem_size_0:
called_computation.1_lowered:
.L_overlay_start_0:
0x88: {  	s2 =	sld [smem:$0x3FD9]  }
0x89: {  	s3 =	sld [smem:$0x3FFE];
	_ =	sdelay $0x1  }
0x8a: {  	s1 =	srdreg.scid  }
0x8b: {  	s0 =	sand.u32 $0x1, s1  }
0x8c: {  	s14 =	sshll.u32 s0, $0xA;
	s2 =	sadd.s32 s3, s2  }
0x8d: {  	s2 =	sadd.s32 s2, s14  }
0x8e: {  	[smem:$0x3FB4] =	sst s2  }
0x8f: {  	_ = 	snop  }
0x90: {  	s2 =	sld [smem:$0x3FD0];
	_ =	sdelay $0x2  }
0x91: {  	s15 =	simm.s32 $0xA;
	s4 =	simm.s32 $0x10  }
0x92: {  	[smem:s4], [sflag:s15] =	dma.local [hbm:s2], $0x1  }
0x93: {  	_ =	swait.eq [sflag:s15], $0x1  }
0x94: {  	[sflag:s15] =	ssyncset.done $0x0  }
0x95: {  	[sflag:s15] =	ssyncadd.s32 $0xFFFFFFFF  }
0x96: {  	s16 =	sld [smem:$0x11];
	(tm) =	ssettm $0x1  }
0x97: {  	s17 =	sld [smem:$0x3FFB];
	_ =	sdelay $0x3  }
0x98: {  	_ =	strace s17  }
0x99: {  	s3 =	sld [smem:$0x3FFC];
	_ =	sdelay $0x3  }
0x9a: {  	_ =	strace s3  }
0x9b: {  	s3 =	sld [smem:$0x3FFD];
	_ =	sdelay $0x3  }
0x9c: {  	_ =	strace s3  }
0x9d: {  	_ =	strace $0x8FFFFFFF  }
0x9e: {  	s18 =	sld [smem:$0x3FDB];
	_ =	sdelay $0x1  }
0x9f: {  	s19 =	simm.s32 $_scs_section_size  }
0xa0: {  	s5 =	simm.s32 $_size__tile_overlayer_lowered;
	s6 =	simm.s32 $_tile_overlayer_lowered  }
0xa1: {  	s22 =	simm.s32 $0x1BFF;
	s21 =	sshll.u32 s6, $0x1;
	s3 =	sadd.s32 s19, s18  }
0xa2: {  	s7 =	simm.s32 $0x0;
	s20 =	sshll.u32 s5, $0x1;
	s5 =	sadd.s32 s21, s3  }
0xa3: {  	[timem:s7], [sflag:s22] =	dma.local [hbm:s5], s20  }
0xa4: {  	_ =	swait.ge [sflag:s22], s20  }
0xa5: {  	s4 =	ssub.s32 $0x0, s20;
	[sflag:s22] =	ssyncset.done $0x0  }
0xa6: {  	[sflag:s22] =	ssyncadd.s32 s4;
	_ =	sdelay $0x1  }
0xa7: {  	s23 =	simm.s32 $0x1B8B  }
0xa8: {  	_ =	swait.ge [sflag:s23], $0x1  }
0xa9: {  	[sflag:s23] =	ssyncset.done $0x0  }
0xaa: {  	s25 =	simm.s32 $0x1B8E;
	s24 =	sld [smem:$0x3FFE];
	[sflag:s23] =	ssyncadd.s32 $0xFFFFFFFF  }
0xab: {  	s26 =	simm.s32 $execute0_lowered;
	[smem:$0x3FD2] =	sst s25  }
0xac: {  	s5 =	sshll.u32 s26, $0x1;
	_ =	strace $0x80000049;
	[dreg:$0x1] =	wrdreg $0xFFFFFFFF  }
0xad: {  	s28 =	simm.s32 $_size_execute0_lowered;
	s3 =	sadd.s32 s3, s5;
	[dreg:$0x0] =	wrdreg $0x0  }
0xae: {  	s5 =	sshll.u32 s28, $0x1;
	[dreg:$0x2] =	wrdreg s3  }
0xaf: {  	[dreg:$0x3] =	wrdreg s5  }
0xb0: {  	[dreg:$0x4] =	wrdreg $0xC0  }
0xb1: {  	_ =	task [dreg:s7], $0x5FFFF  }
0xb2: {  	[dreg:$0x1] =	wrdreg $0xFFFFFFFF  }
0xb3: {  	[dreg:$0x0] =	wrdreg $0x60  }
0xb4: {  	[dreg:$0x2] =	wrdreg s24  }
0xb5: {  	[dreg:$0x3] =	wrdreg s16  }
0xb6: {  	[dreg:$0x4] =	wrdreg $0x55000  }
0xb7: {  	[dreg:$0x5] =	wrdreg $0x9  }
0xb8: {  	_ =	task.clear_ibuf [dreg:s7], $0x6FFFF;
	_ =	strace $0x90000049  }
0xb9: {  	s29 =	simm.s32 $0x9;
	_ =	strace $0x8000004B  }
0xba: {  	_ =	swait.ge [sflag:s29], $0x1  }
0xbb: {  	[sflag:s29] =	ssyncadd.s32 $0xFFFFFFFF  }
0xbc: {  	_ =	strace $0x9000004B  }
0xbd: {  	_ =	sfence  }
0xbe: {  	s30 =	sld [smem:$0x0];
	_ =	sdelay $0x2  }
0xbf: {  	s31 =	sshll.u32 s1, $0xD;
	s1 =	sshrl.u32 s1, $0x2  }
0xc0: {  	s3 =	sand.u32 $0x4000, s31;
	s1 =	sadd.s32 s1, s30  }
0xc1: {  	s0 =	sor.u32 s3, s0;
	s1 =	sshll.u32 s1, $0x11  }
0xc2: {  	s0 =	sor.u32 s1, s0  }
0xc3: {  	s0 =	sadd.s32 $0x8F2B, s0  }
0xc4: {  	[sflag:s0] =	ssyncadd.remote.s32 $0x1  }
0xc5: {  	_ =	sfence.sel $0xFFFF  }
0xc6: {  	[dreg:$0x0] =	wrdreg $0xFFFFFFFF;
	(pc) =	sbr.abs _section_cstart, $3  }
0xc7: {  	[dreg:$0x1] =	wrdreg $0xFFFFFFFF  }
0xc8: {  	_ =	task.clear_ibuf [dreg:s7], $0x2FFFF;
	_ =	strace $0x9FFFFFFF  }
0xc9: {  	(tm) =	ssettm $0x7FFFFFFF  }
tec
execute0_lowered:
.L_overlay_start_1:
0x0: {  	(tag) =	ssettag $0x1  }
0x1: {  	s12 =	stileid.u32  }
0x2: {  	s0 =	rddreg [dreg:$0x0];
	s1 =	simm.s32 $0x0;
	s5 =	smul.u32 $0x4E20, s12  }
0x3: {  	[smem:$0x7FF] =	sst s1;
	s3 =	sadd.s32 $0x1A400, s0  }
0x4: {  	s6 =	sadd.s32 $0x24200, s0;
	s7 =	sadd.s32 $0x10600, s0;
	s5 =	sshrl.u32 s5, $0x3  }
0x5: {  	s9 =	sadd.s32 $0x6800, s0;
	s17 =	sadd.s32 s3, s5;
	s18 =	sadd.s32 $0x4, s5  }
0x6: {  	s19 =	sadd.s32 s6, s5;
	s21 =	sadd.s32 $0x8, s5;
	[dreg:$0x4] =	wrdreg s17  }
0x7: {  	s23 =	sadd.s32 $0xC, s5;
	s30 =	sadd.s32 s7, s5;
	[dreg:$0x5] =	wrdreg s19  }
0x8: {  	s25 =	sadd.s32 $0x10, s5;
	s5 =	sadd.s32 s9, s5;
	[dreg:$0xd] =	wrdreg s30  }
0x9: {  	s20 =	sadd.s32 s3, s18;
	[dreg:$0xe] =	wrdreg s5  }
0xa: {  	s10 =	sadd.s32 s6, s18;
	[dreg:$0x6] =	wrdreg s20  }
0xb: {  	s22 =	sadd.s32 s3, s21;
	[dreg:$0x7] =	wrdreg s10  }
0xc: {  	s11 =	sadd.s32 s6, s21;
	[dreg:$0x8] =	wrdreg s22  }
0xd: {  	s2 =	srdreg.scid;
	s24 =	sadd.s32 s3, s23;
	[dreg:$0x9] =	wrdreg s11  }
0xe: {  	s2 =	sand.u32 $0x1, s2;
	s13 =	sadd.s32 s6, s23;
	[dreg:$0xa] =	wrdreg s24  }
0xf: {  	s4 =	ssub.s32 $0x2, s2;
	s26 =	sadd.s32 s3, s25;
	[dreg:$0xb] =	wrdreg s13  }
0x10: {  	p0 =	seq.s32 s2, $0x1;
	s2 =	sadd.s32 s9, s18;
	[dreg:$0xc] =	wrdreg s26  }
0x11: {  	s14 =	sadd.s32 s7, s21;
	[dreg:$0x10] =	wrdreg s2  }
0x12: {  	s15 =	sadd.s32 s9, s21;
	[dreg:$0x11] =	wrdreg s14  }
0x13: {  	s16 =	sadd.s32 s7, s23;
	[dreg:$0x12] =	wrdreg s15  }
0x14: {  	s17 =	sadd.s32 s9, s23;
	[dreg:$0x13] =	wrdreg s16  }
0x15: {  	s21 =	sadd.s32 s9, s25;
	[dreg:$0x14] =	wrdreg s17  }
0x16: {  	s13 =	sadd.s32 s7, s18;
	[dreg:$0x17] =	wrdreg s21  }
0x17: {  	s18 =	sadd.s32 s6, s25;
	s20 =	sadd.s32 s7, s25;
	s25 =	rddreg [dreg:$0x2]  }
0x18: {  	s19 =	smul.u32 $0x9C4, s12;
	[dreg:$0xf] =	wrdreg s13  }
0x19: {  	[dreg:$0x15] =	wrdreg s18  }
0x1a: {  	[dreg:$0x16] =	wrdreg s20;
	s22 =	sadd.s32 s19, s6  }
0x1b: {  	s31 =	sadd.s32 $0x2E000, s0;
	s3 =	sadd.s32 s19, s3;
	[dreg:$0x18] =	wrdreg s22  }
0x1c: {  	s8 =	sshrl.u32 s4, $0x1;
	s24 =	sadd.s32 s19, s9;
	[dreg:$0x19] =	wrdreg s3  }
0x1d: {  	s4 =	ssub.s32 s4, s8;
	s2 =	sadd.s32 s19, s7;
	[dreg:$0x1a] =	wrdreg s24  }
0x1e: {  	s23 =	smul.u32 $0x50000, s12;
	s30 =	sadd.s32 $0x7C400, s0;
	[dreg:$0x1b] =	wrdreg s2  }
0x1f: {  	s0 =	sadd.s32 $0xA4400, s0;
	_ =	strace $0x8000004A;
	[dreg:$0x1d] =	wrdreg s30  }
0x20: {  	s5 =	smax.u32 s4, $0x1;
	s26 =	sshrl.u32 s23, $0x2;
	[dreg:$0x1e] =	wrdreg s0  }
0x21: {  	s2 =	sadd.s32 s26, s25;
	[dreg:$0x1f] =	wrdreg s5  }
0x22: {  	s6 =	sadd.s32 $0x1000, s2;
	[dreg:$0x1c] =	wrdreg s2  }
0x23: {  	s7 =	sadd.s32 $0x2000, s2;
	[smem:$0x7EA] =	sst s6  }
0x24: {  	s8 =	sadd.s32 $0x3000, s2;
	[smem:$0x7EB] =	sst s7  }
0x25: {  	s9 =	sadd.s32 $0x4000, s2;
	[smem:$0x7EC] =	sst s8  }
0x26: {  	s10 =	sadd.s32 $0x5000, s2;
	[smem:$0x7ED] =	sst s9  }
0x27: {  	s11 =	sadd.s32 $0x6000, s2;
	[smem:$0x7EE] =	sst s10  }
0x28: {  	s13 =	sadd.s32 $0x7000, s2;
	[smem:$0x7EF] =	sst s11  }
0x29: {  	s14 =	sadd.s32 $0x8000, s2;
	[smem:$0x7F0] =	sst s13  }
0x2a: {  	s15 =	sadd.s32 $0x9000, s2;
	[smem:$0x7F1] =	sst s14  }
0x2b: {  	s16 =	sadd.s32 $0xA000, s2;
	[smem:$0x7F2] =	sst s15  }
0x2c: {  	s17 =	sadd.s32 $0xB000, s2;
	[smem:$0x7F3] =	sst s16  }
0x2d: {  	s18 =	sadd.s32 $0xC000, s2;
	[smem:$0x7F4] =	sst s17  }
0x2e: {  	s28 =	simm.s32 $0xA;
	s19 =	sadd.s32 $0xD000, s2;
	[smem:$0x7F5] =	sst s18  }
0x2f: {  	s29 =	simm.s32 $0xB;
	s20 =	sadd.s32 $0xE000, s2;
	[smem:$0x7F6] =	sst s19  }
0x30: {  	s4 =	simm.s32 $0xD;
	s21 =	sadd.s32 $0xF000, s2;
	[smem:$0x7F7] =	sst s20  }
0x31: {  	s3 =	simm.s32 $0xC;
	s22 =	sadd.s32 $0x10000, s2;
	[smem:$0x7F8] =	sst s21  }
0x32: {  	s23 =	sadd.s32 $0x11000, s2;
	s24 =	sadd.s32 $0x12000, s2;
	[smem:$0x7F9] =	sst s22  }
0x33: {  	s26 =	sadd.s32 $0x13000, s2;
	s30 =	smul.u32 $0x2800, s12;
	[smem:$0x7FA] =	sst s23  }
0x34: {  	s12 =	simm.s32 $0x100;
	s5 =	simm.s32 $0xE;
	[smem:$0x7FB] =	sst s24  }
.Ltmp0:
0x35: {  	[smem:$0x7FC] =	sst s26;
	s9 =	simm.s32 $0x10;
	(pc) =	sbr.rel .LBB2_1-.Ltmp0, $4  }
0x36: {  	s10 =	simm.s32 $0x280;
	s11 =	simm.s32 $0x80;
	s13 =	simm.s32 $0x1  }
0x37: {  	s14 =	simm.s32 $0x20;
	s15 =	simm.s32 $0x2;
	s17 =	simm.s32 $0x3  }
0x38: {  	s19 =	simm.s32 $0x4;
	s21 =	simm.s32 $0x5;
	s26 =	simm.s32 $0x9  }
0x39: {  	v0 =	vimm.f32 $0.0e+00;
	s6 =	simm.s32 $0xF;
	s24 =	simm.s32 $0x0;
	[smem:$0x7FD] =	sst s30  }
.LBB2_10:
0x3a: {  	s7 =	rddreg [dreg:$0x1e]  }
0x3b: {  	s24 =	sld [smem:$0x7E9]  }
.LBB2_11:
0x3c: {  	_ =	swait.ge [sflag:s3], $0x1000  }
0x3d: {  	[sflag:s3] =	ssyncset.done $0x0  }
0x3e: {  	[sflag:s3] =	ssyncadd.s32 $0xFFFFF000  }
0x3f: {  	_ =	swait.ge [sflag:s4], $0x1000  }
0x40: {  	[sflag:s4] =	ssyncset.done $0x0  }
0x41: {  	[sflag:s4] =	ssyncadd.s32 $0xFFFFF000  }
0x42: {  	_ =	swait.ge [sflag:s5], $0x1000  }
0x43: {  	[sflag:s5] =	ssyncset.done $0x0  }
0x44: {  	[sflag:s5] =	ssyncadd.s32 $0xFFFFF000  }
0x45: {  	_ =	swait.ge [sflag:s6], $0x1000  }
0x46: {  	[sflag:s6] =	ssyncset.done $0x0;
	s8 =	sld [smem:$0x7FD]  }
0x47: {  	[sflag:s6] =	ssyncadd.s32 $0xFFFFF000  }
0x48: {  	s23 =	stileid.u32;
	[bflag:$0x0] =	sbarrier.arrive $0xFFFF  }
0x49: {  	s7 =	sadd.s32 s7, s8;
	s8 =	sshll.u32 s23, $0x6;
	s9 =	rddreg [dreg:$0x1c]  }
0x4a: {  	s8 =	sor.u32 $0x1C10, s8;
	s9 =	sshrl.u32 s9, $0x3  }
0x4b: {  	[hbm:s7], [sflag:s8] =	dma.local [spmem:s9], $0x2800  }
0x4c: {  	s9 =	simm.s32 $0x10  }
0x4d: {  	_ =	swait.ge [sflag:s9], $0x2800  }
0x4e: {  	s24 =	sadd.s32 $0x1, s24;
	s30 =	rddreg [dreg:$0x1f]  }
0x4f: {  	p1 =	sne.s32 s24, s30  }
.Ltmp1:
0x50: {  	_ = 	snop;
	(pc) =	sbr.rel @!p1 .LBB2_12-.Ltmp1, $3  }
0x51: {  	_ =	sdelay $0x1  }
0x52: {  	[sflag:s9] =	ssyncset.done $0x0  }
0x53: {  	[sflag:s9] =	ssyncadd.s32 $0xFFFFD800  }
.LBB2_1:
0x54: {  	s7 =	simm.s32 $0x0;
	s8 =	simm.s32 $0x200  }
.LBB2_2:
0x55: {  	p1 =	sne.s32 s8, $0x3E00;
	[tilespmem:s7+$0x570] =	vst v0  }
0x56: {  	[tilespmem:s7+$0x500] =	vst v0  }
0x57: {  	[tilespmem:s7+$0x510] =	vst v0  }
.Ltmp2:
0x58: {  	[tilespmem:s7+$0x520] =	vst v0;
	(pc) =	sbr.rel @p1 .LBB2_2-.Ltmp2, $4  }
0x59: {  	[tilespmem:s7+$0x530] =	vst v0  }
0x5a: {  	[tilespmem:s7+$0x540] =	vst v0  }
0x5b: {  	[tilespmem:s7+$0x550] =	vst v0  }
0x5c: {  	[tilespmem:s7+$0x560] =	vst v0;
	s7 =	sshra.s32 s8, $0x2;
	s8 =	sadd.s32 $0x200, s8  }
0x5d: {  	[tilespmem:s7+$0x570] =	vst v0  }
0x5e: {  	[tilespmem:s7+$0x500] =	vst v0  }
0x5f: {  	[tilespmem:s7+$0x510] =	vst v0  }
0x60: {  	[tilespmem:s7+$0x520] =	vst v0  }
0x61: {  	[tilespmem:s7+$0x530] =	vst v0  }
0x62: {  	[tilespmem:s7+$0x540] =	vst v0  }
0x63: {  	[tilespmem:s7+$0x550] =	vst v0  }
0x64: {  	[tilespmem:s7+$0x560] =	vst v0;
	s20 =	rddreg [dreg:$0x1c];
	s0 =	simm.s32 $0x500  }
0x65: {  	[spmem:s20] =	stream.linear.scatter [tilespmem:s0], [sflag:$0x10], $0x1000, $0x38;
	[tilespmem:$0x19500] =	vst v63  }
0x66: {  	_ =	swait.ge [sflag:s9], $0x1000  }
0x67: {  	s22 =	sld [smem:$0x7EA]  }
0x68: {  	[sflag:s9] =	ssyncset.done $0x0  }
0x69: {  	[sflag:s9] =	ssyncadd.s32 $0xFFFFF000  }
0x6a: {  	[spmem:s22] =	stream.linear.scatter [tilespmem:s0], [sflag:$0x10], $0x1000, $0x38;
	[tilespmem:$0x19500] =	vst v63  }
0x6b: {  	_ =	swait.ge [sflag:s9], $0x1000  }
0x6c: {  	s23 =	sld [smem:$0x7EB]  }
0x6d: {  	[sflag:s9] =	ssyncset.done $0x0  }
0x6e: {  	[sflag:s9] =	ssyncadd.s32 $0xFFFFF000  }
0x6f: {  	[spmem:s23] =	stream.linear.scatter [tilespmem:s0], [sflag:$0x10], $0x1000, $0x38;
	[tilespmem:$0x19500] =	vst v63  }
0x70: {  	_ =	swait.ge [sflag:s9], $0x1000  }
0x71: {  	s30 =	sld [smem:$0x7EC]  }
0x72: {  	[sflag:s9] =	ssyncset.done $0x0  }
0x73: {  	[sflag:s9] =	ssyncadd.s32 $0xFFFFF000  }
0x74: {  	[spmem:s30] =	stream.linear.scatter [tilespmem:s0], [sflag:$0x10], $0x1000, $0x38;
	[tilespmem:$0x19500] =	vst v63  }
0x75: {  	_ =	swait.ge [sflag:s9], $0x1000  }
0x76: {  	s2 =	sld [smem:$0x7ED]  }
0x77: {  	[sflag:s9] =	ssyncset.done $0x0  }
0x78: {  	[sflag:s9] =	ssyncadd.s32 $0xFFFFF000  }
0x79: {  	[spmem:s2] =	stream.linear.scatter [tilespmem:s0], [sflag:$0x10], $0x1000, $0x38;
	[tilespmem:$0x19500] =	vst v63  }
0x7a: {  	_ =	swait.ge [sflag:s9], $0x1000  }
0x7b: {  	s8 =	sld [smem:$0x7EE]  }
0x7c: {  	[sflag:s9] =	ssyncset.done $0x0  }
0x7d: {  	[sflag:s9] =	ssyncadd.s32 $0xFFFFF000  }
0x7e: {  	[spmem:s8] =	stream.linear.scatter [tilespmem:s0], [sflag:$0x10], $0x1000, $0x38;
	[tilespmem:$0x19500] =	vst v63  }
0x7f: {  	_ =	swait.ge [sflag:s9], $0x1000  }
0x80: {  	s16 =	sld [smem:$0x7EF]  }
0x81: {  	[sflag:s9] =	ssyncset.done $0x0  }
0x82: {  	[sflag:s9] =	ssyncadd.s32 $0xFFFFF000  }
0x83: {  	[spmem:s16] =	stream.linear.scatter [tilespmem:s0], [sflag:$0x10], $0x1000, $0x38;
	[tilespmem:$0x19500] =	vst v63  }
0x84: {  	_ =	swait.ge [sflag:s9], $0x1000  }
0x85: {  	s18 =	sld [smem:$0x7F0]  }
0x86: {  	[sflag:s9] =	ssyncset.done $0x0  }
0x87: {  	[sflag:s9] =	ssyncadd.s32 $0xFFFFF000  }
0x88: {  	[spmem:s18] =	stream.linear.scatter [tilespmem:s0], [sflag:$0x10], $0x1000, $0x38;
	[tilespmem:$0x19500] =	vst v63  }
0x89: {  	_ =	swait.ge [sflag:s9], $0x1000  }
0x8a: {  	s20 =	sld [smem:$0x7F1]  }
0x8b: {  	[sflag:s9] =	ssyncset.done $0x0  }
0x8c: {  	[sflag:s9] =	ssyncadd.s32 $0xFFFFF000  }
0x8d: {  	[spmem:s20] =	stream.linear.scatter [tilespmem:s0], [sflag:$0x10], $0x1000, $0x38;
	[tilespmem:$0x19500] =	vst v63  }
0x8e: {  	_ =	swait.ge [sflag:s9], $0x1000  }
0x8f: {  	s22 =	sld [smem:$0x7F2]  }
0x90: {  	[sflag:s9] =	ssyncset.done $0x0  }
0x91: {  	[sflag:s9] =	ssyncadd.s32 $0xFFFFF000  }
0x92: {  	[spmem:s22] =	stream.linear.scatter [tilespmem:s0], [sflag:$0x10], $0x1000, $0x38;
	[tilespmem:$0x19500] =	vst v63  }
0x93: {  	_ =	swait.ge [sflag:s9], $0x1000  }
0x94: {  	s23 =	sld [smem:$0x7F3]  }
0x95: {  	[sflag:s9] =	ssyncset.done $0x0  }
0x96: {  	[sflag:s9] =	ssyncadd.s32 $0xFFFFF000  }
0x97: {  	[spmem:s23] =	stream.linear.scatter [tilespmem:s0], [sflag:$0x10], $0x1000, $0x38;
	[tilespmem:$0x19500] =	vst v63  }
0x98: {  	_ =	swait.ge [sflag:s9], $0x1000  }
0x99: {  	s30 =	sld [smem:$0x7F4]  }
0x9a: {  	[sflag:s9] =	ssyncset.done $0x0  }
0x9b: {  	[sflag:s9] =	ssyncadd.s32 $0xFFFFF000  }
0x9c: {  	[spmem:s30] =	stream.linear.scatter [tilespmem:s0], [sflag:$0x10], $0x1000, $0x38;
	[tilespmem:$0x19500] =	vst v63  }
0x9d: {  	_ =	swait.ge [sflag:s9], $0x1000  }
0x9e: {  	s2 =	sld [smem:$0x7F5]  }
0x9f: {  	[sflag:s9] =	ssyncset.done $0x0  }
0xa0: {  	[sflag:s9] =	ssyncadd.s32 $0xFFFFF000  }
0xa1: {  	[spmem:s2] =	stream.linear.scatter [tilespmem:s0], [sflag:$0x10], $0x1000, $0x38;
	[tilespmem:$0x19500] =	vst v63  }
0xa2: {  	_ =	swait.ge [sflag:s9], $0x1000  }
0xa3: {  	s8 =	sld [smem:$0x7F6]  }
0xa4: {  	[sflag:s9] =	ssyncset.done $0x0  }
0xa5: {  	[sflag:s9] =	ssyncadd.s32 $0xFFFFF000  }
0xa6: {  	[spmem:s8] =	stream.linear.scatter [tilespmem:s0], [sflag:$0x10], $0x1000, $0x38;
	[tilespmem:$0x19500] =	vst v63  }
0xa7: {  	_ =	swait.ge [sflag:s9], $0x1000  }
0xa8: {  	s16 =	sld [smem:$0x7F7]  }
0xa9: {  	[sflag:s9] =	ssyncset.done $0x0  }
0xaa: {  	[sflag:s9] =	ssyncadd.s32 $0xFFFFF000  }
0xab: {  	[spmem:s16] =	stream.linear.scatter [tilespmem:s0], [sflag:$0x10], $0x1000, $0x38;
	[tilespmem:$0x19500] =	vst v63  }
0xac: {  	_ =	swait.ge [sflag:s9], $0x1000  }
0xad: {  	s18 =	sld [smem:$0x7F8]  }
0xae: {  	[sflag:s9] =	ssyncset.done $0x0  }
0xaf: {  	[sflag:s9] =	ssyncadd.s32 $0xFFFFF000  }
0xb0: {  	[spmem:s18] =	stream.linear.scatter [tilespmem:s0], [sflag:$0x10], $0x1000, $0x38;
	[tilespmem:$0x19500] =	vst v63  }
0xb1: {  	_ =	swait.ge [sflag:s9], $0x1000  }
0xb2: {  	s20 =	sld [smem:$0x7F9]  }
0xb3: {  	[sflag:s9] =	ssyncset.done $0x0  }
0xb4: {  	[sflag:s9] =	ssyncadd.s32 $0xFFFFF000  }
0xb5: {  	[spmem:s20] =	stream.linear.scatter [tilespmem:s0], [sflag:$0x10], $0x1000, $0x38;
	[tilespmem:$0x19500] =	vst v63  }
0xb6: {  	_ =	swait.ge [sflag:s9], $0x1000  }
0xb7: {  	s22 =	sld [smem:$0x7FA]  }
0xb8: {  	[sflag:s9] =	ssyncset.done $0x0  }
0xb9: {  	[sflag:s9] =	ssyncadd.s32 $0xFFFFF000  }
0xba: {  	[spmem:s22] =	stream.linear.scatter [tilespmem:s0], [sflag:$0x10], $0x1000, $0x38;
	[tilespmem:$0x19500] =	vst v63  }
0xbb: {  	_ =	swait.ge [sflag:s9], $0x1000  }
0xbc: {  	s23 =	sld [smem:$0x7FB]  }
0xbd: {  	[sflag:s9] =	ssyncset.done $0x0  }
0xbe: {  	[sflag:s9] =	ssyncadd.s32 $0xFFFFF000  }
0xbf: {  	[spmem:s23] =	stream.linear.scatter [tilespmem:s0], [sflag:$0x10], $0x1000, $0x38;
	[tilespmem:$0x19500] =	vst v63  }
0xc0: {  	_ =	swait.ge [sflag:s9], $0x1000  }
0xc1: {  	s30 =	sld [smem:$0x7FC]  }
0xc2: {  	[sflag:s9] =	ssyncset.done $0x0  }
0xc3: {  	[sflag:s9] =	ssyncadd.s32 $0xFFFFF000  }
0xc4: {  	[spmem:s30] =	stream.linear.scatter [tilespmem:s0], [sflag:$0x10], $0x1000, $0x38;
	[tilespmem:$0x19500] =	vst v63  }
.Ltmp3:
0xc5: {  	_ =	swait.ge [sflag:s9], $0x1000;
	(pc) =	sbr.rel @!p0 .LBB2_4-.Ltmp3, $3  }
0xc6: {  	[sflag:s9] =	ssyncset.done $0x0  }
0xc7: {  	[sflag:s9] =	ssyncadd.s32 $0xFFFFF000  }
0xc8: {  	[bflag:$0x0] =	sbarrier.arrive $0xFFFF;
	_ =	sdelay $0x1  }
0xc9: {  	[smem:$0x7E9] =	sst s24  }
0xca: {  	s7 =	simm.s32 $0x0;
	s8 =	rddreg [dreg:$0xd]  }
0xcb: {  	[tilespmem:s7], [sflag:$0x1] =	stream.linear.gather [hbm4b:s8+s7], $0x20, $0x38;
	[tilespmem:$0x19500] =	vst v63  }
0xcc: {  	s2 =	rddreg [dreg:$0xe]  }
0xcd: {  	[tilespmem:s10], [sflag:$0x1] =	stream.linear.gather [hbm4b:s2+s7], $0x20, $0x38;
	[tilespmem:$0x19500] =	vst v63  }
0xce: {  	s9 =	rddreg [dreg:$0xf]  }
0xcf: {  	[tilespmem:s11], [sflag:$0x2] =	stream.linear.gather [hbm4b:s9+s7], $0x20, $0x38;
	[tilespmem:$0x19500] =	vst v63  }
0xd0: {  	s16 =	rddreg [dreg:$0x10];
	s9 =	simm.s32 $0x300  }
0xd1: {  	[tilespmem:s9], [sflag:$0x2] =	stream.linear.gather [hbm4b:s16+s7], $0x20, $0x38;
	[tilespmem:$0x19500] =	vst v63  }
0xd2: {  	s18 =	rddreg [dreg:$0x11]  }
0xd3: {  	[tilespmem:s12], [sflag:$0x3] =	stream.linear.gather [hbm4b:s18+s7], $0x20, $0x38;
	[tilespmem:$0x19500] =	vst v63  }
0xd4: {  	s20 =	rddreg [dreg:$0x12];
	s16 =	simm.s32 $0x380  }
0xd5: {  	[tilespmem:s16], [sflag:$0x3] =	stream.linear.gather [hbm4b:s20+s7], $0x20, $0x38;
	[tilespmem:$0x19500] =	vst v63  }
0xd6: {  	s22 =	rddreg [dreg:$0x13];
	s18 =	simm.s32 $0x180  }
0xd7: {  	[tilespmem:s18], [sflag:$0x4] =	stream.linear.gather [hbm4b:s22+s7], $0x20, $0x38;
	[tilespmem:$0x19500] =	vst v63  }
0xd8: {  	s23 =	rddreg [dreg:$0x14];
	s20 =	simm.s32 $0x400  }
0xd9: {  	[tilespmem:s20], [sflag:$0x4] =	stream.linear.gather [hbm4b:s23+s7], $0x20, $0x38;
	[tilespmem:$0x19500] =	vst v63  }
0xda: {  	s24 =	rddreg [dreg:$0x16];
	s0 =	simm.s32 $0x200  }
0xdb: {  	[tilespmem:s0], [sflag:$0x5] =	stream.linear.gather [hbm4b:s24+s7], $0x20, $0x38;
	[tilespmem:$0x19500] =	vst v63  }
0xdc: {  	s30 =	rddreg [dreg:$0x17];
	s8 =	simm.s32 $0x480;
	s23 =	simm.s32 $0x480  }
0xdd: {  	[tilespmem:s23], [sflag:$0x5] =	stream.linear.gather [hbm4b:s30+s7], $0x20, $0x38;
	[tilespmem:$0x19500] =	vst v63  }
.LBB2_9:
0xde: {  	_ =	swait.ge [sflag:s13], $0x20  }
0xdf: {  	[sflag:s13] =	ssyncset.done $0x0  }
0xe0: {  	[sflag:s13] =	ssyncadd.s32 $0xFFFFFFE0  }
0xe1: {  	_ =	swait.ge [sflag:s13], $0x20  }
0xe2: {  	[sflag:s13] =	ssyncset.done $0x0  }
0xe3: {  	[sflag:s13] =	ssyncadd.s32 $0xFFFFFFE0  }
0xe4: {  	s22 =	simm.s32 $0x500;
	s23 =	rddreg [dreg:$0x1]  }
0xe5: {  	[tilespmem:s22], [sflag:$0x6] =	stream.indirect.gather [hbm4b:s23+s14], $0x80, s1, s14, $0xb8;
	[tilespmem:$0x19500] =	vst v63  }
0xe6: {  	_ =	swait.ge [sflag:s15], $0x20  }
0xe7: {  	[sflag:s15] =	ssyncset.done $0x0  }
0xe8: {  	[sflag:s15] =	ssyncadd.s32 $0xFFFFFFE0  }
0xe9: {  	_ =	swait.ge [sflag:s15], $0x20  }
0xea: {  	[sflag:s15] =	ssyncset.done $0x0  }
0xeb: {  	s2 =	simm.s32 $0x1500;
	[sflag:s15] =	ssyncadd.s32 $0xFFFFFFE0  }
0xec: {  	[tilespmem:s2], [sflag:$0x7] =	stream.indirect.gather [hbm4b:s23+s14], $0x80, s11, s14, $0xb8;
	[tilespmem:$0x19500] =	vst v63  }
0xed: {  	_ =	swait.ge [sflag:s17], $0x20  }
0xee: {  	[sflag:s17] =	ssyncset.done $0x0  }
0xef: {  	[sflag:s17] =	ssyncadd.s32 $0xFFFFFFE0  }
0xf0: {  	_ =	swait.ge [sflag:s17], $0x20  }
0xf1: {  	[sflag:s17] =	ssyncset.done $0x0  }
0xf2: {  	s30 =	simm.s32 $0x2500;
	[sflag:s17] =	ssyncadd.s32 $0xFFFFFFE0  }
0xf3: {  	[tilespmem:s30], [sflag:$0x8] =	stream.indirect.gather [hbm4b:s23+s14], $0x80, s12, s14, $0xb8;
	[tilespmem:$0x19500] =	vst v63  }
0xf4: {  	_ =	swait.ge [sflag:s19], $0x20  }
0xf5: {  	[sflag:s19] =	ssyncset.done $0x0  }
0xf6: {  	[sflag:s19] =	ssyncadd.s32 $0xFFFFFFE0  }
0xf7: {  	_ =	swait.ge [sflag:s19], $0x20  }
0xf8: {  	[sflag:s19] =	ssyncset.done $0x0  }
0xf9: {  	s24 =	simm.s32 $0x3500;
	[sflag:s19] =	ssyncadd.s32 $0xFFFFFFE0  }
0xfa: {  	[tilespmem:s24], [sflag:$0x9] =	stream.indirect.gather [hbm4b:s23+s14], $0x80, s18, s14, $0xb8;
	[tilespmem:$0x19500] =	vst v63  }
0xfb: {  	_ =	swait.ge [sflag:s21], $0x20  }
0xfc: {  	[sflag:s21] =	ssyncset.done $0x0  }
0xfd: {  	[sflag:s21] =	ssyncadd.s32 $0xFFFFFFE0  }
0xfe: {  	_ =	swait.ge [sflag:s21], $0x20  }
0xff: {  	[sflag:s21] =	ssyncset.done $0x0  }
0x100: {  	s18 =	simm.s32 $0x4500;
	[sflag:s21] =	ssyncadd.s32 $0xFFFFFFE0  }
0x101: {  	[tilespmem:s18], [sflag:$0xA] =	stream.indirect.gather [hbm4b:s23+s14], $0x80, s0, s14, $0xb8;
	[tilespmem:$0x19500] =	vst v63  }
0x102: {  	s23 =	simm.s32 $0x6  }
0x103: {  	_ =	swait.ge [sflag:s23], $0x1000  }
0x104: {  	[sflag:s23] =	ssyncset.done $0x0  }
0x105: {  	[sflag:s23] =	ssyncadd.s32 $0xFFFFF000  }
0x106: {  	[spmem:s25] =	stream.indirect.scatter.add.f32 [tilespmem:s22], [sflag:$0xB], $0x80, s10, s14, $0xb8;
	[tilespmem:$0x19500] =	vst v63  }
0x107: {  	s22 =	simm.s32 $0x7  }
0x108: {  	_ =	swait.ge [sflag:s22], $0x1000  }
0x109: {  	[sflag:s22] =	ssyncset.done $0x0  }
0x10a: {  	s23 =	simm.s32 $0x8;
	[sflag:s22] =	ssyncadd.s32 $0xFFFFF000  }
0x10b: {  	[spmem:s25] =	stream.indirect.scatter.add.f32 [tilespmem:s2], [sflag:$0xC], $0x80, s9, s14, $0xb8;
	[tilespmem:$0x19500] =	vst v63  }
0x10c: {  	_ =	swait.ge [sflag:s23], $0x1000  }
0x10d: {  	[sflag:s23] =	ssyncset.done $0x0  }
0x10e: {  	[sflag:s23] =	ssyncadd.s32 $0xFFFFF000  }
0x10f: {  	[spmem:s25] =	stream.indirect.scatter.add.f32 [tilespmem:s30], [sflag:$0xD], $0x80, s16, s14, $0xb8;
	[tilespmem:$0x19500] =	vst v63  }
0x110: {  	_ =	swait.ge [sflag:s26], $0x1000  }
0x111: {  	[sflag:s26] =	ssyncset.done $0x0  }
0x112: {  	[sflag:s26] =	ssyncadd.s32 $0xFFFFF000  }
0x113: {  	[spmem:s25] =	stream.indirect.scatter.add.f32 [tilespmem:s24], [sflag:$0xE], $0x80, s20, s14, $0xb8;
	[tilespmem:$0x19500] =	vst v63  }
0x114: {  	_ =	swait.ge [sflag:s28], $0x1000  }
0x115: {  	p1 =	seq.s32 s7, $0x9B0;
	[sflag:s28] =	ssyncset.done $0x0  }
.Ltmp4:
0x116: {  	[sflag:s28] =	ssyncadd.s32 $0xFFFFF000;
	(pc) =	sbr.rel @p1 .LBB2_10-.Ltmp4, $4  }
0x117: {  	[spmem:s25] =	stream.indirect.scatter.add.f32 [tilespmem:s18], [sflag:$0xF], $0x80, s8, s14, $0xb8;
	[tilespmem:$0x19500] =	vst v63  }
0x118: {  	_ =	swait.ge [sflag:s29], $0x1000  }
0x119: {  	[sflag:s29] =	ssyncset.done $0x0  }
0x11a: {  	[sflag:s29] =	ssyncadd.s32 $0xFFFFF000  }
0x11b: {  	s8 =	rddreg [dreg:$0x1b]  }
0x11c: {  	s8 =	sadd.s32 s7, s8  }
0x11d: {  	s11 =	rddreg [dreg:$0x1a];
	s9 =	sadd.s32 $0x14, s8  }
0x11e: {  	[tilespmem:s1], [sflag:$0x1] =	stream.linear.gather [hbm4b:s9+s1], $0x20, $0x38;
	[tilespmem:$0x19500] =	vst v63  }
0x11f: {  	s9 =	sadd.s32 s7, s11  }
0x120: {  	s11 =	simm.s32 $0x280;
	s10 =	sadd.s32 $0x14, s9  }
0x121: {  	[tilespmem:s11], [sflag:$0x1] =	stream.linear.gather [hbm4b:s10+s1], $0x20, $0x38;
	[tilespmem:$0x19500] =	vst v63  }
0x122: {  	_ =	swait.ge [sflag:s3], $0x1000  }
0x123: {  	[sflag:s3] =	ssyncset.done $0x0  }
0x124: {  	s22 =	sadd.s32 $0x18, s8;
	s11 =	simm.s32 $0x80;
	[sflag:s3] =	ssyncadd.s32 $0xFFFFF000  }
0x125: {  	[tilespmem:s11], [sflag:$0x2] =	stream.linear.gather [hbm4b:s22+s1], $0x20, $0x38;
	[tilespmem:$0x19500] =	vst v63  }
0x126: {  	s12 =	simm.s32 $0x300;
	s24 =	sadd.s32 $0x18, s9  }
0x127: {  	[tilespmem:s12], [sflag:$0x2] =	stream.linear.gather [hbm4b:s24+s1], $0x20, $0x38;
	[tilespmem:$0x19500] =	vst v63  }
0x128: {  	_ =	swait.ge [sflag:s4], $0x1000  }
0x129: {  	[sflag:s4] =	ssyncset.done $0x0  }
0x12a: {  	s30 =	sadd.s32 $0x1C, s8;
	s12 =	simm.s32 $0x100;
	[sflag:s4] =	ssyncadd.s32 $0xFFFFF000  }
0x12b: {  	[tilespmem:s12], [sflag:$0x3] =	stream.linear.gather [hbm4b:s30+s1], $0x20, $0x38;
	[tilespmem:$0x19500] =	vst v63  }
0x12c: {  	s16 =	simm.s32 $0x380;
	s2 =	sadd.s32 $0x1C, s9  }
0x12d: {  	[tilespmem:s16], [sflag:$0x3] =	stream.linear.gather [hbm4b:s2+s1], $0x20, $0x38;
	[tilespmem:$0x19500] =	vst v63  }
0x12e: {  	_ =	swait.ge [sflag:s5], $0x1000  }
0x12f: {  	[sflag:s5] =	ssyncset.done $0x0  }
0x130: {  	s18 =	simm.s32 $0x180;
	s22 =	sadd.s32 $0x20, s8;
	[sflag:s5] =	ssyncadd.s32 $0xFFFFF000  }
0x131: {  	[tilespmem:s18], [sflag:$0x4] =	stream.linear.gather [hbm4b:s22+s1], $0x20, $0x38;
	[tilespmem:$0x19500] =	vst v63  }
0x132: {  	s20 =	simm.s32 $0x400;
	s24 =	sadd.s32 $0x20, s9  }
0x133: {  	[tilespmem:s20], [sflag:$0x4] =	stream.linear.gather [hbm4b:s24+s1], $0x20, $0x38;
	[tilespmem:$0x19500] =	vst v63  }
0x134: {  	s0 =	simm.s32 $0x200;
	s23 =	simm.s32 $0x480;
	_ =	swait.ge [sflag:s6], $0x1000  }
.Ltmp5:
0x135: {  	s7 =	sadd.s32 $0x14, s7;
	[sflag:s6] =	ssyncset.done $0x0;
	(pc) =	sbr.rel .LBB2_9-.Ltmp5, $4  }
0x136: {  	s10 =	simm.s32 $0x280;
	s8 =	sadd.s32 $0x24, s8;
	[sflag:s6] =	ssyncadd.s32 $0xFFFFF000  }
0x137: {  	[tilespmem:s0], [sflag:$0x5] =	stream.linear.gather [hbm4b:s8+s1], $0x20, $0x38;
	[tilespmem:$0x19500] =	vst v63  }
0x138: {  	s30 =	sadd.s32 $0x24, s9;
	s9 =	simm.s32 $0x300;
	s8 =	simm.s32 $0x480  }
0x139: {  	[tilespmem:s23], [sflag:$0x5] =	stream.linear.gather [hbm4b:s30+s1], $0x20, $0x38;
	[tilespmem:$0x19500] =	vst v63  }
.LBB2_4:
0x13a: {  	s7 =	simm.s32 $0x0;
	s8 =	rddreg [dreg:$0x4]  }
0x13b: {  	[tilespmem:s7], [sflag:$0x1] =	stream.linear.gather [hbm4b:s8+s7], $0x20, $0x38;
	[tilespmem:$0x19500] =	vst v63  }
0x13c: {  	s30 =	rddreg [dreg:$0x5]  }
0x13d: {  	[tilespmem:s10], [sflag:$0x1] =	stream.linear.gather [hbm4b:s30+s7], $0x20, $0x38;
	[tilespmem:$0x19500] =	vst v63  }
0x13e: {  	s0 =	rddreg [dreg:$0x6]  }
0x13f: {  	[tilespmem:s11], [sflag:$0x2] =	stream.linear.gather [hbm4b:s0+s7], $0x20, $0x38;
	[tilespmem:$0x19500] =	vst v63  }
0x140: {  	s2 =	rddreg [dreg:$0x7];
	s9 =	simm.s32 $0x300  }
0x141: {  	[tilespmem:s9], [sflag:$0x2] =	stream.linear.gather [hbm4b:s2+s7], $0x20, $0x38;
	[tilespmem:$0x19500] =	vst v63  }
0x142: {  	s16 =	rddreg [dreg:$0x8]  }
0x143: {  	[tilespmem:s12], [sflag:$0x3] =	stream.linear.gather [hbm4b:s16+s7], $0x20, $0x38;
	[tilespmem:$0x19500] =	vst v63  }
0x144: {  	s18 =	rddreg [dreg:$0x9];
	s16 =	simm.s32 $0x380  }
0x145: {  	[tilespmem:s16], [sflag:$0x3] =	stream.linear.gather [hbm4b:s18+s7], $0x20, $0x38;
	[tilespmem:$0x19500] =	vst v63  }
0x146: {  	s20 =	rddreg [dreg:$0xa];
	s18 =	simm.s32 $0x180  }
0x147: {  	[tilespmem:s18], [sflag:$0x4] =	stream.linear.gather [hbm4b:s20+s7], $0x20, $0x38;
	[tilespmem:$0x19500] =	vst v63  }
0x148: {  	s22 =	rddreg [dreg:$0xb];
	s20 =	simm.s32 $0x400  }
0x149: {  	[tilespmem:s20], [sflag:$0x4] =	stream.linear.gather [hbm4b:s22+s7], $0x20, $0x38;
	[tilespmem:$0x19500] =	vst v63  }
0x14a: {  	s23 =	rddreg [dreg:$0xc];
	s0 =	simm.s32 $0x200  }
0x14b: {  	[tilespmem:s0], [sflag:$0x5] =	stream.linear.gather [hbm4b:s23+s7], $0x20, $0x38;
	[tilespmem:$0x19500] =	vst v63  }
0x14c: {  	s8 =	simm.s32 $0x480;
	s30 =	rddreg [dreg:$0x15];
	s23 =	simm.s32 $0x480  }
0x14d: {  	[tilespmem:s23], [sflag:$0x5] =	stream.linear.gather [hbm4b:s30+s7], $0x20, $0x38;
	[tilespmem:$0x19500] =	vst v63  }
.LBB2_5:
0x14e: {  	_ =	swait.ge [sflag:s13], $0x20  }
0x14f: {  	[sflag:s13] =	ssyncset.done $0x0  }
0x150: {  	[sflag:s13] =	ssyncadd.s32 $0xFFFFFFE0  }
0x151: {  	_ =	swait.ge [sflag:s13], $0x20  }
0x152: {  	[sflag:s13] =	ssyncset.done $0x0  }
0x153: {  	s2 =	simm.s32 $0x500;
	[sflag:s13] =	ssyncadd.s32 $0xFFFFFFE0  }
0x154: {  	[tilespmem:s2], [sflag:$0x6] =	stream.indirect.gather [hbm4b:s31+s14], $0x80, s1, s14, $0xb8;
	[tilespmem:$0x19500] =	vst v63  }
0x155: {  	_ =	swait.ge [sflag:s15], $0x20  }
0x156: {  	[sflag:s15] =	ssyncset.done $0x0  }
0x157: {  	[sflag:s15] =	ssyncadd.s32 $0xFFFFFFE0  }
0x158: {  	_ =	swait.ge [sflag:s15], $0x20  }
0x159: {  	[sflag:s15] =	ssyncset.done $0x0  }
0x15a: {  	s23 =	simm.s32 $0x1500;
	[sflag:s15] =	ssyncadd.s32 $0xFFFFFFE0  }
0x15b: {  	[tilespmem:s23], [sflag:$0x7] =	stream.indirect.gather [hbm4b:s31+s14], $0x80, s11, s14, $0xb8;
	[tilespmem:$0x19500] =	vst v63  }
0x15c: {  	_ =	swait.ge [sflag:s17], $0x20  }
0x15d: {  	[sflag:s17] =	ssyncset.done $0x0  }
0x15e: {  	[sflag:s17] =	ssyncadd.s32 $0xFFFFFFE0  }
0x15f: {  	_ =	swait.ge [sflag:s17], $0x20  }
0x160: {  	[sflag:s17] =	ssyncset.done $0x0  }
0x161: {  	s22 =	simm.s32 $0x2500;
	[sflag:s17] =	ssyncadd.s32 $0xFFFFFFE0  }
0x162: {  	[tilespmem:s22], [sflag:$0x8] =	stream.indirect.gather [hbm4b:s31+s14], $0x80, s12, s14, $0xb8;
	[tilespmem:$0x19500] =	vst v63  }
0x163: {  	_ =	swait.ge [sflag:s19], $0x20  }
0x164: {  	[sflag:s19] =	ssyncset.done $0x0  }
0x165: {  	[sflag:s19] =	ssyncadd.s32 $0xFFFFFFE0  }
0x166: {  	_ =	swait.ge [sflag:s19], $0x20  }
0x167: {  	[sflag:s19] =	ssyncset.done $0x0  }
0x168: {  	s30 =	simm.s32 $0x3500;
	[sflag:s19] =	ssyncadd.s32 $0xFFFFFFE0  }
0x169: {  	[tilespmem:s30], [sflag:$0x9] =	stream.indirect.gather [hbm4b:s31+s14], $0x80, s18, s14, $0xb8;
	[tilespmem:$0x19500] =	vst v63  }
0x16a: {  	_ =	swait.ge [sflag:s21], $0x20  }
0x16b: {  	[sflag:s21] =	ssyncset.done $0x0  }
0x16c: {  	[sflag:s21] =	ssyncadd.s32 $0xFFFFFFE0  }
0x16d: {  	_ =	swait.ge [sflag:s21], $0x20  }
0x16e: {  	[sflag:s21] =	ssyncset.done $0x0  }
0x16f: {  	s18 =	simm.s32 $0x4500;
	[sflag:s21] =	ssyncadd.s32 $0xFFFFFFE0  }
0x170: {  	[tilespmem:s18], [sflag:$0xA] =	stream.indirect.gather [hbm4b:s31+s14], $0x80, s0, s14, $0xb8;
	[tilespmem:$0x19500] =	vst v63  }
0x171: {  	s0 =	simm.s32 $0x6  }
0x172: {  	_ =	swait.ge [sflag:s0], $0x1000  }
0x173: {  	[sflag:s0] =	ssyncset.done $0x0  }
0x174: {  	[sflag:s0] =	ssyncadd.s32 $0xFFFFF000  }
0x175: {  	[spmem:s25] =	stream.indirect.scatter.add.f32 [tilespmem:s2], [sflag:$0xB], $0x80, s10, s14, $0xb8;
	[tilespmem:$0x19500] =	vst v63  }
0x176: {  	s2 =	simm.s32 $0x7  }
0x177: {  	_ =	swait.ge [sflag:s2], $0x1000  }
0x178: {  	[sflag:s2] =	ssyncset.done $0x0  }
0x179: {  	[sflag:s2] =	ssyncadd.s32 $0xFFFFF000  }
0x17a: {  	[spmem:s25] =	stream.indirect.scatter.add.f32 [tilespmem:s23], [sflag:$0xC], $0x80, s9, s14, $0xb8;
	[tilespmem:$0x19500] =	vst v63  }
0x17b: {  	s23 =	simm.s32 $0x8  }
0x17c: {  	_ =	swait.ge [sflag:s23], $0x1000  }
0x17d: {  	[sflag:s23] =	ssyncset.done $0x0  }
0x17e: {  	[sflag:s23] =	ssyncadd.s32 $0xFFFFF000  }
0x17f: {  	[spmem:s25] =	stream.indirect.scatter.add.f32 [tilespmem:s22], [sflag:$0xD], $0x80, s16, s14, $0xb8;
	[tilespmem:$0x19500] =	vst v63  }
0x180: {  	_ =	swait.ge [sflag:s26], $0x1000  }
0x181: {  	[sflag:s26] =	ssyncset.done $0x0  }
0x182: {  	[sflag:s26] =	ssyncadd.s32 $0xFFFFF000  }
0x183: {  	[spmem:s25] =	stream.indirect.scatter.add.f32 [tilespmem:s30], [sflag:$0xE], $0x80, s20, s14, $0xb8;
	[tilespmem:$0x19500] =	vst v63  }
0x184: {  	_ =	swait.ge [sflag:s28], $0x1000  }
0x185: {  	p1 =	seq.s32 s7, $0x9B0;
	[sflag:s28] =	ssyncset.done $0x0  }
.Ltmp6:
0x186: {  	[sflag:s28] =	ssyncadd.s32 $0xFFFFF000;
	(pc) =	sbr.rel @p1 .LBB2_6-.Ltmp6, $4  }
0x187: {  	[spmem:s25] =	stream.indirect.scatter.add.f32 [tilespmem:s18], [sflag:$0xF], $0x80, s8, s14, $0xb8;
	[tilespmem:$0x19500] =	vst v63  }
0x188: {  	_ =	swait.ge [sflag:s29], $0x1000  }
0x189: {  	[sflag:s29] =	ssyncset.done $0x0  }
0x18a: {  	[sflag:s29] =	ssyncadd.s32 $0xFFFFF000  }
0x18b: {  	s8 =	rddreg [dreg:$0x19]  }
0x18c: {  	s8 =	sadd.s32 s7, s8  }
0x18d: {  	s22 =	rddreg [dreg:$0x18];
	s9 =	sadd.s32 $0x14, s8  }
0x18e: {  	[tilespmem:s1], [sflag:$0x1] =	stream.linear.gather [hbm4b:s9+s1], $0x20, $0x38;
	[tilespmem:$0x19500] =	vst v63  }
0x18f: {  	s9 =	sadd.s32 s7, s22  }
0x190: {  	s11 =	simm.s32 $0x280;
	s10 =	sadd.s32 $0x14, s9  }
0x191: {  	[tilespmem:s11], [sflag:$0x1] =	stream.linear.gather [hbm4b:s10+s1], $0x20, $0x38;
	[tilespmem:$0x19500] =	vst v63  }
0x192: {  	_ =	swait.ge [sflag:s3], $0x1000  }
0x193: {  	[sflag:s3] =	ssyncset.done $0x0  }
0x194: {  	s30 =	sadd.s32 $0x18, s8;
	s11 =	simm.s32 $0x80;
	[sflag:s3] =	ssyncadd.s32 $0xFFFFF000  }
0x195: {  	[tilespmem:s11], [sflag:$0x2] =	stream.linear.gather [hbm4b:s30+s1], $0x20, $0x38;
	[tilespmem:$0x19500] =	vst v63  }
0x196: {  	s12 =	simm.s32 $0x300;
	s2 =	sadd.s32 $0x18, s9  }
0x197: {  	[tilespmem:s12], [sflag:$0x2] =	stream.linear.gather [hbm4b:s2+s1], $0x20, $0x38;
	[tilespmem:$0x19500] =	vst v63  }
0x198: {  	_ =	swait.ge [sflag:s4], $0x1000  }
0x199: {  	[sflag:s4] =	ssyncset.done $0x0  }
0x19a: {  	s22 =	sadd.s32 $0x1C, s8;
	s12 =	simm.s32 $0x100;
	[sflag:s4] =	ssyncadd.s32 $0xFFFFF000  }
0x19b: {  	[tilespmem:s12], [sflag:$0x3] =	stream.linear.gather [hbm4b:s22+s1], $0x20, $0x38;
	[tilespmem:$0x19500] =	vst v63  }
0x19c: {  	s16 =	simm.s32 $0x380;
	s30 =	sadd.s32 $0x1C, s9  }
0x19d: {  	[tilespmem:s16], [sflag:$0x3] =	stream.linear.gather [hbm4b:s30+s1], $0x20, $0x38;
	[tilespmem:$0x19500] =	vst v63  }
0x19e: {  	_ =	swait.ge [sflag:s5], $0x1000  }
0x19f: {  	[sflag:s5] =	ssyncset.done $0x0  }
0x1a0: {  	s18 =	simm.s32 $0x180;
	s2 =	sadd.s32 $0x20, s8;
	[sflag:s5] =	ssyncadd.s32 $0xFFFFF000  }
0x1a1: {  	[tilespmem:s18], [sflag:$0x4] =	stream.linear.gather [hbm4b:s2+s1], $0x20, $0x38;
	[tilespmem:$0x19500] =	vst v63  }
0x1a2: {  	s20 =	simm.s32 $0x400;
	s22 =	sadd.s32 $0x20, s9  }
0x1a3: {  	[tilespmem:s20], [sflag:$0x4] =	stream.linear.gather [hbm4b:s22+s1], $0x20, $0x38;
	[tilespmem:$0x19500] =	vst v63  }
0x1a4: {  	s0 =	simm.s32 $0x200;
	s23 =	simm.s32 $0x480;
	_ =	swait.ge [sflag:s6], $0x1000  }
.Ltmp7:
0x1a5: {  	s7 =	sadd.s32 $0x14, s7;
	[sflag:s6] =	ssyncset.done $0x0;
	(pc) =	sbr.rel .LBB2_5-.Ltmp7, $4  }
0x1a6: {  	s10 =	simm.s32 $0x280;
	s8 =	sadd.s32 $0x24, s8;
	[sflag:s6] =	ssyncadd.s32 $0xFFFFF000  }
0x1a7: {  	[tilespmem:s0], [sflag:$0x5] =	stream.linear.gather [hbm4b:s8+s1], $0x20, $0x38;
	[tilespmem:$0x19500] =	vst v63  }
0x1a8: {  	s30 =	sadd.s32 $0x24, s9;
	s9 =	simm.s32 $0x300;
	s8 =	simm.s32 $0x480  }
0x1a9: {  	[tilespmem:s23], [sflag:$0x5] =	stream.linear.gather [hbm4b:s30+s1], $0x20, $0x38;
	[tilespmem:$0x19500] =	vst v63  }
.LBB2_6:
.Ltmp8:
0x1aa: {  	(pc) =	sbr.rel .LBB2_11-.Ltmp8, $2  }
0x1ab: {  	_ =	sdelay $0x2  }
0x1ac: {  	s7 =	rddreg [dreg:$0x1d]  }
.LBB2_12:
0x1ad: {  	_ =	sfence.sel $0x180000  }
0x1ae: {  	[bflag:$0x0] =	sbarrier.arrive $0xFFFF  }
0x1af: {  	_ =	strace $0x9000004A  }
0x1b0: {  	s0 =	stileid.u32;
	[bflag:$0x2] =	sbarrier.arrive $0xFFFF  }
0x1b1: {  	p0 =	sne.s32 s0, $0x0;
	s0 =	rddreg [dreg:$0x3]  }
0x1b2: {  	s0 =	sadd.s32 @!p0 $0x100000, s0  }
0x1b3: {  	[sflag:s0] =	ssyncadd.tile.s32 @!p0 $0x1;
	_ =	shalt  }
.Lfunc_end2:
_tile_overlayer_lowered:
.L_overlay_start_2:
0x1b4: {  	(tag) =	ssettag $0x2  }
0x1b5: {  	s0 =	rddreg [dreg:$0x0];
	s2 =	stileid.u32  }
0x1b6: {  	s1 =	rddreg [dreg:$0x1];
	p0 =	sne.s32 s2, $0x0  }
0x1b7: {  	s3 =	rddreg [dreg:$0x2];
	[bflag:$0x3] =	sbarrier.arrive $0xFFFF;
	s2 =	simm.s32 @!p0 $0x1C10  }
0x1b8: {  	[timem:s3], [sflag:s2] =	dma.local @!p0 [hbm:s0], s1  }
0x1b9: {  	s0 =	simm.s32 @!p0 $0x10  }
0x1ba: {  	_ =	swait.ge @!p0 [sflag:s0], s1  }
0x1bb: {  	s1 =	ssub.s32 @!p0 $0x0, s1;
	[sflag:s0] =	ssyncset.done @!p0 $0x0  }
0x1bc: {  	[sflag:s0] =	ssyncadd.s32 @!p0 s1  }
0x1bd: {  	[bflag:$0x3] =	sbarrier.arrive $0xFFFF  }
0x1be: {  	_ =	shalt  }

</sc_bundles>
